<compile_context>
chip_gen: v7x
topology: tpu7x:2x2x1
jax: 0.10.2.dev20260603
libtpu: 0.0.44.dev20260713+nightly
codegen_flags: <defaults>
</compile_context>

<pallas_src>
import functools

import jax
import jax.numpy as jnp
from jax import lax
from jax.experimental import pallas as pl
from jax.experimental.pallas import tpu as pltpu
from jax.experimental.pallas import tpu_sc as plsc

NC, NS = 2, 16
NW = NC * NS
CHUNK = 100
NSPLIT = 4
EPS = 1e-5


def _sc_gather(i0, i1, i2, t0, t1, t2, n_tokens, dp):
    per_w = n_tokens // NW
    chunks = per_w // CHUNK
    dt = t0.dtype
    mesh = plsc.VectorSubcoreMesh(
        core_axis_name="c", subcore_axis_name="s", num_cores=NC,
        num_subcores=NS)
    out_t = [jax.ShapeDtypeStruct((n_tokens, dp), dt)] * 3
    scratch = (
        [pltpu.VMEM((chunks, CHUNK), jnp.int32) for _ in range(3)]
        + [pltpu.VMEM((CHUNK, dp), dt) for _ in range(6)]
        + [pltpu.SemaphoreType.DMA] * 4
    )

    @functools.partial(pl.kernel, out_type=out_t, mesh=mesh,
                       scratch_types=scratch,
                       compiler_params=pltpu.CompilerParams(
                           use_tc_tiling_on_sc=False))
    def k(ih0, ih1, ih2, th0, th1, th2, o0, o1, o2,
          iv0, iv1, iv2, ra0, ra1, ra2, rb0, rb1, rb2,
          g0, g1, w0, w1):
        wid = lax.axis_index("s") * NC + lax.axis_index("c")
        base = wid * per_w
        ivs = (iv0, iv1, iv2)
        ths = (th0, th1, th2)
        outs = (o0, o1, o2)
        bufs = ((ra0, ra1, ra2), (rb0, rb1, rb2))
        gsem = (g0, g1)
        wsem = (w0, w1)
        for ih, iv in zip((ih0, ih1, ih2), ivs):
            pltpu.sync_copy(ih.at[wid], iv)

        def gathers(kc, s):
            return [pltpu.make_async_copy(th.at[iv.at[kc]], rv, gsem[s])
                    for th, iv, rv in zip(ths, ivs, bufs[s])]

        def writes(kc, s):
            return [pltpu.make_async_copy(
                        rv, ov.at[pl.ds(base + kc * CHUNK, CHUNK)], wsem[s])
                    for rv, ov in zip(bufs[s], outs)]

        for dsc in gathers(0, 0):
            dsc.start()

        def step(i, b, fire_next):
            kc = 2 * i + b
            for dsc in gathers(kc, b):
                dsc.wait()
            drain_prev = writes(kc, 1 - b)
            if b == 1:
                for dsc in drain_prev:
                    dsc.wait()
            else:
                @pl.when(i >= 1)
                def _():
                    for dsc in drain_prev:
                        dsc.wait()
            if fire_next:
                for dsc in gathers(kc + 1, 1 - b):
                    dsc.start()
            for dsc in writes(kc, b):
                dsc.start()

        def body(i, carry):
            step(i, 0, True)
            step(i, 1, True)
            return carry

        n_main = (chunks - 1) // 2
        lax.fori_loop(0, n_main, body, 0)
        if chunks % 2 == 1:
            step(n_main, 0, False)
            for dsc in writes(chunks - 1, 0):
                dsc.wait()
        else:
            step(n_main, 0, True)
            step(n_main, 1, False)
            for dsc in writes(chunks - 1, 1):
                dsc.wait()

    return k(i0, i1, i2, t0, t1, t2)


def _tc_dense(e0, e1, e2, interp, elp, w3, wTp, bc, wc, bct, g1, be1,
              g2, be2, n_tokens, hd, tile, goff=0, prev=None):
    grid = (e0.shape[0] // tile,)
    intd = w3.shape[1]
    dp = e0.shape[1]
    rows = tile // 128

    def bcast(sp):
        t_r = lax.broadcasted_iota(jnp.int32, (tile, rows), 0) // 128
        k_r = lax.broadcasted_iota(jnp.int32, (tile, rows), 1)
        U = (t_r == k_r).astype(jnp.float32)
        G = lax.dot_general(U, sp, (((1,), (0,)), ((), ())),
                            preferred_element_type=jnp.float32)
        t_c = lax.broadcasted_iota(jnp.int32, (tile, 128), 0) % 128
        c_c = lax.broadcasted_iota(jnp.int32, (tile, 128), 1)
        sel = jnp.where(t_c == c_c, G, 0.0)
        ones = jnp.ones((128, 128), jnp.float32)
        return lax.dot_general(sel, ones, (((1,), (0,)), ((), ())),
                               preferred_element_type=jnp.float32)

    def body(e0r, e1r, e2r, intr, elr, w3r, wTr, bcr, wcr, bctr,
             g1r, be1r, g2r, be2r, *rest):
        out = rest[-1]
        dot = lambda a, b: lax.dot_general(
            a, b, (((1,), (0,)), ((), ())),
            preferred_element_type=jnp.float32)
        X = dot(e0r[...].astype(jnp.float32), wTr[0:dp, :])
        X = X + dot(e1r[...].astype(jnp.float32), wTr[dp:2 * dp, :])
        X = X + dot(e2r[...].astype(jnp.float32), wTr[2 * dp:3 * dp, :])
        w3p = dot(w3r[...], wTr[3 * dp:3 * dp + intd, :])
        ib = bcast(intr[...].astype(jnp.float32))
        arow = w3p[0:1, :]
        brow = w3p[1:2, :] - w3p[0:1, :]
        crow = w3p[2:3, :] - 2.0 * w3p[1:2, :] + w3p[0:1, :]
        X = X + arow + ib * brow + (ib * (ib - 1.0) * 0.5) * crow
        X = X + bcr[...]
        mu = jnp.mean(X, axis=-1, keepdims=True)
        var = jnp.mean((X - mu) ** 2, axis=-1, keepdims=True)
        Xn = (X - mu) * lax.rsqrt(var + EPS) * g1r[...] + be1r[...]
        eb = bcast(elr[...])
        Y = eb * wcr[...] + bctr[...]
        muY = jnp.mean(Y, axis=-1, keepdims=True)
        varY = jnp.mean((Y - muY) ** 2, axis=-1, keepdims=True)
        Yn = (Y - muY) * lax.rsqrt(varY + EPS) * g2r[...] + be2r[...]
        out[:, :hd] = Xn
        out[:, hd:] = Yn

    tok_spec = lambda w: pl.BlockSpec((tile, w), lambda i: (i, 0))
    pk_spec = pl.BlockSpec((rows, 128), lambda i: (i + goff, 0))
    fix_spec = lambda s: pl.BlockSpec(s, lambda i: (0, 0))
    in_specs = [tok_spec(dp)] * 3 + [pk_spec, pk_spec,
                fix_spec((3, intd)),
                fix_spec((3 * dp + intd, hd))] + [fix_spec((1, hd))] * 7
    args = [e0, e1, e2, interp, elp, w3, wTp, bc, wc, bct, g1, be1,
            g2, be2]
    aliases = {}
    if prev is not None:
        in_specs.append(pl.BlockSpec(memory_space=pl.ANY))
        args.append(prev)
        aliases = {14: 0}
    return pl.pallas_call(
        body,
        grid=grid,
        in_specs=in_specs,
        out_specs=pl.BlockSpec((tile, 2 * hd), lambda i: (i + goff, 0)),
        out_shape=jax.ShapeDtypeStruct((n_tokens, 2 * hd), jnp.float32),
        input_output_aliases=aliases,
        compiler_params=pltpu.CompilerParams(
            dimension_semantics=("arbitrary",)),
    )(*args)


def kernel(assessmentItemID, testId, KnowledgeTag, Interaction, elapsed,
           emb_item, emb_test, emb_tag, emb_inter,
           W_comb, b_comb, W_cont, b_cont,
           g_cat, beta_cat, g_cont, beta_cont):
    B, L = assessmentItemID.shape
    n = B * L
    intd = emb_item.shape[1]
    dp = 128
    hd = W_comb.shape[0]
    pad = lambda t: jnp.pad(t, ((0, 0), (0, dp - intd)))
    t0, t1, t2 = pad(emb_item), pad(emb_test), pad(emb_tag)
    nh = n // NSPLIT
    parts = lambda a: a.reshape(NSPLIT, NW, nh // (NW * CHUNK), CHUNK)
    i0h, i1h, i2h = (parts(assessmentItemID), parts(testId),
                     parts(KnowledgeTag))
    es = [_sc_gather(i0h[q], i1h[q], i2h[q], t0, t1, t2, nh, dp)
          for q in range(NSPLIT)]
    wT = W_comb.T
    z = jnp.zeros((dp - intd, hd), jnp.float32)
    wTp = jnp.concatenate(
        [wT[0:intd], z, wT[intd:2 * intd], z, wT[2 * intd:3 * intd], z,
         wT[3 * intd:4 * intd]], axis=0)
    row = lambda v: v.reshape(1, hd)
    interp = Interaction.reshape(n // 128, 128)
    elp = elapsed.reshape(n // 128, 128)
    tile = 2048
    params = (emb_inter, wTp, row(b_comb), W_cont.reshape(1, hd),
              row(b_cont), row(g_cat), row(beta_cat), row(g_cont),
              row(beta_cont))
    out = None
    for q in range(NSPLIT):
        out = _tc_dense(*es[q], interp, elp, *params, n, hd, tile,
                        goff=q * (nh // tile), prev=out)
    return out.reshape(B, L, 2 * hd), B

# --- scband reference (transcript-rebuilt; emitter-appended) ---
"""Pipeline reference for scband-model-base-29858612642143 (READ-ONLY COPY).

The authoritative reference and input builder live on the scoring server;
editing this copy changes nothing except your own understanding.
"""

import jax, jax.numpy as jnp
import numpy as np


def layer_norm(x, g, b, eps=1e-5):
    mu = jnp.mean(x, axis=-1, keepdims=True)
    var = jnp.var(x, axis=-1, keepdims=True)
    return (x - mu) / jnp.sqrt(var + eps) * g + b


def setup_inputs(seed: int = 0) -> dict:
    key = jax.random.key(seed)
    ks = jax.random.split(key, 16)
    B, L = 1024, 200
    intd, hd = 64, 128
    inp = {}
    # forward inputs
    inp["assessmentItemID"] = jax.random.randint(ks[0], (B, L), 0, 100001, dtype=jnp.int64 if jax.config.jax_enable_x64 else jnp.int32).astype(jnp.int32)
    inp["testId"] = jax.random.randint(ks[1], (B, L), 0, 1001).astype(jnp.int32)
    inp["KnowledgeTag"] = jax.random.randint(ks[2], (B, L), 0, 1001).astype(jnp.int32)
    inp["Interaction"] = jax.random.randint(ks[3], (B, L), 0, 3).astype(jnp.int32)
    inp["elapsed"] = jax.random.uniform(ks[4], (B, L, 1), dtype=jnp.float32)
    # learned parameters (xavier-ish init for embeddings)
    inp["emb_item"] = jax.random.normal(ks[5], (100001, intd), dtype=jnp.float32) * 0.02
    inp["emb_test"] = jax.random.normal(ks[6], (1001, intd), dtype=jnp.float32) * 0.05
    inp["emb_tag"] = jax.random.normal(ks[7], (1001, intd), dtype=jnp.float32) * 0.05
    inp["emb_inter"] = jax.random.normal(ks[8], (3, intd), dtype=jnp.float32) * 0.1
    inp["W_comb"] = jax.random.normal(ks[9], (hd, 4 * intd), dtype=jnp.float32) * 0.02
    inp["b_comb"] = jnp.zeros((hd,), dtype=jnp.float32)
    inp["W_cont"] = jax.random.normal(ks[10], (hd, 1), dtype=jnp.float32) * 0.02
    inp["b_cont"] = jnp.zeros((hd,), dtype=jnp.float32)
    inp["g_cat"] = jnp.ones((hd,), dtype=jnp.float32)
    inp["beta_cat"] = jnp.zeros((hd,), dtype=jnp.float32)
    inp["g_cont"] = jnp.ones((hd,), dtype=jnp.float32)
    inp["beta_cont"] = jnp.zeros((hd,), dtype=jnp.float32)
    return inp


def reference(assessmentItemID, testId, KnowledgeTag, Interaction, elapsed,
              emb_item, emb_test, emb_tag, emb_inter,
              W_comb, b_comb, W_cont, b_cont,
              g_cat, beta_cat, g_cont, beta_cont):
    batch_size = assessmentItemID.shape[0]
    # embedding gathers (SparseCore-mappable)
    e0 = jnp.take(emb_item, assessmentItemID, axis=0)
    e1 = jnp.take(emb_test, testId, axis=0)
    e2 = jnp.take(emb_tag, KnowledgeTag, axis=0)
    e3 = jnp.take(emb_inter, Interaction, axis=0)
    embed = jnp.concatenate([e0, e1, e2, e3], axis=2)  # [B, L, 4*intd]
    X = embed @ W_comb.T + b_comb  # comb_proj -> [B, L, hd]
    X = layer_norm(X, g_cat, beta_cat)
    # continuous branch (single cont col: conts = conts[-1] of shape [B, L, 1])
    conts = elapsed.astype(jnp.float32)
    Y = conts @ W_cont.T + b_cont  # [B, L, hd]
    Y = layer_norm(Y, g_cont, beta_cont)
    X = jnp.concatenate([X, Y], axis=2)  # [B, L, 2*hd]
    return (X, batch_size)

if __name__ == "__main__":
    import jax
    _d = setup_inputs()
    print(jax.jit(kernel)(*tuple(_d.values())))

</pallas_src>

<mosaic_0001>
#map = affine_map<(d0, d1) -> (0, 0, 0)>
#map1 = affine_map<(d0, d1) -> (0, 0)>
module attributes {stable_mosaic.version = 14 : i64} {
  func.func @k(%arg0: i32, %arg1: i32, %arg2: memref<32x16x100xi32, #tpu.memory_space<hbm>>, %arg3: memref<32x16x100xi32, #tpu.memory_space<hbm>>, %arg4: memref<32x16x100xi32, #tpu.memory_space<hbm>>, %arg5: memref<100001x128xf32, #tpu.memory_space<hbm>>, %arg6: memref<1001x128xf32, #tpu.memory_space<hbm>>, %arg7: memref<1001x128xf32, #tpu.memory_space<hbm>>, %arg8: memref<51200x128xf32, #tpu.memory_space<hbm>>, %arg9: memref<51200x128xf32, #tpu.memory_space<hbm>>, %arg10: memref<51200x128xf32, #tpu.memory_space<hbm>>, %arg11: memref<16x100xi32, #tpu.memory_space<vmem>>, %arg12: memref<16x100xi32, #tpu.memory_space<vmem>>, %arg13: memref<16x100xi32, #tpu.memory_space<vmem>>, %arg14: memref<100x128xf32, #tpu.memory_space<vmem>>, %arg15: memref<100x128xf32, #tpu.memory_space<vmem>>, %arg16: memref<100x128xf32, #tpu.memory_space<vmem>>, %arg17: memref<100x128xf32, #tpu.memory_space<vmem>>, %arg18: memref<100x128xf32, #tpu.memory_space<vmem>>, %arg19: memref<100x128xf32, #tpu.memory_space<vmem>>, %arg20: memref<!tpu.dma_semaphore, #tpu.memory_space<semaphore_mem>>, %arg21: memref<!tpu.dma_semaphore, #tpu.memory_space<semaphore_mem>>, %arg22: memref<!tpu.dma_semaphore, #tpu.memory_space<semaphore_mem>>, %arg23: memref<!tpu.dma_semaphore, #tpu.memory_space<semaphore_mem>>) attributes {dimension_semantics = [#tpu.dimension_semantics<core_parallel>, #tpu.dimension_semantics<subcore_parallel>], iteration_bounds = array<i64: 2, 16>, scalar_prefetch = 0 : i64, scratch_operands = 13 : i64, tpu.core_type = #tpu.core_type<sc_vector_subcore>, window_params = [{transform_indices = #map}, {transform_indices = #map}, {transform_indices = #map}, {transform_indices = #map1}, {transform_indices = #map1}, {transform_indices = #map1}, {transform_indices = #map1}, {transform_indices = #map1}, {transform_indices = #map1}]} {
    %mul3A = arith.constant 2 : i32
    %mul3A_0 = arith.muli %arg1, %mul3A : i32
    %add3A = arith.addi %mul3A_0, %arg0 : i32
    %mul3A_1 = arith.constant 1600 : i32
    %mul3A_2 = arith.muli %add3A, %mul3A_1 : i32
    "tpu.region"() ({
      %run_scoped3A = tpu.sem_alloc : memref<!tpu.dma_semaphore, #tpu.memory_space<semaphore_mem>>
      %dma_start3A_180 = arith.constant 0 : i32
      %dma_start3A_181 = arith.constant 0 : i32
      %dma_start3A_182 = tpu.memref_slice %arg2[%add3A, %dma_start3A_180, %dma_start3A_181] : memref<32x16x100xi32, #tpu.memory_space<hbm>> -> memref<1x16x100xi32, #tpu.memory_space<hbm>>
      %dma_start3A_183 = tpu.memref_squeeze %dma_start3A_182 : memref<1x16x100xi32, #tpu.memory_space<hbm>> -> memref<16x100xi32, #tpu.memory_space<hbm>>
      %dma_start3A_184 = arith.constant 0 : i32
      %dma_start3A_185 = arith.constant 0 : i32
      %dma_start3A_186 = tpu.memref_slice %arg2[%add3A, %dma_start3A_184, %dma_start3A_185] : memref<32x16x100xi32, #tpu.memory_space<hbm>> -> memref<1x16x100xi32, #tpu.memory_space<hbm>>
      %dma_start3A_187 = tpu.memref_squeeze %dma_start3A_186 : memref<1x16x100xi32, #tpu.memory_space<hbm>> -> memref<16x100xi32, #tpu.memory_space<hbm>>
      tpu.enqueue_dma source(%dma_start3A_187 : memref<16x100xi32, #tpu.memory_space<hbm>>) target(%arg11 : memref<16x100xi32, #tpu.memory_space<vmem>>) target_semaphore(%run_scoped3A : memref<!tpu.dma_semaphore, #tpu.memory_space<semaphore_mem>>)
      %dma_wait3A_188 = arith.constant 0 : i32
      %dma_wait3A_189 = arith.constant 0 : i32
      %dma_wait3A_190 = tpu.memref_slice %arg2[%add3A, %dma_wait3A_188, %dma_wait3A_189] : memref<32x16x100xi32, #tpu.memory_space<hbm>> -> memref<1x16x100xi32, #tpu.memory_space<hbm>>
      %dma_wait3A_191 = tpu.memref_squeeze %dma_wait3A_190 : memref<1x16x100xi32, #tpu.memory_space<hbm>> -> memref<16x100xi32, #tpu.memory_space<hbm>>
      %dma_wait3A_192 = arith.constant 0 : i32
      %dma_wait3A_193 = arith.constant 0 : i32
      %dma_wait3A_194 = tpu.memref_slice %arg2[%add3A, %dma_wait3A_192, %dma_wait3A_193] : memref<32x16x100xi32, #tpu.memory_space<hbm>> -> memref<1x16x100xi32, #tpu.memory_space<hbm>>
      %dma_wait3A_195 = tpu.memref_squeeze %dma_wait3A_194 : memref<1x16x100xi32, #tpu.memory_space<hbm>> -> memref<16x100xi32, #tpu.memory_space<hbm>>
      tpu.wait_dma2 semaphore(%run_scoped3A : memref<!tpu.dma_semaphore, #tpu.memory_space<semaphore_mem>>) src(%dma_wait3A_195 : memref<16x100xi32, #tpu.memory_space<hbm>>) dst(%arg11 : memref<16x100xi32, #tpu.memory_space<vmem>>)
      tpu.yield
    }) : () -> ()
    "tpu.region"() ({
      %run_scoped3A = tpu.sem_alloc : memref<!tpu.dma_semaphore, #tpu.memory_space<semaphore_mem>>
      %dma_start3A_180 = arith.constant 0 : i32
      %dma_start3A_181 = arith.constant 0 : i32
      %dma_start3A_182 = tpu.memref_slice %arg3[%add3A, %dma_start3A_180, %dma_start3A_181] : memref<32x16x100xi32, #tpu.memory_space<hbm>> -> memref<1x16x100xi32, #tpu.memory_space<hbm>>
      %dma_start3A_183 = tpu.memref_squeeze %dma_start3A_182 : memref<1x16x100xi32, #tpu.memory_space<hbm>> -> memref<16x100xi32, #tpu.memory_space<hbm>>
      %dma_start3A_184 = arith.constant 0 : i32
      %dma_start3A_185 = arith.constant 0 : i32
      %dma_start3A_186 = tpu.memref_slice %arg3[%add3A, %dma_start3A_184, %dma_start3A_185] : memref<32x16x100xi32, #tpu.memory_space<hbm>> -> memref<1x16x100xi32, #tpu.memory_space<hbm>>
      %dma_start3A_187 = tpu.memref_squeeze %dma_start3A_186 : memref<1x16x100xi32, #tpu.memory_space<hbm>> -> memref<16x100xi32, #tpu.memory_space<hbm>>
      tpu.enqueue_dma source(%dma_start3A_187 : memref<16x100xi32, #tpu.memory_space<hbm>>) target(%arg12 : memref<16x100xi32, #tpu.memory_space<vmem>>) target_semaphore(%run_scoped3A : memref<!tpu.dma_semaphore, #tpu.memory_space<semaphore_mem>>)
      %dma_wait3A_188 = arith.constant 0 : i32
      %dma_wait3A_189 = arith.constant 0 : i32
      %dma_wait3A_190 = tpu.memref_slice %arg3[%add3A, %dma_wait3A_188, %dma_wait3A_189] : memref<32x16x100xi32, #tpu.memory_space<hbm>> -> memref<1x16x100xi32, #tpu.memory_space<hbm>>
      %dma_wait3A_191 = tpu.memref_squeeze %dma_wait3A_190 : memref<1x16x100xi32, #tpu.memory_space<hbm>> -> memref<16x100xi32, #tpu.memory_space<hbm>>
      %dma_wait3A_192 = arith.constant 0 : i32
      %dma_wait3A_193 = arith.constant 0 : i32
      %dma_wait3A_194 = tpu.memref_slice %arg3[%add3A, %dma_wait3A_192, %dma_wait3A_193] : memref<32x16x100xi32, #tpu.memory_space<hbm>> -> memref<1x16x100xi32, #tpu.memory_space<hbm>>
      %dma_wait3A_195 = tpu.memref_squeeze %dma_wait3A_194 : memref<1x16x100xi32, #tpu.memory_space<hbm>> -> memref<16x100xi32, #tpu.memory_space<hbm>>
      tpu.wait_dma2 semaphore(%run_scoped3A : memref<!tpu.dma_semaphore, #tpu.memory_space<semaphore_mem>>) src(%dma_wait3A_195 : memref<16x100xi32, #tpu.memory_space<hbm>>) dst(%arg12 : memref<16x100xi32, #tpu.memory_space<vmem>>)
      tpu.yield
    }) : () -> ()
    "tpu.region"() ({
      %run_scoped3A = tpu.sem_alloc : memref<!tpu.dma_semaphore, #tpu.memory_space<semaphore_mem>>
      %dma_start3A_180 = arith.constant 0 : i32
      %dma_start3A_181 = arith.constant 0 : i32
      %dma_start3A_182 = tpu.memref_slice %arg4[%add3A, %dma_start3A_180, %dma_start3A_181] : memref<32x16x100xi32, #tpu.memory_space<hbm>> -> memref<1x16x100xi32, #tpu.memory_space<hbm>>
      %dma_start3A_183 = tpu.memref_squeeze %dma_start3A_182 : memref<1x16x100xi32, #tpu.memory_space<hbm>> -> memref<16x100xi32, #tpu.memory_space<hbm>>
      %dma_start3A_184 = arith.constant 0 : i32
      %dma_start3A_185 = arith.constant 0 : i32
      %dma_start3A_186 = tpu.memref_slice %arg4[%add3A, %dma_start3A_184, %dma_start3A_185] : memref<32x16x100xi32, #tpu.memory_space<hbm>> -> memref<1x16x100xi32, #tpu.memory_space<hbm>>
      %dma_start3A_187 = tpu.memref_squeeze %dma_start3A_186 : memref<1x16x100xi32, #tpu.memory_space<hbm>> -> memref<16x100xi32, #tpu.memory_space<hbm>>
      tpu.enqueue_dma source(%dma_start3A_187 : memref<16x100xi32, #tpu.memory_space<hbm>>) target(%arg13 : memref<16x100xi32, #tpu.memory_space<vmem>>) target_semaphore(%run_scoped3A : memref<!tpu.dma_semaphore, #tpu.memory_space<semaphore_mem>>)
      %dma_wait3A_188 = arith.constant 0 : i32
      %dma_wait3A_189 = arith.constant 0 : i32
      %dma_wait3A_190 = tpu.memref_slice %arg4[%add3A, %dma_wait3A_188, %dma_wait3A_189] : memref<32x16x100xi32, #tpu.memory_space<hbm>> -> memref<1x16x100xi32, #tpu.memory_space<hbm>>
      %dma_wait3A_191 = tpu.memref_squeeze %dma_wait3A_190 : memref<1x16x100xi32, #tpu.memory_space<hbm>> -> memref<16x100xi32, #tpu.memory_space<hbm>>
      %dma_wait3A_192 = arith.constant 0 : i32
      %dma_wait3A_193 = arith.constant 0 : i32
      %dma_wait3A_194 = tpu.memref_slice %arg4[%add3A, %dma_wait3A_192, %dma_wait3A_193] : memref<32x16x100xi32, #tpu.memory_space<hbm>> -> memref<1x16x100xi32, #tpu.memory_space<hbm>>
      %dma_wait3A_195 = tpu.memref_squeeze %dma_wait3A_194 : memref<1x16x100xi32, #tpu.memory_space<hbm>> -> memref<16x100xi32, #tpu.memory_space<hbm>>
      tpu.wait_dma2 semaphore(%run_scoped3A : memref<!tpu.dma_semaphore, #tpu.memory_space<semaphore_mem>>) src(%dma_wait3A_195 : memref<16x100xi32, #tpu.memory_space<hbm>>) dst(%arg13 : memref<16x100xi32, #tpu.memory_space<vmem>>)
      tpu.yield
    }) : () -> ()
    %dma_start3A = arith.constant 0 : i32
    %dma_start3A_3 = arith.constant 0 : i32
    %dma_start3A_4 = tpu.memref_slice %arg11[%dma_start3A, %dma_start3A_3] : memref<16x100xi32, #tpu.memory_space<vmem>> -> memref<1x100xi32, #tpu.memory_space<vmem>>
    %dma_start3A_5 = tpu.memref_squeeze %dma_start3A_4 : memref<1x100xi32, #tpu.memory_space<vmem>> -> memref<100xi32, #tpu.memory_space<vmem>>
    %dma_start3A_6 = arith.constant 0 : i32
    %dma_start3A_7 = arith.constant 0 : i32
    %dma_start3A_8 = tpu.memref_slice %arg5[%dma_start3A_6, %dma_start3A_7] : memref<100001x128xf32, #tpu.memory_space<hbm>> -> memref<100001x128xf32, #tpu.memory_space<hbm>>
    tpu.enqueue_indirect_dma source(%dma_start3A_8 : memref<100001x128xf32, #tpu.memory_space<hbm>>) target(%arg14 : memref<100x128xf32, #tpu.memory_space<vmem>>) offsets(%dma_start3A_5 : memref<100xi32, #tpu.memory_space<vmem>>) semaphore(%arg20 : memref<!tpu.dma_semaphore, #tpu.memory_space<semaphore_mem>>)
    %dma_start3A_9 = arith.constant 0 : i32
    %dma_start3A_10 = arith.constant 0 : i32
    %dma_start3A_11 = tpu.memref_slice %arg12[%dma_start3A_9, %dma_start3A_10] : memref<16x100xi32, #tpu.memory_space<vmem>> -> memref<1x100xi32, #tpu.memory_space<vmem>>
    %dma_start3A_12 = tpu.memref_squeeze %dma_start3A_11 : memref<1x100xi32, #tpu.memory_space<vmem>> -> memref<100xi32, #tpu.memory_space<vmem>>
    %dma_start3A_13 = arith.constant 0 : i32
    %dma_start3A_14 = arith.constant 0 : i32
    %dma_start3A_15 = tpu.memref_slice %arg6[%dma_start3A_13, %dma_start3A_14] : memref<1001x128xf32, #tpu.memory_space<hbm>> -> memref<1001x128xf32, #tpu.memory_space<hbm>>
    tpu.enqueue_indirect_dma source(%dma_start3A_15 : memref<1001x128xf32, #tpu.memory_space<hbm>>) target(%arg15 : memref<100x128xf32, #tpu.memory_space<vmem>>) offsets(%dma_start3A_12 : memref<100xi32, #tpu.memory_space<vmem>>) semaphore(%arg20 : memref<!tpu.dma_semaphore, #tpu.memory_space<semaphore_mem>>)
    %dma_start3A_16 = arith.constant 0 : i32
    %dma_start3A_17 = arith.constant 0 : i32
    %dma_start3A_18 = tpu.memref_slice %arg13[%dma_start3A_16, %dma_start3A_17] : memref<16x100xi32, #tpu.memory_space<vmem>> -> memref<1x100xi32, #tpu.memory_space<vmem>>
    %dma_start3A_19 = tpu.memref_squeeze %dma_start3A_18 : memref<1x100xi32, #tpu.memory_space<vmem>> -> memref<100xi32, #tpu.memory_space<vmem>>
    %dma_start3A_20 = arith.constant 0 : i32
    %dma_start3A_21 = arith.constant 0 : i32
    %dma_start3A_22 = tpu.memref_slice %arg7[%dma_start3A_20, %dma_start3A_21] : memref<1001x128xf32, #tpu.memory_space<hbm>> -> memref<1001x128xf32, #tpu.memory_space<hbm>>
    tpu.enqueue_indirect_dma source(%dma_start3A_22 : memref<1001x128xf32, #tpu.memory_space<hbm>>) target(%arg16 : memref<100x128xf32, #tpu.memory_space<vmem>>) offsets(%dma_start3A_19 : memref<100xi32, #tpu.memory_space<vmem>>) semaphore(%arg20 : memref<!tpu.dma_semaphore, #tpu.memory_space<semaphore_mem>>)
    %scan3A = arith.constant 0 : i32
    %scan3A_23 = arith.constant 0 : i32
    %scan3A_24 = arith.constant 7 : i32
    %scan3A_25 = arith.addi %scan3A_23, %scan3A_24 : i32
    %scan3A_26 = arith.constant 1 : i32
    scf.for %scan3A_180 = %scan3A_23 to %scan3A_25 step %scan3A_26  : i32 {
      %mul3A_181 = arith.constant 2 : i32
      %mul3A_182 = arith.muli %mul3A_181, %scan3A_180 : i32
      %add3A_183 = arith.constant 0 : i32
      %add3A_184 = arith.addi %mul3A_182, %add3A_183 : i32
      %dma_wait3A_185 = arith.constant 0 : i32
      %dma_wait3A_186 = tpu.memref_slice %arg11[%add3A_184, %dma_wait3A_185] : memref<16x100xi32, #tpu.memory_space<vmem>> -> memref<1x100xi32, #tpu.memory_space<vmem>>
      %dma_wait3A_187 = tpu.memref_squeeze %dma_wait3A_186 : memref<1x100xi32, #tpu.memory_space<vmem>> -> memref<100xi32, #tpu.memory_space<vmem>>
      %dma_wait3A_188 = arith.constant 0 : i32
      %dma_wait3A_189 = arith.constant 0 : i32
      %dma_wait3A_190 = tpu.memref_slice %arg5[%dma_wait3A_188, %dma_wait3A_189] : memref<100001x128xf32, #tpu.memory_space<hbm>> -> memref<100001x128xf32, #tpu.memory_space<hbm>>
      tpu.wait_indirect_dma semaphore(%arg20 : memref<!tpu.dma_semaphore, #tpu.memory_space<semaphore_mem>>) src(%dma_wait3A_190 : memref<100001x128xf32, #tpu.memory_space<hbm>>) dst(%arg14 : memref<100x128xf32, #tpu.memory_space<vmem>>)
      %dma_wait3A_191 = arith.constant 0 : i32
      %dma_wait3A_192 = tpu.memref_slice %arg12[%add3A_184, %dma_wait3A_191] : memref<16x100xi32, #tpu.memory_space<vmem>> -> memref<1x100xi32, #tpu.memory_space<vmem>>
      %dma_wait3A_193 = tpu.memref_squeeze %dma_wait3A_192 : memref<1x100xi32, #tpu.memory_space<vmem>> -> memref<100xi32, #tpu.memory_space<vmem>>
      %dma_wait3A_194 = arith.constant 0 : i32
      %dma_wait3A_195 = arith.constant 0 : i32
      %dma_wait3A_196 = tpu.memref_slice %arg6[%dma_wait3A_194, %dma_wait3A_195] : memref<1001x128xf32, #tpu.memory_space<hbm>> -> memref<1001x128xf32, #tpu.memory_space<hbm>>
      tpu.wait_indirect_dma semaphore(%arg20 : memref<!tpu.dma_semaphore, #tpu.memory_space<semaphore_mem>>) src(%dma_wait3A_196 : memref<1001x128xf32, #tpu.memory_space<hbm>>) dst(%arg15 : memref<100x128xf32, #tpu.memory_space<vmem>>)
      %dma_wait3A_197 = arith.constant 0 : i32
      %dma_wait3A_198 = tpu.memref_slice %arg13[%add3A_184, %dma_wait3A_197] : memref<16x100xi32, #tpu.memory_space<vmem>> -> memref<1x100xi32, #tpu.memory_space<vmem>>
      %dma_wait3A_199 = tpu.memref_squeeze %dma_wait3A_198 : memref<1x100xi32, #tpu.memory_space<vmem>> -> memref<100xi32, #tpu.memory_space<vmem>>
      %dma_wait3A_200 = arith.constant 0 : i32
      %dma_wait3A_201 = arith.constant 0 : i32
      %dma_wait3A_202 = tpu.memref_slice %arg7[%dma_wait3A_200, %dma_wait3A_201] : memref<1001x128xf32, #tpu.memory_space<hbm>> -> memref<1001x128xf32, #tpu.memory_space<hbm>>
      tpu.wait_indirect_dma semaphore(%arg20 : memref<!tpu.dma_semaphore, #tpu.memory_space<semaphore_mem>>) src(%dma_wait3A_202 : memref<1001x128xf32, #tpu.memory_space<hbm>>) dst(%arg16 : memref<100x128xf32, #tpu.memory_space<vmem>>)
      %mul3A_203 = arith.constant 100 : i32
      %mul3A_204 = arith.muli %add3A_184, %mul3A_203 : i32
      %add3A_205 = arith.addi %mul3A_2, %mul3A_204 : i32
      %mul3A_206 = arith.constant 100 : i32
      %mul3A_207 = arith.muli %add3A_184, %mul3A_206 : i32
      %add3A_208 = arith.addi %mul3A_2, %mul3A_207 : i32
      %mul3A_209 = arith.constant 100 : i32
      %mul3A_210 = arith.muli %add3A_184, %mul3A_209 : i32
      %add3A_211 = arith.addi %mul3A_2, %mul3A_210 : i32
      %ge3A = arith.constant 1 : i32
      %ge3A_212 = arith.cmpi sge, %scan3A_180, %ge3A : i32
      %convert_element_type3A = arith.extui %ge3A_212 : i1 to i32
      %cond3A = arith.constant 0 : i32
      %cond3A_213 = arith.cmpi ne, %convert_element_type3A, %cond3A : i32
      scf.if %cond3A_213 {
        %dma_wait3A_339 = arith.constant 0 : i32
        %dma_wait3A_340 = tpu.memref_slice %arg8[%add3A_205, %dma_wait3A_339] : memref<51200x128xf32, #tpu.memory_space<hbm>> -> memref<100x128xf32, #tpu.memory_space<hbm>>
        %dma_wait3A_341 = arith.constant 0 : i32
        %dma_wait3A_342 = tpu.memref_slice %arg8[%add3A_205, %dma_wait3A_341] : memref<51200x128xf32, #tpu.memory_space<hbm>> -> memref<100x128xf32, #tpu.memory_space<hbm>>
        tpu.wait_dma2 semaphore(%arg23 : memref<!tpu.dma_semaphore, #tpu.memory_space<semaphore_mem>>) src(%arg17 : memref<100x128xf32, #tpu.memory_space<vmem>>) dst(%dma_wait3A_342 : memref<100x128xf32, #tpu.memory_space<hbm>>)
        %dma_wait3A_343 = arith.constant 0 : i32
        %dma_wait3A_344 = tpu.memref_slice %arg9[%add3A_208, %dma_wait3A_343] : memref<51200x128xf32, #tpu.memory_space<hbm>> -> memref<100x128xf32, #tpu.memory_space<hbm>>
        %dma_wait3A_345 = arith.constant 0 : i32
        %dma_wait3A_346 = tpu.memref_slice %arg9[%add3A_208, %dma_wait3A_345] : memref<51200x128xf32, #tpu.memory_space<hbm>> -> memref<100x128xf32, #tpu.memory_space<hbm>>
        tpu.wait_dma2 semaphore(%arg23 : memref<!tpu.dma_semaphore, #tpu.memory_space<semaphore_mem>>) src(%arg18 : memref<100x128xf32, #tpu.memory_space<vmem>>) dst(%dma_wait3A_346 : memref<100x128xf32, #tpu.memory_space<hbm>>)
        %dma_wait3A_347 = arith.constant 0 : i32
        %dma_wait3A_348 = tpu.memref_slice %arg10[%add3A_211, %dma_wait3A_347] : memref<51200x128xf32, #tpu.memory_space<hbm>> -> memref<100x128xf32, #tpu.memory_space<hbm>>
        %dma_wait3A_349 = arith.constant 0 : i32
        %dma_wait3A_350 = tpu.memref_slice %arg10[%add3A_211, %dma_wait3A_349] : memref<51200x128xf32, #tpu.memory_space<hbm>> -> memref<100x128xf32, #tpu.memory_space<hbm>>
        tpu.wait_dma2 semaphore(%arg23 : memref<!tpu.dma_semaphore, #tpu.memory_space<semaphore_mem>>) src(%arg19 : memref<100x128xf32, #tpu.memory_space<vmem>>) dst(%dma_wait3A_350 : memref<100x128xf32, #tpu.memory_space<hbm>>)
      } else {
      }
      %add3A_214 = arith.constant 1 : i32
      %add3A_215 = arith.addi %add3A_184, %add3A_214 : i32
      %dma_start3A_216 = arith.constant 0 : i32
      %dma_start3A_217 = tpu.memref_slice %arg11[%add3A_215, %dma_start3A_216] : memref<16x100xi32, #tpu.memory_space<vmem>> -> memref<1x100xi32, #tpu.memory_space<vmem>>
      %dma_start3A_218 = tpu.memref_squeeze %dma_start3A_217 : memref<1x100xi32, #tpu.memory_space<vmem>> -> memref<100xi32, #tpu.memory_space<vmem>>
      %dma_start3A_219 = arith.constant 0 : i32
      %dma_start3A_220 = arith.constant 0 : i32
      %dma_start3A_221 = tpu.memref_slice %arg5[%dma_start3A_219, %dma_start3A_220] : memref<100001x128xf32, #tpu.memory_space<hbm>> -> memref<100001x128xf32, #tpu.memory_space<hbm>>
      tpu.enqueue_indirect_dma source(%dma_start3A_221 : memref<100001x128xf32, #tpu.memory_space<hbm>>) target(%arg17 : memref<100x128xf32, #tpu.memory_space<vmem>>) offsets(%dma_start3A_218 : memref<100xi32, #tpu.memory_space<vmem>>) semaphore(%arg21 : memref<!tpu.dma_semaphore, #tpu.memory_space<semaphore_mem>>)
      %dma_start3A_222 = arith.constant 0 : i32
      %dma_start3A_223 = tpu.memref_slice %arg12[%add3A_215, %dma_start3A_222] : memref<16x100xi32, #tpu.memory_space<vmem>> -> memref<1x100xi32, #tpu.memory_space<vmem>>
      %dma_start3A_224 = tpu.memref_squeeze %dma_start3A_223 : memref<1x100xi32, #tpu.memory_space<vmem>> -> memref<100xi32, #tpu.memory_space<vmem>>
      %dma_start3A_225 = arith.constant 0 : i32
      %dma_start3A_226 = arith.constant 0 : i32
      %dma_start3A_227 = tpu.memref_slice %arg6[%dma_start3A_225, %dma_start3A_226] : memref<1001x128xf32, #tpu.memory_space<hbm>> -> memref<1001x128xf32, #tpu.memory_space<hbm>>
      tpu.enqueue_indirect_dma source(%dma_start3A_227 : memref<1001x128xf32, #tpu.memory_space<hbm>>) target(%arg18 : memref<100x128xf32, #tpu.memory_space<vmem>>) offsets(%dma_start3A_224 : memref<100xi32, #tpu.memory_space<vmem>>) semaphore(%arg21 : memref<!tpu.dma_semaphore, #tpu.memory_space<semaphore_mem>>)
      %dma_start3A_228 = arith.constant 0 : i32
      %dma_start3A_229 = tpu.memref_slice %arg13[%add3A_215, %dma_start3A_228] : memref<16x100xi32, #tpu.memory_space<vmem>> -> memref<1x100xi32, #tpu.memory_space<vmem>>
      %dma_start3A_230 = tpu.memref_squeeze %dma_start3A_229 : memref<1x100xi32, #tpu.memory_space<vmem>> -> memref<100xi32, #tpu.memory_space<vmem>>
      %dma_start3A_231 = arith.constant 0 : i32
      %dma_start3A_232 = arith.constant 0 : i32
      %dma_start3A_233 = tpu.memref_slice %arg7[%dma_start3A_231, %dma_start3A_232] : memref<1001x128xf32, #tpu.memory_space<hbm>> -> memref<1001x128xf32, #tpu.memory_space<hbm>>
      tpu.enqueue_indirect_dma source(%dma_start3A_233 : memref<1001x128xf32, #tpu.memory_space<hbm>>) target(%arg19 : memref<100x128xf32, #tpu.memory_space<vmem>>) offsets(%dma_start3A_230 : memref<100xi32, #tpu.memory_space<vmem>>) semaphore(%arg21 : memref<!tpu.dma_semaphore, #tpu.memory_space<semaphore_mem>>)
      %mul3A_234 = arith.constant 100 : i32
      %mul3A_235 = arith.muli %add3A_184, %mul3A_234 : i32
      %add3A_236 = arith.addi %mul3A_2, %mul3A_235 : i32
      %mul3A_237 = arith.constant 100 : i32
      %mul3A_238 = arith.muli %add3A_184, %mul3A_237 : i32
      %add3A_239 = arith.addi %mul3A_2, %mul3A_238 : i32
      %mul3A_240 = arith.constant 100 : i32
      %mul3A_241 = arith.muli %add3A_184, %mul3A_240 : i32
      %add3A_242 = arith.addi %mul3A_2, %mul3A_241 : i32
      %dma_start3A_243 = arith.constant 0 : i32
      %dma_start3A_244 = tpu.memref_slice %arg8[%add3A_236, %dma_start3A_243] : memref<51200x128xf32, #tpu.memory_space<hbm>> -> memref<100x128xf32, #tpu.memory_space<hbm>>
      %dma_start3A_245 = arith.constant 0 : i32
      %dma_start3A_246 = tpu.memref_slice %arg8[%add3A_236, %dma_start3A_245] : memref<51200x128xf32, #tpu.memory_space<hbm>> -> memref<100x128xf32, #tpu.memory_space<hbm>>
      tpu.enqueue_dma source(%arg14 : memref<100x128xf32, #tpu.memory_space<vmem>>) target(%dma_start3A_246 : memref<100x128xf32, #tpu.memory_space<hbm>>) target_semaphore(%arg22 : memref<!tpu.dma_semaphore, #tpu.memory_space<semaphore_mem>>)
      %dma_start3A_247 = arith.constant 0 : i32
      %dma_start3A_248 = tpu.memref_slice %arg9[%add3A_239, %dma_start3A_247] : memref<51200x128xf32, #tpu.memory_space<hbm>> -> memref<100x128xf32, #tpu.memory_space<hbm>>
      %dma_start3A_249 = arith.constant 0 : i32
      %dma_start3A_250 = tpu.memref_slice %arg9[%add3A_239, %dma_start3A_249] : memref<51200x128xf32, #tpu.memory_space<hbm>> -> memref<100x128xf32, #tpu.memory_space<hbm>>
      tpu.enqueue_dma source(%arg15 : memref<100x128xf32, #tpu.memory_space<vmem>>) target(%dma_start3A_250 : memref<100x128xf32, #tpu.memory_space<hbm>>) target_semaphore(%arg22 : memref<!tpu.dma_semaphore, #tpu.memory_space<semaphore_mem>>)
      %dma_start3A_251 = arith.constant 0 : i32
      %dma_start3A_252 = tpu.memref_slice %arg10[%add3A_242, %dma_start3A_251] : memref<51200x128xf32, #tpu.memory_space<hbm>> -> memref<100x128xf32, #tpu.memory_space<hbm>>
      %dma_start3A_253 = arith.constant 0 : i32
      %dma_start3A_254 = tpu.memref_slice %arg10[%add3A_242, %dma_start3A_253] : memref<51200x128xf32, #tpu.memory_space<hbm>> -> memref<100x128xf32, #tpu.memory_space<hbm>>
      tpu.enqueue_dma source(%arg16 : memref<100x128xf32, #tpu.memory_space<vmem>>) target(%dma_start3A_254 : memref<100x128xf32, #tpu.memory_space<hbm>>) target_semaphore(%arg22 : memref<!tpu.dma_semaphore, #tpu.memory_space<semaphore_mem>>)
      %mul3A_255 = arith.constant 2 : i32
      %mul3A_256 = arith.muli %mul3A_255, %scan3A_180 : i32
      %add3A_257 = arith.constant 1 : i32
      %add3A_258 = arith.addi %mul3A_256, %add3A_257 : i32
      %dma_wait3A_259 = arith.constant 0 : i32
      %dma_wait3A_260 = tpu.memref_slice %arg11[%add3A_258, %dma_wait3A_259] : memref<16x100xi32, #tpu.memory_space<vmem>> -> memref<1x100xi32, #tpu.memory_space<vmem>>
      %dma_wait3A_261 = tpu.memref_squeeze %dma_wait3A_260 : memref<1x100xi32, #tpu.memory_space<vmem>> -> memref<100xi32, #tpu.memory_space<vmem>>
      %dma_wait3A_262 = arith.constant 0 : i32
      %dma_wait3A_263 = arith.constant 0 : i32
      %dma_wait3A_264 = tpu.memref_slice %arg5[%dma_wait3A_262, %dma_wait3A_263] : memref<100001x128xf32, #tpu.memory_space<hbm>> -> memref<100001x128xf32, #tpu.memory_space<hbm>>
      tpu.wait_indirect_dma semaphore(%arg21 : memref<!tpu.dma_semaphore, #tpu.memory_space<semaphore_mem>>) src(%dma_wait3A_264 : memref<100001x128xf32, #tpu.memory_space<hbm>>) dst(%arg17 : memref<100x128xf32, #tpu.memory_space<vmem>>)
      %dma_wait3A_265 = arith.constant 0 : i32
      %dma_wait3A_266 = tpu.memref_slice %arg12[%add3A_258, %dma_wait3A_265] : memref<16x100xi32, #tpu.memory_space<vmem>> -> memref<1x100xi32, #tpu.memory_space<vmem>>
      %dma_wait3A_267 = tpu.memref_squeeze %dma_wait3A_266 : memref<1x100xi32, #tpu.memory_space<vmem>> -> memref<100xi32, #tpu.memory_space<vmem>>
      %dma_wait3A_268 = arith.constant 0 : i32
      %dma_wait3A_269 = arith.constant 0 : i32
      %dma_wait3A_270 = tpu.memref_slice %arg6[%dma_wait3A_268, %dma_wait3A_269] : memref<1001x128xf32, #tpu.memory_space<hbm>> -> memref<1001x128xf32, #tpu.memory_space<hbm>>
      tpu.wait_indirect_dma semaphore(%arg21 : memref<!tpu.dma_semaphore, #tpu.memory_space<semaphore_mem>>) src(%dma_wait3A_270 : memref<1001x128xf32, #tpu.memory_space<hbm>>) dst(%arg18 : memref<100x128xf32, #tpu.memory_space<vmem>>)
      %dma_wait3A_271 = arith.constant 0 : i32
      %dma_wait3A_272 = tpu.memref_slice %arg13[%add3A_258, %dma_wait3A_271] : memref<16x100xi32, #tpu.memory_space<vmem>> -> memref<1x100xi32, #tpu.memory_space<vmem>>
      %dma_wait3A_273 = tpu.memref_squeeze %dma_wait3A_272 : memref<1x100xi32, #tpu.memory_space<vmem>> -> memref<100xi32, #tpu.memory_space<vmem>>
      %dma_wait3A_274 = arith.constant 0 : i32
      %dma_wait3A_275 = arith.constant 0 : i32
      %dma_wait3A_276 = tpu.memref_slice %arg7[%dma_wait3A_274, %dma_wait3A_275] : memref<1001x128xf32, #tpu.memory_space<hbm>> -> memref<1001x128xf32, #tpu.memory_space<hbm>>
      tpu.wait_indirect_dma semaphore(%arg21 : memref<!tpu.dma_semaphore, #tpu.memory_space<semaphore_mem>>) src(%dma_wait3A_276 : memref<1001x128xf32, #tpu.memory_space<hbm>>) dst(%arg19 : memref<100x128xf32, #tpu.memory_space<vmem>>)
      %mul3A_277 = arith.constant 100 : i32
      %mul3A_278 = arith.muli %add3A_258, %mul3A_277 : i32
      %add3A_279 = arith.addi %mul3A_2, %mul3A_278 : i32
      %mul3A_280 = arith.constant 100 : i32
      %mul3A_281 = arith.muli %add3A_258, %mul3A_280 : i32
      %add3A_282 = arith.addi %mul3A_2, %mul3A_281 : i32
      %mul3A_283 = arith.constant 100 : i32
      %mul3A_284 = arith.muli %add3A_258, %mul3A_283 : i32
      %add3A_285 = arith.addi %mul3A_2, %mul3A_284 : i32
      %dma_wait3A_286 = arith.constant 0 : i32
      %dma_wait3A_287 = tpu.memref_slice %arg8[%add3A_279, %dma_wait3A_286] : memref<51200x128xf32, #tpu.memory_space<hbm>> -> memref<100x128xf32, #tpu.memory_space<hbm>>
      %dma_wait3A_288 = arith.constant 0 : i32
      %dma_wait3A_289 = tpu.memref_slice %arg8[%add3A_279, %dma_wait3A_288] : memref<51200x128xf32, #tpu.memory_space<hbm>> -> memref<100x128xf32, #tpu.memory_space<hbm>>
      tpu.wait_dma2 semaphore(%arg22 : memref<!tpu.dma_semaphore, #tpu.memory_space<semaphore_mem>>) src(%arg14 : memref<100x128xf32, #tpu.memory_space<vmem>>) dst(%dma_wait3A_289 : memref<100x128xf32, #tpu.memory_space<hbm>>)
      %dma_wait3A_290 = arith.constant 0 : i32
      %dma_wait3A_291 = tpu.memref_slice %arg9[%add3A_282, %dma_wait3A_290] : memref<51200x128xf32, #tpu.memory_space<hbm>> -> memref<100x128xf32, #tpu.memory_space<hbm>>
      %dma_wait3A_292 = arith.constant 0 : i32
      %dma_wait3A_293 = tpu.memref_slice %arg9[%add3A_282, %dma_wait3A_292] : memref<51200x128xf32, #tpu.memory_space<hbm>> -> memref<100x128xf32, #tpu.memory_space<hbm>>
      tpu.wait_dma2 semaphore(%arg22 : memref<!tpu.dma_semaphore, #tpu.memory_space<semaphore_mem>>) src(%arg15 : memref<100x128xf32, #tpu.memory_space<vmem>>) dst(%dma_wait3A_293 : memref<100x128xf32, #tpu.memory_space<hbm>>)
      %dma_wait3A_294 = arith.constant 0 : i32
      %dma_wait3A_295 = tpu.memref_slice %arg10[%add3A_285, %dma_wait3A_294] : memref<51200x128xf32, #tpu.memory_space<hbm>> -> memref<100x128xf32, #tpu.memory_space<hbm>>
      %dma_wait3A_296 = arith.constant 0 : i32
      %dma_wait3A_297 = tpu.memref_slice %arg10[%add3A_285, %dma_wait3A_296] : memref<51200x128xf32, #tpu.memory_space<hbm>> -> memref<100x128xf32, #tpu.memory_space<hbm>>
      tpu.wait_dma2 semaphore(%arg22 : memref<!tpu.dma_semaphore, #tpu.memory_space<semaphore_mem>>) src(%arg16 : memref<100x128xf32, #tpu.memory_space<vmem>>) dst(%dma_wait3A_297 : memref<100x128xf32, #tpu.memory_space<hbm>>)
      %add3A_298 = arith.constant 1 : i32
      %add3A_299 = arith.addi %add3A_258, %add3A_298 : i32
      %dma_start3A_300 = arith.constant 0 : i32
      %dma_start3A_301 = tpu.memref_slice %arg11[%add3A_299, %dma_start3A_300] : memref<16x100xi32, #tpu.memory_space<vmem>> -> memref<1x100xi32, #tpu.memory_space<vmem>>
      %dma_start3A_302 = tpu.memref_squeeze %dma_start3A_301 : memref<1x100xi32, #tpu.memory_space<vmem>> -> memref<100xi32, #tpu.memory_space<vmem>>
      %dma_start3A_303 = arith.constant 0 : i32
      %dma_start3A_304 = arith.constant 0 : i32
      %dma_start3A_305 = tpu.memref_slice %arg5[%dma_start3A_303, %dma_start3A_304] : memref<100001x128xf32, #tpu.memory_space<hbm>> -> memref<100001x128xf32, #tpu.memory_space<hbm>>
      tpu.enqueue_indirect_dma source(%dma_start3A_305 : memref<100001x128xf32, #tpu.memory_space<hbm>>) target(%arg14 : memref<100x128xf32, #tpu.memory_space<vmem>>) offsets(%dma_start3A_302 : memref<100xi32, #tpu.memory_space<vmem>>) semaphore(%arg20 : memref<!tpu.dma_semaphore, #tpu.memory_space<semaphore_mem>>)
      %dma_start3A_306 = arith.constant 0 : i32
      %dma_start3A_307 = tpu.memref_slice %arg12[%add3A_299, %dma_start3A_306] : memref<16x100xi32, #tpu.memory_space<vmem>> -> memref<1x100xi32, #tpu.memory_space<vmem>>
      %dma_start3A_308 = tpu.memref_squeeze %dma_start3A_307 : memref<1x100xi32, #tpu.memory_space<vmem>> -> memref<100xi32, #tpu.memory_space<vmem>>
      %dma_start3A_309 = arith.constant 0 : i32
      %dma_start3A_310 = arith.constant 0 : i32
      %dma_start3A_311 = tpu.memref_slice %arg6[%dma_start3A_309, %dma_start3A_310] : memref<1001x128xf32, #tpu.memory_space<hbm>> -> memref<1001x128xf32, #tpu.memory_space<hbm>>
      tpu.enqueue_indirect_dma source(%dma_start3A_311 : memref<1001x128xf32, #tpu.memory_space<hbm>>) target(%arg15 : memref<100x128xf32, #tpu.memory_space<vmem>>) offsets(%dma_start3A_308 : memref<100xi32, #tpu.memory_space<vmem>>) semaphore(%arg20 : memref<!tpu.dma_semaphore, #tpu.memory_space<semaphore_mem>>)
      %dma_start3A_312 = arith.constant 0 : i32
      %dma_start3A_313 = tpu.memref_slice %arg13[%add3A_299, %dma_start3A_312] : memref<16x100xi32, #tpu.memory_space<vmem>> -> memref<1x100xi32, #tpu.memory_space<vmem>>
      %dma_start3A_314 = tpu.memref_squeeze %dma_start3A_313 : memref<1x100xi32, #tpu.memory_space<vmem>> -> memref<100xi32, #tpu.memory_space<vmem>>
      %dma_start3A_315 = arith.constant 0 : i32
      %dma_start3A_316 = arith.constant 0 : i32
      %dma_start3A_317 = tpu.memref_slice %arg7[%dma_start3A_315, %dma_start3A_316] : memref<1001x128xf32, #tpu.memory_space<hbm>> -> memref<1001x128xf32, #tpu.memory_space<hbm>>
      tpu.enqueue_indirect_dma source(%dma_start3A_317 : memref<1001x128xf32, #tpu.memory_space<hbm>>) target(%arg16 : memref<100x128xf32, #tpu.memory_space<vmem>>) offsets(%dma_start3A_314 : memref<100xi32, #tpu.memory_space<vmem>>) semaphore(%arg20 : memref<!tpu.dma_semaphore, #tpu.memory_space<semaphore_mem>>)
      %mul3A_318 = arith.constant 100 : i32
      %mul3A_319 = arith.muli %add3A_258, %mul3A_318 : i32
      %add3A_320 = arith.addi %mul3A_2, %mul3A_319 : i32
      %mul3A_321 = arith.constant 100 : i32
      %mul3A_322 = arith.muli %add3A_258, %mul3A_321 : i32
      %add3A_323 = arith.addi %mul3A_2, %mul3A_322 : i32
      %mul3A_324 = arith.constant 100 : i32
      %mul3A_325 = arith.muli %add3A_258, %mul3A_324 : i32
      %add3A_326 = arith.addi %mul3A_2, %mul3A_325 : i32
      %dma_start3A_327 = arith.constant 0 : i32
      %dma_start3A_328 = tpu.memref_slice %arg8[%add3A_320, %dma_start3A_327] : memref<51200x128xf32, #tpu.memory_space<hbm>> -> memref<100x128xf32, #tpu.memory_space<hbm>>
      %dma_start3A_329 = arith.constant 0 : i32
      %dma_start3A_330 = tpu.memref_slice %arg8[%add3A_320, %dma_start3A_329] : memref<51200x128xf32, #tpu.memory_space<hbm>> -> memref<100x128xf32, #tpu.memory_space<hbm>>
      tpu.enqueue_dma source(%arg17 : memref<100x128xf32, #tpu.memory_space<vmem>>) target(%dma_start3A_330 : memref<100x128xf32, #tpu.memory_space<hbm>>) target_semaphore(%arg23 : memref<!tpu.dma_semaphore, #tpu.memory_space<semaphore_mem>>)
      %dma_start3A_331 = arith.constant 0 : i32
      %dma_start3A_332 = tpu.memref_slice %arg9[%add3A_323, %dma_start3A_331] : memref<51200x128xf32, #tpu.memory_space<hbm>> -> memref<100x128xf32, #tpu.memory_space<hbm>>
      %dma_start3A_333 = arith.constant 0 : i32
      %dma_start3A_334 = tpu.memref_slice %arg9[%add3A_323, %dma_start3A_333] : memref<51200x128xf32, #tpu.memory_space<hbm>> -> memref<100x128xf32, #tpu.memory_space<hbm>>
      tpu.enqueue_dma source(%arg18 : memref<100x128xf32, #tpu.memory_space<vmem>>) target(%dma_start3A_334 : memref<100x128xf32, #tpu.memory_space<hbm>>) target_semaphore(%arg23 : memref<!tpu.dma_semaphore, #tpu.memory_space<semaphore_mem>>)
      %dma_start3A_335 = arith.constant 0 : i32
      %dma_start3A_336 = tpu.memref_slice %arg10[%add3A_326, %dma_start3A_335] : memref<51200x128xf32, #tpu.memory_space<hbm>> -> memref<100x128xf32, #tpu.memory_space<hbm>>
      %dma_start3A_337 = arith.constant 0 : i32
      %dma_start3A_338 = tpu.memref_slice %arg10[%add3A_326, %dma_start3A_337] : memref<51200x128xf32, #tpu.memory_space<hbm>> -> memref<100x128xf32, #tpu.memory_space<hbm>>
      tpu.enqueue_dma source(%arg19 : memref<100x128xf32, #tpu.memory_space<vmem>>) target(%dma_start3A_338 : memref<100x128xf32, #tpu.memory_space<hbm>>) target_semaphore(%arg23 : memref<!tpu.dma_semaphore, #tpu.memory_space<semaphore_mem>>)
    }
    %scan3A_27 = arith.constant 7 : i32
    %dma_wait3A = arith.constant 14 : i32
    %dma_wait3A_28 = arith.constant 0 : i32
    %dma_wait3A_29 = tpu.memref_slice %arg11[%dma_wait3A, %dma_wait3A_28] : memref<16x100xi32, #tpu.memory_space<vmem>> -> memref<1x100xi32, #tpu.memory_space<vmem>>
    %dma_wait3A_30 = tpu.memref_squeeze %dma_wait3A_29 : memref<1x100xi32, #tpu.memory_space<vmem>> -> memref<100xi32, #tpu.memory_space<vmem>>
    %dma_wait3A_31 = arith.constant 0 : i32
    %dma_wait3A_32 = arith.constant 0 : i32
    %dma_wait3A_33 = tpu.memref_slice %arg5[%dma_wait3A_31, %dma_wait3A_32] : memref<100001x128xf32, #tpu.memory_space<hbm>> -> memref<100001x128xf32, #tpu.memory_space<hbm>>
    tpu.wait_indirect_dma semaphore(%arg20 : memref<!tpu.dma_semaphore, #tpu.memory_space<semaphore_mem>>) src(%dma_wait3A_33 : memref<100001x128xf32, #tpu.memory_space<hbm>>) dst(%arg14 : memref<100x128xf32, #tpu.memory_space<vmem>>)
    %dma_wait3A_34 = arith.constant 14 : i32
    %dma_wait3A_35 = arith.constant 0 : i32
    %dma_wait3A_36 = tpu.memref_slice %arg12[%dma_wait3A_34, %dma_wait3A_35] : memref<16x100xi32, #tpu.memory_space<vmem>> -> memref<1x100xi32, #tpu.memory_space<vmem>>
    %dma_wait3A_37 = tpu.memref_squeeze %dma_wait3A_36 : memref<1x100xi32, #tpu.memory_space<vmem>> -> memref<100xi32, #tpu.memory_space<vmem>>
    %dma_wait3A_38 = arith.constant 0 : i32
    %dma_wait3A_39 = arith.constant 0 : i32
    %dma_wait3A_40 = tpu.memref_slice %arg6[%dma_wait3A_38, %dma_wait3A_39] : memref<1001x128xf32, #tpu.memory_space<hbm>> -> memref<1001x128xf32, #tpu.memory_space<hbm>>
    tpu.wait_indirect_dma semaphore(%arg20 : memref<!tpu.dma_semaphore, #tpu.memory_space<semaphore_mem>>) src(%dma_wait3A_40 : memref<1001x128xf32, #tpu.memory_space<hbm>>) dst(%arg15 : memref<100x128xf32, #tpu.memory_space<vmem>>)
    %dma_wait3A_41 = arith.constant 14 : i32
    %dma_wait3A_42 = arith.constant 0 : i32
    %dma_wait3A_43 = tpu.memref_slice %arg13[%dma_wait3A_41, %dma_wait3A_42] : memref<16x100xi32, #tpu.memory_space<vmem>> -> memref<1x100xi32, #tpu.memory_space<vmem>>
    %dma_wait3A_44 = tpu.memref_squeeze %dma_wait3A_43 : memref<1x100xi32, #tpu.memory_space<vmem>> -> memref<100xi32, #tpu.memory_space<vmem>>
    %dma_wait3A_45 = arith.constant 0 : i32
    %dma_wait3A_46 = arith.constant 0 : i32
    %dma_wait3A_47 = tpu.memref_slice %arg7[%dma_wait3A_45, %dma_wait3A_46] : memref<1001x128xf32, #tpu.memory_space<hbm>> -> memref<1001x128xf32, #tpu.memory_space<hbm>>
    tpu.wait_indirect_dma semaphore(%arg20 : memref<!tpu.dma_semaphore, #tpu.memory_space<semaphore_mem>>) src(%dma_wait3A_47 : memref<1001x128xf32, #tpu.memory_space<hbm>>) dst(%arg16 : memref<100x128xf32, #tpu.memory_space<vmem>>)
    %add3A_48 = arith.constant 1400 : i32
    %add3A_49 = arith.addi %mul3A_2, %add3A_48 : i32
    %add3A_50 = arith.constant 1400 : i32
    %add3A_51 = arith.addi %mul3A_2, %add3A_50 : i32
    %add3A_52 = arith.constant 1400 : i32
    %add3A_53 = arith.addi %mul3A_2, %add3A_52 : i32
    %dma_wait3A_54 = arith.constant 0 : i32
    %dma_wait3A_55 = tpu.memref_slice %arg8[%add3A_49, %dma_wait3A_54] : memref<51200x128xf32, #tpu.memory_space<hbm>> -> memref<100x128xf32, #tpu.memory_space<hbm>>
    %dma_wait3A_56 = arith.constant 0 : i32
    %dma_wait3A_57 = tpu.memref_slice %arg8[%add3A_49, %dma_wait3A_56] : memref<51200x128xf32, #tpu.memory_space<hbm>> -> memref<100x128xf32, #tpu.memory_space<hbm>>
    tpu.wait_dma2 semaphore(%arg23 : memref<!tpu.dma_semaphore, #tpu.memory_space<semaphore_mem>>) src(%arg17 : memref<100x128xf32, #tpu.memory_space<vmem>>) dst(%dma_wait3A_57 : memref<100x128xf32, #tpu.memory_space<hbm>>)
    %dma_wait3A_58 = arith.constant 0 : i32
    %dma_wait3A_59 = tpu.memref_slice %arg9[%add3A_51, %dma_wait3A_58] : memref<51200x128xf32, #tpu.memory_space<hbm>> -> memref<100x128xf32, #tpu.memory_space<hbm>>
    %dma_wait3A_60 = arith.constant 0 : i32
    %dma_wait3A_61 = tpu.memref_slice %arg9[%add3A_51, %dma_wait3A_60] : memref<51200x128xf32, #tpu.memory_space<hbm>> -> memref<100x128xf32, #tpu.memory_space<hbm>>
    tpu.wait_dma2 semaphore(%arg23 : memref<!tpu.dma_semaphore, #tpu.memory_space<semaphore_mem>>) src(%arg18 : memref<100x128xf32, #tpu.memory_space<vmem>>) dst(%dma_wait3A_61 : memref<100x128xf32, #tpu.memory_space<hbm>>)
    %dma_wait3A_62 = arith.constant 0 : i32
    %dma_wait3A_63 = tpu.memref_slice %arg10[%add3A_53, %dma_wait3A_62] : memref<51200x128xf32, #tpu.memory_space<hbm>> -> memref<100x128xf32, #tpu.memory_space<hbm>>
    %dma_wait3A_64 = arith.constant 0 : i32
    %dma_wait3A_65 = tpu.memref_slice %arg10[%add3A_53, %dma_wait3A_64] : memref<51200x128xf32, #tpu.memory_space<hbm>> -> memref<100x128xf32, #tpu.memory_space<hbm>>
    tpu.wait_dma2 semaphore(%arg23 : memref<!tpu.dma_semaphore, #tpu.memory_space<semaphore_mem>>) src(%arg19 : memref<100x128xf32, #tpu.memory_space<vmem>>) dst(%dma_wait3A_65 : memref<100x128xf32, #tpu.memory_space<hbm>>)
    %dma_start3A_66 = arith.constant 15 : i32
    %dma_start3A_67 = arith.constant 0 : i32
    %dma_start3A_68 = tpu.memref_slice %arg11[%dma_start3A_66, %dma_start3A_67] : memref<16x100xi32, #tpu.memory_space<vmem>> -> memref<1x100xi32, #tpu.memory_space<vmem>>
    %dma_start3A_69 = tpu.memref_squeeze %dma_start3A_68 : memref<1x100xi32, #tpu.memory_space<vmem>> -> memref<100xi32, #tpu.memory_space<vmem>>
    %dma_start3A_70 = arith.constant 0 : i32
    %dma_start3A_71 = arith.constant 0 : i32
    %dma_start3A_72 = tpu.memref_slice %arg5[%dma_start3A_70, %dma_start3A_71] : memref<100001x128xf32, #tpu.memory_space<hbm>> -> memref<100001x128xf32, #tpu.memory_space<hbm>>
    tpu.enqueue_indirect_dma source(%dma_start3A_72 : memref<100001x128xf32, #tpu.memory_space<hbm>>) target(%arg17 : memref<100x128xf32, #tpu.memory_space<vmem>>) offsets(%dma_start3A_69 : memref<100xi32, #tpu.memory_space<vmem>>) semaphore(%arg21 : memref<!tpu.dma_semaphore, #tpu.memory_space<semaphore_mem>>)
    %dma_start3A_73 = arith.constant 15 : i32
    %dma_start3A_74 = arith.constant 0 : i32
    %dma_start3A_75 = tpu.memref_slice %arg12[%dma_start3A_73, %dma_start3A_74] : memref<16x100xi32, #tpu.memory_space<vmem>> -> memref<1x100xi32, #tpu.memory_space<vmem>>
    %dma_start3A_76 = tpu.memref_squeeze %dma_start3A_75 : memref<1x100xi32, #tpu.memory_space<vmem>> -> memref<100xi32, #tpu.memory_space<vmem>>
    %dma_start3A_77 = arith.constant 0 : i32
    %dma_start3A_78 = arith.constant 0 : i32
    %dma_start3A_79 = tpu.memref_slice %arg6[%dma_start3A_77, %dma_start3A_78] : memref<1001x128xf32, #tpu.memory_space<hbm>> -> memref<1001x128xf32, #tpu.memory_space<hbm>>
    tpu.enqueue_indirect_dma source(%dma_start3A_79 : memref<1001x128xf32, #tpu.memory_space<hbm>>) target(%arg18 : memref<100x128xf32, #tpu.memory_space<vmem>>) offsets(%dma_start3A_76 : memref<100xi32, #tpu.memory_space<vmem>>) semaphore(%arg21 : memref<!tpu.dma_semaphore, #tpu.memory_space<semaphore_mem>>)
    %dma_start3A_80 = arith.constant 15 : i32
    %dma_start3A_81 = arith.constant 0 : i32
    %dma_start3A_82 = tpu.memref_slice %arg13[%dma_start3A_80, %dma_start3A_81] : memref<16x100xi32, #tpu.memory_space<vmem>> -> memref<1x100xi32, #tpu.memory_space<vmem>>
    %dma_start3A_83 = tpu.memref_squeeze %dma_start3A_82 : memref<1x100xi32, #tpu.memory_space<vmem>> -> memref<100xi32, #tpu.memory_space<vmem>>
    %dma_start3A_84 = arith.constant 0 : i32
    %dma_start3A_85 = arith.constant 0 : i32
    %dma_start3A_86 = tpu.memref_slice %arg7[%dma_start3A_84, %dma_start3A_85] : memref<1001x128xf32, #tpu.memory_space<hbm>> -> memref<1001x128xf32, #tpu.memory_space<hbm>>
    tpu.enqueue_indirect_dma source(%dma_start3A_86 : memref<1001x128xf32, #tpu.memory_space<hbm>>) target(%arg19 : memref<100x128xf32, #tpu.memory_space<vmem>>) offsets(%dma_start3A_83 : memref<100xi32, #tpu.memory_space<vmem>>) semaphore(%arg21 : memref<!tpu.dma_semaphore, #tpu.memory_space<semaphore_mem>>)
    %add3A_87 = arith.constant 1400 : i32
    %add3A_88 = arith.addi %mul3A_2, %add3A_87 : i32
    %add3A_89 = arith.constant 1400 : i32
    %add3A_90 = arith.addi %mul3A_2, %add3A_89 : i32
    %add3A_91 = arith.constant 1400 : i32
    %add3A_92 = arith.addi %mul3A_2, %add3A_91 : i32
    %dma_start3A_93 = arith.constant 0 : i32
    %dma_start3A_94 = tpu.memref_slice %arg8[%add3A_88, %dma_start3A_93] : memref<51200x128xf32, #tpu.memory_space<hbm>> -> memref<100x128xf32, #tpu.memory_space<hbm>>
    %dma_start3A_95 = arith.constant 0 : i32
    %dma_start3A_96 = tpu.memref_slice %arg8[%add3A_88, %dma_start3A_95] : memref<51200x128xf32, #tpu.memory_space<hbm>> -> memref<100x128xf32, #tpu.memory_space<hbm>>
    tpu.enqueue_dma source(%arg14 : memref<100x128xf32, #tpu.memory_space<vmem>>) target(%dma_start3A_96 : memref<100x128xf32, #tpu.memory_space<hbm>>) target_semaphore(%arg22 : memref<!tpu.dma_semaphore, #tpu.memory_space<semaphore_mem>>)
    %dma_start3A_97 = arith.constant 0 : i32
    %dma_start3A_98 = tpu.memref_slice %arg9[%add3A_90, %dma_start3A_97] : memref<51200x128xf32, #tpu.memory_space<hbm>> -> memref<100x128xf32, #tpu.memory_space<hbm>>
    %dma_start3A_99 = arith.constant 0 : i32
    %dma_start3A_100 = tpu.memref_slice %arg9[%add3A_90, %dma_start3A_99] : memref<51200x128xf32, #tpu.memory_space<hbm>> -> memref<100x128xf32, #tpu.memory_space<hbm>>
    tpu.enqueue_dma source(%arg15 : memref<100x128xf32, #tpu.memory_space<vmem>>) target(%dma_start3A_100 : memref<100x128xf32, #tpu.memory_space<hbm>>) target_semaphore(%arg22 : memref<!tpu.dma_semaphore, #tpu.memory_space<semaphore_mem>>)
    %dma_start3A_101 = arith.constant 0 : i32
    %dma_start3A_102 = tpu.memref_slice %arg10[%add3A_92, %dma_start3A_101] : memref<51200x128xf32, #tpu.memory_space<hbm>> -> memref<100x128xf32, #tpu.memory_space<hbm>>
    %dma_start3A_103 = arith.constant 0 : i32
    %dma_start3A_104 = tpu.memref_slice %arg10[%add3A_92, %dma_start3A_103] : memref<51200x128xf32, #tpu.memory_space<hbm>> -> memref<100x128xf32, #tpu.memory_space<hbm>>
    tpu.enqueue_dma source(%arg16 : memref<100x128xf32, #tpu.memory_space<vmem>>) target(%dma_start3A_104 : memref<100x128xf32, #tpu.memory_space<hbm>>) target_semaphore(%arg22 : memref<!tpu.dma_semaphore, #tpu.memory_space<semaphore_mem>>)
    %dma_wait3A_105 = arith.constant 15 : i32
    %dma_wait3A_106 = arith.constant 0 : i32
    %dma_wait3A_107 = tpu.memref_slice %arg11[%dma_wait3A_105, %dma_wait3A_106] : memref<16x100xi32, #tpu.memory_space<vmem>> -> memref<1x100xi32, #tpu.memory_space<vmem>>
    %dma_wait3A_108 = tpu.memref_squeeze %dma_wait3A_107 : memref<1x100xi32, #tpu.memory_space<vmem>> -> memref<100xi32, #tpu.memory_space<vmem>>
    %dma_wait3A_109 = arith.constant 0 : i32
    %dma_wait3A_110 = arith.constant 0 : i32
    %dma_wait3A_111 = tpu.memref_slice %arg5[%dma_wait3A_109, %dma_wait3A_110] : memref<100001x128xf32, #tpu.memory_space<hbm>> -> memref<100001x128xf32, #tpu.memory_space<hbm>>
    tpu.wait_indirect_dma semaphore(%arg21 : memref<!tpu.dma_semaphore, #tpu.memory_space<semaphore_mem>>) src(%dma_wait3A_111 : memref<100001x128xf32, #tpu.memory_space<hbm>>) dst(%arg17 : memref<100x128xf32, #tpu.memory_space<vmem>>)
    %dma_wait3A_112 = arith.constant 15 : i32
    %dma_wait3A_113 = arith.constant 0 : i32
    %dma_wait3A_114 = tpu.memref_slice %arg12[%dma_wait3A_112, %dma_wait3A_113] : memref<16x100xi32, #tpu.memory_space<vmem>> -> memref<1x100xi32, #tpu.memory_space<vmem>>
    %dma_wait3A_115 = tpu.memref_squeeze %dma_wait3A_114 : memref<1x100xi32, #tpu.memory_space<vmem>> -> memref<100xi32, #tpu.memory_space<vmem>>
    %dma_wait3A_116 = arith.constant 0 : i32
    %dma_wait3A_117 = arith.constant 0 : i32
    %dma_wait3A_118 = tpu.memref_slice %arg6[%dma_wait3A_116, %dma_wait3A_117] : memref<1001x128xf32, #tpu.memory_space<hbm>> -> memref<1001x128xf32, #tpu.memory_space<hbm>>
    tpu.wait_indirect_dma semaphore(%arg21 : memref<!tpu.dma_semaphore, #tpu.memory_space<semaphore_mem>>) src(%dma_wait3A_118 : memref<1001x128xf32, #tpu.memory_space<hbm>>) dst(%arg18 : memref<100x128xf32, #tpu.memory_space<vmem>>)
    %dma_wait3A_119 = arith.constant 15 : i32
    %dma_wait3A_120 = arith.constant 0 : i32
    %dma_wait3A_121 = tpu.memref_slice %arg13[%dma_wait3A_119, %dma_wait3A_120] : memref<16x100xi32, #tpu.memory_space<vmem>> -> memref<1x100xi32, #tpu.memory_space<vmem>>
    %dma_wait3A_122 = tpu.memref_squeeze %dma_wait3A_121 : memref<1x100xi32, #tpu.memory_space<vmem>> -> memref<100xi32, #tpu.memory_space<vmem>>
    %dma_wait3A_123 = arith.constant 0 : i32
    %dma_wait3A_124 = arith.constant 0 : i32
    %dma_wait3A_125 = tpu.memref_slice %arg7[%dma_wait3A_123, %dma_wait3A_124] : memref<1001x128xf32, #tpu.memory_space<hbm>> -> memref<1001x128xf32, #tpu.memory_space<hbm>>
    tpu.wait_indirect_dma semaphore(%arg21 : memref<!tpu.dma_semaphore, #tpu.memory_space<semaphore_mem>>) src(%dma_wait3A_125 : memref<1001x128xf32, #tpu.memory_space<hbm>>) dst(%arg19 : memref<100x128xf32, #tpu.memory_space<vmem>>)
    %add3A_126 = arith.constant 1500 : i32
    %add3A_127 = arith.addi %mul3A_2, %add3A_126 : i32
    %add3A_128 = arith.constant 1500 : i32
    %add3A_129 = arith.addi %mul3A_2, %add3A_128 : i32
    %add3A_130 = arith.constant 1500 : i32
    %add3A_131 = arith.addi %mul3A_2, %add3A_130 : i32
    %dma_wait3A_132 = arith.constant 0 : i32
    %dma_wait3A_133 = tpu.memref_slice %arg8[%add3A_127, %dma_wait3A_132] : memref<51200x128xf32, #tpu.memory_space<hbm>> -> memref<100x128xf32, #tpu.memory_space<hbm>>
    %dma_wait3A_134 = arith.constant 0 : i32
    %dma_wait3A_135 = tpu.memref_slice %arg8[%add3A_127, %dma_wait3A_134] : memref<51200x128xf32, #tpu.memory_space<hbm>> -> memref<100x128xf32, #tpu.memory_space<hbm>>
    tpu.wait_dma2 semaphore(%arg22 : memref<!tpu.dma_semaphore, #tpu.memory_space<semaphore_mem>>) src(%arg14 : memref<100x128xf32, #tpu.memory_space<vmem>>) dst(%dma_wait3A_135 : memref<100x128xf32, #tpu.memory_space<hbm>>)
    %dma_wait3A_136 = arith.constant 0 : i32
    %dma_wait3A_137 = tpu.memref_slice %arg9[%add3A_129, %dma_wait3A_136] : memref<51200x128xf32, #tpu.memory_space<hbm>> -> memref<100x128xf32, #tpu.memory_space<hbm>>
    %dma_wait3A_138 = arith.constant 0 : i32
    %dma_wait3A_139 = tpu.memref_slice %arg9[%add3A_129, %dma_wait3A_138] : memref<51200x128xf32, #tpu.memory_space<hbm>> -> memref<100x128xf32, #tpu.memory_space<hbm>>
    tpu.wait_dma2 semaphore(%arg22 : memref<!tpu.dma_semaphore, #tpu.memory_space<semaphore_mem>>) src(%arg15 : memref<100x128xf32, #tpu.memory_space<vmem>>) dst(%dma_wait3A_139 : memref<100x128xf32, #tpu.memory_space<hbm>>)
    %dma_wait3A_140 = arith.constant 0 : i32
    %dma_wait3A_141 = tpu.memref_slice %arg10[%add3A_131, %dma_wait3A_140] : memref<51200x128xf32, #tpu.memory_space<hbm>> -> memref<100x128xf32, #tpu.memory_space<hbm>>
    %dma_wait3A_142 = arith.constant 0 : i32
    %dma_wait3A_143 = tpu.memref_slice %arg10[%add3A_131, %dma_wait3A_142] : memref<51200x128xf32, #tpu.memory_space<hbm>> -> memref<100x128xf32, #tpu.memory_space<hbm>>
    tpu.wait_dma2 semaphore(%arg22 : memref<!tpu.dma_semaphore, #tpu.memory_space<semaphore_mem>>) src(%arg16 : memref<100x128xf32, #tpu.memory_space<vmem>>) dst(%dma_wait3A_143 : memref<100x128xf32, #tpu.memory_space<hbm>>)
    %add3A_144 = arith.constant 1500 : i32
    %add3A_145 = arith.addi %mul3A_2, %add3A_144 : i32
    %add3A_146 = arith.constant 1500 : i32
    %add3A_147 = arith.addi %mul3A_2, %add3A_146 : i32
    %add3A_148 = arith.constant 1500 : i32
    %add3A_149 = arith.addi %mul3A_2, %add3A_148 : i32
    %dma_start3A_150 = arith.constant 0 : i32
    %dma_start3A_151 = tpu.memref_slice %arg8[%add3A_145, %dma_start3A_150] : memref<51200x128xf32, #tpu.memory_space<hbm>> -> memref<100x128xf32, #tpu.memory_space<hbm>>
    %dma_start3A_152 = arith.constant 0 : i32
    %dma_start3A_153 = tpu.memref_slice %arg8[%add3A_145, %dma_start3A_152] : memref<51200x128xf32, #tpu.memory_space<hbm>> -> memref<100x128xf32, #tpu.memory_space<hbm>>
    tpu.enqueue_dma source(%arg17 : memref<100x128xf32, #tpu.memory_space<vmem>>) target(%dma_start3A_153 : memref<100x128xf32, #tpu.memory_space<hbm>>) target_semaphore(%arg23 : memref<!tpu.dma_semaphore, #tpu.memory_space<semaphore_mem>>)
    %dma_start3A_154 = arith.constant 0 : i32
    %dma_start3A_155 = tpu.memref_slice %arg9[%add3A_147, %dma_start3A_154] : memref<51200x128xf32, #tpu.memory_space<hbm>> -> memref<100x128xf32, #tpu.memory_space<hbm>>
    %dma_start3A_156 = arith.constant 0 : i32
    %dma_start3A_157 = tpu.memref_slice %arg9[%add3A_147, %dma_start3A_156] : memref<51200x128xf32, #tpu.memory_space<hbm>> -> memref<100x128xf32, #tpu.memory_space<hbm>>
    tpu.enqueue_dma source(%arg18 : memref<100x128xf32, #tpu.memory_space<vmem>>) target(%dma_start3A_157 : memref<100x128xf32, #tpu.memory_space<hbm>>) target_semaphore(%arg23 : memref<!tpu.dma_semaphore, #tpu.memory_space<semaphore_mem>>)
    %dma_start3A_158 = arith.constant 0 : i32
    %dma_start3A_159 = tpu.memref_slice %arg10[%add3A_149, %dma_start3A_158] : memref<51200x128xf32, #tpu.memory_space<hbm>> -> memref<100x128xf32, #tpu.memory_space<hbm>>
    %dma_start3A_160 = arith.constant 0 : i32
    %dma_start3A_161 = tpu.memref_slice %arg10[%add3A_149, %dma_start3A_160] : memref<51200x128xf32, #tpu.memory_space<hbm>> -> memref<100x128xf32, #tpu.memory_space<hbm>>
    tpu.enqueue_dma source(%arg19 : memref<100x128xf32, #tpu.memory_space<vmem>>) target(%dma_start3A_161 : memref<100x128xf32, #tpu.memory_space<hbm>>) target_semaphore(%arg23 : memref<!tpu.dma_semaphore, #tpu.memory_space<semaphore_mem>>)
    %add3A_162 = arith.constant 1500 : i32
    %add3A_163 = arith.addi %mul3A_2, %add3A_162 : i32
    %add3A_164 = arith.constant 1500 : i32
    %add3A_165 = arith.addi %mul3A_2, %add3A_164 : i32
    %add3A_166 = arith.constant 1500 : i32
    %add3A_167 = arith.addi %mul3A_2, %add3A_166 : i32
    %dma_wait3A_168 = arith.constant 0 : i32
    %dma_wait3A_169 = tpu.memref_slice %arg8[%add3A_163, %dma_wait3A_168] : memref<51200x128xf32, #tpu.memory_space<hbm>> -> memref<100x128xf32, #tpu.memory_space<hbm>>
    %dma_wait3A_170 = arith.constant 0 : i32
    %dma_wait3A_171 = tpu.memref_slice %arg8[%add3A_163, %dma_wait3A_170] : memref<51200x128xf32, #tpu.memory_space<hbm>> -> memref<100x128xf32, #tpu.memory_space<hbm>>
    tpu.wait_dma2 semaphore(%arg23 : memref<!tpu.dma_semaphore, #tpu.memory_space<semaphore_mem>>) src(%arg17 : memref<100x128xf32, #tpu.memory_space<vmem>>) dst(%dma_wait3A_171 : memref<100x128xf32, #tpu.memory_space<hbm>>)
    %dma_wait3A_172 = arith.constant 0 : i32
    %dma_wait3A_173 = tpu.memref_slice %arg9[%add3A_165, %dma_wait3A_172] : memref<51200x128xf32, #tpu.memory_space<hbm>> -> memref<100x128xf32, #tpu.memory_space<hbm>>
    %dma_wait3A_174 = arith.constant 0 : i32
    %dma_wait3A_175 = tpu.memref_slice %arg9[%add3A_165, %dma_wait3A_174] : memref<51200x128xf32, #tpu.memory_space<hbm>> -> memref<100x128xf32, #tpu.memory_space<hbm>>
    tpu.wait_dma2 semaphore(%arg23 : memref<!tpu.dma_semaphore, #tpu.memory_space<semaphore_mem>>) src(%arg18 : memref<100x128xf32, #tpu.memory_space<vmem>>) dst(%dma_wait3A_175 : memref<100x128xf32, #tpu.memory_space<hbm>>)
    %dma_wait3A_176 = arith.constant 0 : i32
    %dma_wait3A_177 = tpu.memref_slice %arg10[%add3A_167, %dma_wait3A_176] : memref<51200x128xf32, #tpu.memory_space<hbm>> -> memref<100x128xf32, #tpu.memory_space<hbm>>
    %dma_wait3A_178 = arith.constant 0 : i32
    %dma_wait3A_179 = tpu.memref_slice %arg10[%add3A_167, %dma_wait3A_178] : memref<51200x128xf32, #tpu.memory_space<hbm>> -> memref<100x128xf32, #tpu.memory_space<hbm>>
    tpu.wait_dma2 semaphore(%arg23 : memref<!tpu.dma_semaphore, #tpu.memory_space<semaphore_mem>>) src(%arg19 : memref<100x128xf32, #tpu.memory_space<vmem>>) dst(%dma_wait3A_179 : memref<100x128xf32, #tpu.memory_space<hbm>>)
    return
  }
}

#map = affine_map<(d0, d1) -> (0, 0, 0)>
#map1 = affine_map<(d0, d1) -> (0, 0)>
module attributes {stable_mosaic.version = 14 : i64} {
  func.func @k(%arg0: i32, %arg1: i32, %arg2: memref<32x16x100xi32, #tpu.memory_space<hbm>>, %arg3: memref<32x16x100xi32, #tpu.memory_space<hbm>>, %arg4: memref<32x16x100xi32, #tpu.memory_space<hbm>>, %arg5: memref<100001x128xf32, #tpu.memory_space<hbm>>, %arg6: memref<1001x128xf32, #tpu.memory_space<hbm>>, %arg7: memref<1001x128xf32, #tpu.memory_space<hbm>>, %arg8: memref<51200x128xf32, #tpu.memory_space<hbm>>, %arg9: memref<51200x128xf32, #tpu.memory_space<hbm>>, %arg10: memref<51200x128xf32, #tpu.memory_space<hbm>>, %arg11: memref<16x100xi32, #tpu.memory_space<vmem>>, %arg12: memref<16x100xi32, #tpu.memory_space<vmem>>, %arg13: memref<16x100xi32, #tpu.memory_space<vmem>>, %arg14: memref<100x128xf32, #tpu.memory_space<vmem>>, %arg15: memref<100x128xf32, #tpu.memory_space<vmem>>, %arg16: memref<100x128xf32, #tpu.memory_space<vmem>>, %arg17: memref<100x128xf32, #tpu.memory_space<vmem>>, %arg18: memref<100x128xf32, #tpu.memory_space<vmem>>, %arg19: memref<100x128xf32, #tpu.memory_space<vmem>>, %arg20: memref<!tpu.dma_semaphore, #tpu.memory_space<semaphore_mem>>, %arg21: memref<!tpu.dma_semaphore, #tpu.memory_space<semaphore_mem>>, %arg22: memref<!tpu.dma_semaphore, #tpu.memory_space<semaphore_mem>>, %arg23: memref<!tpu.dma_semaphore, #tpu.memory_space<semaphore_mem>>) attributes {dimension_semantics = [#tpu.dimension_semantics<core_parallel>, #tpu.dimension_semantics<subcore_parallel>], iteration_bounds = array<i64: 2, 16>, scalar_prefetch = 0 : i64, scratch_operands = 13 : i64, tpu.core_type = #tpu.core_type<sc_vector_subcore>, window_params = [{transform_indices = #map}, {transform_indices = #map}, {transform_indices = #map}, {transform_indices = #map1}, {transform_indices = #map1}, {transform_indices = #map1}, {transform_indices = #map1}, {transform_indices = #map1}, {transform_indices = #map1}]} {
    %mul3A = arith.constant 2 : i32
    %mul3A_0 = arith.muli %arg1, %mul3A : i32
    %add3A = arith.addi %mul3A_0, %arg0 : i32
    %mul3A_1 = arith.constant 1600 : i32
    %mul3A_2 = arith.muli %add3A, %mul3A_1 : i32
    "tpu.region"() ({
      %run_scoped3A = tpu.sem_alloc : memref<!tpu.dma_semaphore, #tpu.memory_space<semaphore_mem>>
      %dma_start3A_180 = arith.constant 0 : i32
      %dma_start3A_181 = arith.constant 0 : i32
      %dma_start3A_182 = tpu.memref_slice %arg2[%add3A, %dma_start3A_180, %dma_start3A_181] : memref<32x16x100xi32, #tpu.memory_space<hbm>> -> memref<1x16x100xi32, #tpu.memory_space<hbm>>
      %dma_start3A_183 = tpu.memref_squeeze %dma_start3A_182 : memref<1x16x100xi32, #tpu.memory_space<hbm>> -> memref<16x100xi32, #tpu.memory_space<hbm>>
      %dma_start3A_184 = arith.constant 0 : i32
      %dma_start3A_185 = arith.constant 0 : i32
      %dma_start3A_186 = tpu.memref_slice %arg2[%add3A, %dma_start3A_184, %dma_start3A_185] : memref<32x16x100xi32, #tpu.memory_space<hbm>> -> memref<1x16x100xi32, #tpu.memory_space<hbm>>
      %dma_start3A_187 = tpu.memref_squeeze %dma_start3A_186 : memref<1x16x100xi32, #tpu.memory_space<hbm>> -> memref<16x100xi32, #tpu.memory_space<hbm>>
      tpu.enqueue_dma source(%dma_start3A_187 : memref<16x100xi32, #tpu.memory_space<hbm>>) target(%arg11 : memref<16x100xi32, #tpu.memory_space<vmem>>) target_semaphore(%run_scoped3A : memref<!tpu.dma_semaphore, #tpu.memory_space<semaphore_mem>>)
      %dma_wait3A_188 = arith.constant 0 : i32
      %dma_wait3A_189 = arith.constant 0 : i32
      %dma_wait3A_190 = tpu.memref_slice %arg2[%add3A, %dma_wait3A_188, %dma_wait3A_189] : memref<32x16x100xi32, #tpu.memory_space<hbm>> -> memref<1x16x100xi32, #tpu.memory_space<hbm>>
      %dma_wait3A_191 = tpu.memref_squeeze %dma_wait3A_190 : memref<1x16x100xi32, #tpu.memory_space<hbm>> -> memref<16x100xi32, #tpu.memory_space<hbm>>
      %dma_wait3A_192 = arith.constant 0 : i32
      %dma_wait3A_193 = arith.constant 0 : i32
      %dma_wait3A_194 = tpu.memref_slice %arg2[%add3A, %dma_wait3A_192, %dma_wait3A_193] : memref<32x16x100xi32, #tpu.memory_space<hbm>> -> memref<1x16x100xi32, #tpu.memory_space<hbm>>
      %dma_wait3A_195 = tpu.memref_squeeze %dma_wait3A_194 : memref<1x16x100xi32, #tpu.memory_space<hbm>> -> memref<16x100xi32, #tpu.memory_space<hbm>>
      tpu.wait_dma2 semaphore(%run_scoped3A : memref<!tpu.dma_semaphore, #tpu.memory_space<semaphore_mem>>) src(%dma_wait3A_195 : memref<16x100xi32, #tpu.memory_space<hbm>>) dst(%arg11 : memref<16x100xi32, #tpu.memory_space<vmem>>)
      tpu.yield
    }) : () -> ()
    "tpu.region"() ({
      %run_scoped3A = tpu.sem_alloc : memref<!tpu.dma_semaphore, #tpu.memory_space<semaphore_mem>>
      %dma_start3A_180 = arith.constant 0 : i32
      %dma_start3A_181 = arith.constant 0 : i32
      %dma_start3A_182 = tpu.memref_slice %arg3[%add3A, %dma_start3A_180, %dma_start3A_181] : memref<32x16x100xi32, #tpu.memory_space<hbm>> -> memref<1x16x100xi32, #tpu.memory_space<hbm>>
      %dma_start3A_183 = tpu.memref_squeeze %dma_start3A_182 : memref<1x16x100xi32, #tpu.memory_space<hbm>> -> memref<16x100xi32, #tpu.memory_space<hbm>>
      %dma_start3A_184 = arith.constant 0 : i32
      %dma_start3A_185 = arith.constant 0 : i32
      %dma_start3A_186 = tpu.memref_slice %arg3[%add3A, %dma_start3A_184, %dma_start3A_185] : memref<32x16x100xi32, #tpu.memory_space<hbm>> -> memref<1x16x100xi32, #tpu.memory_space<hbm>>
      %dma_start3A_187 = tpu.memref_squeeze %dma_start3A_186 : memref<1x16x100xi32, #tpu.memory_space<hbm>> -> memref<16x100xi32, #tpu.memory_space<hbm>>
      tpu.enqueue_dma source(%dma_start3A_187 : memref<16x100xi32, #tpu.memory_space<hbm>>) target(%arg12 : memref<16x100xi32, #tpu.memory_space<vmem>>) target_semaphore(%run_scoped3A : memref<!tpu.dma_semaphore, #tpu.memory_space<semaphore_mem>>)
      %dma_wait3A_188 = arith.constant 0 : i32
      %dma_wait3A_189 = arith.constant 0 : i32
      %dma_wait3A_190 = tpu.memref_slice %arg3[%add3A, %dma_wait3A_188, %dma_wait3A_189] : memref<32x16x100xi32, #tpu.memory_space<hbm>> -> memref<1x16x100xi32, #tpu.memory_space<hbm>>
      %dma_wait3A_191 = tpu.memref_squeeze %dma_wait3A_190 : memref<1x16x100xi32, #tpu.memory_space<hbm>> -> memref<16x100xi32, #tpu.memory_space<hbm>>
      %dma_wait3A_192 = arith.constant 0 : i32
      %dma_wait3A_193 = arith.constant 0 : i32
      %dma_wait3A_194 = tpu.memref_slice %arg3[%add3A, %dma_wait3A_192, %dma_wait3A_193] : memref<32x16x100xi32, #tpu.memory_space<hbm>> -> memref<1x16x100xi32, #tpu.memory_space<hbm>>
      %dma_wait3A_195 = tpu.memref_squeeze %dma_wait3A_194 : memref<1x16x100xi32, #tpu.memory_space<hbm>> -> memref<16x100xi32, #tpu.memory_space<hbm>>
      tpu.wait_dma2 semaphore(%run_scoped3A : memref<!tpu.dma_semaphore, #tpu.memory_space<semaphore_mem>>) src(%dma_wait3A_195 : memref<16x100xi32, #tpu.memory_space<hbm>>) dst(%arg12 : memref<16x100xi32, #tpu.memory_space<vmem>>)
      tpu.yield
    }) : () -> ()
    "tpu.region"() ({
      %run_scoped3A = tpu.sem_alloc : memref<!tpu.dma_semaphore, #tpu.memory_space<semaphore_mem>>
      %dma_start3A_180 = arith.constant 0 : i32
      %dma_start3A_181 = arith.constant 0 : i32
      %dma_start3A_182 = tpu.memref_slice %arg4[%add3A, %dma_start3A_180, %dma_start3A_181] : memref<32x16x100xi32, #tpu.memory_space<hbm>> -> memref<1x16x100xi32, #tpu.memory_space<hbm>>
      %dma_start3A_183 = tpu.memref_squeeze %dma_start3A_182 : memref<1x16x100xi32, #tpu.memory_space<hbm>> -> memref<16x100xi32, #tpu.memory_space<hbm>>
      %dma_start3A_184 = arith.constant 0 : i32
      %dma_start3A_185 = arith.constant 0 : i32
      %dma_start3A_186 = tpu.memref_slice %arg4[%add3A, %dma_start3A_184, %dma_start3A_185] : memref<32x16x100xi32, #tpu.memory_space<hbm>> -> memref<1x16x100xi32, #tpu.memory_space<hbm>>
      %dma_start3A_187 = tpu.memref_squeeze %dma_start3A_186 : memref<1x16x100xi32, #tpu.memory_space<hbm>> -> memref<16x100xi32, #tpu.memory_space<hbm>>
      tpu.enqueue_dma source(%dma_start3A_187 : memref<16x100xi32, #tpu.memory_space<hbm>>) target(%arg13 : memref<16x100xi32, #tpu.memory_space<vmem>>) target_semaphore(%run_scoped3A : memref<!tpu.dma_semaphore, #tpu.memory_space<semaphore_mem>>)
      %dma_wait3A_188 = arith.constant 0 : i32
      %dma_wait3A_189 = arith.constant 0 : i32
      %dma_wait3A_190 = tpu.memref_slice %arg4[%add3A, %dma_wait3A_188, %dma_wait3A_189] : memref<32x16x100xi32, #tpu.memory_space<hbm>> -> memref<1x16x100xi32, #tpu.memory_space<hbm>>
      %dma_wait3A_191 = tpu.memref_squeeze %dma_wait3A_190 : memref<1x16x100xi32, #tpu.memory_space<hbm>> -> memref<16x100xi32, #tpu.memory_space<hbm>>
      %dma_wait3A_192 = arith.constant 0 : i32
      %dma_wait3A_193 = arith.constant 0 : i32
      %dma_wait3A_194 = tpu.memref_slice %arg4[%add3A, %dma_wait3A_192, %dma_wait3A_193] : memref<32x16x100xi32, #tpu.memory_space<hbm>> -> memref<1x16x100xi32, #tpu.memory_space<hbm>>
      %dma_wait3A_195 = tpu.memref_squeeze %dma_wait3A_194 : memref<1x16x100xi32, #tpu.memory_space<hbm>> -> memref<16x100xi32, #tpu.memory_space<hbm>>
      tpu.wait_dma2 semaphore(%run_scoped3A : memref<!tpu.dma_semaphore, #tpu.memory_space<semaphore_mem>>) src(%dma_wait3A_195 : memref<16x100xi32, #tpu.memory_space<hbm>>) dst(%arg13 : memref<16x100xi32, #tpu.memory_space<vmem>>)
      tpu.yield
    }) : () -> ()
    %dma_start3A = arith.constant 0 : i32
    %dma_start3A_3 = arith.constant 0 : i32
    %dma_start3A_4 = tpu.memref_slice %arg11[%dma_start3A, %dma_start3A_3] : memref<16x100xi32, #tpu.memory_space<vmem>> -> memref<1x100xi32, #tpu.memory_space<vmem>>
    %dma_start3A_5 = tpu.memref_squeeze %dma_start3A_4 : memref<1x100xi32, #tpu.memory_space<vmem>> -> memref<100xi32, #tpu.memory_space<vmem>>
    %dma_start3A_6 = arith.constant 0 : i32
    %dma_start3A_7 = arith.constant 0 : i32
    %dma_start3A_8 = tpu.memref_slice %arg5[%dma_start3A_6, %dma_start3A_7] : memref<100001x128xf32, #tpu.memory_space<hbm>> -> memref<100001x128xf32, #tpu.memory_space<hbm>>
    tpu.enqueue_indirect_dma source(%dma_start3A_8 : memref<100001x128xf32, #tpu.memory_space<hbm>>) target(%arg14 : memref<100x128xf32, #tpu.memory_space<vmem>>) offsets(%dma_start3A_5 : memref<100xi32, #tpu.memory_space<vmem>>) semaphore(%arg20 : memref<!tpu.dma_semaphore, #tpu.memory_space<semaphore_mem>>)
    %dma_start3A_9 = arith.constant 0 : i32
    %dma_start3A_10 = arith.constant 0 : i32
    %dma_start3A_11 = tpu.memref_slice %arg12[%dma_start3A_9, %dma_start3A_10] : memref<16x100xi32, #tpu.memory_space<vmem>> -> memref<1x100xi32, #tpu.memory_space<vmem>>
    %dma_start3A_12 = tpu.memref_squeeze %dma_start3A_11 : memref<1x100xi32, #tpu.memory_space<vmem>> -> memref<100xi32, #tpu.memory_space<vmem>>
    %dma_start3A_13 = arith.constant 0 : i32
    %dma_start3A_14 = arith.constant 0 : i32
    %dma_start3A_15 = tpu.memref_slice %arg6[%dma_start3A_13, %dma_start3A_14] : memref<1001x128xf32, #tpu.memory_space<hbm>> -> memref<1001x128xf32, #tpu.memory_space<hbm>>
    tpu.enqueue_indirect_dma source(%dma_start3A_15 : memref<1001x128xf32, #tpu.memory_space<hbm>>) target(%arg15 : memref<100x128xf32, #tpu.memory_space<vmem>>) offsets(%dma_start3A_12 : memref<100xi32, #tpu.memory_space<vmem>>) semaphore(%arg20 : memref<!tpu.dma_semaphore, #tpu.memory_space<semaphore_mem>>)
    %dma_start3A_16 = arith.constant 0 : i32
    %dma_start3A_17 = arith.constant 0 : i32
    %dma_start3A_18 = tpu.memref_slice %arg13[%dma_start3A_16, %dma_start3A_17] : memref<16x100xi32, #tpu.memory_space<vmem>> -> memref<1x100xi32, #tpu.memory_space<vmem>>
    %dma_start3A_19 = tpu.memref_squeeze %dma_start3A_18 : memref<1x100xi32, #tpu.memory_space<vmem>> -> memref<100xi32, #tpu.memory_space<vmem>>
    %dma_start3A_20 = arith.constant 0 : i32
    %dma_start3A_21 = arith.constant 0 : i32
    %dma_start3A_22 = tpu.memref_slice %arg7[%dma_start3A_20, %dma_start3A_21] : memref<1001x128xf32, #tpu.memory_space<hbm>> -> memref<1001x128xf32, #tpu.memory_space<hbm>>
    tpu.enqueue_indirect_dma source(%dma_start3A_22 : memref<1001x128xf32, #tpu.memory_space<hbm>>) target(%arg16 : memref<100x128xf32, #tpu.memory_space<vmem>>) offsets(%dma_start3A_19 : memref<100xi32, #tpu.memory_space<vmem>>) semaphore(%arg20 : memref<!tpu.dma_semaphore, #tpu.memory_space<semaphore_mem>>)
    %scan3A = arith.constant 0 : i32
    %scan3A_23 = arith.constant 0 : i32
    %scan3A_24 = arith.constant 7 : i32
    %scan3A_25 = arith.addi %scan3A_23, %scan3A_24 : i32
    %scan3A_26 = arith.constant 1 : i32
    scf.for %scan3A_180 = %scan3A_23 to %scan3A_25 step %scan3A_26  : i32 {
      %mul3A_181 = arith.constant 2 : i32
      %mul3A_182 = arith.muli %mul3A_181, %scan3A_180 : i32
      %add3A_183 = arith.constant 0 : i32
      %add3A_184 = arith.addi %mul3A_182, %add3A_183 : i32
      %dma_wait3A_185 = arith.constant 0 : i32
      %dma_wait3A_186 = tpu.memref_slice %arg11[%add3A_184, %dma_wait3A_185] : memref<16x100xi32, #tpu.memory_space<vmem>> -> memref<1x100xi32, #tpu.memory_space<vmem>>
      %dma_wait3A_187 = tpu.memref_squeeze %dma_wait3A_186 : memref<1x100xi32, #tpu.memory_space<vmem>> -> memref<100xi32, #tpu.memory_space<vmem>>
      %dma_wait3A_188 = arith.constant 0 : i32
      %dma_wait3A_189 = arith.constant 0 : i32
      %dma_wait3A_190 = tpu.memref_slice %arg5[%dma_wait3A_188, %dma_wait3A_189] : memref<100001x128xf32, #tpu.memory_space<hbm>> -> memref<100001x128xf32, #tpu.memory_space<hbm>>
      tpu.wait_indirect_dma semaphore(%arg20 : memref<!tpu.dma_semaphore, #tpu.memory_space<semaphore_mem>>) src(%dma_wait3A_190 : memref<100001x128xf32, #tpu.memory_space<hbm>>) dst(%arg14 : memref<100x128xf32, #tpu.memory_space<vmem>>)
      %dma_wait3A_191 = arith.constant 0 : i32
      %dma_wait3A_192 = tpu.memref_slice %arg12[%add3A_184, %dma_wait3A_191] : memref<16x100xi32, #tpu.memory_space<vmem>> -> memref<1x100xi32, #tpu.memory_space<vmem>>
      %dma_wait3A_193 = tpu.memref_squeeze %dma_wait3A_192 : memref<1x100xi32, #tpu.memory_space<vmem>> -> memref<100xi32, #tpu.memory_space<vmem>>
      %dma_wait3A_194 = arith.constant 0 : i32
      %dma_wait3A_195 = arith.constant 0 : i32
      %dma_wait3A_196 = tpu.memref_slice %arg6[%dma_wait3A_194, %dma_wait3A_195] : memref<1001x128xf32, #tpu.memory_space<hbm>> -> memref<1001x128xf32, #tpu.memory_space<hbm>>
      tpu.wait_indirect_dma semaphore(%arg20 : memref<!tpu.dma_semaphore, #tpu.memory_space<semaphore_mem>>) src(%dma_wait3A_196 : memref<1001x128xf32, #tpu.memory_space<hbm>>) dst(%arg15 : memref<100x128xf32, #tpu.memory_space<vmem>>)
      %dma_wait3A_197 = arith.constant 0 : i32
      %dma_wait3A_198 = tpu.memref_slice %arg13[%add3A_184, %dma_wait3A_197] : memref<16x100xi32, #tpu.memory_space<vmem>> -> memref<1x100xi32, #tpu.memory_space<vmem>>
      %dma_wait3A_199 = tpu.memref_squeeze %dma_wait3A_198 : memref<1x100xi32, #tpu.memory_space<vmem>> -> memref<100xi32, #tpu.memory_space<vmem>>
      %dma_wait3A_200 = arith.constant 0 : i32
      %dma_wait3A_201 = arith.constant 0 : i32
      %dma_wait3A_202 = tpu.memref_slice %arg7[%dma_wait3A_200, %dma_wait3A_201] : memref<1001x128xf32, #tpu.memory_space<hbm>> -> memref<1001x128xf32, #tpu.memory_space<hbm>>
      tpu.wait_indirect_dma semaphore(%arg20 : memref<!tpu.dma_semaphore, #tpu.memory_space<semaphore_mem>>) src(%dma_wait3A_202 : memref<1001x128xf32, #tpu.memory_space<hbm>>) dst(%arg16 : memref<100x128xf32, #tpu.memory_space<vmem>>)
      %mul3A_203 = arith.constant 100 : i32
      %mul3A_204 = arith.muli %add3A_184, %mul3A_203 : i32
      %add3A_205 = arith.addi %mul3A_2, %mul3A_204 : i32
      %mul3A_206 = arith.constant 100 : i32
      %mul3A_207 = arith.muli %add3A_184, %mul3A_206 : i32
      %add3A_208 = arith.addi %mul3A_2, %mul3A_207 : i32
      %mul3A_209 = arith.constant 100 : i32
      %mul3A_210 = arith.muli %add3A_184, %mul3A_209 : i32
      %add3A_211 = arith.addi %mul3A_2, %mul3A_210 : i32
      %ge3A = arith.constant 1 : i32
      %ge3A_212 = arith.cmpi sge, %scan3A_180, %ge3A : i32
      %convert_element_type3A = arith.extui %ge3A_212 : i1 to i32
      %cond3A = arith.constant 0 : i32
      %cond3A_213 = arith.cmpi ne, %convert_element_type3A, %cond3A : i32
      scf.if %cond3A_213 {
        %dma_wait3A_339 = arith.constant 0 : i32
        %dma_wait3A_340 = tpu.memref_slice %arg8[%add3A_205, %dma_wait3A_339] : memref<51200x128xf32, #tpu.memory_space<hbm>> -> memref<100x128xf32, #tpu.memory_space<hbm>>
        %dma_wait3A_341 = arith.constant 0 : i32
        %dma_wait3A_342 = tpu.memref_slice %arg8[%add3A_205, %dma_wait3A_341] : memref<51200x128xf32, #tpu.memory_space<hbm>> -> memref<100x128xf32, #tpu.memory_space<hbm>>
        tpu.wait_dma2 semaphore(%arg23 : memref<!tpu.dma_semaphore, #tpu.memory_space<semaphore_mem>>) src(%arg17 : memref<100x128xf32, #tpu.memory_space<vmem>>) dst(%dma_wait3A_342 : memref<100x128xf32, #tpu.memory_space<hbm>>)
        %dma_wait3A_343 = arith.constant 0 : i32
        %dma_wait3A_344 = tpu.memref_slice %arg9[%add3A_208, %dma_wait3A_343] : memref<51200x128xf32, #tpu.memory_space<hbm>> -> memref<100x128xf32, #tpu.memory_space<hbm>>
        %dma_wait3A_345 = arith.constant 0 : i32
        %dma_wait3A_346 = tpu.memref_slice %arg9[%add3A_208, %dma_wait3A_345] : memref<51200x128xf32, #tpu.memory_space<hbm>> -> memref<100x128xf32, #tpu.memory_space<hbm>>
        tpu.wait_dma2 semaphore(%arg23 : memref<!tpu.dma_semaphore, #tpu.memory_space<semaphore_mem>>) src(%arg18 : memref<100x128xf32, #tpu.memory_space<vmem>>) dst(%dma_wait3A_346 : memref<100x128xf32, #tpu.memory_space<hbm>>)
        %dma_wait3A_347 = arith.constant 0 : i32
        %dma_wait3A_348 = tpu.memref_slice %arg10[%add3A_211, %dma_wait3A_347] : memref<51200x128xf32, #tpu.memory_space<hbm>> -> memref<100x128xf32, #tpu.memory_space<hbm>>
        %dma_wait3A_349 = arith.constant 0 : i32
        %dma_wait3A_350 = tpu.memref_slice %arg10[%add3A_211, %dma_wait3A_349] : memref<51200x128xf32, #tpu.memory_space<hbm>> -> memref<100x128xf32, #tpu.memory_space<hbm>>
        tpu.wait_dma2 semaphore(%arg23 : memref<!tpu.dma_semaphore, #tpu.memory_space<semaphore_mem>>) src(%arg19 : memref<100x128xf32, #tpu.memory_space<vmem>>) dst(%dma_wait3A_350 : memref<100x128xf32, #tpu.memory_space<hbm>>)
      } else {
      }
      %add3A_214 = arith.constant 1 : i32
      %add3A_215 = arith.addi %add3A_184, %add3A_214 : i32
      %dma_start3A_216 = arith.constant 0 : i32
      %dma_start3A_217 = tpu.memref_slice %arg11[%add3A_215, %dma_start3A_216] : memref<16x100xi32, #tpu.memory_space<vmem>> -> memref<1x100xi32, #tpu.memory_space<vmem>>
      %dma_start3A_218 = tpu.memref_squeeze %dma_start3A_217 : memref<1x100xi32, #tpu.memory_space<vmem>> -> memref<100xi32, #tpu.memory_space<vmem>>
      %dma_start3A_219 = arith.constant 0 : i32
      %dma_start3A_220 = arith.constant 0 : i32
      %dma_start3A_221 = tpu.memref_slice %arg5[%dma_start3A_219, %dma_start3A_220] : memref<100001x128xf32, #tpu.memory_space<hbm>> -> memref<100001x128xf32, #tpu.memory_space<hbm>>
      tpu.enqueue_indirect_dma source(%dma_start3A_221 : memref<100001x128xf32, #tpu.memory_space<hbm>>) target(%arg17 : memref<100x128xf32, #tpu.memory_space<vmem>>) offsets(%dma_start3A_218 : memref<100xi32, #tpu.memory_space<vmem>>) semaphore(%arg21 : memref<!tpu.dma_semaphore, #tpu.memory_space<semaphore_mem>>)
      %dma_start3A_222 = arith.constant 0 : i32
      %dma_start3A_223 = tpu.memref_slice %arg12[%add3A_215, %dma_start3A_222] : memref<16x100xi32, #tpu.memory_space<vmem>> -> memref<1x100xi32, #tpu.memory_space<vmem>>
      %dma_start3A_224 = tpu.memref_squeeze %dma_start3A_223 : memref<1x100xi32, #tpu.memory_space<vmem>> -> memref<100xi32, #tpu.memory_space<vmem>>
      %dma_start3A_225 = arith.constant 0 : i32
      %dma_start3A_226 = arith.constant 0 : i32
      %dma_start3A_227 = tpu.memref_slice %arg6[%dma_start3A_225, %dma_start3A_226] : memref<1001x128xf32, #tpu.memory_space<hbm>> -> memref<1001x128xf32, #tpu.memory_space<hbm>>
      tpu.enqueue_indirect_dma source(%dma_start3A_227 : memref<1001x128xf32, #tpu.memory_space<hbm>>) target(%arg18 : memref<100x128xf32, #tpu.memory_space<vmem>>) offsets(%dma_start3A_224 : memref<100xi32, #tpu.memory_space<vmem>>) semaphore(%arg21 : memref<!tpu.dma_semaphore, #tpu.memory_space<semaphore_mem>>)
      %dma_start3A_228 = arith.constant 0 : i32
      %dma_start3A_229 = tpu.memref_slice %arg13[%add3A_215, %dma_start3A_228] : memref<16x100xi32, #tpu.memory_space<vmem>> -> memref<1x100xi32, #tpu.memory_space<vmem>>
      %dma_start3A_230 = tpu.memref_squeeze %dma_start3A_229 : memref<1x100xi32, #tpu.memory_space<vmem>> -> memref<100xi32, #tpu.memory_space<vmem>>
      %dma_start3A_231 = arith.constant 0 : i32
      %dma_start3A_232 = arith.constant 0 : i32
      %dma_start3A_233 = tpu.memref_slice %arg7[%dma_start3A_231, %dma_start3A_232] : memref<1001x128xf32, #tpu.memory_space<hbm>> -> memref<1001x128xf32, #tpu.memory_space<hbm>>
      tpu.enqueue_indirect_dma source(%dma_start3A_233 : memref<1001x128xf32, #tpu.memory_space<hbm>>) target(%arg19 : memref<100x128xf32, #tpu.memory_space<vmem>>) offsets(%dma_start3A_230 : memref<100xi32, #tpu.memory_space<vmem>>) semaphore(%arg21 : memref<!tpu.dma_semaphore, #tpu.memory_space<semaphore_mem>>)
      %mul3A_234 = arith.constant 100 : i32
      %mul3A_235 = arith.muli %add3A_184, %mul3A_234 : i32
      %add3A_236 = arith.addi %mul3A_2, %mul3A_235 : i32
      %mul3A_237 = arith.constant 100 : i32
      %mul3A_238 = arith.muli %add3A_184, %mul3A_237 : i32
      %add3A_239 = arith.addi %mul3A_2, %mul3A_238 : i32
      %mul3A_240 = arith.constant 100 : i32
      %mul3A_241 = arith.muli %add3A_184, %mul3A_240 : i32
      %add3A_242 = arith.addi %mul3A_2, %mul3A_241 : i32
      %dma_start3A_243 = arith.constant 0 : i32
      %dma_start3A_244 = tpu.memref_slice %arg8[%add3A_236, %dma_start3A_243] : memref<51200x128xf32, #tpu.memory_space<hbm>> -> memref<100x128xf32, #tpu.memory_space<hbm>>
      %dma_start3A_245 = arith.constant 0 : i32
      %dma_start3A_246 = tpu.memref_slice %arg8[%add3A_236, %dma_start3A_245] : memref<51200x128xf32, #tpu.memory_space<hbm>> -> memref<100x128xf32, #tpu.memory_space<hbm>>
      tpu.enqueue_dma source(%arg14 : memref<100x128xf32, #tpu.memory_space<vmem>>) target(%dma_start3A_246 : memref<100x128xf32, #tpu.memory_space<hbm>>) target_semaphore(%arg22 : memref<!tpu.dma_semaphore, #tpu.memory_space<semaphore_mem>>)
      %dma_start3A_247 = arith.constant 0 : i32
      %dma_start3A_248 = tpu.memref_slice %arg9[%add3A_239, %dma_start3A_247] : memref<51200x128xf32, #tpu.memory_space<hbm>> -> memref<100x128xf32, #tpu.memory_space<hbm>>
      %dma_start3A_249 = arith.constant 0 : i32
      %dma_start3A_250 = tpu.memref_slice %arg9[%add3A_239, %dma_start3A_249] : memref<51200x128xf32, #tpu.memory_space<hbm>> -> memref<100x128xf32, #tpu.memory_space<hbm>>
      tpu.enqueue_dma source(%arg15 : memref<100x128xf32, #tpu.memory_space<vmem>>) target(%dma_start3A_250 : memref<100x128xf32, #tpu.memory_space<hbm>>) target_semaphore(%arg22 : memref<!tpu.dma_semaphore, #tpu.memory_space<semaphore_mem>>)
      %dma_start3A_251 = arith.constant 0 : i32
      %dma_start3A_252 = tpu.memref_slice %arg10[%add3A_242, %dma_start3A_251] : memref<51200x128xf32, #tpu.memory_space<hbm>> -> memref<100x128xf32, #tpu.memory_space<hbm>>
      %dma_start3A_253 = arith.constant 0 : i32
      %dma_start3A_254 = tpu.memref_slice %arg10[%add3A_242, %dma_start3A_253] : memref<51200x128xf32, #tpu.memory_space<hbm>> -> memref<100x128xf32, #tpu.memory_space<hbm>>
      tpu.enqueue_dma source(%arg16 : memref<100x128xf32, #tpu.memory_space<vmem>>) target(%dma_start3A_254 : memref<100x128xf32, #tpu.memory_space<hbm>>) target_semaphore(%arg22 : memref<!tpu.dma_semaphore, #tpu.memory_space<semaphore_mem>>)
      %mul3A_255 = arith.constant 2 : i32
      %mul3A_256 = arith.muli %mul3A_255, %scan3A_180 : i32
      %add3A_257 = arith.constant 1 : i32
      %add3A_258 = arith.addi %mul3A_256, %add3A_257 : i32
      %dma_wait3A_259 = arith.constant 0 : i32
      %dma_wait3A_260 = tpu.memref_slice %arg11[%add3A_258, %dma_wait3A_259] : memref<16x100xi32, #tpu.memory_space<vmem>> -> memref<1x100xi32, #tpu.memory_space<vmem>>
      %dma_wait3A_261 = tpu.memref_squeeze %dma_wait3A_260 : memref<1x100xi32, #tpu.memory_space<vmem>> -> memref<100xi32, #tpu.memory_space<vmem>>
      %dma_wait3A_262 = arith.constant 0 : i32
      %dma_wait3A_263 = arith.constant 0 : i32
      %dma_wait3A_264 = tpu.memref_slice %arg5[%dma_wait3A_262, %dma_wait3A_263] : memref<100001x128xf32, #tpu.memory_space<hbm>> -> memref<100001x128xf32, #tpu.memory_space<hbm>>
      tpu.wait_indirect_dma semaphore(%arg21 : memref<!tpu.dma_semaphore, #tpu.memory_space<semaphore_mem>>) src(%dma_wait3A_264 : memref<100001x128xf32, #tpu.memory_space<hbm>>) dst(%arg17 : memref<100x128xf32, #tpu.memory_space<vmem>>)
      %dma_wait3A_265 = arith.constant 0 : i32
      %dma_wait3A_266 = tpu.memref_slice %arg12[%add3A_258, %dma_wait3A_265] : memref<16x100xi32, #tpu.memory_space<vmem>> -> memref<1x100xi32, #tpu.memory_space<vmem>>
      %dma_wait3A_267 = tpu.memref_squeeze %dma_wait3A_266 : memref<1x100xi32, #tpu.memory_space<vmem>> -> memref<100xi32, #tpu.memory_space<vmem>>
      %dma_wait3A_268 = arith.constant 0 : i32
      %dma_wait3A_269 = arith.constant 0 : i32
      %dma_wait3A_270 = tpu.memref_slice %arg6[%dma_wait3A_268, %dma_wait3A_269] : memref<1001x128xf32, #tpu.memory_space<hbm>> -> memref<1001x128xf32, #tpu.memory_space<hbm>>
      tpu.wait_indirect_dma semaphore(%arg21 : memref<!tpu.dma_semaphore, #tpu.memory_space<semaphore_mem>>) src(%dma_wait3A_270 : memref<1001x128xf32, #tpu.memory_space<hbm>>) dst(%arg18 : memref<100x128xf32, #tpu.memory_space<vmem>>)
      %dma_wait3A_271 = arith.constant 0 : i32
      %dma_wait3A_272 = tpu.memref_slice %arg13[%add3A_258, %dma_wait3A_271] : memref<16x100xi32, #tpu.memory_space<vmem>> -> memref<1x100xi32, #tpu.memory_space<vmem>>
      %dma_wait3A_273 = tpu.memref_squeeze %dma_wait3A_272 : memref<1x100xi32, #tpu.memory_space<vmem>> -> memref<100xi32, #tpu.memory_space<vmem>>
      %dma_wait3A_274 = arith.constant 0 : i32
      %dma_wait3A_275 = arith.constant 0 : i32
      %dma_wait3A_276 = tpu.memref_slice %arg7[%dma_wait3A_274, %dma_wait3A_275] : memref<1001x128xf32, #tpu.memory_space<hbm>> -> memref<1001x128xf32, #tpu.memory_space<hbm>>
      tpu.wait_indirect_dma semaphore(%arg21 : memref<!tpu.dma_semaphore, #tpu.memory_space<semaphore_mem>>) src(%dma_wait3A_276 : memref<1001x128xf32, #tpu.memory_space<hbm>>) dst(%arg19 : memref<100x128xf32, #tpu.memory_space<vmem>>)
      %mul3A_277 = arith.constant 100 : i32
      %mul3A_278 = arith.muli %add3A_258, %mul3A_277 : i32
      %add3A_279 = arith.addi %mul3A_2, %mul3A_278 : i32
      %mul3A_280 = arith.constant 100 : i32
      %mul3A_281 = arith.muli %add3A_258, %mul3A_280 : i32
      %add3A_282 = arith.addi %mul3A_2, %mul3A_281 : i32
      %mul3A_283 = arith.constant 100 : i32
      %mul3A_284 = arith.muli %add3A_258, %mul3A_283 : i32
      %add3A_285 = arith.addi %mul3A_2, %mul3A_284 : i32
      %dma_wait3A_286 = arith.constant 0 : i32
      %dma_wait3A_287 = tpu.memref_slice %arg8[%add3A_279, %dma_wait3A_286] : memref<51200x128xf32, #tpu.memory_space<hbm>> -> memref<100x128xf32, #tpu.memory_space<hbm>>
      %dma_wait3A_288 = arith.constant 0 : i32
      %dma_wait3A_289 = tpu.memref_slice %arg8[%add3A_279, %dma_wait3A_288] : memref<51200x128xf32, #tpu.memory_space<hbm>> -> memref<100x128xf32, #tpu.memory_space<hbm>>
      tpu.wait_dma2 semaphore(%arg22 : memref<!tpu.dma_semaphore, #tpu.memory_space<semaphore_mem>>) src(%arg14 : memref<100x128xf32, #tpu.memory_space<vmem>>) dst(%dma_wait3A_289 : memref<100x128xf32, #tpu.memory_space<hbm>>)
      %dma_wait3A_290 = arith.constant 0 : i32
      %dma_wait3A_291 = tpu.memref_slice %arg9[%add3A_282, %dma_wait3A_290] : memref<51200x128xf32, #tpu.memory_space<hbm>> -> memref<100x128xf32, #tpu.memory_space<hbm>>
      %dma_wait3A_292 = arith.constant 0 : i32
      %dma_wait3A_293 = tpu.memref_slice %arg9[%add3A_282, %dma_wait3A_292] : memref<51200x128xf32, #tpu.memory_space<hbm>> -> memref<100x128xf32, #tpu.memory_space<hbm>>
      tpu.wait_dma2 semaphore(%arg22 : memref<!tpu.dma_semaphore, #tpu.memory_space<semaphore_mem>>) src(%arg15 : memref<100x128xf32, #tpu.memory_space<vmem>>) dst(%dma_wait3A_293 : memref<100x128xf32, #tpu.memory_space<hbm>>)
      %dma_wait3A_294 = arith.constant 0 : i32
      %dma_wait3A_295 = tpu.memref_slice %arg10[%add3A_285, %dma_wait3A_294] : memref<51200x128xf32, #tpu.memory_space<hbm>> -> memref<100x128xf32, #tpu.memory_space<hbm>>
      %dma_wait3A_296 = arith.constant 0 : i32
      %dma_wait3A_297 = tpu.memref_slice %arg10[%add3A_285, %dma_wait3A_296] : memref<51200x128xf32, #tpu.memory_space<hbm>> -> memref<100x128xf32, #tpu.memory_space<hbm>>
      tpu.wait_dma2 semaphore(%arg22 : memref<!tpu.dma_semaphore, #tpu.memory_space<semaphore_mem>>) src(%arg16 : memref<100x128xf32, #tpu.memory_space<vmem>>) dst(%dma_wait3A_297 : memref<100x128xf32, #tpu.memory_space<hbm>>)
      %add3A_298 = arith.constant 1 : i32
      %add3A_299 = arith.addi %add3A_258, %add3A_298 : i32
      %dma_start3A_300 = arith.constant 0 : i32
      %dma_start3A_301 = tpu.memref_slice %arg11[%add3A_299, %dma_start3A_300] : memref<16x100xi32, #tpu.memory_space<vmem>> -> memref<1x100xi32, #tpu.memory_space<vmem>>
      %dma_start3A_302 = tpu.memref_squeeze %dma_start3A_301 : memref<1x100xi32, #tpu.memory_space<vmem>> -> memref<100xi32, #tpu.memory_space<vmem>>
      %dma_start3A_303 = arith.constant 0 : i32
      %dma_start3A_304 = arith.constant 0 : i32
      %dma_start3A_305 = tpu.memref_slice %arg5[%dma_start3A_303, %dma_start3A_304] : memref<100001x128xf32, #tpu.memory_space<hbm>> -> memref<100001x128xf32, #tpu.memory_space<hbm>>
      tpu.enqueue_indirect_dma source(%dma_start3A_305 : memref<100001x128xf32, #tpu.memory_space<hbm>>) target(%arg14 : memref<100x128xf32, #tpu.memory_space<vmem>>) offsets(%dma_start3A_302 : memref<100xi32, #tpu.memory_space<vmem>>) semaphore(%arg20 : memref<!tpu.dma_semaphore, #tpu.memory_space<semaphore_mem>>)
      %dma_start3A_306 = arith.constant 0 : i32
      %dma_start3A_307 = tpu.memref_slice %arg12[%add3A_299, %dma_start3A_306] : memref<16x100xi32, #tpu.memory_space<vmem>> -> memref<1x100xi32, #tpu.memory_space<vmem>>
      %dma_start3A_308 = tpu.memref_squeeze %dma_start3A_307 : memref<1x100xi32, #tpu.memory_space<vmem>> -> memref<100xi32, #tpu.memory_space<vmem>>
      %dma_start3A_309 = arith.constant 0 : i32
      %dma_start3A_310 = arith.constant 0 : i32
      %dma_start3A_311 = tpu.memref_slice %arg6[%dma_start3A_309, %dma_start3A_310] : memref<1001x128xf32, #tpu.memory_space<hbm>> -> memref<1001x128xf32, #tpu.memory_space<hbm>>
      tpu.enqueue_indirect_dma source(%dma_start3A_311 : memref<1001x128xf32, #tpu.memory_space<hbm>>) target(%arg15 : memref<100x128xf32, #tpu.memory_space<vmem>>) offsets(%dma_start3A_308 : memref<100xi32, #tpu.memory_space<vmem>>) semaphore(%arg20 : memref<!tpu.dma_semaphore, #tpu.memory_space<semaphore_mem>>)
      %dma_start3A_312 = arith.constant 0 : i32
      %dma_start3A_313 = tpu.memref_slice %arg13[%add3A_299, %dma_start3A_312] : memref<16x100xi32, #tpu.memory_space<vmem>> -> memref<1x100xi32, #tpu.memory_space<vmem>>
      %dma_start3A_314 = tpu.memref_squeeze %dma_start3A_313 : memref<1x100xi32, #tpu.memory_space<vmem>> -> memref<100xi32, #tpu.memory_space<vmem>>
      %dma_start3A_315 = arith.constant 0 : i32
      %dma_start3A_316 = arith.constant 0 : i32
      %dma_start3A_317 = tpu.memref_slice %arg7[%dma_start3A_315, %dma_start3A_316] : memref<1001x128xf32, #tpu.memory_space<hbm>> -> memref<1001x128xf32, #tpu.memory_space<hbm>>
      tpu.enqueue_indirect_dma source(%dma_start3A_317 : memref<1001x128xf32, #tpu.memory_space<hbm>>) target(%arg16 : memref<100x128xf32, #tpu.memory_space<vmem>>) offsets(%dma_start3A_314 : memref<100xi32, #tpu.memory_space<vmem>>) semaphore(%arg20 : memref<!tpu.dma_semaphore, #tpu.memory_space<semaphore_mem>>)
      %mul3A_318 = arith.constant 100 : i32
      %mul3A_319 = arith.muli %add3A_258, %mul3A_318 : i32
      %add3A_320 = arith.addi %mul3A_2, %mul3A_319 : i32
      %mul3A_321 = arith.constant 100 : i32
      %mul3A_322 = arith.muli %add3A_258, %mul3A_321 : i32
      %add3A_323 = arith.addi %mul3A_2, %mul3A_322 : i32
      %mul3A_324 = arith.constant 100 : i32
      %mul3A_325 = arith.muli %add3A_258, %mul3A_324 : i32
      %add3A_326 = arith.addi %mul3A_2, %mul3A_325 : i32
      %dma_start3A_327 = arith.constant 0 : i32
      %dma_start3A_328 = tpu.memref_slice %arg8[%add3A_320, %dma_start3A_327] : memref<51200x128xf32, #tpu.memory_space<hbm>> -> memref<100x128xf32, #tpu.memory_space<hbm>>
      %dma_start3A_329 = arith.constant 0 : i32
      %dma_start3A_330 = tpu.memref_slice %arg8[%add3A_320, %dma_start3A_329] : memref<51200x128xf32, #tpu.memory_space<hbm>> -> memref<100x128xf32, #tpu.memory_space<hbm>>
      tpu.enqueue_dma source(%arg17 : memref<100x128xf32, #tpu.memory_space<vmem>>) target(%dma_start3A_330 : memref<100x128xf32, #tpu.memory_space<hbm>>) target_semaphore(%arg23 : memref<!tpu.dma_semaphore, #tpu.memory_space<semaphore_mem>>)
      %dma_start3A_331 = arith.constant 0 : i32
      %dma_start3A_332 = tpu.memref_slice %arg9[%add3A_323, %dma_start3A_331] : memref<51200x128xf32, #tpu.memory_space<hbm>> -> memref<100x128xf32, #tpu.memory_space<hbm>>
      %dma_start3A_333 = arith.constant 0 : i32
      %dma_start3A_334 = tpu.memref_slice %arg9[%add3A_323, %dma_start3A_333] : memref<51200x128xf32, #tpu.memory_space<hbm>> -> memref<100x128xf32, #tpu.memory_space<hbm>>
      tpu.enqueue_dma source(%arg18 : memref<100x128xf32, #tpu.memory_space<vmem>>) target(%dma_start3A_334 : memref<100x128xf32, #tpu.memory_space<hbm>>) target_semaphore(%arg23 : memref<!tpu.dma_semaphore, #tpu.memory_space<semaphore_mem>>)
      %dma_start3A_335 = arith.constant 0 : i32
      %dma_start3A_336 = tpu.memref_slice %arg10[%add3A_326, %dma_start3A_335] : memref<51200x128xf32, #tpu.memory_space<hbm>> -> memref<100x128xf32, #tpu.memory_space<hbm>>
      %dma_start3A_337 = arith.constant 0 : i32
      %dma_start3A_338 = tpu.memref_slice %arg10[%add3A_326, %dma_start3A_337] : memref<51200x128xf32, #tpu.memory_space<hbm>> -> memref<100x128xf32, #tpu.memory_space<hbm>>
      tpu.enqueue_dma source(%arg19 : memref<100x128xf32, #tpu.memory_space<vmem>>) target(%dma_start3A_338 : memref<100x128xf32, #tpu.memory_space<hbm>>) target_semaphore(%arg23 : memref<!tpu.dma_semaphore, #tpu.memory_space<semaphore_mem>>)
    }
    %scan3A_27 = arith.constant 7 : i32
    %dma_wait3A = arith.constant 14 : i32
    %dma_wait3A_28 = arith.constant 0 : i32
    %dma_wait3A_29 = tpu.memref_slice %arg11[%dma_wait3A, %dma_wait3A_28] : memref<16x100xi32, #tpu.memory_space<vmem>> -> memref<1x100xi32, #tpu.memory_space<vmem>>
    %dma_wait3A_30 = tpu.memref_squeeze %dma_wait3A_29 : memref<1x100xi32, #tpu.memory_space<vmem>> -> memref<100xi32, #tpu.memory_space<vmem>>
    %dma_wait3A_31 = arith.constant 0 : i32
    %dma_wait3A_32 = arith.constant 0 : i32
    %dma_wait3A_33 = tpu.memref_slice %arg5[%dma_wait3A_31, %dma_wait3A_32] : memref<100001x128xf32, #tpu.memory_space<hbm>> -> memref<100001x128xf32, #tpu.memory_space<hbm>>
    tpu.wait_indirect_dma semaphore(%arg20 : memref<!tpu.dma_semaphore, #tpu.memory_space<semaphore_mem>>) src(%dma_wait3A_33 : memref<100001x128xf32, #tpu.memory_space<hbm>>) dst(%arg14 : memref<100x128xf32, #tpu.memory_space<vmem>>)
    %dma_wait3A_34 = arith.constant 14 : i32
    %dma_wait3A_35 = arith.constant 0 : i32
    %dma_wait3A_36 = tpu.memref_slice %arg12[%dma_wait3A_34, %dma_wait3A_35] : memref<16x100xi32, #tpu.memory_space<vmem>> -> memref<1x100xi32, #tpu.memory_space<vmem>>
    %dma_wait3A_37 = tpu.memref_squeeze %dma_wait3A_36 : memref<1x100xi32, #tpu.memory_space<vmem>> -> memref<100xi32, #tpu.memory_space<vmem>>
    %dma_wait3A_38 = arith.constant 0 : i32
    %dma_wait3A_39 = arith.constant 0 : i32
    %dma_wait3A_40 = tpu.memref_slice %arg6[%dma_wait3A_38, %dma_wait3A_39] : memref<1001x128xf32, #tpu.memory_space<hbm>> -> memref<1001x128xf32, #tpu.memory_space<hbm>>
    tpu.wait_indirect_dma semaphore(%arg20 : memref<!tpu.dma_semaphore, #tpu.memory_space<semaphore_mem>>) src(%dma_wait3A_40 : memref<1001x128xf32, #tpu.memory_space<hbm>>) dst(%arg15 : memref<100x128xf32, #tpu.memory_space<vmem>>)
    %dma_wait3A_41 = arith.constant 14 : i32
    %dma_wait3A_42 = arith.constant 0 : i32
    %dma_wait3A_43 = tpu.memref_slice %arg13[%dma_wait3A_41, %dma_wait3A_42] : memref<16x100xi32, #tpu.memory_space<vmem>> -> memref<1x100xi32, #tpu.memory_space<vmem>>
    %dma_wait3A_44 = tpu.memref_squeeze %dma_wait3A_43 : memref<1x100xi32, #tpu.memory_space<vmem>> -> memref<100xi32, #tpu.memory_space<vmem>>
    %dma_wait3A_45 = arith.constant 0 : i32
    %dma_wait3A_46 = arith.constant 0 : i32
    %dma_wait3A_47 = tpu.memref_slice %arg7[%dma_wait3A_45, %dma_wait3A_46] : memref<1001x128xf32, #tpu.memory_space<hbm>> -> memref<1001x128xf32, #tpu.memory_space<hbm>>
    tpu.wait_indirect_dma semaphore(%arg20 : memref<!tpu.dma_semaphore, #tpu.memory_space<semaphore_mem>>) src(%dma_wait3A_47 : memref<1001x128xf32, #tpu.memory_space<hbm>>) dst(%arg16 : memref<100x128xf32, #tpu.memory_space<vmem>>)
    %add3A_48 = arith.constant 1400 : i32
    %add3A_49 = arith.addi %mul3A_2, %add3A_48 : i32
    %add3A_50 = arith.constant 1400 : i32
    %add3A_51 = arith.addi %mul3A_2, %add3A_50 : i32
    %add3A_52 = arith.constant 1400 : i32
    %add3A_53 = arith.addi %mul3A_2, %add3A_52 : i32
    %dma_wait3A_54 = arith.constant 0 : i32
    %dma_wait3A_55 = tpu.memref_slice %arg8[%add3A_49, %dma_wait3A_54] : memref<51200x128xf32, #tpu.memory_space<hbm>> -> memref<100x128xf32, #tpu.memory_space<hbm>>
    %dma_wait3A_56 = arith.constant 0 : i32
    %dma_wait3A_57 = tpu.memref_slice %arg8[%add3A_49, %dma_wait3A_56] : memref<51200x128xf32, #tpu.memory_space<hbm>> -> memref<100x128xf32, #tpu.memory_space<hbm>>
    tpu.wait_dma2 semaphore(%arg23 : memref<!tpu.dma_semaphore, #tpu.memory_space<semaphore_mem>>) src(%arg17 : memref<100x128xf32, #tpu.memory_space<vmem>>) dst(%dma_wait3A_57 : memref<100x128xf32, #tpu.memory_space<hbm>>)
    %dma_wait3A_58 = arith.constant 0 : i32
    %dma_wait3A_59 = tpu.memref_slice %arg9[%add3A_51, %dma_wait3A_58] : memref<51200x128xf32, #tpu.memory_space<hbm>> -> memref<100x128xf32, #tpu.memory_space<hbm>>
    %dma_wait3A_60 = arith.constant 0 : i32
    %dma_wait3A_61 = tpu.memref_slice %arg9[%add3A_51, %dma_wait3A_60] : memref<51200x128xf32, #tpu.memory_space<hbm>> -> memref<100x128xf32, #tpu.memory_space<hbm>>
    tpu.wait_dma2 semaphore(%arg23 : memref<!tpu.dma_semaphore, #tpu.memory_space<semaphore_mem>>) src(%arg18 : memref<100x128xf32, #tpu.memory_space<vmem>>) dst(%dma_wait3A_61 : memref<100x128xf32, #tpu.memory_space<hbm>>)
    %dma_wait3A_62 = arith.constant 0 : i32
    %dma_wait3A_63 = tpu.memref_slice %arg10[%add3A_53, %dma_wait3A_62] : memref<51200x128xf32, #tpu.memory_space<hbm>> -> memref<100x128xf32, #tpu.memory_space<hbm>>
    %dma_wait3A_64 = arith.constant 0 : i32
    %dma_wait3A_65 = tpu.memref_slice %arg10[%add3A_53, %dma_wait3A_64] : memref<51200x128xf32, #tpu.memory_space<hbm>> -> memref<100x128xf32, #tpu.memory_space<hbm>>
    tpu.wait_dma2 semaphore(%arg23 : memref<!tpu.dma_semaphore, #tpu.memory_space<semaphore_mem>>) src(%arg19 : memref<100x128xf32, #tpu.memory_space<vmem>>) dst(%dma_wait3A_65 : memref<100x128xf32, #tpu.memory_space<hbm>>)
    %dma_start3A_66 = arith.constant 15 : i32
    %dma_start3A_67 = arith.constant 0 : i32
    %dma_start3A_68 = tpu.memref_slice %arg11[%dma_start3A_66, %dma_start3A_67] : memref<16x100xi32, #tpu.memory_space<vmem>> -> memref<1x100xi32, #tpu.memory_space<vmem>>
    %dma_start3A_69 = tpu.memref_squeeze %dma_start3A_68 : memref<1x100xi32, #tpu.memory_space<vmem>> -> memref<100xi32, #tpu.memory_space<vmem>>
    %dma_start3A_70 = arith.constant 0 : i32
    %dma_start3A_71 = arith.constant 0 : i32
    %dma_start3A_72 = tpu.memref_slice %arg5[%dma_start3A_70, %dma_start3A_71] : memref<100001x128xf32, #tpu.memory_space<hbm>> -> memref<100001x128xf32, #tpu.memory_space<hbm>>
    tpu.enqueue_indirect_dma source(%dma_start3A_72 : memref<100001x128xf32, #tpu.memory_space<hbm>>) target(%arg17 : memref<100x128xf32, #tpu.memory_space<vmem>>) offsets(%dma_start3A_69 : memref<100xi32, #tpu.memory_space<vmem>>) semaphore(%arg21 : memref<!tpu.dma_semaphore, #tpu.memory_space<semaphore_mem>>)
    %dma_start3A_73 = arith.constant 15 : i32
    %dma_start3A_74 = arith.constant 0 : i32
    %dma_start3A_75 = tpu.memref_slice %arg12[%dma_start3A_73, %dma_start3A_74] : memref<16x100xi32, #tpu.memory_space<vmem>> -> memref<1x100xi32, #tpu.memory_space<vmem>>
    %dma_start3A_76 = tpu.memref_squeeze %dma_start3A_75 : memref<1x100xi32, #tpu.memory_space<vmem>> -> memref<100xi32, #tpu.memory_space<vmem>>
    %dma_start3A_77 = arith.constant 0 : i32
    %dma_start3A_78 = arith.constant 0 : i32
    %dma_start3A_79 = tpu.memref_slice %arg6[%dma_start3A_77, %dma_start3A_78] : memref<1001x128xf32, #tpu.memory_space<hbm>> -> memref<1001x128xf32, #tpu.memory_space<hbm>>
    tpu.enqueue_indirect_dma source(%dma_start3A_79 : memref<1001x128xf32, #tpu.memory_space<hbm>>) target(%arg18 : memref<100x128xf32, #tpu.memory_space<vmem>>) offsets(%dma_start3A_76 : memref<100xi32, #tpu.memory_space<vmem>>) semaphore(%arg21 : memref<!tpu.dma_semaphore, #tpu.memory_space<semaphore_mem>>)
    %dma_start3A_80 = arith.constant 15 : i32
    %dma_start3A_81 = arith.constant 0 : i32
    %dma_start3A_82 = tpu.memref_slice %arg13[%dma_start3A_80, %dma_start3A_81] : memref<16x100xi32, #tpu.memory_space<vmem>> -> memref<1x100xi32, #tpu.memory_space<vmem>>
    %dma_start3A_83 = tpu.memref_squeeze %dma_start3A_82 : memref<1x100xi32, #tpu.memory_space<vmem>> -> memref<100xi32, #tpu.memory_space<vmem>>
    %dma_start3A_84 = arith.constant 0 : i32
    %dma_start3A_85 = arith.constant 0 : i32
    %dma_start3A_86 = tpu.memref_slice %arg7[%dma_start3A_84, %dma_start3A_85] : memref<1001x128xf32, #tpu.memory_space<hbm>> -> memref<1001x128xf32, #tpu.memory_space<hbm>>
    tpu.enqueue_indirect_dma source(%dma_start3A_86 : memref<1001x128xf32, #tpu.memory_space<hbm>>) target(%arg19 : memref<100x128xf32, #tpu.memory_space<vmem>>) offsets(%dma_start3A_83 : memref<100xi32, #tpu.memory_space<vmem>>) semaphore(%arg21 : memref<!tpu.dma_semaphore, #tpu.memory_space<semaphore_mem>>)
    %add3A_87 = arith.constant 1400 : i32
    %add3A_88 = arith.addi %mul3A_2, %add3A_87 : i32
    %add3A_89 = arith.constant 1400 : i32
    %add3A_90 = arith.addi %mul3A_2, %add3A_89 : i32
    %add3A_91 = arith.constant 1400 : i32
    %add3A_92 = arith.addi %mul3A_2, %add3A_91 : i32
    %dma_start3A_93 = arith.constant 0 : i32
    %dma_start3A_94 = tpu.memref_slice %arg8[%add3A_88, %dma_start3A_93] : memref<51200x128xf32, #tpu.memory_space<hbm>> -> memref<100x128xf32, #tpu.memory_space<hbm>>
    %dma_start3A_95 = arith.constant 0 : i32
    %dma_start3A_96 = tpu.memref_slice %arg8[%add3A_88, %dma_start3A_95] : memref<51200x128xf32, #tpu.memory_space<hbm>> -> memref<100x128xf32, #tpu.memory_space<hbm>>
    tpu.enqueue_dma source(%arg14 : memref<100x128xf32, #tpu.memory_space<vmem>>) target(%dma_start3A_96 : memref<100x128xf32, #tpu.memory_space<hbm>>) target_semaphore(%arg22 : memref<!tpu.dma_semaphore, #tpu.memory_space<semaphore_mem>>)
    %dma_start3A_97 = arith.constant 0 : i32
    %dma_start3A_98 = tpu.memref_slice %arg9[%add3A_90, %dma_start3A_97] : memref<51200x128xf32, #tpu.memory_space<hbm>> -> memref<100x128xf32, #tpu.memory_space<hbm>>
    %dma_start3A_99 = arith.constant 0 : i32
    %dma_start3A_100 = tpu.memref_slice %arg9[%add3A_90, %dma_start3A_99] : memref<51200x128xf32, #tpu.memory_space<hbm>> -> memref<100x128xf32, #tpu.memory_space<hbm>>
    tpu.enqueue_dma source(%arg15 : memref<100x128xf32, #tpu.memory_space<vmem>>) target(%dma_start3A_100 : memref<100x128xf32, #tpu.memory_space<hbm>>) target_semaphore(%arg22 : memref<!tpu.dma_semaphore, #tpu.memory_space<semaphore_mem>>)
    %dma_start3A_101 = arith.constant 0 : i32
    %dma_start3A_102 = tpu.memref_slice %arg10[%add3A_92, %dma_start3A_101] : memref<51200x128xf32, #tpu.memory_space<hbm>> -> memref<100x128xf32, #tpu.memory_space<hbm>>
    %dma_start3A_103 = arith.constant 0 : i32
    %dma_start3A_104 = tpu.memref_slice %arg10[%add3A_92, %dma_start3A_103] : memref<51200x128xf32, #tpu.memory_space<hbm>> -> memref<100x128xf32, #tpu.memory_space<hbm>>
    tpu.enqueue_dma source(%arg16 : memref<100x128xf32, #tpu.memory_space<vmem>>) target(%dma_start3A_104 : memref<100x128xf32, #tpu.memory_space<hbm>>) target_semaphore(%arg22 : memref<!tpu.dma_semaphore, #tpu.memory_space<semaphore_mem>>)
    %dma_wait3A_105 = arith.constant 15 : i32
    %dma_wait3A_106 = arith.constant 0 : i32
    %dma_wait3A_107 = tpu.memref_slice %arg11[%dma_wait3A_105, %dma_wait3A_106] : memref<16x100xi32, #tpu.memory_space<vmem>> -> memref<1x100xi32, #tpu.memory_space<vmem>>
    %dma_wait3A_108 = tpu.memref_squeeze %dma_wait3A_107 : memref<1x100xi32, #tpu.memory_space<vmem>> -> memref<100xi32, #tpu.memory_space<vmem>>
    %dma_wait3A_109 = arith.constant 0 : i32
    %dma_wait3A_110 = arith.constant 0 : i32
    %dma_wait3A_111 = tpu.memref_slice %arg5[%dma_wait3A_109, %dma_wait3A_110] : memref<100001x128xf32, #tpu.memory_space<hbm>> -> memref<100001x128xf32, #tpu.memory_space<hbm>>
    tpu.wait_indirect_dma semaphore(%arg21 : memref<!tpu.dma_semaphore, #tpu.memory_space<semaphore_mem>>) src(%dma_wait3A_111 : memref<100001x128xf32, #tpu.memory_space<hbm>>) dst(%arg17 : memref<100x128xf32, #tpu.memory_space<vmem>>)
    %dma_wait3A_112 = arith.constant 15 : i32
    %dma_wait3A_113 = arith.constant 0 : i32
    %dma_wait3A_114 = tpu.memref_slice %arg12[%dma_wait3A_112, %dma_wait3A_113] : memref<16x100xi32, #tpu.memory_space<vmem>> -> memref<1x100xi32, #tpu.memory_space<vmem>>
    %dma_wait3A_115 = tpu.memref_squeeze %dma_wait3A_114 : memref<1x100xi32, #tpu.memory_space<vmem>> -> memref<100xi32, #tpu.memory_space<vmem>>
    %dma_wait3A_116 = arith.constant 0 : i32
    %dma_wait3A_117 = arith.constant 0 : i32
    %dma_wait3A_118 = tpu.memref_slice %arg6[%dma_wait3A_116, %dma_wait3A_117] : memref<1001x128xf32, #tpu.memory_space<hbm>> -> memref<1001x128xf32, #tpu.memory_space<hbm>>
    tpu.wait_indirect_dma semaphore(%arg21 : memref<!tpu.dma_semaphore, #tpu.memory_space<semaphore_mem>>) src(%dma_wait3A_118 : memref<1001x128xf32, #tpu.memory_space<hbm>>) dst(%arg18 : memref<100x128xf32, #tpu.memory_space<vmem>>)
    %dma_wait3A_119 = arith.constant 15 : i32
    %dma_wait3A_120 = arith.constant 0 : i32
    %dma_wait3A_121 = tpu.memref_slice %arg13[%dma_wait3A_119, %dma_wait3A_120] : memref<16x100xi32, #tpu.memory_space<vmem>> -> memref<1x100xi32, #tpu.memory_space<vmem>>
    %dma_wait3A_122 = tpu.memref_squeeze %dma_wait3A_121 : memref<1x100xi32, #tpu.memory_space<vmem>> -> memref<100xi32, #tpu.memory_space<vmem>>
    %dma_wait3A_123 = arith.constant 0 : i32
    %dma_wait3A_124 = arith.constant 0 : i32
    %dma_wait3A_125 = tpu.memref_slice %arg7[%dma_wait3A_123, %dma_wait3A_124] : memref<1001x128xf32, #tpu.memory_space<hbm>> -> memref<1001x128xf32, #tpu.memory_space<hbm>>
    tpu.wait_indirect_dma semaphore(%arg21 : memref<!tpu.dma_semaphore, #tpu.memory_space<semaphore_mem>>) src(%dma_wait3A_125 : memref<1001x128xf32, #tpu.memory_space<hbm>>) dst(%arg19 : memref<100x128xf32, #tpu.memory_space<vmem>>)
    %add3A_126 = arith.constant 1500 : i32
    %add3A_127 = arith.addi %mul3A_2, %add3A_126 : i32
    %add3A_128 = arith.constant 1500 : i32
    %add3A_129 = arith.addi %mul3A_2, %add3A_128 : i32
    %add3A_130 = arith.constant 1500 : i32
    %add3A_131 = arith.addi %mul3A_2, %add3A_130 : i32
    %dma_wait3A_132 = arith.constant 0 : i32
    %dma_wait3A_133 = tpu.memref_slice %arg8[%add3A_127, %dma_wait3A_132] : memref<51200x128xf32, #tpu.memory_space<hbm>> -> memref<100x128xf32, #tpu.memory_space<hbm>>
    %dma_wait3A_134 = arith.constant 0 : i32
    %dma_wait3A_135 = tpu.memref_slice %arg8[%add3A_127, %dma_wait3A_134] : memref<51200x128xf32, #tpu.memory_space<hbm>> -> memref<100x128xf32, #tpu.memory_space<hbm>>
    tpu.wait_dma2 semaphore(%arg22 : memref<!tpu.dma_semaphore, #tpu.memory_space<semaphore_mem>>) src(%arg14 : memref<100x128xf32, #tpu.memory_space<vmem>>) dst(%dma_wait3A_135 : memref<100x128xf32, #tpu.memory_space<hbm>>)
    %dma_wait3A_136 = arith.constant 0 : i32
    %dma_wait3A_137 = tpu.memref_slice %arg9[%add3A_129, %dma_wait3A_136] : memref<51200x128xf32, #tpu.memory_space<hbm>> -> memref<100x128xf32, #tpu.memory_space<hbm>>
    %dma_wait3A_138 = arith.constant 0 : i32
    %dma_wait3A_139 = tpu.memref_slice %arg9[%add3A_129, %dma_wait3A_138] : memref<51200x128xf32, #tpu.memory_space<hbm>> -> memref<100x128xf32, #tpu.memory_space<hbm>>
    tpu.wait_dma2 semaphore(%arg22 : memref<!tpu.dma_semaphore, #tpu.memory_space<semaphore_mem>>) src(%arg15 : memref<100x128xf32, #tpu.memory_space<vmem>>) dst(%dma_wait3A_139 : memref<100x128xf32, #tpu.memory_space<hbm>>)
    %dma_wait3A_140 = arith.constant 0 : i32
    %dma_wait3A_141 = tpu.memref_slice %arg10[%add3A_131, %dma_wait3A_140] : memref<51200x128xf32, #tpu.memory_space<hbm>> -> memref<100x128xf32, #tpu.memory_space<hbm>>
    %dma_wait3A_142 = arith.constant 0 : i32
    %dma_wait3A_143 = tpu.memref_slice %arg10[%add3A_131, %dma_wait3A_142] : memref<51200x128xf32, #tpu.memory_space<hbm>> -> memref<100x128xf32, #tpu.memory_space<hbm>>
    tpu.wait_dma2 semaphore(%arg22 : memref<!tpu.dma_semaphore, #tpu.memory_space<semaphore_mem>>) src(%arg16 : memref<100x128xf32, #tpu.memory_space<vmem>>) dst(%dma_wait3A_143 : memref<100x128xf32, #tpu.memory_space<hbm>>)
    %add3A_144 = arith.constant 1500 : i32
    %add3A_145 = arith.addi %mul3A_2, %add3A_144 : i32
    %add3A_146 = arith.constant 1500 : i32
    %add3A_147 = arith.addi %mul3A_2, %add3A_146 : i32
    %add3A_148 = arith.constant 1500 : i32
    %add3A_149 = arith.addi %mul3A_2, %add3A_148 : i32
    %dma_start3A_150 = arith.constant 0 : i32
    %dma_start3A_151 = tpu.memref_slice %arg8[%add3A_145, %dma_start3A_150] : memref<51200x128xf32, #tpu.memory_space<hbm>> -> memref<100x128xf32, #tpu.memory_space<hbm>>
    %dma_start3A_152 = arith.constant 0 : i32
    %dma_start3A_153 = tpu.memref_slice %arg8[%add3A_145, %dma_start3A_152] : memref<51200x128xf32, #tpu.memory_space<hbm>> -> memref<100x128xf32, #tpu.memory_space<hbm>>
    tpu.enqueue_dma source(%arg17 : memref<100x128xf32, #tpu.memory_space<vmem>>) target(%dma_start3A_153 : memref<100x128xf32, #tpu.memory_space<hbm>>) target_semaphore(%arg23 : memref<!tpu.dma_semaphore, #tpu.memory_space<semaphore_mem>>)
    %dma_start3A_154 = arith.constant 0 : i32
    %dma_start3A_155 = tpu.memref_slice %arg9[%add3A_147, %dma_start3A_154] : memref<51200x128xf32, #tpu.memory_space<hbm>> -> memref<100x128xf32, #tpu.memory_space<hbm>>
    %dma_start3A_156 = arith.constant 0 : i32
    %dma_start3A_157 = tpu.memref_slice %arg9[%add3A_147, %dma_start3A_156] : memref<51200x128xf32, #tpu.memory_space<hbm>> -> memref<100x128xf32, #tpu.memory_space<hbm>>
    tpu.enqueue_dma source(%arg18 : memref<100x128xf32, #tpu.memory_space<vmem>>) target(%dma_start3A_157 : memref<100x128xf32, #tpu.memory_space<hbm>>) target_semaphore(%arg23 : memref<!tpu.dma_semaphore, #tpu.memory_space<semaphore_mem>>)
    %dma_start3A_158 = arith.constant 0 : i32
    %dma_start3A_159 = tpu.memref_slice %arg10[%add3A_149, %dma_start3A_158] : memref<51200x128xf32, #tpu.memory_space<hbm>> -> memref<100x128xf32, #tpu.memory_space<hbm>>
    %dma_start3A_160 = arith.constant 0 : i32
    %dma_start3A_161 = tpu.memref_slice %arg10[%add3A_149, %dma_start3A_160] : memref<51200x128xf32, #tpu.memory_space<hbm>> -> memref<100x128xf32, #tpu.memory_space<hbm>>
    tpu.enqueue_dma source(%arg19 : memref<100x128xf32, #tpu.memory_space<vmem>>) target(%dma_start3A_161 : memref<100x128xf32, #tpu.memory_space<hbm>>) target_semaphore(%arg23 : memref<!tpu.dma_semaphore, #tpu.memory_space<semaphore_mem>>)
    %add3A_162 = arith.constant 1500 : i32
    %add3A_163 = arith.addi %mul3A_2, %add3A_162 : i32
    %add3A_164 = arith.constant 1500 : i32
    %add3A_165 = arith.addi %mul3A_2, %add3A_164 : i32
    %add3A_166 = arith.constant 1500 : i32
    %add3A_167 = arith.addi %mul3A_2, %add3A_166 : i32
    %dma_wait3A_168 = arith.constant 0 : i32
    %dma_wait3A_169 = tpu.memref_slice %arg8[%add3A_163, %dma_wait3A_168] : memref<51200x128xf32, #tpu.memory_space<hbm>> -> memref<100x128xf32, #tpu.memory_space<hbm>>
    %dma_wait3A_170 = arith.constant 0 : i32
    %dma_wait3A_171 = tpu.memref_slice %arg8[%add3A_163, %dma_wait3A_170] : memref<51200x128xf32, #tpu.memory_space<hbm>> -> memref<100x128xf32, #tpu.memory_space<hbm>>
    tpu.wait_dma2 semaphore(%arg23 : memref<!tpu.dma_semaphore, #tpu.memory_space<semaphore_mem>>) src(%arg17 : memref<100x128xf32, #tpu.memory_space<vmem>>) dst(%dma_wait3A_171 : memref<100x128xf32, #tpu.memory_space<hbm>>)
    %dma_wait3A_172 = arith.constant 0 : i32
    %dma_wait3A_173 = tpu.memref_slice %arg9[%add3A_165, %dma_wait3A_172] : memref<51200x128xf32, #tpu.memory_space<hbm>> -> memref<100x128xf32, #tpu.memory_space<hbm>>
    %dma_wait3A_174 = arith.constant 0 : i32
    %dma_wait3A_175 = tpu.memref_slice %arg9[%add3A_165, %dma_wait3A_174] : memref<51200x128xf32, #tpu.memory_space<hbm>> -> memref<100x128xf32, #tpu.memory_space<hbm>>
    tpu.wait_dma2 semaphore(%arg23 : memref<!tpu.dma_semaphore, #tpu.memory_space<semaphore_mem>>) src(%arg18 : memref<100x128xf32, #tpu.memory_space<vmem>>) dst(%dma_wait3A_175 : memref<100x128xf32, #tpu.memory_space<hbm>>)
    %dma_wait3A_176 = arith.constant 0 : i32
    %dma_wait3A_177 = tpu.memref_slice %arg10[%add3A_167, %dma_wait3A_176] : memref<51200x128xf32, #tpu.memory_space<hbm>> -> memref<100x128xf32, #tpu.memory_space<hbm>>
    %dma_wait3A_178 = arith.constant 0 : i32
    %dma_wait3A_179 = tpu.memref_slice %arg10[%add3A_167, %dma_wait3A_178] : memref<51200x128xf32, #tpu.memory_space<hbm>> -> memref<100x128xf32, #tpu.memory_space<hbm>>
    tpu.wait_dma2 semaphore(%arg23 : memref<!tpu.dma_semaphore, #tpu.memory_space<semaphore_mem>>) src(%arg19 : memref<100x128xf32, #tpu.memory_space<vmem>>) dst(%dma_wait3A_179 : memref<100x128xf32, #tpu.memory_space<hbm>>)
    return
  }
}

#map = affine_map<(d0, d1) -> (0, 0, 0)>
#map1 = affine_map<(d0, d1) -> (0, 0)>
module attributes {stable_mosaic.version = 14 : i64} {
  func.func @k(%arg0: i32, %arg1: i32, %arg2: memref<32x16x100xi32, #tpu.memory_space<hbm>>, %arg3: memref<32x16x100xi32, #tpu.memory_space<hbm>>, %arg4: memref<32x16x100xi32, #tpu.memory_space<hbm>>, %arg5: memref<100001x128xf32, #tpu.memory_space<hbm>>, %arg6: memref<1001x128xf32, #tpu.memory_space<hbm>>, %arg7: memref<1001x128xf32, #tpu.memory_space<hbm>>, %arg8: memref<51200x128xf32, #tpu.memory_space<hbm>>, %arg9: memref<51200x128xf32, #tpu.memory_space<hbm>>, %arg10: memref<51200x128xf32, #tpu.memory_space<hbm>>, %arg11: memref<16x100xi32, #tpu.memory_space<vmem>>, %arg12: memref<16x100xi32, #tpu.memory_space<vmem>>, %arg13: memref<16x100xi32, #tpu.memory_space<vmem>>, %arg14: memref<100x128xf32, #tpu.memory_space<vmem>>, %arg15: memref<100x128xf32, #tpu.memory_space<vmem>>, %arg16: memref<100x128xf32, #tpu.memory_space<vmem>>, %arg17: memref<100x128xf32, #tpu.memory_space<vmem>>, %arg18: memref<100x128xf32, #tpu.memory_space<vmem>>, %arg19: memref<100x128xf32, #tpu.memory_space<vmem>>, %arg20: memref<!tpu.dma_semaphore, #tpu.memory_space<semaphore_mem>>, %arg21: memref<!tpu.dma_semaphore, #tpu.memory_space<semaphore_mem>>, %arg22: memref<!tpu.dma_semaphore, #tpu.memory_space<semaphore_mem>>, %arg23: memref<!tpu.dma_semaphore, #tpu.memory_space<semaphore_mem>>) attributes {dimension_semantics = [#tpu.dimension_semantics<core_parallel>, #tpu.dimension_semantics<subcore_parallel>], iteration_bounds = array<i64: 2, 16>, scalar_prefetch = 0 : i64, scratch_operands = 13 : i64, tpu.core_type = #tpu.core_type<sc_vector_subcore>, window_params = [{transform_indices = #map}, {transform_indices = #map}, {transform_indices = #map}, {transform_indices = #map1}, {transform_indices = #map1}, {transform_indices = #map1}, {transform_indices = #map1}, {transform_indices = #map1}, {transform_indices = #map1}]} {
    %mul3A = arith.constant 2 : i32
    %mul3A_0 = arith.muli %arg1, %mul3A : i32
    %add3A = arith.addi %mul3A_0, %arg0 : i32
    %mul3A_1 = arith.constant 1600 : i32
    %mul3A_2 = arith.muli %add3A, %mul3A_1 : i32
    "tpu.region"() ({
      %run_scoped3A = tpu.sem_alloc : memref<!tpu.dma_semaphore, #tpu.memory_space<semaphore_mem>>
      %dma_start3A_180 = arith.constant 0 : i32
      %dma_start3A_181 = arith.constant 0 : i32
      %dma_start3A_182 = tpu.memref_slice %arg2[%add3A, %dma_start3A_180, %dma_start3A_181] : memref<32x16x100xi32, #tpu.memory_space<hbm>> -> memref<1x16x100xi32, #tpu.memory_space<hbm>>
      %dma_start3A_183 = tpu.memref_squeeze %dma_start3A_182 : memref<1x16x100xi32, #tpu.memory_space<hbm>> -> memref<16x100xi32, #tpu.memory_space<hbm>>
      %dma_start3A_184 = arith.constant 0 : i32
      %dma_start3A_185 = arith.constant 0 : i32
      %dma_start3A_186 = tpu.memref_slice %arg2[%add3A, %dma_start3A_184, %dma_start3A_185] : memref<32x16x100xi32, #tpu.memory_space<hbm>> -> memref<1x16x100xi32, #tpu.memory_space<hbm>>
      %dma_start3A_187 = tpu.memref_squeeze %dma_start3A_186 : memref<1x16x100xi32, #tpu.memory_space<hbm>> -> memref<16x100xi32, #tpu.memory_space<hbm>>
      tpu.enqueue_dma source(%dma_start3A_187 : memref<16x100xi32, #tpu.memory_space<hbm>>) target(%arg11 : memref<16x100xi32, #tpu.memory_space<vmem>>) target_semaphore(%run_scoped3A : memref<!tpu.dma_semaphore, #tpu.memory_space<semaphore_mem>>)
      %dma_wait3A_188 = arith.constant 0 : i32
      %dma_wait3A_189 = arith.constant 0 : i32
      %dma_wait3A_190 = tpu.memref_slice %arg2[%add3A, %dma_wait3A_188, %dma_wait3A_189] : memref<32x16x100xi32, #tpu.memory_space<hbm>> -> memref<1x16x100xi32, #tpu.memory_space<hbm>>
      %dma_wait3A_191 = tpu.memref_squeeze %dma_wait3A_190 : memref<1x16x100xi32, #tpu.memory_space<hbm>> -> memref<16x100xi32, #tpu.memory_space<hbm>>
      %dma_wait3A_192 = arith.constant 0 : i32
      %dma_wait3A_193 = arith.constant 0 : i32
      %dma_wait3A_194 = tpu.memref_slice %arg2[%add3A, %dma_wait3A_192, %dma_wait3A_193] : memref<32x16x100xi32, #tpu.memory_space<hbm>> -> memref<1x16x100xi32, #tpu.memory_space<hbm>>
      %dma_wait3A_195 = tpu.memref_squeeze %dma_wait3A_194 : memref<1x16x100xi32, #tpu.memory_space<hbm>> -> memref<16x100xi32, #tpu.memory_space<hbm>>
      tpu.wait_dma2 semaphore(%run_scoped3A : memref<!tpu.dma_semaphore, #tpu.memory_space<semaphore_mem>>) src(%dma_wait3A_195 : memref<16x100xi32, #tpu.memory_space<hbm>>) dst(%arg11 : memref<16x100xi32, #tpu.memory_space<vmem>>)
      tpu.yield
    }) : () -> ()
    "tpu.region"() ({
      %run_scoped3A = tpu.sem_alloc : memref<!tpu.dma_semaphore, #tpu.memory_space<semaphore_mem>>
      %dma_start3A_180 = arith.constant 0 : i32
      %dma_start3A_181 = arith.constant 0 : i32
      %dma_start3A_182 = tpu.memref_slice %arg3[%add3A, %dma_start3A_180, %dma_start3A_181] : memref<32x16x100xi32, #tpu.memory_space<hbm>> -> memref<1x16x100xi32, #tpu.memory_space<hbm>>
      %dma_start3A_183 = tpu.memref_squeeze %dma_start3A_182 : memref<1x16x100xi32, #tpu.memory_space<hbm>> -> memref<16x100xi32, #tpu.memory_space<hbm>>
      %dma_start3A_184 = arith.constant 0 : i32
      %dma_start3A_185 = arith.constant 0 : i32
      %dma_start3A_186 = tpu.memref_slice %arg3[%add3A, %dma_start3A_184, %dma_start3A_185] : memref<32x16x100xi32, #tpu.memory_space<hbm>> -> memref<1x16x100xi32, #tpu.memory_space<hbm>>
      %dma_start3A_187 = tpu.memref_squeeze %dma_start3A_186 : memref<1x16x100xi32, #tpu.memory_space<hbm>> -> memref<16x100xi32, #tpu.memory_space<hbm>>
      tpu.enqueue_dma source(%dma_start3A_187 : memref<16x100xi32, #tpu.memory_space<hbm>>) target(%arg12 : memref<16x100xi32, #tpu.memory_space<vmem>>) target_semaphore(%run_scoped3A : memref<!tpu.dma_semaphore, #tpu.memory_space<semaphore_mem>>)
      %dma_wait3A_188 = arith.constant 0 : i32
      %dma_wait3A_189 = arith.constant 0 : i32
      %dma_wait3A_190 = tpu.memref_slice %arg3[%add3A, %dma_wait3A_188, %dma_wait3A_189] : memref<32x16x100xi32, #tpu.memory_space<hbm>> -> memref<1x16x100xi32, #tpu.memory_space<hbm>>
      %dma_wait3A_191 = tpu.memref_squeeze %dma_wait3A_190 : memref<1x16x100xi32, #tpu.memory_space<hbm>> -> memref<16x100xi32, #tpu.memory_space<hbm>>
      %dma_wait3A_192 = arith.constant 0 : i32
      %dma_wait3A_193 = arith.constant 0 : i32
      %dma_wait3A_194 = tpu.memref_slice %arg3[%add3A, %dma_wait3A_192, %dma_wait3A_193] : memref<32x16x100xi32, #tpu.memory_space<hbm>> -> memref<1x16x100xi32, #tpu.memory_space<hbm>>
      %dma_wait3A_195 = tpu.memref_squeeze %dma_wait3A_194 : memref<1x16x100xi32, #tpu.memory_space<hbm>> -> memref<16x100xi32, #tpu.memory_space<hbm>>
      tpu.wait_dma2 semaphore(%run_scoped3A : memref<!tpu.dma_semaphore, #tpu.memory_space<semaphore_mem>>) src(%dma_wait3A_195 : memref<16x100xi32, #tpu.memory_space<hbm>>) dst(%arg12 : memref<16x100xi32, #tpu.memory_space<vmem>>)
      tpu.yield
    }) : () -> ()
    "tpu.region"() ({
      %run_scoped3A = tpu.sem_alloc : memref<!tpu.dma_semaphore, #tpu.memory_space<semaphore_mem>>
      %dma_start3A_180 = arith.constant 0 : i32
      %dma_start3A_181 = arith.constant 0 : i32
      %dma_start3A_182 = tpu.memref_slice %arg4[%add3A, %dma_start3A_180, %dma_start3A_181] : memref<32x16x100xi32, #tpu.memory_space<hbm>> -> memref<1x16x100xi32, #tpu.memory_space<hbm>>
      %dma_start3A_183 = tpu.memref_squeeze %dma_start3A_182 : memref<1x16x100xi32, #tpu.memory_space<hbm>> -> memref<16x100xi32, #tpu.memory_space<hbm>>
      %dma_start3A_184 = arith.constant 0 : i32
      %dma_start3A_185 = arith.constant 0 : i32
      %dma_start3A_186 = tpu.memref_slice %arg4[%add3A, %dma_start3A_184, %dma_start3A_185] : memref<32x16x100xi32, #tpu.memory_space<hbm>> -> memref<1x16x100xi32, #tpu.memory_space<hbm>>
      %dma_start3A_187 = tpu.memref_squeeze %dma_start3A_186 : memref<1x16x100xi32, #tpu.memory_space<hbm>> -> memref<16x100xi32, #tpu.memory_space<hbm>>
      tpu.enqueue_dma source(%dma_start3A_187 : memref<16x100xi32, #tpu.memory_space<hbm>>) target(%arg13 : memref<16x100xi32, #tpu.memory_space<vmem>>) target_semaphore(%run_scoped3A : memref<!tpu.dma_semaphore, #tpu.memory_space<semaphore_mem>>)
      %dma_wait3A_188 = arith.constant 0 : i32
      %dma_wait3A_189 = arith.constant 0 : i32
      %dma_wait3A_190 = tpu.memref_slice %arg4[%add3A, %dma_wait3A_188, %dma_wait3A_189] : memref<32x16x100xi32, #tpu.memory_space<hbm>> -> memref<1x16x100xi32, #tpu.memory_space<hbm>>
      %dma_wait3A_191 = tpu.memref_squeeze %dma_wait3A_190 : memref<1x16x100xi32, #tpu.memory_space<hbm>> -> memref<16x100xi32, #tpu.memory_space<hbm>>
      %dma_wait3A_192 = arith.constant 0 : i32
      %dma_wait3A_193 = arith.constant 0 : i32
      %dma_wait3A_194 = tpu.memref_slice %arg4[%add3A, %dma_wait3A_192, %dma_wait3A_193] : memref<32x16x100xi32, #tpu.memory_space<hbm>> -> memref<1x16x100xi32, #tpu.memory_space<hbm>>
      %dma_wait3A_195 = tpu.memref_squeeze %dma_wait3A_194 : memref<1x16x100xi32, #tpu.memory_space<hbm>> -> memref<16x100xi32, #tpu.memory_space<hbm>>
      tpu.wait_dma2 semaphore(%run_scoped3A : memref<!tpu.dma_semaphore, #tpu.memory_space<semaphore_mem>>) src(%dma_wait3A_195 : memref<16x100xi32, #tpu.memory_space<hbm>>) dst(%arg13 : memref<16x100xi32, #tpu.memory_space<vmem>>)
      tpu.yield
    }) : () -> ()
    %dma_start3A = arith.constant 0 : i32
    %dma_start3A_3 = arith.constant 0 : i32
    %dma_start3A_4 = tpu.memref_slice %arg11[%dma_start3A, %dma_start3A_3] : memref<16x100xi32, #tpu.memory_space<vmem>> -> memref<1x100xi32, #tpu.memory_space<vmem>>
    %dma_start3A_5 = tpu.memref_squeeze %dma_start3A_4 : memref<1x100xi32, #tpu.memory_space<vmem>> -> memref<100xi32, #tpu.memory_space<vmem>>
    %dma_start3A_6 = arith.constant 0 : i32
    %dma_start3A_7 = arith.constant 0 : i32
    %dma_start3A_8 = tpu.memref_slice %arg5[%dma_start3A_6, %dma_start3A_7] : memref<100001x128xf32, #tpu.memory_space<hbm>> -> memref<100001x128xf32, #tpu.memory_space<hbm>>
    tpu.enqueue_indirect_dma source(%dma_start3A_8 : memref<100001x128xf32, #tpu.memory_space<hbm>>) target(%arg14 : memref<100x128xf32, #tpu.memory_space<vmem>>) offsets(%dma_start3A_5 : memref<100xi32, #tpu.memory_space<vmem>>) semaphore(%arg20 : memref<!tpu.dma_semaphore, #tpu.memory_space<semaphore_mem>>)
    %dma_start3A_9 = arith.constant 0 : i32
    %dma_start3A_10 = arith.constant 0 : i32
    %dma_start3A_11 = tpu.memref_slice %arg12[%dma_start3A_9, %dma_start3A_10] : memref<16x100xi32, #tpu.memory_space<vmem>> -> memref<1x100xi32, #tpu.memory_space<vmem>>
    %dma_start3A_12 = tpu.memref_squeeze %dma_start3A_11 : memref<1x100xi32, #tpu.memory_space<vmem>> -> memref<100xi32, #tpu.memory_space<vmem>>
    %dma_start3A_13 = arith.constant 0 : i32
    %dma_start3A_14 = arith.constant 0 : i32
    %dma_start3A_15 = tpu.memref_slice %arg6[%dma_start3A_13, %dma_start3A_14] : memref<1001x128xf32, #tpu.memory_space<hbm>> -> memref<1001x128xf32, #tpu.memory_space<hbm>>
    tpu.enqueue_indirect_dma source(%dma_start3A_15 : memref<1001x128xf32, #tpu.memory_space<hbm>>) target(%arg15 : memref<100x128xf32, #tpu.memory_space<vmem>>) offsets(%dma_start3A_12 : memref<100xi32, #tpu.memory_space<vmem>>) semaphore(%arg20 : memref<!tpu.dma_semaphore, #tpu.memory_space<semaphore_mem>>)
    %dma_start3A_16 = arith.constant 0 : i32
    %dma_start3A_17 = arith.constant 0 : i32
    %dma_start3A_18 = tpu.memref_slice %arg13[%dma_start3A_16, %dma_start3A_17] : memref<16x100xi32, #tpu.memory_space<vmem>> -> memref<1x100xi32, #tpu.memory_space<vmem>>
    %dma_start3A_19 = tpu.memref_squeeze %dma_start3A_18 : memref<1x100xi32, #tpu.memory_space<vmem>> -> memref<100xi32, #tpu.memory_space<vmem>>
    %dma_start3A_20 = arith.constant 0 : i32
    %dma_start3A_21 = arith.constant 0 : i32
    %dma_start3A_22 = tpu.memref_slice %arg7[%dma_start3A_20, %dma_start3A_21] : memref<1001x128xf32, #tpu.memory_space<hbm>> -> memref<1001x128xf32, #tpu.memory_space<hbm>>
    tpu.enqueue_indirect_dma source(%dma_start3A_22 : memref<1001x128xf32, #tpu.memory_space<hbm>>) target(%arg16 : memref<100x128xf32, #tpu.memory_space<vmem>>) offsets(%dma_start3A_19 : memref<100xi32, #tpu.memory_space<vmem>>) semaphore(%arg20 : memref<!tpu.dma_semaphore, #tpu.memory_space<semaphore_mem>>)
    %scan3A = arith.constant 0 : i32
    %scan3A_23 = arith.constant 0 : i32
    %scan3A_24 = arith.constant 7 : i32
    %scan3A_25 = arith.addi %scan3A_23, %scan3A_24 : i32
    %scan3A_26 = arith.constant 1 : i32
    scf.for %scan3A_180 = %scan3A_23 to %scan3A_25 step %scan3A_26  : i32 {
      %mul3A_181 = arith.constant 2 : i32
      %mul3A_182 = arith.muli %mul3A_181, %scan3A_180 : i32
      %add3A_183 = arith.constant 0 : i32
      %add3A_184 = arith.addi %mul3A_182, %add3A_183 : i32
      %dma_wait3A_185 = arith.constant 0 : i32
      %dma_wait3A_186 = tpu.memref_slice %arg11[%add3A_184, %dma_wait3A_185] : memref<16x100xi32, #tpu.memory_space<vmem>> -> memref<1x100xi32, #tpu.memory_space<vmem>>
      %dma_wait3A_187 = tpu.memref_squeeze %dma_wait3A_186 : memref<1x100xi32, #tpu.memory_space<vmem>> -> memref<100xi32, #tpu.memory_space<vmem>>
      %dma_wait3A_188 = arith.constant 0 : i32
      %dma_wait3A_189 = arith.constant 0 : i32
      %dma_wait3A_190 = tpu.memref_slice %arg5[%dma_wait3A_188, %dma_wait3A_189] : memref<100001x128xf32, #tpu.memory_space<hbm>> -> memref<100001x128xf32, #tpu.memory_space<hbm>>
      tpu.wait_indirect_dma semaphore(%arg20 : memref<!tpu.dma_semaphore, #tpu.memory_space<semaphore_mem>>) src(%dma_wait3A_190 : memref<100001x128xf32, #tpu.memory_space<hbm>>) dst(%arg14 : memref<100x128xf32, #tpu.memory_space<vmem>>)
      %dma_wait3A_191 = arith.constant 0 : i32
      %dma_wait3A_192 = tpu.memref_slice %arg12[%add3A_184, %dma_wait3A_191] : memref<16x100xi32, #tpu.memory_space<vmem>> -> memref<1x100xi32, #tpu.memory_space<vmem>>
      %dma_wait3A_193 = tpu.memref_squeeze %dma_wait3A_192 : memref<1x100xi32, #tpu.memory_space<vmem>> -> memref<100xi32, #tpu.memory_space<vmem>>
      %dma_wait3A_194 = arith.constant 0 : i32
      %dma_wait3A_195 = arith.constant 0 : i32
      %dma_wait3A_196 = tpu.memref_slice %arg6[%dma_wait3A_194, %dma_wait3A_195] : memref<1001x128xf32, #tpu.memory_space<hbm>> -> memref<1001x128xf32, #tpu.memory_space<hbm>>
      tpu.wait_indirect_dma semaphore(%arg20 : memref<!tpu.dma_semaphore, #tpu.memory_space<semaphore_mem>>) src(%dma_wait3A_196 : memref<1001x128xf32, #tpu.memory_space<hbm>>) dst(%arg15 : memref<100x128xf32, #tpu.memory_space<vmem>>)
      %dma_wait3A_197 = arith.constant 0 : i32
      %dma_wait3A_198 = tpu.memref_slice %arg13[%add3A_184, %dma_wait3A_197] : memref<16x100xi32, #tpu.memory_space<vmem>> -> memref<1x100xi32, #tpu.memory_space<vmem>>
      %dma_wait3A_199 = tpu.memref_squeeze %dma_wait3A_198 : memref<1x100xi32, #tpu.memory_space<vmem>> -> memref<100xi32, #tpu.memory_space<vmem>>
      %dma_wait3A_200 = arith.constant 0 : i32
      %dma_wait3A_201 = arith.constant 0 : i32
      %dma_wait3A_202 = tpu.memref_slice %arg7[%dma_wait3A_200, %dma_wait3A_201] : memref<1001x128xf32, #tpu.memory_space<hbm>> -> memref<1001x128xf32, #tpu.memory_space<hbm>>
      tpu.wait_indirect_dma semaphore(%arg20 : memref<!tpu.dma_semaphore, #tpu.memory_space<semaphore_mem>>) src(%dma_wait3A_202 : memref<1001x128xf32, #tpu.memory_space<hbm>>) dst(%arg16 : memref<100x128xf32, #tpu.memory_space<vmem>>)
      %mul3A_203 = arith.constant 100 : i32
      %mul3A_204 = arith.muli %add3A_184, %mul3A_203 : i32
      %add3A_205 = arith.addi %mul3A_2, %mul3A_204 : i32
      %mul3A_206 = arith.constant 100 : i32
      %mul3A_207 = arith.muli %add3A_184, %mul3A_206 : i32
      %add3A_208 = arith.addi %mul3A_2, %mul3A_207 : i32
      %mul3A_209 = arith.constant 100 : i32
      %mul3A_210 = arith.muli %add3A_184, %mul3A_209 : i32
      %add3A_211 = arith.addi %mul3A_2, %mul3A_210 : i32
      %ge3A = arith.constant 1 : i32
      %ge3A_212 = arith.cmpi sge, %scan3A_180, %ge3A : i32
      %convert_element_type3A = arith.extui %ge3A_212 : i1 to i32
      %cond3A = arith.constant 0 : i32
      %cond3A_213 = arith.cmpi ne, %convert_element_type3A, %cond3A : i32
      scf.if %cond3A_213 {
        %dma_wait3A_339 = arith.constant 0 : i32
        %dma_wait3A_340 = tpu.memref_slice %arg8[%add3A_205, %dma_wait3A_339] : memref<51200x128xf32, #tpu.memory_space<hbm>> -> memref<100x128xf32, #tpu.memory_space<hbm>>
        %dma_wait3A_341 = arith.constant 0 : i32
        %dma_wait3A_342 = tpu.memref_slice %arg8[%add3A_205, %dma_wait3A_341] : memref<51200x128xf32, #tpu.memory_space<hbm>> -> memref<100x128xf32, #tpu.memory_space<hbm>>
        tpu.wait_dma2 semaphore(%arg23 : memref<!tpu.dma_semaphore, #tpu.memory_space<semaphore_mem>>) src(%arg17 : memref<100x128xf32, #tpu.memory_space<vmem>>) dst(%dma_wait3A_342 : memref<100x128xf32, #tpu.memory_space<hbm>>)
        %dma_wait3A_343 = arith.constant 0 : i32
        %dma_wait3A_344 = tpu.memref_slice %arg9[%add3A_208, %dma_wait3A_343] : memref<51200x128xf32, #tpu.memory_space<hbm>> -> memref<100x128xf32, #tpu.memory_space<hbm>>
        %dma_wait3A_345 = arith.constant 0 : i32
        %dma_wait3A_346 = tpu.memref_slice %arg9[%add3A_208, %dma_wait3A_345] : memref<51200x128xf32, #tpu.memory_space<hbm>> -> memref<100x128xf32, #tpu.memory_space<hbm>>
        tpu.wait_dma2 semaphore(%arg23 : memref<!tpu.dma_semaphore, #tpu.memory_space<semaphore_mem>>) src(%arg18 : memref<100x128xf32, #tpu.memory_space<vmem>>) dst(%dma_wait3A_346 : memref<100x128xf32, #tpu.memory_space<hbm>>)
        %dma_wait3A_347 = arith.constant 0 : i32
        %dma_wait3A_348 = tpu.memref_slice %arg10[%add3A_211, %dma_wait3A_347] : memref<51200x128xf32, #tpu.memory_space<hbm>> -> memref<100x128xf32, #tpu.memory_space<hbm>>
        %dma_wait3A_349 = arith.constant 0 : i32
        %dma_wait3A_350 = tpu.memref_slice %arg10[%add3A_211, %dma_wait3A_349] : memref<51200x128xf32, #tpu.memory_space<hbm>> -> memref<100x128xf32, #tpu.memory_space<hbm>>
        tpu.wait_dma2 semaphore(%arg23 : memref<!tpu.dma_semaphore, #tpu.memory_space<semaphore_mem>>) src(%arg19 : memref<100x128xf32, #tpu.memory_space<vmem>>) dst(%dma_wait3A_350 : memref<100x128xf32, #tpu.memory_space<hbm>>)
      } else {
      }
      %add3A_214 = arith.constant 1 : i32
      %add3A_215 = arith.addi %add3A_184, %add3A_214 : i32
      %dma_start3A_216 = arith.constant 0 : i32
      %dma_start3A_217 = tpu.memref_slice %arg11[%add3A_215, %dma_start3A_216] : memref<16x100xi32, #tpu.memory_space<vmem>> -> memref<1x100xi32, #tpu.memory_space<vmem>>
      %dma_start3A_218 = tpu.memref_squeeze %dma_start3A_217 : memref<1x100xi32, #tpu.memory_space<vmem>> -> memref<100xi32, #tpu.memory_space<vmem>>
      %dma_start3A_219 = arith.constant 0 : i32
      %dma_start3A_220 = arith.constant 0 : i32
      %dma_start3A_221 = tpu.memref_slice %arg5[%dma_start3A_219, %dma_start3A_220] : memref<100001x128xf32, #tpu.memory_space<hbm>> -> memref<100001x128xf32, #tpu.memory_space<hbm>>
      tpu.enqueue_indirect_dma source(%dma_start3A_221 : memref<100001x128xf32, #tpu.memory_space<hbm>>) target(%arg17 : memref<100x128xf32, #tpu.memory_space<vmem>>) offsets(%dma_start3A_218 : memref<100xi32, #tpu.memory_space<vmem>>) semaphore(%arg21 : memref<!tpu.dma_semaphore, #tpu.memory_space<semaphore_mem>>)
      %dma_start3A_222 = arith.constant 0 : i32
      %dma_start3A_223 = tpu.memref_slice %arg12[%add3A_215, %dma_start3A_222] : memref<16x100xi32, #tpu.memory_space<vmem>> -> memref<1x100xi32, #tpu.memory_space<vmem>>
      %dma_start3A_224 = tpu.memref_squeeze %dma_start3A_223 : memref<1x100xi32, #tpu.memory_space<vmem>> -> memref<100xi32, #tpu.memory_space<vmem>>
      %dma_start3A_225 = arith.constant 0 : i32
      %dma_start3A_226 = arith.constant 0 : i32
      %dma_start3A_227 = tpu.memref_slice %arg6[%dma_start3A_225, %dma_start3A_226] : memref<1001x128xf32, #tpu.memory_space<hbm>> -> memref<1001x128xf32, #tpu.memory_space<hbm>>
      tpu.enqueue_indirect_dma source(%dma_start3A_227 : memref<1001x128xf32, #tpu.memory_space<hbm>>) target(%arg18 : memref<100x128xf32, #tpu.memory_space<vmem>>) offsets(%dma_start3A_224 : memref<100xi32, #tpu.memory_space<vmem>>) semaphore(%arg21 : memref<!tpu.dma_semaphore, #tpu.memory_space<semaphore_mem>>)
      %dma_start3A_228 = arith.constant 0 : i32
      %dma_start3A_229 = tpu.memref_slice %arg13[%add3A_215, %dma_start3A_228] : memref<16x100xi32, #tpu.memory_space<vmem>> -> memref<1x100xi32, #tpu.memory_space<vmem>>
      %dma_start3A_230 = tpu.memref_squeeze %dma_start3A_229 : memref<1x100xi32, #tpu.memory_space<vmem>> -> memref<100xi32, #tpu.memory_space<vmem>>
      %dma_start3A_231 = arith.constant 0 : i32
      %dma_start3A_232 = arith.constant 0 : i32
      %dma_start3A_233 = tpu.memref_slice %arg7[%dma_start3A_231, %dma_start3A_232] : memref<1001x128xf32, #tpu.memory_space<hbm>> -> memref<1001x128xf32, #tpu.memory_space<hbm>>
      tpu.enqueue_indirect_dma source(%dma_start3A_233 : memref<1001x128xf32, #tpu.memory_space<hbm>>) target(%arg19 : memref<100x128xf32, #tpu.memory_space<vmem>>) offsets(%dma_start3A_230 : memref<100xi32, #tpu.memory_space<vmem>>) semaphore(%arg21 : memref<!tpu.dma_semaphore, #tpu.memory_space<semaphore_mem>>)
      %mul3A_234 = arith.constant 100 : i32
      %mul3A_235 = arith.muli %add3A_184, %mul3A_234 : i32
      %add3A_236 = arith.addi %mul3A_2, %mul3A_235 : i32
      %mul3A_237 = arith.constant 100 : i32
      %mul3A_238 = arith.muli %add3A_184, %mul3A_237 : i32
      %add3A_239 = arith.addi %mul3A_2, %mul3A_238 : i32
      %mul3A_240 = arith.constant 100 : i32
      %mul3A_241 = arith.muli %add3A_184, %mul3A_240 : i32
      %add3A_242 = arith.addi %mul3A_2, %mul3A_241 : i32
      %dma_start3A_243 = arith.constant 0 : i32
      %dma_start3A_244 = tpu.memref_slice %arg8[%add3A_236, %dma_start3A_243] : memref<51200x128xf32, #tpu.memory_space<hbm>> -> memref<100x128xf32, #tpu.memory_space<hbm>>
      %dma_start3A_245 = arith.constant 0 : i32
      %dma_start3A_246 = tpu.memref_slice %arg8[%add3A_236, %dma_start3A_245] : memref<51200x128xf32, #tpu.memory_space<hbm>> -> memref<100x128xf32, #tpu.memory_space<hbm>>
      tpu.enqueue_dma source(%arg14 : memref<100x128xf32, #tpu.memory_space<vmem>>) target(%dma_start3A_246 : memref<100x128xf32, #tpu.memory_space<hbm>>) target_semaphore(%arg22 : memref<!tpu.dma_semaphore, #tpu.memory_space<semaphore_mem>>)
      %dma_start3A_247 = arith.constant 0 : i32
      %dma_start3A_248 = tpu.memref_slice %arg9[%add3A_239, %dma_start3A_247] : memref<51200x128xf32, #tpu.memory_space<hbm>> -> memref<100x128xf32, #tpu.memory_space<hbm>>
      %dma_start3A_249 = arith.constant 0 : i32
      %dma_start3A_250 = tpu.memref_slice %arg9[%add3A_239, %dma_start3A_249] : memref<51200x128xf32, #tpu.memory_space<hbm>> -> memref<100x128xf32, #tpu.memory_space<hbm>>
      tpu.enqueue_dma source(%arg15 : memref<100x128xf32, #tpu.memory_space<vmem>>) target(%dma_start3A_250 : memref<100x128xf32, #tpu.memory_space<hbm>>) target_semaphore(%arg22 : memref<!tpu.dma_semaphore, #tpu.memory_space<semaphore_mem>>)
      %dma_start3A_251 = arith.constant 0 : i32
      %dma_start3A_252 = tpu.memref_slice %arg10[%add3A_242, %dma_start3A_251] : memref<51200x128xf32, #tpu.memory_space<hbm>> -> memref<100x128xf32, #tpu.memory_space<hbm>>
      %dma_start3A_253 = arith.constant 0 : i32
      %dma_start3A_254 = tpu.memref_slice %arg10[%add3A_242, %dma_start3A_253] : memref<51200x128xf32, #tpu.memory_space<hbm>> -> memref<100x128xf32, #tpu.memory_space<hbm>>
      tpu.enqueue_dma source(%arg16 : memref<100x128xf32, #tpu.memory_space<vmem>>) target(%dma_start3A_254 : memref<100x128xf32, #tpu.memory_space<hbm>>) target_semaphore(%arg22 : memref<!tpu.dma_semaphore, #tpu.memory_space<semaphore_mem>>)
      %mul3A_255 = arith.constant 2 : i32
      %mul3A_256 = arith.muli %mul3A_255, %scan3A_180 : i32
      %add3A_257 = arith.constant 1 : i32
      %add3A_258 = arith.addi %mul3A_256, %add3A_257 : i32
      %dma_wait3A_259 = arith.constant 0 : i32
      %dma_wait3A_260 = tpu.memref_slice %arg11[%add3A_258, %dma_wait3A_259] : memref<16x100xi32, #tpu.memory_space<vmem>> -> memref<1x100xi32, #tpu.memory_space<vmem>>
      %dma_wait3A_261 = tpu.memref_squeeze %dma_wait3A_260 : memref<1x100xi32, #tpu.memory_space<vmem>> -> memref<100xi32, #tpu.memory_space<vmem>>
      %dma_wait3A_262 = arith.constant 0 : i32
      %dma_wait3A_263 = arith.constant 0 : i32
      %dma_wait3A_264 = tpu.memref_slice %arg5[%dma_wait3A_262, %dma_wait3A_263] : memref<100001x128xf32, #tpu.memory_space<hbm>> -> memref<100001x128xf32, #tpu.memory_space<hbm>>
      tpu.wait_indirect_dma semaphore(%arg21 : memref<!tpu.dma_semaphore, #tpu.memory_space<semaphore_mem>>) src(%dma_wait3A_264 : memref<100001x128xf32, #tpu.memory_space<hbm>>) dst(%arg17 : memref<100x128xf32, #tpu.memory_space<vmem>>)
      %dma_wait3A_265 = arith.constant 0 : i32
      %dma_wait3A_266 = tpu.memref_slice %arg12[%add3A_258, %dma_wait3A_265] : memref<16x100xi32, #tpu.memory_space<vmem>> -> memref<1x100xi32, #tpu.memory_space<vmem>>
      %dma_wait3A_267 = tpu.memref_squeeze %dma_wait3A_266 : memref<1x100xi32, #tpu.memory_space<vmem>> -> memref<100xi32, #tpu.memory_space<vmem>>
      %dma_wait3A_268 = arith.constant 0 : i32
      %dma_wait3A_269 = arith.constant 0 : i32
      %dma_wait3A_270 = tpu.memref_slice %arg6[%dma_wait3A_268, %dma_wait3A_269] : memref<1001x128xf32, #tpu.memory_space<hbm>> -> memref<1001x128xf32, #tpu.memory_space<hbm>>
      tpu.wait_indirect_dma semaphore(%arg21 : memref<!tpu.dma_semaphore, #tpu.memory_space<semaphore_mem>>) src(%dma_wait3A_270 : memref<1001x128xf32, #tpu.memory_space<hbm>>) dst(%arg18 : memref<100x128xf32, #tpu.memory_space<vmem>>)
      %dma_wait3A_271 = arith.constant 0 : i32
      %dma_wait3A_272 = tpu.memref_slice %arg13[%add3A_258, %dma_wait3A_271] : memref<16x100xi32, #tpu.memory_space<vmem>> -> memref<1x100xi32, #tpu.memory_space<vmem>>
      %dma_wait3A_273 = tpu.memref_squeeze %dma_wait3A_272 : memref<1x100xi32, #tpu.memory_space<vmem>> -> memref<100xi32, #tpu.memory_space<vmem>>
      %dma_wait3A_274 = arith.constant 0 : i32
      %dma_wait3A_275 = arith.constant 0 : i32
      %dma_wait3A_276 = tpu.memref_slice %arg7[%dma_wait3A_274, %dma_wait3A_275] : memref<1001x128xf32, #tpu.memory_space<hbm>> -> memref<1001x128xf32, #tpu.memory_space<hbm>>
      tpu.wait_indirect_dma semaphore(%arg21 : memref<!tpu.dma_semaphore, #tpu.memory_space<semaphore_mem>>) src(%dma_wait3A_276 : memref<1001x128xf32, #tpu.memory_space<hbm>>) dst(%arg19 : memref<100x128xf32, #tpu.memory_space<vmem>>)
      %mul3A_277 = arith.constant 100 : i32
      %mul3A_278 = arith.muli %add3A_258, %mul3A_277 : i32
      %add3A_279 = arith.addi %mul3A_2, %mul3A_278 : i32
      %mul3A_280 = arith.constant 100 : i32
      %mul3A_281 = arith.muli %add3A_258, %mul3A_280 : i32
      %add3A_282 = arith.addi %mul3A_2, %mul3A_281 : i32
      %mul3A_283 = arith.constant 100 : i32
      %mul3A_284 = arith.muli %add3A_258, %mul3A_283 : i32
      %add3A_285 = arith.addi %mul3A_2, %mul3A_284 : i32
      %dma_wait3A_286 = arith.constant 0 : i32
      %dma_wait3A_287 = tpu.memref_slice %arg8[%add3A_279, %dma_wait3A_286] : memref<51200x128xf32, #tpu.memory_space<hbm>> -> memref<100x128xf32, #tpu.memory_space<hbm>>
      %dma_wait3A_288 = arith.constant 0 : i32
      %dma_wait3A_289 = tpu.memref_slice %arg8[%add3A_279, %dma_wait3A_288] : memref<51200x128xf32, #tpu.memory_space<hbm>> -> memref<100x128xf32, #tpu.memory_space<hbm>>
      tpu.wait_dma2 semaphore(%arg22 : memref<!tpu.dma_semaphore, #tpu.memory_space<semaphore_mem>>) src(%arg14 : memref<100x128xf32, #tpu.memory_space<vmem>>) dst(%dma_wait3A_289 : memref<100x128xf32, #tpu.memory_space<hbm>>)
      %dma_wait3A_290 = arith.constant 0 : i32
      %dma_wait3A_291 = tpu.memref_slice %arg9[%add3A_282, %dma_wait3A_290] : memref<51200x128xf32, #tpu.memory_space<hbm>> -> memref<100x128xf32, #tpu.memory_space<hbm>>
      %dma_wait3A_292 = arith.constant 0 : i32
      %dma_wait3A_293 = tpu.memref_slice %arg9[%add3A_282, %dma_wait3A_292] : memref<51200x128xf32, #tpu.memory_space<hbm>> -> memref<100x128xf32, #tpu.memory_space<hbm>>
      tpu.wait_dma2 semaphore(%arg22 : memref<!tpu.dma_semaphore, #tpu.memory_space<semaphore_mem>>) src(%arg15 : memref<100x128xf32, #tpu.memory_space<vmem>>) dst(%dma_wait3A_293 : memref<100x128xf32, #tpu.memory_space<hbm>>)
      %dma_wait3A_294 = arith.constant 0 : i32
      %dma_wait3A_295 = tpu.memref_slice %arg10[%add3A_285, %dma_wait3A_294] : memref<51200x128xf32, #tpu.memory_space<hbm>> -> memref<100x128xf32, #tpu.memory_space<hbm>>
      %dma_wait3A_296 = arith.constant 0 : i32
      %dma_wait3A_297 = tpu.memref_slice %arg10[%add3A_285, %dma_wait3A_296] : memref<51200x128xf32, #tpu.memory_space<hbm>> -> memref<100x128xf32, #tpu.memory_space<hbm>>
      tpu.wait_dma2 semaphore(%arg22 : memref<!tpu.dma_semaphore, #tpu.memory_space<semaphore_mem>>) src(%arg16 : memref<100x128xf32, #tpu.memory_space<vmem>>) dst(%dma_wait3A_297 : memref<100x128xf32, #tpu.memory_space<hbm>>)
      %add3A_298 = arith.constant 1 : i32
      %add3A_299 = arith.addi %add3A_258, %add3A_298 : i32
      %dma_start3A_300 = arith.constant 0 : i32
      %dma_start3A_301 = tpu.memref_slice %arg11[%add3A_299, %dma_start3A_300] : memref<16x100xi32, #tpu.memory_space<vmem>> -> memref<1x100xi32, #tpu.memory_space<vmem>>
      %dma_start3A_302 = tpu.memref_squeeze %dma_start3A_301 : memref<1x100xi32, #tpu.memory_space<vmem>> -> memref<100xi32, #tpu.memory_space<vmem>>
      %dma_start3A_303 = arith.constant 0 : i32
      %dma_start3A_304 = arith.constant 0 : i32
      %dma_start3A_305 = tpu.memref_slice %arg5[%dma_start3A_303, %dma_start3A_304] : memref<100001x128xf32, #tpu.memory_space<hbm>> -> memref<100001x128xf32, #tpu.memory_space<hbm>>
      tpu.enqueue_indirect_dma source(%dma_start3A_305 : memref<100001x128xf32, #tpu.memory_space<hbm>>) target(%arg14 : memref<100x128xf32, #tpu.memory_space<vmem>>) offsets(%dma_start3A_302 : memref<100xi32, #tpu.memory_space<vmem>>) semaphore(%arg20 : memref<!tpu.dma_semaphore, #tpu.memory_space<semaphore_mem>>)
      %dma_start3A_306 = arith.constant 0 : i32
      %dma_start3A_307 = tpu.memref_slice %arg12[%add3A_299, %dma_start3A_306] : memref<16x100xi32, #tpu.memory_space<vmem>> -> memref<1x100xi32, #tpu.memory_space<vmem>>
      %dma_start3A_308 = tpu.memref_squeeze %dma_start3A_307 : memref<1x100xi32, #tpu.memory_space<vmem>> -> memref<100xi32, #tpu.memory_space<vmem>>
      %dma_start3A_309 = arith.constant 0 : i32
      %dma_start3A_310 = arith.constant 0 : i32
      %dma_start3A_311 = tpu.memref_slice %arg6[%dma_start3A_309, %dma_start3A_310] : memref<1001x128xf32, #tpu.memory_space<hbm>> -> memref<1001x128xf32, #tpu.memory_space<hbm>>
      tpu.enqueue_indirect_dma source(%dma_start3A_311 : memref<1001x128xf32, #tpu.memory_space<hbm>>) target(%arg15 : memref<100x128xf32, #tpu.memory_space<vmem>>) offsets(%dma_start3A_308 : memref<100xi32, #tpu.memory_space<vmem>>) semaphore(%arg20 : memref<!tpu.dma_semaphore, #tpu.memory_space<semaphore_mem>>)
      %dma_start3A_312 = arith.constant 0 : i32
      %dma_start3A_313 = tpu.memref_slice %arg13[%add3A_299, %dma_start3A_312] : memref<16x100xi32, #tpu.memory_space<vmem>> -> memref<1x100xi32, #tpu.memory_space<vmem>>
      %dma_start3A_314 = tpu.memref_squeeze %dma_start3A_313 : memref<1x100xi32, #tpu.memory_space<vmem>> -> memref<100xi32, #tpu.memory_space<vmem>>
      %dma_start3A_315 = arith.constant 0 : i32
      %dma_start3A_316 = arith.constant 0 : i32
      %dma_start3A_317 = tpu.memref_slice %arg7[%dma_start3A_315, %dma_start3A_316] : memref<1001x128xf32, #tpu.memory_space<hbm>> -> memref<1001x128xf32, #tpu.memory_space<hbm>>
      tpu.enqueue_indirect_dma source(%dma_start3A_317 : memref<1001x128xf32, #tpu.memory_space<hbm>>) target(%arg16 : memref<100x128xf32, #tpu.memory_space<vmem>>) offsets(%dma_start3A_314 : memref<100xi32, #tpu.memory_space<vmem>>) semaphore(%arg20 : memref<!tpu.dma_semaphore, #tpu.memory_space<semaphore_mem>>)
      %mul3A_318 = arith.constant 100 : i32
      %mul3A_319 = arith.muli %add3A_258, %mul3A_318 : i32
      %add3A_320 = arith.addi %mul3A_2, %mul3A_319 : i32
      %mul3A_321 = arith.constant 100 : i32
      %mul3A_322 = arith.muli %add3A_258, %mul3A_321 : i32
      %add3A_323 = arith.addi %mul3A_2, %mul3A_322 : i32
      %mul3A_324 = arith.constant 100 : i32
      %mul3A_325 = arith.muli %add3A_258, %mul3A_324 : i32
      %add3A_326 = arith.addi %mul3A_2, %mul3A_325 : i32
      %dma_start3A_327 = arith.constant 0 : i32
      %dma_start3A_328 = tpu.memref_slice %arg8[%add3A_320, %dma_start3A_327] : memref<51200x128xf32, #tpu.memory_space<hbm>> -> memref<100x128xf32, #tpu.memory_space<hbm>>
      %dma_start3A_329 = arith.constant 0 : i32
      %dma_start3A_330 = tpu.memref_slice %arg8[%add3A_320, %dma_start3A_329] : memref<51200x128xf32, #tpu.memory_space<hbm>> -> memref<100x128xf32, #tpu.memory_space<hbm>>
      tpu.enqueue_dma source(%arg17 : memref<100x128xf32, #tpu.memory_space<vmem>>) target(%dma_start3A_330 : memref<100x128xf32, #tpu.memory_space<hbm>>) target_semaphore(%arg23 : memref<!tpu.dma_semaphore, #tpu.memory_space<semaphore_mem>>)
      %dma_start3A_331 = arith.constant 0 : i32
      %dma_start3A_332 = tpu.memref_slice %arg9[%add3A_323, %dma_start3A_331] : memref<51200x128xf32, #tpu.memory_space<hbm>> -> memref<100x128xf32, #tpu.memory_space<hbm>>
      %dma_start3A_333 = arith.constant 0 : i32
      %dma_start3A_334 = tpu.memref_slice %arg9[%add3A_323, %dma_start3A_333] : memref<51200x128xf32, #tpu.memory_space<hbm>> -> memref<100x128xf32, #tpu.memory_space<hbm>>
      tpu.enqueue_dma source(%arg18 : memref<100x128xf32, #tpu.memory_space<vmem>>) target(%dma_start3A_334 : memref<100x128xf32, #tpu.memory_space<hbm>>) target_semaphore(%arg23 : memref<!tpu.dma_semaphore, #tpu.memory_space<semaphore_mem>>)
      %dma_start3A_335 = arith.constant 0 : i32
      %dma_start3A_336 = tpu.memref_slice %arg10[%add3A_326, %dma_start3A_335] : memref<51200x128xf32, #tpu.memory_space<hbm>> -> memref<100x128xf32, #tpu.memory_space<hbm>>
      %dma_start3A_337 = arith.constant 0 : i32
      %dma_start3A_338 = tpu.memref_slice %arg10[%add3A_326, %dma_start3A_337] : memref<51200x128xf32, #tpu.memory_space<hbm>> -> memref<100x128xf32, #tpu.memory_space<hbm>>
      tpu.enqueue_dma source(%arg19 : memref<100x128xf32, #tpu.memory_space<vmem>>) target(%dma_start3A_338 : memref<100x128xf32, #tpu.memory_space<hbm>>) target_semaphore(%arg23 : memref<!tpu.dma_semaphore, #tpu.memory_space<semaphore_mem>>)
    }
    %scan3A_27 = arith.constant 7 : i32
    %dma_wait3A = arith.constant 14 : i32
    %dma_wait3A_28 = arith.constant 0 : i32
    %dma_wait3A_29 = tpu.memref_slice %arg11[%dma_wait3A, %dma_wait3A_28] : memref<16x100xi32, #tpu.memory_space<vmem>> -> memref<1x100xi32, #tpu.memory_space<vmem>>
    %dma_wait3A_30 = tpu.memref_squeeze %dma_wait3A_29 : memref<1x100xi32, #tpu.memory_space<vmem>> -> memref<100xi32, #tpu.memory_space<vmem>>
    %dma_wait3A_31 = arith.constant 0 : i32
    %dma_wait3A_32 = arith.constant 0 : i32
    %dma_wait3A_33 = tpu.memref_slice %arg5[%dma_wait3A_31, %dma_wait3A_32] : memref<100001x128xf32, #tpu.memory_space<hbm>> -> memref<100001x128xf32, #tpu.memory_space<hbm>>
    tpu.wait_indirect_dma semaphore(%arg20 : memref<!tpu.dma_semaphore, #tpu.memory_space<semaphore_mem>>) src(%dma_wait3A_33 : memref<100001x128xf32, #tpu.memory_space<hbm>>) dst(%arg14 : memref<100x128xf32, #tpu.memory_space<vmem>>)
    %dma_wait3A_34 = arith.constant 14 : i32
    %dma_wait3A_35 = arith.constant 0 : i32
    %dma_wait3A_36 = tpu.memref_slice %arg12[%dma_wait3A_34, %dma_wait3A_35] : memref<16x100xi32, #tpu.memory_space<vmem>> -> memref<1x100xi32, #tpu.memory_space<vmem>>
    %dma_wait3A_37 = tpu.memref_squeeze %dma_wait3A_36 : memref<1x100xi32, #tpu.memory_space<vmem>> -> memref<100xi32, #tpu.memory_space<vmem>>
    %dma_wait3A_38 = arith.constant 0 : i32
    %dma_wait3A_39 = arith.constant 0 : i32
    %dma_wait3A_40 = tpu.memref_slice %arg6[%dma_wait3A_38, %dma_wait3A_39] : memref<1001x128xf32, #tpu.memory_space<hbm>> -> memref<1001x128xf32, #tpu.memory_space<hbm>>
    tpu.wait_indirect_dma semaphore(%arg20 : memref<!tpu.dma_semaphore, #tpu.memory_space<semaphore_mem>>) src(%dma_wait3A_40 : memref<1001x128xf32, #tpu.memory_space<hbm>>) dst(%arg15 : memref<100x128xf32, #tpu.memory_space<vmem>>)
    %dma_wait3A_41 = arith.constant 14 : i32
    %dma_wait3A_42 = arith.constant 0 : i32
    %dma_wait3A_43 = tpu.memref_slice %arg13[%dma_wait3A_41, %dma_wait3A_42] : memref<16x100xi32, #tpu.memory_space<vmem>> -> memref<1x100xi32, #tpu.memory_space<vmem>>
    %dma_wait3A_44 = tpu.memref_squeeze %dma_wait3A_43 : memref<1x100xi32, #tpu.memory_space<vmem>> -> memref<100xi32, #tpu.memory_space<vmem>>
    %dma_wait3A_45 = arith.constant 0 : i32
    %dma_wait3A_46 = arith.constant 0 : i32
    %dma_wait3A_47 = tpu.memref_slice %arg7[%dma_wait3A_45, %dma_wait3A_46] : memref<1001x128xf32, #tpu.memory_space<hbm>> -> memref<1001x128xf32, #tpu.memory_space<hbm>>
    tpu.wait_indirect_dma semaphore(%arg20 : memref<!tpu.dma_semaphore, #tpu.memory_space<semaphore_mem>>) src(%dma_wait3A_47 : memref<1001x128xf32, #tpu.memory_space<hbm>>) dst(%arg16 : memref<100x128xf32, #tpu.memory_space<vmem>>)
    %add3A_48 = arith.constant 1400 : i32
    %add3A_49 = arith.addi %mul3A_2, %add3A_48 : i32
    %add3A_50 = arith.constant 1400 : i32
    %add3A_51 = arith.addi %mul3A_2, %add3A_50 : i32
    %add3A_52 = arith.constant 1400 : i32
    %add3A_53 = arith.addi %mul3A_2, %add3A_52 : i32
    %dma_wait3A_54 = arith.constant 0 : i32
    %dma_wait3A_55 = tpu.memref_slice %arg8[%add3A_49, %dma_wait3A_54] : memref<51200x128xf32, #tpu.memory_space<hbm>> -> memref<100x128xf32, #tpu.memory_space<hbm>>
    %dma_wait3A_56 = arith.constant 0 : i32
    %dma_wait3A_57 = tpu.memref_slice %arg8[%add3A_49, %dma_wait3A_56] : memref<51200x128xf32, #tpu.memory_space<hbm>> -> memref<100x128xf32, #tpu.memory_space<hbm>>
    tpu.wait_dma2 semaphore(%arg23 : memref<!tpu.dma_semaphore, #tpu.memory_space<semaphore_mem>>) src(%arg17 : memref<100x128xf32, #tpu.memory_space<vmem>>) dst(%dma_wait3A_57 : memref<100x128xf32, #tpu.memory_space<hbm>>)
    %dma_wait3A_58 = arith.constant 0 : i32
    %dma_wait3A_59 = tpu.memref_slice %arg9[%add3A_51, %dma_wait3A_58] : memref<51200x128xf32, #tpu.memory_space<hbm>> -> memref<100x128xf32, #tpu.memory_space<hbm>>
    %dma_wait3A_60 = arith.constant 0 : i32
    %dma_wait3A_61 = tpu.memref_slice %arg9[%add3A_51, %dma_wait3A_60] : memref<51200x128xf32, #tpu.memory_space<hbm>> -> memref<100x128xf32, #tpu.memory_space<hbm>>
    tpu.wait_dma2 semaphore(%arg23 : memref<!tpu.dma_semaphore, #tpu.memory_space<semaphore_mem>>) src(%arg18 : memref<100x128xf32, #tpu.memory_space<vmem>>) dst(%dma_wait3A_61 : memref<100x128xf32, #tpu.memory_space<hbm>>)
    %dma_wait3A_62 = arith.constant 0 : i32
    %dma_wait3A_63 = tpu.memref_slice %arg10[%add3A_53, %dma_wait3A_62] : memref<51200x128xf32, #tpu.memory_space<hbm>> -> memref<100x128xf32, #tpu.memory_space<hbm>>
    %dma_wait3A_64 = arith.constant 0 : i32
    %dma_wait3A_65 = tpu.memref_slice %arg10[%add3A_53, %dma_wait3A_64] : memref<51200x128xf32, #tpu.memory_space<hbm>> -> memref<100x128xf32, #tpu.memory_space<hbm>>
    tpu.wait_dma2 semaphore(%arg23 : memref<!tpu.dma_semaphore, #tpu.memory_space<semaphore_mem>>) src(%arg19 : memref<100x128xf32, #tpu.memory_space<vmem>>) dst(%dma_wait3A_65 : memref<100x128xf32, #tpu.memory_space<hbm>>)
    %dma_start3A_66 = arith.constant 15 : i32
    %dma_start3A_67 = arith.constant 0 : i32
    %dma_start3A_68 = tpu.memref_slice %arg11[%dma_start3A_66, %dma_start3A_67] : memref<16x100xi32, #tpu.memory_space<vmem>> -> memref<1x100xi32, #tpu.memory_space<vmem>>
    %dma_start3A_69 = tpu.memref_squeeze %dma_start3A_68 : memref<1x100xi32, #tpu.memory_space<vmem>> -> memref<100xi32, #tpu.memory_space<vmem>>
    %dma_start3A_70 = arith.constant 0 : i32
    %dma_start3A_71 = arith.constant 0 : i32
    %dma_start3A_72 = tpu.memref_slice %arg5[%dma_start3A_70, %dma_start3A_71] : memref<100001x128xf32, #tpu.memory_space<hbm>> -> memref<100001x128xf32, #tpu.memory_space<hbm>>
    tpu.enqueue_indirect_dma source(%dma_start3A_72 : memref<100001x128xf32, #tpu.memory_space<hbm>>) target(%arg17 : memref<100x128xf32, #tpu.memory_space<vmem>>) offsets(%dma_start3A_69 : memref<100xi32, #tpu.memory_space<vmem>>) semaphore(%arg21 : memref<!tpu.dma_semaphore, #tpu.memory_space<semaphore_mem>>)
    %dma_start3A_73 = arith.constant 15 : i32
    %dma_start3A_74 = arith.constant 0 : i32
    %dma_start3A_75 = tpu.memref_slice %arg12[%dma_start3A_73, %dma_start3A_74] : memref<16x100xi32, #tpu.memory_space<vmem>> -> memref<1x100xi32, #tpu.memory_space<vmem>>
    %dma_start3A_76 = tpu.memref_squeeze %dma_start3A_75 : memref<1x100xi32, #tpu.memory_space<vmem>> -> memref<100xi32, #tpu.memory_space<vmem>>
    %dma_start3A_77 = arith.constant 0 : i32
    %dma_start3A_78 = arith.constant 0 : i32
    %dma_start3A_79 = tpu.memref_slice %arg6[%dma_start3A_77, %dma_start3A_78] : memref<1001x128xf32, #tpu.memory_space<hbm>> -> memref<1001x128xf32, #tpu.memory_space<hbm>>
    tpu.enqueue_indirect_dma source(%dma_start3A_79 : memref<1001x128xf32, #tpu.memory_space<hbm>>) target(%arg18 : memref<100x128xf32, #tpu.memory_space<vmem>>) offsets(%dma_start3A_76 : memref<100xi32, #tpu.memory_space<vmem>>) semaphore(%arg21 : memref<!tpu.dma_semaphore, #tpu.memory_space<semaphore_mem>>)
    %dma_start3A_80 = arith.constant 15 : i32
    %dma_start3A_81 = arith.constant 0 : i32
    %dma_start3A_82 = tpu.memref_slice %arg13[%dma_start3A_80, %dma_start3A_81] : memref<16x100xi32, #tpu.memory_space<vmem>> -> memref<1x100xi32, #tpu.memory_space<vmem>>
    %dma_start3A_83 = tpu.memref_squeeze %dma_start3A_82 : memref<1x100xi32, #tpu.memory_space<vmem>> -> memref<100xi32, #tpu.memory_space<vmem>>
    %dma_start3A_84 = arith.constant 0 : i32
    %dma_start3A_85 = arith.constant 0 : i32
    %dma_start3A_86 = tpu.memref_slice %arg7[%dma_start3A_84, %dma_start3A_85] : memref<1001x128xf32, #tpu.memory_space<hbm>> -> memref<1001x128xf32, #tpu.memory_space<hbm>>
    tpu.enqueue_indirect_dma source(%dma_start3A_86 : memref<1001x128xf32, #tpu.memory_space<hbm>>) target(%arg19 : memref<100x128xf32, #tpu.memory_space<vmem>>) offsets(%dma_start3A_83 : memref<100xi32, #tpu.memory_space<vmem>>) semaphore(%arg21 : memref<!tpu.dma_semaphore, #tpu.memory_space<semaphore_mem>>)
    %add3A_87 = arith.constant 1400 : i32
    %add3A_88 = arith.addi %mul3A_2, %add3A_87 : i32
    %add3A_89 = arith.constant 1400 : i32
    %add3A_90 = arith.addi %mul3A_2, %add3A_89 : i32
    %add3A_91 = arith.constant 1400 : i32
    %add3A_92 = arith.addi %mul3A_2, %add3A_91 : i32
    %dma_start3A_93 = arith.constant 0 : i32
    %dma_start3A_94 = tpu.memref_slice %arg8[%add3A_88, %dma_start3A_93] : memref<51200x128xf32, #tpu.memory_space<hbm>> -> memref<100x128xf32, #tpu.memory_space<hbm>>
    %dma_start3A_95 = arith.constant 0 : i32
    %dma_start3A_96 = tpu.memref_slice %arg8[%add3A_88, %dma_start3A_95] : memref<51200x128xf32, #tpu.memory_space<hbm>> -> memref<100x128xf32, #tpu.memory_space<hbm>>
    tpu.enqueue_dma source(%arg14 : memref<100x128xf32, #tpu.memory_space<vmem>>) target(%dma_start3A_96 : memref<100x128xf32, #tpu.memory_space<hbm>>) target_semaphore(%arg22 : memref<!tpu.dma_semaphore, #tpu.memory_space<semaphore_mem>>)
    %dma_start3A_97 = arith.constant 0 : i32
    %dma_start3A_98 = tpu.memref_slice %arg9[%add3A_90, %dma_start3A_97] : memref<51200x128xf32, #tpu.memory_space<hbm>> -> memref<100x128xf32, #tpu.memory_space<hbm>>
    %dma_start3A_99 = arith.constant 0 : i32
    %dma_start3A_100 = tpu.memref_slice %arg9[%add3A_90, %dma_start3A_99] : memref<51200x128xf32, #tpu.memory_space<hbm>> -> memref<100x128xf32, #tpu.memory_space<hbm>>
    tpu.enqueue_dma source(%arg15 : memref<100x128xf32, #tpu.memory_space<vmem>>) target(%dma_start3A_100 : memref<100x128xf32, #tpu.memory_space<hbm>>) target_semaphore(%arg22 : memref<!tpu.dma_semaphore, #tpu.memory_space<semaphore_mem>>)
    %dma_start3A_101 = arith.constant 0 : i32
    %dma_start3A_102 = tpu.memref_slice %arg10[%add3A_92, %dma_start3A_101] : memref<51200x128xf32, #tpu.memory_space<hbm>> -> memref<100x128xf32, #tpu.memory_space<hbm>>
    %dma_start3A_103 = arith.constant 0 : i32
    %dma_start3A_104 = tpu.memref_slice %arg10[%add3A_92, %dma_start3A_103] : memref<51200x128xf32, #tpu.memory_space<hbm>> -> memref<100x128xf32, #tpu.memory_space<hbm>>
    tpu.enqueue_dma source(%arg16 : memref<100x128xf32, #tpu.memory_space<vmem>>) target(%dma_start3A_104 : memref<100x128xf32, #tpu.memory_space<hbm>>) target_semaphore(%arg22 : memref<!tpu.dma_semaphore, #tpu.memory_space<semaphore_mem>>)
    %dma_wait3A_105 = arith.constant 15 : i32
    %dma_wait3A_106 = arith.constant 0 : i32
    %dma_wait3A_107 = tpu.memref_slice %arg11[%dma_wait3A_105, %dma_wait3A_106] : memref<16x100xi32, #tpu.memory_space<vmem>> -> memref<1x100xi32, #tpu.memory_space<vmem>>
    %dma_wait3A_108 = tpu.memref_squeeze %dma_wait3A_107 : memref<1x100xi32, #tpu.memory_space<vmem>> -> memref<100xi32, #tpu.memory_space<vmem>>
    %dma_wait3A_109 = arith.constant 0 : i32
    %dma_wait3A_110 = arith.constant 0 : i32
    %dma_wait3A_111 = tpu.memref_slice %arg5[%dma_wait3A_109, %dma_wait3A_110] : memref<100001x128xf32, #tpu.memory_space<hbm>> -> memref<100001x128xf32, #tpu.memory_space<hbm>>
    tpu.wait_indirect_dma semaphore(%arg21 : memref<!tpu.dma_semaphore, #tpu.memory_space<semaphore_mem>>) src(%dma_wait3A_111 : memref<100001x128xf32, #tpu.memory_space<hbm>>) dst(%arg17 : memref<100x128xf32, #tpu.memory_space<vmem>>)
    %dma_wait3A_112 = arith.constant 15 : i32
    %dma_wait3A_113 = arith.constant 0 : i32
    %dma_wait3A_114 = tpu.memref_slice %arg12[%dma_wait3A_112, %dma_wait3A_113] : memref<16x100xi32, #tpu.memory_space<vmem>> -> memref<1x100xi32, #tpu.memory_space<vmem>>
    %dma_wait3A_115 = tpu.memref_squeeze %dma_wait3A_114 : memref<1x100xi32, #tpu.memory_space<vmem>> -> memref<100xi32, #tpu.memory_space<vmem>>
    %dma_wait3A_116 = arith.constant 0 : i32
    %dma_wait3A_117 = arith.constant 0 : i32
    %dma_wait3A_118 = tpu.memref_slice %arg6[%dma_wait3A_116, %dma_wait3A_117] : memref<1001x128xf32, #tpu.memory_space<hbm>> -> memref<1001x128xf32, #tpu.memory_space<hbm>>
    tpu.wait_indirect_dma semaphore(%arg21 : memref<!tpu.dma_semaphore, #tpu.memory_space<semaphore_mem>>) src(%dma_wait3A_118 : memref<1001x128xf32, #tpu.memory_space<hbm>>) dst(%arg18 : memref<100x128xf32, #tpu.memory_space<vmem>>)
    %dma_wait3A_119 = arith.constant 15 : i32
    %dma_wait3A_120 = arith.constant 0 : i32
    %dma_wait3A_121 = tpu.memref_slice %arg13[%dma_wait3A_119, %dma_wait3A_120] : memref<16x100xi32, #tpu.memory_space<vmem>> -> memref<1x100xi32, #tpu.memory_space<vmem>>
    %dma_wait3A_122 = tpu.memref_squeeze %dma_wait3A_121 : memref<1x100xi32, #tpu.memory_space<vmem>> -> memref<100xi32, #tpu.memory_space<vmem>>
    %dma_wait3A_123 = arith.constant 0 : i32
    %dma_wait3A_124 = arith.constant 0 : i32
    %dma_wait3A_125 = tpu.memref_slice %arg7[%dma_wait3A_123, %dma_wait3A_124] : memref<1001x128xf32, #tpu.memory_space<hbm>> -> memref<1001x128xf32, #tpu.memory_space<hbm>>
    tpu.wait_indirect_dma semaphore(%arg21 : memref<!tpu.dma_semaphore, #tpu.memory_space<semaphore_mem>>) src(%dma_wait3A_125 : memref<1001x128xf32, #tpu.memory_space<hbm>>) dst(%arg19 : memref<100x128xf32, #tpu.memory_space<vmem>>)
    %add3A_126 = arith.constant 1500 : i32
    %add3A_127 = arith.addi %mul3A_2, %add3A_126 : i32
    %add3A_128 = arith.constant 1500 : i32
    %add3A_129 = arith.addi %mul3A_2, %add3A_128 : i32
    %add3A_130 = arith.constant 1500 : i32
    %add3A_131 = arith.addi %mul3A_2, %add3A_130 : i32
    %dma_wait3A_132 = arith.constant 0 : i32
    %dma_wait3A_133 = tpu.memref_slice %arg8[%add3A_127, %dma_wait3A_132] : memref<51200x128xf32, #tpu.memory_space<hbm>> -> memref<100x128xf32, #tpu.memory_space<hbm>>
    %dma_wait3A_134 = arith.constant 0 : i32
    %dma_wait3A_135 = tpu.memref_slice %arg8[%add3A_127, %dma_wait3A_134] : memref<51200x128xf32, #tpu.memory_space<hbm>> -> memref<100x128xf32, #tpu.memory_space<hbm>>
    tpu.wait_dma2 semaphore(%arg22 : memref<!tpu.dma_semaphore, #tpu.memory_space<semaphore_mem>>) src(%arg14 : memref<100x128xf32, #tpu.memory_space<vmem>>) dst(%dma_wait3A_135 : memref<100x128xf32, #tpu.memory_space<hbm>>)
    %dma_wait3A_136 = arith.constant 0 : i32
    %dma_wait3A_137 = tpu.memref_slice %arg9[%add3A_129, %dma_wait3A_136] : memref<51200x128xf32, #tpu.memory_space<hbm>> -> memref<100x128xf32, #tpu.memory_space<hbm>>
    %dma_wait3A_138 = arith.constant 0 : i32
    %dma_wait3A_139 = tpu.memref_slice %arg9[%add3A_129, %dma_wait3A_138] : memref<51200x128xf32, #tpu.memory_space<hbm>> -> memref<100x128xf32, #tpu.memory_space<hbm>>
    tpu.wait_dma2 semaphore(%arg22 : memref<!tpu.dma_semaphore, #tpu.memory_space<semaphore_mem>>) src(%arg15 : memref<100x128xf32, #tpu.memory_space<vmem>>) dst(%dma_wait3A_139 : memref<100x128xf32, #tpu.memory_space<hbm>>)
    %dma_wait3A_140 = arith.constant 0 : i32
    %dma_wait3A_141 = tpu.memref_slice %arg10[%add3A_131, %dma_wait3A_140] : memref<51200x128xf32, #tpu.memory_space<hbm>> -> memref<100x128xf32, #tpu.memory_space<hbm>>
    %dma_wait3A_142 = arith.constant 0 : i32
    %dma_wait3A_143 = tpu.memref_slice %arg10[%add3A_131, %dma_wait3A_142] : memref<51200x128xf32, #tpu.memory_space<hbm>> -> memref<100x128xf32, #tpu.memory_space<hbm>>
    tpu.wait_dma2 semaphore(%arg22 : memref<!tpu.dma_semaphore, #tpu.memory_space<semaphore_mem>>) src(%arg16 : memref<100x128xf32, #tpu.memory_space<vmem>>) dst(%dma_wait3A_143 : memref<100x128xf32, #tpu.memory_space<hbm>>)
    %add3A_144 = arith.constant 1500 : i32
    %add3A_145 = arith.addi %mul3A_2, %add3A_144 : i32
    %add3A_146 = arith.constant 1500 : i32
    %add3A_147 = arith.addi %mul3A_2, %add3A_146 : i32
    %add3A_148 = arith.constant 1500 : i32
    %add3A_149 = arith.addi %mul3A_2, %add3A_148 : i32
    %dma_start3A_150 = arith.constant 0 : i32
    %dma_start3A_151 = tpu.memref_slice %arg8[%add3A_145, %dma_start3A_150] : memref<51200x128xf32, #tpu.memory_space<hbm>> -> memref<100x128xf32, #tpu.memory_space<hbm>>
    %dma_start3A_152 = arith.constant 0 : i32
    %dma_start3A_153 = tpu.memref_slice %arg8[%add3A_145, %dma_start3A_152] : memref<51200x128xf32, #tpu.memory_space<hbm>> -> memref<100x128xf32, #tpu.memory_space<hbm>>
    tpu.enqueue_dma source(%arg17 : memref<100x128xf32, #tpu.memory_space<vmem>>) target(%dma_start3A_153 : memref<100x128xf32, #tpu.memory_space<hbm>>) target_semaphore(%arg23 : memref<!tpu.dma_semaphore, #tpu.memory_space<semaphore_mem>>)
    %dma_start3A_154 = arith.constant 0 : i32
    %dma_start3A_155 = tpu.memref_slice %arg9[%add3A_147, %dma_start3A_154] : memref<51200x128xf32, #tpu.memory_space<hbm>> -> memref<100x128xf32, #tpu.memory_space<hbm>>
    %dma_start3A_156 = arith.constant 0 : i32
    %dma_start3A_157 = tpu.memref_slice %arg9[%add3A_147, %dma_start3A_156] : memref<51200x128xf32, #tpu.memory_space<hbm>> -> memref<100x128xf32, #tpu.memory_space<hbm>>
    tpu.enqueue_dma source(%arg18 : memref<100x128xf32, #tpu.memory_space<vmem>>) target(%dma_start3A_157 : memref<100x128xf32, #tpu.memory_space<hbm>>) target_semaphore(%arg23 : memref<!tpu.dma_semaphore, #tpu.memory_space<semaphore_mem>>)
    %dma_start3A_158 = arith.constant 0 : i32
    %dma_start3A_159 = tpu.memref_slice %arg10[%add3A_149, %dma_start3A_158] : memref<51200x128xf32, #tpu.memory_space<hbm>> -> memref<100x128xf32, #tpu.memory_space<hbm>>
    %dma_start3A_160 = arith.constant 0 : i32
    %dma_start3A_161 = tpu.memref_slice %arg10[%add3A_149, %dma_start3A_160] : memref<51200x128xf32, #tpu.memory_space<hbm>> -> memref<100x128xf32, #tpu.memory_space<hbm>>
    tpu.enqueue_dma source(%arg19 : memref<100x128xf32, #tpu.memory_space<vmem>>) target(%dma_start3A_161 : memref<100x128xf32, #tpu.memory_space<hbm>>) target_semaphore(%arg23 : memref<!tpu.dma_semaphore, #tpu.memory_space<semaphore_mem>>)
    %add3A_162 = arith.constant 1500 : i32
    %add3A_163 = arith.addi %mul3A_2, %add3A_162 : i32
    %add3A_164 = arith.constant 1500 : i32
    %add3A_165 = arith.addi %mul3A_2, %add3A_164 : i32
    %add3A_166 = arith.constant 1500 : i32
    %add3A_167 = arith.addi %mul3A_2, %add3A_166 : i32
    %dma_wait3A_168 = arith.constant 0 : i32
    %dma_wait3A_169 = tpu.memref_slice %arg8[%add3A_163, %dma_wait3A_168] : memref<51200x128xf32, #tpu.memory_space<hbm>> -> memref<100x128xf32, #tpu.memory_space<hbm>>
    %dma_wait3A_170 = arith.constant 0 : i32
    %dma_wait3A_171 = tpu.memref_slice %arg8[%add3A_163, %dma_wait3A_170] : memref<51200x128xf32, #tpu.memory_space<hbm>> -> memref<100x128xf32, #tpu.memory_space<hbm>>
    tpu.wait_dma2 semaphore(%arg23 : memref<!tpu.dma_semaphore, #tpu.memory_space<semaphore_mem>>) src(%arg17 : memref<100x128xf32, #tpu.memory_space<vmem>>) dst(%dma_wait3A_171 : memref<100x128xf32, #tpu.memory_space<hbm>>)
    %dma_wait3A_172 = arith.constant 0 : i32
    %dma_wait3A_173 = tpu.memref_slice %arg9[%add3A_165, %dma_wait3A_172] : memref<51200x128xf32, #tpu.memory_space<hbm>> -> memref<100x128xf32, #tpu.memory_space<hbm>>
    %dma_wait3A_174 = arith.constant 0 : i32
    %dma_wait3A_175 = tpu.memref_slice %arg9[%add3A_165, %dma_wait3A_174] : memref<51200x128xf32, #tpu.memory_space<hbm>> -> memref<100x128xf32, #tpu.memory_space<hbm>>
    tpu.wait_dma2 semaphore(%arg23 : memref<!tpu.dma_semaphore, #tpu.memory_space<semaphore_mem>>) src(%arg18 : memref<100x128xf32, #tpu.memory_space<vmem>>) dst(%dma_wait3A_175 : memref<100x128xf32, #tpu.memory_space<hbm>>)
    %dma_wait3A_176 = arith.constant 0 : i32
    %dma_wait3A_177 = tpu.memref_slice %arg10[%add3A_167, %dma_wait3A_176] : memref<51200x128xf32, #tpu.memory_space<hbm>> -> memref<100x128xf32, #tpu.memory_space<hbm>>
    %dma_wait3A_178 = arith.constant 0 : i32
    %dma_wait3A_179 = tpu.memref_slice %arg10[%add3A_167, %dma_wait3A_178] : memref<51200x128xf32, #tpu.memory_space<hbm>> -> memref<100x128xf32, #tpu.memory_space<hbm>>
    tpu.wait_dma2 semaphore(%arg23 : memref<!tpu.dma_semaphore, #tpu.memory_space<semaphore_mem>>) src(%arg19 : memref<100x128xf32, #tpu.memory_space<vmem>>) dst(%dma_wait3A_179 : memref<100x128xf32, #tpu.memory_space<hbm>>)
    return
  }
}

#map = affine_map<(d0, d1) -> (0, 0, 0)>
#map1 = affine_map<(d0, d1) -> (0, 0)>
module attributes {stable_mosaic.version = 14 : i64} {
  func.func @k(%arg0: i32, %arg1: i32, %arg2: memref<32x16x100xi32, #tpu.memory_space<hbm>>, %arg3: memref<32x16x100xi32, #tpu.memory_space<hbm>>, %arg4: memref<32x16x100xi32, #tpu.memory_space<hbm>>, %arg5: memref<100001x128xf32, #tpu.memory_space<hbm>>, %arg6: memref<1001x128xf32, #tpu.memory_space<hbm>>, %arg7: memref<1001x128xf32, #tpu.memory_space<hbm>>, %arg8: memref<51200x128xf32, #tpu.memory_space<hbm>>, %arg9: memref<51200x128xf32, #tpu.memory_space<hbm>>, %arg10: memref<51200x128xf32, #tpu.memory_space<hbm>>, %arg11: memref<16x100xi32, #tpu.memory_space<vmem>>, %arg12: memref<16x100xi32, #tpu.memory_space<vmem>>, %arg13: memref<16x100xi32, #tpu.memory_space<vmem>>, %arg14: memref<100x128xf32, #tpu.memory_space<vmem>>, %arg15: memref<100x128xf32, #tpu.memory_space<vmem>>, %arg16: memref<100x128xf32, #tpu.memory_space<vmem>>, %arg17: memref<100x128xf32, #tpu.memory_space<vmem>>, %arg18: memref<100x128xf32, #tpu.memory_space<vmem>>, %arg19: memref<100x128xf32, #tpu.memory_space<vmem>>, %arg20: memref<!tpu.dma_semaphore, #tpu.memory_space<semaphore_mem>>, %arg21: memref<!tpu.dma_semaphore, #tpu.memory_space<semaphore_mem>>, %arg22: memref<!tpu.dma_semaphore, #tpu.memory_space<semaphore_mem>>, %arg23: memref<!tpu.dma_semaphore, #tpu.memory_space<semaphore_mem>>) attributes {dimension_semantics = [#tpu.dimension_semantics<core_parallel>, #tpu.dimension_semantics<subcore_parallel>], iteration_bounds = array<i64: 2, 16>, scalar_prefetch = 0 : i64, scratch_operands = 13 : i64, tpu.core_type = #tpu.core_type<sc_vector_subcore>, window_params = [{transform_indices = #map}, {transform_indices = #map}, {transform_indices = #map}, {transform_indices = #map1}, {transform_indices = #map1}, {transform_indices = #map1}, {transform_indices = #map1}, {transform_indices = #map1}, {transform_indices = #map1}]} {
    %mul3A = arith.constant 2 : i32
    %mul3A_0 = arith.muli %arg1, %mul3A : i32
    %add3A = arith.addi %mul3A_0, %arg0 : i32
    %mul3A_1 = arith.constant 1600 : i32
    %mul3A_2 = arith.muli %add3A, %mul3A_1 : i32
    "tpu.region"() ({
      %run_scoped3A = tpu.sem_alloc : memref<!tpu.dma_semaphore, #tpu.memory_space<semaphore_mem>>
      %dma_start3A_180 = arith.constant 0 : i32
      %dma_start3A_181 = arith.constant 0 : i32
      %dma_start3A_182 = tpu.memref_slice %arg2[%add3A, %dma_start3A_180, %dma_start3A_181] : memref<32x16x100xi32, #tpu.memory_space<hbm>> -> memref<1x16x100xi32, #tpu.memory_space<hbm>>
      %dma_start3A_183 = tpu.memref_squeeze %dma_start3A_182 : memref<1x16x100xi32, #tpu.memory_space<hbm>> -> memref<16x100xi32, #tpu.memory_space<hbm>>
      %dma_start3A_184 = arith.constant 0 : i32
      %dma_start3A_185 = arith.constant 0 : i32
      %dma_start3A_186 = tpu.memref_slice %arg2[%add3A, %dma_start3A_184, %dma_start3A_185] : memref<32x16x100xi32, #tpu.memory_space<hbm>> -> memref<1x16x100xi32, #tpu.memory_space<hbm>>
      %dma_start3A_187 = tpu.memref_squeeze %dma_start3A_186 : memref<1x16x100xi32, #tpu.memory_space<hbm>> -> memref<16x100xi32, #tpu.memory_space<hbm>>
      tpu.enqueue_dma source(%dma_start3A_187 : memref<16x100xi32, #tpu.memory_space<hbm>>) target(%arg11 : memref<16x100xi32, #tpu.memory_space<vmem>>) target_semaphore(%run_scoped3A : memref<!tpu.dma_semaphore, #tpu.memory_space<semaphore_mem>>)
      %dma_wait3A_188 = arith.constant 0 : i32
      %dma_wait3A_189 = arith.constant 0 : i32
      %dma_wait3A_190 = tpu.memref_slice %arg2[%add3A, %dma_wait3A_188, %dma_wait3A_189] : memref<32x16x100xi32, #tpu.memory_space<hbm>> -> memref<1x16x100xi32, #tpu.memory_space<hbm>>
      %dma_wait3A_191 = tpu.memref_squeeze %dma_wait3A_190 : memref<1x16x100xi32, #tpu.memory_space<hbm>> -> memref<16x100xi32, #tpu.memory_space<hbm>>
      %dma_wait3A_192 = arith.constant 0 : i32
      %dma_wait3A_193 = arith.constant 0 : i32
      %dma_wait3A_194 = tpu.memref_slice %arg2[%add3A, %dma_wait3A_192, %dma_wait3A_193] : memref<32x16x100xi32, #tpu.memory_space<hbm>> -> memref<1x16x100xi32, #tpu.memory_space<hbm>>
      %dma_wait3A_195 = tpu.memref_squeeze %dma_wait3A_194 : memref<1x16x100xi32, #tpu.memory_space<hbm>> -> memref<16x100xi32, #tpu.memory_space<hbm>>
      tpu.wait_dma2 semaphore(%run_scoped3A : memref<!tpu.dma_semaphore, #tpu.memory_space<semaphore_mem>>) src(%dma_wait3A_195 : memref<16x100xi32, #tpu.memory_space<hbm>>) dst(%arg11 : memref<16x100xi32, #tpu.memory_space<vmem>>)
      tpu.yield
    }) : () -> ()
    "tpu.region"() ({
      %run_scoped3A = tpu.sem_alloc : memref<!tpu.dma_semaphore, #tpu.memory_space<semaphore_mem>>
      %dma_start3A_180 = arith.constant 0 : i32
      %dma_start3A_181 = arith.constant 0 : i32
      %dma_start3A_182 = tpu.memref_slice %arg3[%add3A, %dma_start3A_180, %dma_start3A_181] : memref<32x16x100xi32, #tpu.memory_space<hbm>> -> memref<1x16x100xi32, #tpu.memory_space<hbm>>
      %dma_start3A_183 = tpu.memref_squeeze %dma_start3A_182 : memref<1x16x100xi32, #tpu.memory_space<hbm>> -> memref<16x100xi32, #tpu.memory_space<hbm>>
      %dma_start3A_184 = arith.constant 0 : i32
      %dma_start3A_185 = arith.constant 0 : i32
      %dma_start3A_186 = tpu.memref_slice %arg3[%add3A, %dma_start3A_184, %dma_start3A_185] : memref<32x16x100xi32, #tpu.memory_space<hbm>> -> memref<1x16x100xi32, #tpu.memory_space<hbm>>
      %dma_start3A_187 = tpu.memref_squeeze %dma_start3A_186 : memref<1x16x100xi32, #tpu.memory_space<hbm>> -> memref<16x100xi32, #tpu.memory_space<hbm>>
      tpu.enqueue_dma source(%dma_start3A_187 : memref<16x100xi32, #tpu.memory_space<hbm>>) target(%arg12 : memref<16x100xi32, #tpu.memory_space<vmem>>) target_semaphore(%run_scoped3A : memref<!tpu.dma_semaphore, #tpu.memory_space<semaphore_mem>>)
      %dma_wait3A_188 = arith.constant 0 : i32
      %dma_wait3A_189 = arith.constant 0 : i32
      %dma_wait3A_190 = tpu.memref_slice %arg3[%add3A, %dma_wait3A_188, %dma_wait3A_189] : memref<32x16x100xi32, #tpu.memory_space<hbm>> -> memref<1x16x100xi32, #tpu.memory_space<hbm>>
      %dma_wait3A_191 = tpu.memref_squeeze %dma_wait3A_190 : memref<1x16x100xi32, #tpu.memory_space<hbm>> -> memref<16x100xi32, #tpu.memory_space<hbm>>
      %dma_wait3A_192 = arith.constant 0 : i32
      %dma_wait3A_193 = arith.constant 0 : i32
      %dma_wait3A_194 = tpu.memref_slice %arg3[%add3A, %dma_wait3A_192, %dma_wait3A_193] : memref<32x16x100xi32, #tpu.memory_space<hbm>> -> memref<1x16x100xi32, #tpu.memory_space<hbm>>
      %dma_wait3A_195 = tpu.memref_squeeze %dma_wait3A_194 : memref<1x16x100xi32, #tpu.memory_space<hbm>> -> memref<16x100xi32, #tpu.memory_space<hbm>>
      tpu.wait_dma2 semaphore(%run_scoped3A : memref<!tpu.dma_semaphore, #tpu.memory_space<semaphore_mem>>) src(%dma_wait3A_195 : memref<16x100xi32, #tpu.memory_space<hbm>>) dst(%arg12 : memref<16x100xi32, #tpu.memory_space<vmem>>)
      tpu.yield
    }) : () -> ()
    "tpu.region"() ({
      %run_scoped3A = tpu.sem_alloc : memref<!tpu.dma_semaphore, #tpu.memory_space<semaphore_mem>>
      %dma_start3A_180 = arith.constant 0 : i32
      %dma_start3A_181 = arith.constant 0 : i32
      %dma_start3A_182 = tpu.memref_slice %arg4[%add3A, %dma_start3A_180, %dma_start3A_181] : memref<32x16x100xi32, #tpu.memory_space<hbm>> -> memref<1x16x100xi32, #tpu.memory_space<hbm>>
      %dma_start3A_183 = tpu.memref_squeeze %dma_start3A_182 : memref<1x16x100xi32, #tpu.memory_space<hbm>> -> memref<16x100xi32, #tpu.memory_space<hbm>>
      %dma_start3A_184 = arith.constant 0 : i32
      %dma_start3A_185 = arith.constant 0 : i32
      %dma_start3A_186 = tpu.memref_slice %arg4[%add3A, %dma_start3A_184, %dma_start3A_185] : memref<32x16x100xi32, #tpu.memory_space<hbm>> -> memref<1x16x100xi32, #tpu.memory_space<hbm>>
      %dma_start3A_187 = tpu.memref_squeeze %dma_start3A_186 : memref<1x16x100xi32, #tpu.memory_space<hbm>> -> memref<16x100xi32, #tpu.memory_space<hbm>>
      tpu.enqueue_dma source(%dma_start3A_187 : memref<16x100xi32, #tpu.memory_space<hbm>>) target(%arg13 : memref<16x100xi32, #tpu.memory_space<vmem>>) target_semaphore(%run_scoped3A : memref<!tpu.dma_semaphore, #tpu.memory_space<semaphore_mem>>)
      %dma_wait3A_188 = arith.constant 0 : i32
      %dma_wait3A_189 = arith.constant 0 : i32
      %dma_wait3A_190 = tpu.memref_slice %arg4[%add3A, %dma_wait3A_188, %dma_wait3A_189] : memref<32x16x100xi32, #tpu.memory_space<hbm>> -> memref<1x16x100xi32, #tpu.memory_space<hbm>>
      %dma_wait3A_191 = tpu.memref_squeeze %dma_wait3A_190 : memref<1x16x100xi32, #tpu.memory_space<hbm>> -> memref<16x100xi32, #tpu.memory_space<hbm>>
      %dma_wait3A_192 = arith.constant 0 : i32
      %dma_wait3A_193 = arith.constant 0 : i32
      %dma_wait3A_194 = tpu.memref_slice %arg4[%add3A, %dma_wait3A_192, %dma_wait3A_193] : memref<32x16x100xi32, #tpu.memory_space<hbm>> -> memref<1x16x100xi32, #tpu.memory_space<hbm>>
      %dma_wait3A_195 = tpu.memref_squeeze %dma_wait3A_194 : memref<1x16x100xi32, #tpu.memory_space<hbm>> -> memref<16x100xi32, #tpu.memory_space<hbm>>
      tpu.wait_dma2 semaphore(%run_scoped3A : memref<!tpu.dma_semaphore, #tpu.memory_space<semaphore_mem>>) src(%dma_wait3A_195 : memref<16x100xi32, #tpu.memory_space<hbm>>) dst(%arg13 : memref<16x100xi32, #tpu.memory_space<vmem>>)
      tpu.yield
    }) : () -> ()
    %dma_start3A = arith.constant 0 : i32
    %dma_start3A_3 = arith.constant 0 : i32
    %dma_start3A_4 = tpu.memref_slice %arg11[%dma_start3A, %dma_start3A_3] : memref<16x100xi32, #tpu.memory_space<vmem>> -> memref<1x100xi32, #tpu.memory_space<vmem>>
    %dma_start3A_5 = tpu.memref_squeeze %dma_start3A_4 : memref<1x100xi32, #tpu.memory_space<vmem>> -> memref<100xi32, #tpu.memory_space<vmem>>
    %dma_start3A_6 = arith.constant 0 : i32
    %dma_start3A_7 = arith.constant 0 : i32
    %dma_start3A_8 = tpu.memref_slice %arg5[%dma_start3A_6, %dma_start3A_7] : memref<100001x128xf32, #tpu.memory_space<hbm>> -> memref<100001x128xf32, #tpu.memory_space<hbm>>
    tpu.enqueue_indirect_dma source(%dma_start3A_8 : memref<100001x128xf32, #tpu.memory_space<hbm>>) target(%arg14 : memref<100x128xf32, #tpu.memory_space<vmem>>) offsets(%dma_start3A_5 : memref<100xi32, #tpu.memory_space<vmem>>) semaphore(%arg20 : memref<!tpu.dma_semaphore, #tpu.memory_space<semaphore_mem>>)
    %dma_start3A_9 = arith.constant 0 : i32
    %dma_start3A_10 = arith.constant 0 : i32
    %dma_start3A_11 = tpu.memref_slice %arg12[%dma_start3A_9, %dma_start3A_10] : memref<16x100xi32, #tpu.memory_space<vmem>> -> memref<1x100xi32, #tpu.memory_space<vmem>>
    %dma_start3A_12 = tpu.memref_squeeze %dma_start3A_11 : memref<1x100xi32, #tpu.memory_space<vmem>> -> memref<100xi32, #tpu.memory_space<vmem>>
    %dma_start3A_13 = arith.constant 0 : i32
    %dma_start3A_14 = arith.constant 0 : i32
    %dma_start3A_15 = tpu.memref_slice %arg6[%dma_start3A_13, %dma_start3A_14] : memref<1001x128xf32, #tpu.memory_space<hbm>> -> memref<1001x128xf32, #tpu.memory_space<hbm>>
    tpu.enqueue_indirect_dma source(%dma_start3A_15 : memref<1001x128xf32, #tpu.memory_space<hbm>>) target(%arg15 : memref<100x128xf32, #tpu.memory_space<vmem>>) offsets(%dma_start3A_12 : memref<100xi32, #tpu.memory_space<vmem>>) semaphore(%arg20 : memref<!tpu.dma_semaphore, #tpu.memory_space<semaphore_mem>>)
    %dma_start3A_16 = arith.constant 0 : i32
    %dma_start3A_17 = arith.constant 0 : i32
    %dma_start3A_18 = tpu.memref_slice %arg13[%dma_start3A_16, %dma_start3A_17] : memref<16x100xi32, #tpu.memory_space<vmem>> -> memref<1x100xi32, #tpu.memory_space<vmem>>
    %dma_start3A_19 = tpu.memref_squeeze %dma_start3A_18 : memref<1x100xi32, #tpu.memory_space<vmem>> -> memref<100xi32, #tpu.memory_space<vmem>>
    %dma_start3A_20 = arith.constant 0 : i32
    %dma_start3A_21 = arith.constant 0 : i32
    %dma_start3A_22 = tpu.memref_slice %arg7[%dma_start3A_20, %dma_start3A_21] : memref<1001x128xf32, #tpu.memory_space<hbm>> -> memref<1001x128xf32, #tpu.memory_space<hbm>>
    tpu.enqueue_indirect_dma source(%dma_start3A_22 : memref<1001x128xf32, #tpu.memory_space<hbm>>) target(%arg16 : memref<100x128xf32, #tpu.memory_space<vmem>>) offsets(%dma_start3A_19 : memref<100xi32, #tpu.memory_space<vmem>>) semaphore(%arg20 : memref<!tpu.dma_semaphore, #tpu.memory_space<semaphore_mem>>)
    %scan3A = arith.constant 0 : i32
    %scan3A_23 = arith.constant 0 : i32
    %scan3A_24 = arith.constant 7 : i32
    %scan3A_25 = arith.addi %scan3A_23, %scan3A_24 : i32
    %scan3A_26 = arith.constant 1 : i32
    scf.for %scan3A_180 = %scan3A_23 to %scan3A_25 step %scan3A_26  : i32 {
      %mul3A_181 = arith.constant 2 : i32
      %mul3A_182 = arith.muli %mul3A_181, %scan3A_180 : i32
      %add3A_183 = arith.constant 0 : i32
      %add3A_184 = arith.addi %mul3A_182, %add3A_183 : i32
      %dma_wait3A_185 = arith.constant 0 : i32
      %dma_wait3A_186 = tpu.memref_slice %arg11[%add3A_184, %dma_wait3A_185] : memref<16x100xi32, #tpu.memory_space<vmem>> -> memref<1x100xi32, #tpu.memory_space<vmem>>
      %dma_wait3A_187 = tpu.memref_squeeze %dma_wait3A_186 : memref<1x100xi32, #tpu.memory_space<vmem>> -> memref<100xi32, #tpu.memory_space<vmem>>
      %dma_wait3A_188 = arith.constant 0 : i32
      %dma_wait3A_189 = arith.constant 0 : i32
      %dma_wait3A_190 = tpu.memref_slice %arg5[%dma_wait3A_188, %dma_wait3A_189] : memref<100001x128xf32, #tpu.memory_space<hbm>> -> memref<100001x128xf32, #tpu.memory_space<hbm>>
      tpu.wait_indirect_dma semaphore(%arg20 : memref<!tpu.dma_semaphore, #tpu.memory_space<semaphore_mem>>) src(%dma_wait3A_190 : memref<100001x128xf32, #tpu.memory_space<hbm>>) dst(%arg14 : memref<100x128xf32, #tpu.memory_space<vmem>>)
      %dma_wait3A_191 = arith.constant 0 : i32
      %dma_wait3A_192 = tpu.memref_slice %arg12[%add3A_184, %dma_wait3A_191] : memref<16x100xi32, #tpu.memory_space<vmem>> -> memref<1x100xi32, #tpu.memory_space<vmem>>
      %dma_wait3A_193 = tpu.memref_squeeze %dma_wait3A_192 : memref<1x100xi32, #tpu.memory_space<vmem>> -> memref<100xi32, #tpu.memory_space<vmem>>
      %dma_wait3A_194 = arith.constant 0 : i32
      %dma_wait3A_195 = arith.constant 0 : i32
      %dma_wait3A_196 = tpu.memref_slice %arg6[%dma_wait3A_194, %dma_wait3A_195] : memref<1001x128xf32, #tpu.memory_space<hbm>> -> memref<1001x128xf32, #tpu.memory_space<hbm>>
      tpu.wait_indirect_dma semaphore(%arg20 : memref<!tpu.dma_semaphore, #tpu.memory_space<semaphore_mem>>) src(%dma_wait3A_196 : memref<1001x128xf32, #tpu.memory_space<hbm>>) dst(%arg15 : memref<100x128xf32, #tpu.memory_space<vmem>>)
      %dma_wait3A_197 = arith.constant 0 : i32
      %dma_wait3A_198 = tpu.memref_slice %arg13[%add3A_184, %dma_wait3A_197] : memref<16x100xi32, #tpu.memory_space<vmem>> -> memref<1x100xi32, #tpu.memory_space<vmem>>
      %dma_wait3A_199 = tpu.memref_squeeze %dma_wait3A_198 : memref<1x100xi32, #tpu.memory_space<vmem>> -> memref<100xi32, #tpu.memory_space<vmem>>
      %dma_wait3A_200 = arith.constant 0 : i32
      %dma_wait3A_201 = arith.constant 0 : i32
      %dma_wait3A_202 = tpu.memref_slice %arg7[%dma_wait3A_200, %dma_wait3A_201] : memref<1001x128xf32, #tpu.memory_space<hbm>> -> memref<1001x128xf32, #tpu.memory_space<hbm>>
      tpu.wait_indirect_dma semaphore(%arg20 : memref<!tpu.dma_semaphore, #tpu.memory_space<semaphore_mem>>) src(%dma_wait3A_202 : memref<1001x128xf32, #tpu.memory_space<hbm>>) dst(%arg16 : memref<100x128xf32, #tpu.memory_space<vmem>>)
      %mul3A_203 = arith.constant 100 : i32
      %mul3A_204 = arith.muli %add3A_184, %mul3A_203 : i32
      %add3A_205 = arith.addi %mul3A_2, %mul3A_204 : i32
      %mul3A_206 = arith.constant 100 : i32
      %mul3A_207 = arith.muli %add3A_184, %mul3A_206 : i32
      %add3A_208 = arith.addi %mul3A_2, %mul3A_207 : i32
      %mul3A_209 = arith.constant 100 : i32
      %mul3A_210 = arith.muli %add3A_184, %mul3A_209 : i32
      %add3A_211 = arith.addi %mul3A_2, %mul3A_210 : i32
      %ge3A = arith.constant 1 : i32
      %ge3A_212 = arith.cmpi sge, %scan3A_180, %ge3A : i32
      %convert_element_type3A = arith.extui %ge3A_212 : i1 to i32
      %cond3A = arith.constant 0 : i32
      %cond3A_213 = arith.cmpi ne, %convert_element_type3A, %cond3A : i32
      scf.if %cond3A_213 {
        %dma_wait3A_339 = arith.constant 0 : i32
        %dma_wait3A_340 = tpu.memref_slice %arg8[%add3A_205, %dma_wait3A_339] : memref<51200x128xf32, #tpu.memory_space<hbm>> -> memref<100x128xf32, #tpu.memory_space<hbm>>
        %dma_wait3A_341 = arith.constant 0 : i32
        %dma_wait3A_342 = tpu.memref_slice %arg8[%add3A_205, %dma_wait3A_341] : memref<51200x128xf32, #tpu.memory_space<hbm>> -> memref<100x128xf32, #tpu.memory_space<hbm>>
        tpu.wait_dma2 semaphore(%arg23 : memref<!tpu.dma_semaphore, #tpu.memory_space<semaphore_mem>>) src(%arg17 : memref<100x128xf32, #tpu.memory_space<vmem>>) dst(%dma_wait3A_342 : memref<100x128xf32, #tpu.memory_space<hbm>>)
        %dma_wait3A_343 = arith.constant 0 : i32
        %dma_wait3A_344 = tpu.memref_slice %arg9[%add3A_208, %dma_wait3A_343] : memref<51200x128xf32, #tpu.memory_space<hbm>> -> memref<100x128xf32, #tpu.memory_space<hbm>>
        %dma_wait3A_345 = arith.constant 0 : i32
        %dma_wait3A_346 = tpu.memref_slice %arg9[%add3A_208, %dma_wait3A_345] : memref<51200x128xf32, #tpu.memory_space<hbm>> -> memref<100x128xf32, #tpu.memory_space<hbm>>
        tpu.wait_dma2 semaphore(%arg23 : memref<!tpu.dma_semaphore, #tpu.memory_space<semaphore_mem>>) src(%arg18 : memref<100x128xf32, #tpu.memory_space<vmem>>) dst(%dma_wait3A_346 : memref<100x128xf32, #tpu.memory_space<hbm>>)
        %dma_wait3A_347 = arith.constant 0 : i32
        %dma_wait3A_348 = tpu.memref_slice %arg10[%add3A_211, %dma_wait3A_347] : memref<51200x128xf32, #tpu.memory_space<hbm>> -> memref<100x128xf32, #tpu.memory_space<hbm>>
        %dma_wait3A_349 = arith.constant 0 : i32
        %dma_wait3A_350 = tpu.memref_slice %arg10[%add3A_211, %dma_wait3A_349] : memref<51200x128xf32, #tpu.memory_space<hbm>> -> memref<100x128xf32, #tpu.memory_space<hbm>>
        tpu.wait_dma2 semaphore(%arg23 : memref<!tpu.dma_semaphore, #tpu.memory_space<semaphore_mem>>) src(%arg19 : memref<100x128xf32, #tpu.memory_space<vmem>>) dst(%dma_wait3A_350 : memref<100x128xf32, #tpu.memory_space<hbm>>)
      } else {
      }
      %add3A_214 = arith.constant 1 : i32
      %add3A_215 = arith.addi %add3A_184, %add3A_214 : i32
      %dma_start3A_216 = arith.constant 0 : i32
      %dma_start3A_217 = tpu.memref_slice %arg11[%add3A_215, %dma_start3A_216] : memref<16x100xi32, #tpu.memory_space<vmem>> -> memref<1x100xi32, #tpu.memory_space<vmem>>
      %dma_start3A_218 = tpu.memref_squeeze %dma_start3A_217 : memref<1x100xi32, #tpu.memory_space<vmem>> -> memref<100xi32, #tpu.memory_space<vmem>>
      %dma_start3A_219 = arith.constant 0 : i32
      %dma_start3A_220 = arith.constant 0 : i32
      %dma_start3A_221 = tpu.memref_slice %arg5[%dma_start3A_219, %dma_start3A_220] : memref<100001x128xf32, #tpu.memory_space<hbm>> -> memref<100001x128xf32, #tpu.memory_space<hbm>>
      tpu.enqueue_indirect_dma source(%dma_start3A_221 : memref<100001x128xf32, #tpu.memory_space<hbm>>) target(%arg17 : memref<100x128xf32, #tpu.memory_space<vmem>>) offsets(%dma_start3A_218 : memref<100xi32, #tpu.memory_space<vmem>>) semaphore(%arg21 : memref<!tpu.dma_semaphore, #tpu.memory_space<semaphore_mem>>)
      %dma_start3A_222 = arith.constant 0 : i32
      %dma_start3A_223 = tpu.memref_slice %arg12[%add3A_215, %dma_start3A_222] : memref<16x100xi32, #tpu.memory_space<vmem>> -> memref<1x100xi32, #tpu.memory_space<vmem>>
      %dma_start3A_224 = tpu.memref_squeeze %dma_start3A_223 : memref<1x100xi32, #tpu.memory_space<vmem>> -> memref<100xi32, #tpu.memory_space<vmem>>
      %dma_start3A_225 = arith.constant 0 : i32
      %dma_start3A_226 = arith.constant 0 : i32
      %dma_start3A_227 = tpu.memref_slice %arg6[%dma_start3A_225, %dma_start3A_226] : memref<1001x128xf32, #tpu.memory_space<hbm>> -> memref<1001x128xf32, #tpu.memory_space<hbm>>
      tpu.enqueue_indirect_dma source(%dma_start3A_227 : memref<1001x128xf32, #tpu.memory_space<hbm>>) target(%arg18 : memref<100x128xf32, #tpu.memory_space<vmem>>) offsets(%dma_start3A_224 : memref<100xi32, #tpu.memory_space<vmem>>) semaphore(%arg21 : memref<!tpu.dma_semaphore, #tpu.memory_space<semaphore_mem>>)
      %dma_start3A_228 = arith.constant 0 : i32
      %dma_start3A_229 = tpu.memref_slice %arg13[%add3A_215, %dma_start3A_228] : memref<16x100xi32, #tpu.memory_space<vmem>> -> memref<1x100xi32, #tpu.memory_space<vmem>>
      %dma_start3A_230 = tpu.memref_squeeze %dma_start3A_229 : memref<1x100xi32, #tpu.memory_space<vmem>> -> memref<100xi32, #tpu.memory_space<vmem>>
      %dma_start3A_231 = arith.constant 0 : i32
      %dma_start3A_232 = arith.constant 0 : i32
      %dma_start3A_233 = tpu.memref_slice %arg7[%dma_start3A_231, %dma_start3A_232] : memref<1001x128xf32, #tpu.memory_space<hbm>> -> memref<1001x128xf32, #tpu.memory_space<hbm>>
      tpu.enqueue_indirect_dma source(%dma_start3A_233 : memref<1001x128xf32, #tpu.memory_space<hbm>>) target(%arg19 : memref<100x128xf32, #tpu.memory_space<vmem>>) offsets(%dma_start3A_230 : memref<100xi32, #tpu.memory_space<vmem>>) semaphore(%arg21 : memref<!tpu.dma_semaphore, #tpu.memory_space<semaphore_mem>>)
      %mul3A_234 = arith.constant 100 : i32
      %mul3A_235 = arith.muli %add3A_184, %mul3A_234 : i32
      %add3A_236 = arith.addi %mul3A_2, %mul3A_235 : i32
      %mul3A_237 = arith.constant 100 : i32
      %mul3A_238 = arith.muli %add3A_184, %mul3A_237 : i32
      %add3A_239 = arith.addi %mul3A_2, %mul3A_238 : i32
      %mul3A_240 = arith.constant 100 : i32
      %mul3A_241 = arith.muli %add3A_184, %mul3A_240 : i32
      %add3A_242 = arith.addi %mul3A_2, %mul3A_241 : i32
      %dma_start3A_243 = arith.constant 0 : i32
      %dma_start3A_244 = tpu.memref_slice %arg8[%add3A_236, %dma_start3A_243] : memref<51200x128xf32, #tpu.memory_space<hbm>> -> memref<100x128xf32, #tpu.memory_space<hbm>>
      %dma_start3A_245 = arith.constant 0 : i32
      %dma_start3A_246 = tpu.memref_slice %arg8[%add3A_236, %dma_start3A_245] : memref<51200x128xf32, #tpu.memory_space<hbm>> -> memref<100x128xf32, #tpu.memory_space<hbm>>
      tpu.enqueue_dma source(%arg14 : memref<100x128xf32, #tpu.memory_space<vmem>>) target(%dma_start3A_246 : memref<100x128xf32, #tpu.memory_space<hbm>>) target_semaphore(%arg22 : memref<!tpu.dma_semaphore, #tpu.memory_space<semaphore_mem>>)
      %dma_start3A_247 = arith.constant 0 : i32
      %dma_start3A_248 = tpu.memref_slice %arg9[%add3A_239, %dma_start3A_247] : memref<51200x128xf32, #tpu.memory_space<hbm>> -> memref<100x128xf32, #tpu.memory_space<hbm>>
      %dma_start3A_249 = arith.constant 0 : i32
      %dma_start3A_250 = tpu.memref_slice %arg9[%add3A_239, %dma_start3A_249] : memref<51200x128xf32, #tpu.memory_space<hbm>> -> memref<100x128xf32, #tpu.memory_space<hbm>>
      tpu.enqueue_dma source(%arg15 : memref<100x128xf32, #tpu.memory_space<vmem>>) target(%dma_start3A_250 : memref<100x128xf32, #tpu.memory_space<hbm>>) target_semaphore(%arg22 : memref<!tpu.dma_semaphore, #tpu.memory_space<semaphore_mem>>)
      %dma_start3A_251 = arith.constant 0 : i32
      %dma_start3A_252 = tpu.memref_slice %arg10[%add3A_242, %dma_start3A_251] : memref<51200x128xf32, #tpu.memory_space<hbm>> -> memref<100x128xf32, #tpu.memory_space<hbm>>
      %dma_start3A_253 = arith.constant 0 : i32
      %dma_start3A_254 = tpu.memref_slice %arg10[%add3A_242, %dma_start3A_253] : memref<51200x128xf32, #tpu.memory_space<hbm>> -> memref<100x128xf32, #tpu.memory_space<hbm>>
      tpu.enqueue_dma source(%arg16 : memref<100x128xf32, #tpu.memory_space<vmem>>) target(%dma_start3A_254 : memref<100x128xf32, #tpu.memory_space<hbm>>) target_semaphore(%arg22 : memref<!tpu.dma_semaphore, #tpu.memory_space<semaphore_mem>>)
      %mul3A_255 = arith.constant 2 : i32
      %mul3A_256 = arith.muli %mul3A_255, %scan3A_180 : i32
      %add3A_257 = arith.constant 1 : i32
      %add3A_258 = arith.addi %mul3A_256, %add3A_257 : i32
      %dma_wait3A_259 = arith.constant 0 : i32
      %dma_wait3A_260 = tpu.memref_slice %arg11[%add3A_258, %dma_wait3A_259] : memref<16x100xi32, #tpu.memory_space<vmem>> -> memref<1x100xi32, #tpu.memory_space<vmem>>
      %dma_wait3A_261 = tpu.memref_squeeze %dma_wait3A_260 : memref<1x100xi32, #tpu.memory_space<vmem>> -> memref<100xi32, #tpu.memory_space<vmem>>
      %dma_wait3A_262 = arith.constant 0 : i32
      %dma_wait3A_263 = arith.constant 0 : i32
      %dma_wait3A_264 = tpu.memref_slice %arg5[%dma_wait3A_262, %dma_wait3A_263] : memref<100001x128xf32, #tpu.memory_space<hbm>> -> memref<100001x128xf32, #tpu.memory_space<hbm>>
      tpu.wait_indirect_dma semaphore(%arg21 : memref<!tpu.dma_semaphore, #tpu.memory_space<semaphore_mem>>) src(%dma_wait3A_264 : memref<100001x128xf32, #tpu.memory_space<hbm>>) dst(%arg17 : memref<100x128xf32, #tpu.memory_space<vmem>>)
      %dma_wait3A_265 = arith.constant 0 : i32
      %dma_wait3A_266 = tpu.memref_slice %arg12[%add3A_258, %dma_wait3A_265] : memref<16x100xi32, #tpu.memory_space<vmem>> -> memref<1x100xi32, #tpu.memory_space<vmem>>
      %dma_wait3A_267 = tpu.memref_squeeze %dma_wait3A_266 : memref<1x100xi32, #tpu.memory_space<vmem>> -> memref<100xi32, #tpu.memory_space<vmem>>
      %dma_wait3A_268 = arith.constant 0 : i32
      %dma_wait3A_269 = arith.constant 0 : i32
      %dma_wait3A_270 = tpu.memref_slice %arg6[%dma_wait3A_268, %dma_wait3A_269] : memref<1001x128xf32, #tpu.memory_space<hbm>> -> memref<1001x128xf32, #tpu.memory_space<hbm>>
      tpu.wait_indirect_dma semaphore(%arg21 : memref<!tpu.dma_semaphore, #tpu.memory_space<semaphore_mem>>) src(%dma_wait3A_270 : memref<1001x128xf32, #tpu.memory_space<hbm>>) dst(%arg18 : memref<100x128xf32, #tpu.memory_space<vmem>>)
      %dma_wait3A_271 = arith.constant 0 : i32
      %dma_wait3A_272 = tpu.memref_slice %arg13[%add3A_258, %dma_wait3A_271] : memref<16x100xi32, #tpu.memory_space<vmem>> -> memref<1x100xi32, #tpu.memory_space<vmem>>
      %dma_wait3A_273 = tpu.memref_squeeze %dma_wait3A_272 : memref<1x100xi32, #tpu.memory_space<vmem>> -> memref<100xi32, #tpu.memory_space<vmem>>
      %dma_wait3A_274 = arith.constant 0 : i32
      %dma_wait3A_275 = arith.constant 0 : i32
      %dma_wait3A_276 = tpu.memref_slice %arg7[%dma_wait3A_274, %dma_wait3A_275] : memref<1001x128xf32, #tpu.memory_space<hbm>> -> memref<1001x128xf32, #tpu.memory_space<hbm>>
      tpu.wait_indirect_dma semaphore(%arg21 : memref<!tpu.dma_semaphore, #tpu.memory_space<semaphore_mem>>) src(%dma_wait3A_276 : memref<1001x128xf32, #tpu.memory_space<hbm>>) dst(%arg19 : memref<100x128xf32, #tpu.memory_space<vmem>>)
      %mul3A_277 = arith.constant 100 : i32
      %mul3A_278 = arith.muli %add3A_258, %mul3A_277 : i32
      %add3A_279 = arith.addi %mul3A_2, %mul3A_278 : i32
      %mul3A_280 = arith.constant 100 : i32
      %mul3A_281 = arith.muli %add3A_258, %mul3A_280 : i32
      %add3A_282 = arith.addi %mul3A_2, %mul3A_281 : i32
      %mul3A_283 = arith.constant 100 : i32
      %mul3A_284 = arith.muli %add3A_258, %mul3A_283 : i32
      %add3A_285 = arith.addi %mul3A_2, %mul3A_284 : i32
      %dma_wait3A_286 = arith.constant 0 : i32
      %dma_wait3A_287 = tpu.memref_slice %arg8[%add3A_279, %dma_wait3A_286] : memref<51200x128xf32, #tpu.memory_space<hbm>> -> memref<100x128xf32, #tpu.memory_space<hbm>>
      %dma_wait3A_288 = arith.constant 0 : i32
      %dma_wait3A_289 = tpu.memref_slice %arg8[%add3A_279, %dma_wait3A_288] : memref<51200x128xf32, #tpu.memory_space<hbm>> -> memref<100x128xf32, #tpu.memory_space<hbm>>
      tpu.wait_dma2 semaphore(%arg22 : memref<!tpu.dma_semaphore, #tpu.memory_space<semaphore_mem>>) src(%arg14 : memref<100x128xf32, #tpu.memory_space<vmem>>) dst(%dma_wait3A_289 : memref<100x128xf32, #tpu.memory_space<hbm>>)
      %dma_wait3A_290 = arith.constant 0 : i32
      %dma_wait3A_291 = tpu.memref_slice %arg9[%add3A_282, %dma_wait3A_290] : memref<51200x128xf32, #tpu.memory_space<hbm>> -> memref<100x128xf32, #tpu.memory_space<hbm>>
      %dma_wait3A_292 = arith.constant 0 : i32
      %dma_wait3A_293 = tpu.memref_slice %arg9[%add3A_282, %dma_wait3A_292] : memref<51200x128xf32, #tpu.memory_space<hbm>> -> memref<100x128xf32, #tpu.memory_space<hbm>>
      tpu.wait_dma2 semaphore(%arg22 : memref<!tpu.dma_semaphore, #tpu.memory_space<semaphore_mem>>) src(%arg15 : memref<100x128xf32, #tpu.memory_space<vmem>>) dst(%dma_wait3A_293 : memref<100x128xf32, #tpu.memory_space<hbm>>)
      %dma_wait3A_294 = arith.constant 0 : i32
      %dma_wait3A_295 = tpu.memref_slice %arg10[%add3A_285, %dma_wait3A_294] : memref<51200x128xf32, #tpu.memory_space<hbm>> -> memref<100x128xf32, #tpu.memory_space<hbm>>
      %dma_wait3A_296 = arith.constant 0 : i32
      %dma_wait3A_297 = tpu.memref_slice %arg10[%add3A_285, %dma_wait3A_296] : memref<51200x128xf32, #tpu.memory_space<hbm>> -> memref<100x128xf32, #tpu.memory_space<hbm>>
      tpu.wait_dma2 semaphore(%arg22 : memref<!tpu.dma_semaphore, #tpu.memory_space<semaphore_mem>>) src(%arg16 : memref<100x128xf32, #tpu.memory_space<vmem>>) dst(%dma_wait3A_297 : memref<100x128xf32, #tpu.memory_space<hbm>>)
      %add3A_298 = arith.constant 1 : i32
      %add3A_299 = arith.addi %add3A_258, %add3A_298 : i32
      %dma_start3A_300 = arith.constant 0 : i32
      %dma_start3A_301 = tpu.memref_slice %arg11[%add3A_299, %dma_start3A_300] : memref<16x100xi32, #tpu.memory_space<vmem>> -> memref<1x100xi32, #tpu.memory_space<vmem>>
      %dma_start3A_302 = tpu.memref_squeeze %dma_start3A_301 : memref<1x100xi32, #tpu.memory_space<vmem>> -> memref<100xi32, #tpu.memory_space<vmem>>
      %dma_start3A_303 = arith.constant 0 : i32
      %dma_start3A_304 = arith.constant 0 : i32
      %dma_start3A_305 = tpu.memref_slice %arg5[%dma_start3A_303, %dma_start3A_304] : memref<100001x128xf32, #tpu.memory_space<hbm>> -> memref<100001x128xf32, #tpu.memory_space<hbm>>
      tpu.enqueue_indirect_dma source(%dma_start3A_305 : memref<100001x128xf32, #tpu.memory_space<hbm>>) target(%arg14 : memref<100x128xf32, #tpu.memory_space<vmem>>) offsets(%dma_start3A_302 : memref<100xi32, #tpu.memory_space<vmem>>) semaphore(%arg20 : memref<!tpu.dma_semaphore, #tpu.memory_space<semaphore_mem>>)
      %dma_start3A_306 = arith.constant 0 : i32
      %dma_start3A_307 = tpu.memref_slice %arg12[%add3A_299, %dma_start3A_306] : memref<16x100xi32, #tpu.memory_space<vmem>> -> memref<1x100xi32, #tpu.memory_space<vmem>>
      %dma_start3A_308 = tpu.memref_squeeze %dma_start3A_307 : memref<1x100xi32, #tpu.memory_space<vmem>> -> memref<100xi32, #tpu.memory_space<vmem>>
      %dma_start3A_309 = arith.constant 0 : i32
      %dma_start3A_310 = arith.constant 0 : i32
      %dma_start3A_311 = tpu.memref_slice %arg6[%dma_start3A_309, %dma_start3A_310] : memref<1001x128xf32, #tpu.memory_space<hbm>> -> memref<1001x128xf32, #tpu.memory_space<hbm>>
      tpu.enqueue_indirect_dma source(%dma_start3A_311 : memref<1001x128xf32, #tpu.memory_space<hbm>>) target(%arg15 : memref<100x128xf32, #tpu.memory_space<vmem>>) offsets(%dma_start3A_308 : memref<100xi32, #tpu.memory_space<vmem>>) semaphore(%arg20 : memref<!tpu.dma_semaphore, #tpu.memory_space<semaphore_mem>>)
      %dma_start3A_312 = arith.constant 0 : i32
      %dma_start3A_313 = tpu.memref_slice %arg13[%add3A_299, %dma_start3A_312] : memref<16x100xi32, #tpu.memory_space<vmem>> -> memref<1x100xi32, #tpu.memory_space<vmem>>
      %dma_start3A_314 = tpu.memref_squeeze %dma_start3A_313 : memref<1x100xi32, #tpu.memory_space<vmem>> -> memref<100xi32, #tpu.memory_space<vmem>>
      %dma_start3A_315 = arith.constant 0 : i32
      %dma_start3A_316 = arith.constant 0 : i32
      %dma_start3A_317 = tpu.memref_slice %arg7[%dma_start3A_315, %dma_start3A_316] : memref<1001x128xf32, #tpu.memory_space<hbm>> -> memref<1001x128xf32, #tpu.memory_space<hbm>>
      tpu.enqueue_indirect_dma source(%dma_start3A_317 : memref<1001x128xf32, #tpu.memory_space<hbm>>) target(%arg16 : memref<100x128xf32, #tpu.memory_space<vmem>>) offsets(%dma_start3A_314 : memref<100xi32, #tpu.memory_space<vmem>>) semaphore(%arg20 : memref<!tpu.dma_semaphore, #tpu.memory_space<semaphore_mem>>)
      %mul3A_318 = arith.constant 100 : i32
      %mul3A_319 = arith.muli %add3A_258, %mul3A_318 : i32
      %add3A_320 = arith.addi %mul3A_2, %mul3A_319 : i32
      %mul3A_321 = arith.constant 100 : i32
      %mul3A_322 = arith.muli %add3A_258, %mul3A_321 : i32
      %add3A_323 = arith.addi %mul3A_2, %mul3A_322 : i32
      %mul3A_324 = arith.constant 100 : i32
      %mul3A_325 = arith.muli %add3A_258, %mul3A_324 : i32
      %add3A_326 = arith.addi %mul3A_2, %mul3A_325 : i32
      %dma_start3A_327 = arith.constant 0 : i32
      %dma_start3A_328 = tpu.memref_slice %arg8[%add3A_320, %dma_start3A_327] : memref<51200x128xf32, #tpu.memory_space<hbm>> -> memref<100x128xf32, #tpu.memory_space<hbm>>
      %dma_start3A_329 = arith.constant 0 : i32
      %dma_start3A_330 = tpu.memref_slice %arg8[%add3A_320, %dma_start3A_329] : memref<51200x128xf32, #tpu.memory_space<hbm>> -> memref<100x128xf32, #tpu.memory_space<hbm>>
      tpu.enqueue_dma source(%arg17 : memref<100x128xf32, #tpu.memory_space<vmem>>) target(%dma_start3A_330 : memref<100x128xf32, #tpu.memory_space<hbm>>) target_semaphore(%arg23 : memref<!tpu.dma_semaphore, #tpu.memory_space<semaphore_mem>>)
      %dma_start3A_331 = arith.constant 0 : i32
      %dma_start3A_332 = tpu.memref_slice %arg9[%add3A_323, %dma_start3A_331] : memref<51200x128xf32, #tpu.memory_space<hbm>> -> memref<100x128xf32, #tpu.memory_space<hbm>>
      %dma_start3A_333 = arith.constant 0 : i32
      %dma_start3A_334 = tpu.memref_slice %arg9[%add3A_323, %dma_start3A_333] : memref<51200x128xf32, #tpu.memory_space<hbm>> -> memref<100x128xf32, #tpu.memory_space<hbm>>
      tpu.enqueue_dma source(%arg18 : memref<100x128xf32, #tpu.memory_space<vmem>>) target(%dma_start3A_334 : memref<100x128xf32, #tpu.memory_space<hbm>>) target_semaphore(%arg23 : memref<!tpu.dma_semaphore, #tpu.memory_space<semaphore_mem>>)
      %dma_start3A_335 = arith.constant 0 : i32
      %dma_start3A_336 = tpu.memref_slice %arg10[%add3A_326, %dma_start3A_335] : memref<51200x128xf32, #tpu.memory_space<hbm>> -> memref<100x128xf32, #tpu.memory_space<hbm>>
      %dma_start3A_337 = arith.constant 0 : i32
      %dma_start3A_338 = tpu.memref_slice %arg10[%add3A_326, %dma_start3A_337] : memref<51200x128xf32, #tpu.memory_space<hbm>> -> memref<100x128xf32, #tpu.memory_space<hbm>>
      tpu.enqueue_dma source(%arg19 : memref<100x128xf32, #tpu.memory_space<vmem>>) target(%dma_start3A_338 : memref<100x128xf32, #tpu.memory_space<hbm>>) target_semaphore(%arg23 : memref<!tpu.dma_semaphore, #tpu.memory_space<semaphore_mem>>)
    }
    %scan3A_27 = arith.constant 7 : i32
    %dma_wait3A = arith.constant 14 : i32
    %dma_wait3A_28 = arith.constant 0 : i32
    %dma_wait3A_29 = tpu.memref_slice %arg11[%dma_wait3A, %dma_wait3A_28] : memref<16x100xi32, #tpu.memory_space<vmem>> -> memref<1x100xi32, #tpu.memory_space<vmem>>
    %dma_wait3A_30 = tpu.memref_squeeze %dma_wait3A_29 : memref<1x100xi32, #tpu.memory_space<vmem>> -> memref<100xi32, #tpu.memory_space<vmem>>
    %dma_wait3A_31 = arith.constant 0 : i32
    %dma_wait3A_32 = arith.constant 0 : i32
    %dma_wait3A_33 = tpu.memref_slice %arg5[%dma_wait3A_31, %dma_wait3A_32] : memref<100001x128xf32, #tpu.memory_space<hbm>> -> memref<100001x128xf32, #tpu.memory_space<hbm>>
    tpu.wait_indirect_dma semaphore(%arg20 : memref<!tpu.dma_semaphore, #tpu.memory_space<semaphore_mem>>) src(%dma_wait3A_33 : memref<100001x128xf32, #tpu.memory_space<hbm>>) dst(%arg14 : memref<100x128xf32, #tpu.memory_space<vmem>>)
    %dma_wait3A_34 = arith.constant 14 : i32
    %dma_wait3A_35 = arith.constant 0 : i32
    %dma_wait3A_36 = tpu.memref_slice %arg12[%dma_wait3A_34, %dma_wait3A_35] : memref<16x100xi32, #tpu.memory_space<vmem>> -> memref<1x100xi32, #tpu.memory_space<vmem>>
    %dma_wait3A_37 = tpu.memref_squeeze %dma_wait3A_36 : memref<1x100xi32, #tpu.memory_space<vmem>> -> memref<100xi32, #tpu.memory_space<vmem>>
    %dma_wait3A_38 = arith.constant 0 : i32
    %dma_wait3A_39 = arith.constant 0 : i32
    %dma_wait3A_40 = tpu.memref_slice %arg6[%dma_wait3A_38, %dma_wait3A_39] : memref<1001x128xf32, #tpu.memory_space<hbm>> -> memref<1001x128xf32, #tpu.memory_space<hbm>>
    tpu.wait_indirect_dma semaphore(%arg20 : memref<!tpu.dma_semaphore, #tpu.memory_space<semaphore_mem>>) src(%dma_wait3A_40 : memref<1001x128xf32, #tpu.memory_space<hbm>>) dst(%arg15 : memref<100x128xf32, #tpu.memory_space<vmem>>)
    %dma_wait3A_41 = arith.constant 14 : i32
    %dma_wait3A_42 = arith.constant 0 : i32
    %dma_wait3A_43 = tpu.memref_slice %arg13[%dma_wait3A_41, %dma_wait3A_42] : memref<16x100xi32, #tpu.memory_space<vmem>> -> memref<1x100xi32, #tpu.memory_space<vmem>>
    %dma_wait3A_44 = tpu.memref_squeeze %dma_wait3A_43 : memref<1x100xi32, #tpu.memory_space<vmem>> -> memref<100xi32, #tpu.memory_space<vmem>>
    %dma_wait3A_45 = arith.constant 0 : i32
    %dma_wait3A_46 = arith.constant 0 : i32
    %dma_wait3A_47 = tpu.memref_slice %arg7[%dma_wait3A_45, %dma_wait3A_46] : memref<1001x128xf32, #tpu.memory_space<hbm>> -> memref<1001x128xf32, #tpu.memory_space<hbm>>
    tpu.wait_indirect_dma semaphore(%arg20 : memref<!tpu.dma_semaphore, #tpu.memory_space<semaphore_mem>>) src(%dma_wait3A_47 : memref<1001x128xf32, #tpu.memory_space<hbm>>) dst(%arg16 : memref<100x128xf32, #tpu.memory_space<vmem>>)
    %add3A_48 = arith.constant 1400 : i32
    %add3A_49 = arith.addi %mul3A_2, %add3A_48 : i32
    %add3A_50 = arith.constant 1400 : i32
    %add3A_51 = arith.addi %mul3A_2, %add3A_50 : i32
    %add3A_52 = arith.constant 1400 : i32
    %add3A_53 = arith.addi %mul3A_2, %add3A_52 : i32
    %dma_wait3A_54 = arith.constant 0 : i32
    %dma_wait3A_55 = tpu.memref_slice %arg8[%add3A_49, %dma_wait3A_54] : memref<51200x128xf32, #tpu.memory_space<hbm>> -> memref<100x128xf32, #tpu.memory_space<hbm>>
    %dma_wait3A_56 = arith.constant 0 : i32
    %dma_wait3A_57 = tpu.memref_slice %arg8[%add3A_49, %dma_wait3A_56] : memref<51200x128xf32, #tpu.memory_space<hbm>> -> memref<100x128xf32, #tpu.memory_space<hbm>>
    tpu.wait_dma2 semaphore(%arg23 : memref<!tpu.dma_semaphore, #tpu.memory_space<semaphore_mem>>) src(%arg17 : memref<100x128xf32, #tpu.memory_space<vmem>>) dst(%dma_wait3A_57 : memref<100x128xf32, #tpu.memory_space<hbm>>)
    %dma_wait3A_58 = arith.constant 0 : i32
    %dma_wait3A_59 = tpu.memref_slice %arg9[%add3A_51, %dma_wait3A_58] : memref<51200x128xf32, #tpu.memory_space<hbm>> -> memref<100x128xf32, #tpu.memory_space<hbm>>
    %dma_wait3A_60 = arith.constant 0 : i32
    %dma_wait3A_61 = tpu.memref_slice %arg9[%add3A_51, %dma_wait3A_60] : memref<51200x128xf32, #tpu.memory_space<hbm>> -> memref<100x128xf32, #tpu.memory_space<hbm>>
    tpu.wait_dma2 semaphore(%arg23 : memref<!tpu.dma_semaphore, #tpu.memory_space<semaphore_mem>>) src(%arg18 : memref<100x128xf32, #tpu.memory_space<vmem>>) dst(%dma_wait3A_61 : memref<100x128xf32, #tpu.memory_space<hbm>>)
    %dma_wait3A_62 = arith.constant 0 : i32
    %dma_wait3A_63 = tpu.memref_slice %arg10[%add3A_53, %dma_wait3A_62] : memref<51200x128xf32, #tpu.memory_space<hbm>> -> memref<100x128xf32, #tpu.memory_space<hbm>>
    %dma_wait3A_64 = arith.constant 0 : i32
    %dma_wait3A_65 = tpu.memref_slice %arg10[%add3A_53, %dma_wait3A_64] : memref<51200x128xf32, #tpu.memory_space<hbm>> -> memref<100x128xf32, #tpu.memory_space<hbm>>
    tpu.wait_dma2 semaphore(%arg23 : memref<!tpu.dma_semaphore, #tpu.memory_space<semaphore_mem>>) src(%arg19 : memref<100x128xf32, #tpu.memory_space<vmem>>) dst(%dma_wait3A_65 : memref<100x128xf32, #tpu.memory_space<hbm>>)
    %dma_start3A_66 = arith.constant 15 : i32
    %dma_start3A_67 = arith.constant 0 : i32
    %dma_start3A_68 = tpu.memref_slice %arg11[%dma_start3A_66, %dma_start3A_67] : memref<16x100xi32, #tpu.memory_space<vmem>> -> memref<1x100xi32, #tpu.memory_space<vmem>>
    %dma_start3A_69 = tpu.memref_squeeze %dma_start3A_68 : memref<1x100xi32, #tpu.memory_space<vmem>> -> memref<100xi32, #tpu.memory_space<vmem>>
    %dma_start3A_70 = arith.constant 0 : i32
    %dma_start3A_71 = arith.constant 0 : i32
    %dma_start3A_72 = tpu.memref_slice %arg5[%dma_start3A_70, %dma_start3A_71] : memref<100001x128xf32, #tpu.memory_space<hbm>> -> memref<100001x128xf32, #tpu.memory_space<hbm>>
    tpu.enqueue_indirect_dma source(%dma_start3A_72 : memref<100001x128xf32, #tpu.memory_space<hbm>>) target(%arg17 : memref<100x128xf32, #tpu.memory_space<vmem>>) offsets(%dma_start3A_69 : memref<100xi32, #tpu.memory_space<vmem>>) semaphore(%arg21 : memref<!tpu.dma_semaphore, #tpu.memory_space<semaphore_mem>>)
    %dma_start3A_73 = arith.constant 15 : i32
    %dma_start3A_74 = arith.constant 0 : i32
    %dma_start3A_75 = tpu.memref_slice %arg12[%dma_start3A_73, %dma_start3A_74] : memref<16x100xi32, #tpu.memory_space<vmem>> -> memref<1x100xi32, #tpu.memory_space<vmem>>
    %dma_start3A_76 = tpu.memref_squeeze %dma_start3A_75 : memref<1x100xi32, #tpu.memory_space<vmem>> -> memref<100xi32, #tpu.memory_space<vmem>>
    %dma_start3A_77 = arith.constant 0 : i32
    %dma_start3A_78 = arith.constant 0 : i32
    %dma_start3A_79 = tpu.memref_slice %arg6[%dma_start3A_77, %dma_start3A_78] : memref<1001x128xf32, #tpu.memory_space<hbm>> -> memref<1001x128xf32, #tpu.memory_space<hbm>>
    tpu.enqueue_indirect_dma source(%dma_start3A_79 : memref<1001x128xf32, #tpu.memory_space<hbm>>) target(%arg18 : memref<100x128xf32, #tpu.memory_space<vmem>>) offsets(%dma_start3A_76 : memref<100xi32, #tpu.memory_space<vmem>>) semaphore(%arg21 : memref<!tpu.dma_semaphore, #tpu.memory_space<semaphore_mem>>)
    %dma_start3A_80 = arith.constant 15 : i32
    %dma_start3A_81 = arith.constant 0 : i32
    %dma_start3A_82 = tpu.memref_slice %arg13[%dma_start3A_80, %dma_start3A_81] : memref<16x100xi32, #tpu.memory_space<vmem>> -> memref<1x100xi32, #tpu.memory_space<vmem>>
    %dma_start3A_83 = tpu.memref_squeeze %dma_start3A_82 : memref<1x100xi32, #tpu.memory_space<vmem>> -> memref<100xi32, #tpu.memory_space<vmem>>
    %dma_start3A_84 = arith.constant 0 : i32
    %dma_start3A_85 = arith.constant 0 : i32
    %dma_start3A_86 = tpu.memref_slice %arg7[%dma_start3A_84, %dma_start3A_85] : memref<1001x128xf32, #tpu.memory_space<hbm>> -> memref<1001x128xf32, #tpu.memory_space<hbm>>
    tpu.enqueue_indirect_dma source(%dma_start3A_86 : memref<1001x128xf32, #tpu.memory_space<hbm>>) target(%arg19 : memref<100x128xf32, #tpu.memory_space<vmem>>) offsets(%dma_start3A_83 : memref<100xi32, #tpu.memory_space<vmem>>) semaphore(%arg21 : memref<!tpu.dma_semaphore, #tpu.memory_space<semaphore_mem>>)
    %add3A_87 = arith.constant 1400 : i32
    %add3A_88 = arith.addi %mul3A_2, %add3A_87 : i32
    %add3A_89 = arith.constant 1400 : i32
    %add3A_90 = arith.addi %mul3A_2, %add3A_89 : i32
    %add3A_91 = arith.constant 1400 : i32
    %add3A_92 = arith.addi %mul3A_2, %add3A_91 : i32
    %dma_start3A_93 = arith.constant 0 : i32
    %dma_start3A_94 = tpu.memref_slice %arg8[%add3A_88, %dma_start3A_93] : memref<51200x128xf32, #tpu.memory_space<hbm>> -> memref<100x128xf32, #tpu.memory_space<hbm>>
    %dma_start3A_95 = arith.constant 0 : i32
    %dma_start3A_96 = tpu.memref_slice %arg8[%add3A_88, %dma_start3A_95] : memref<51200x128xf32, #tpu.memory_space<hbm>> -> memref<100x128xf32, #tpu.memory_space<hbm>>
    tpu.enqueue_dma source(%arg14 : memref<100x128xf32, #tpu.memory_space<vmem>>) target(%dma_start3A_96 : memref<100x128xf32, #tpu.memory_space<hbm>>) target_semaphore(%arg22 : memref<!tpu.dma_semaphore, #tpu.memory_space<semaphore_mem>>)
    %dma_start3A_97 = arith.constant 0 : i32
    %dma_start3A_98 = tpu.memref_slice %arg9[%add3A_90, %dma_start3A_97] : memref<51200x128xf32, #tpu.memory_space<hbm>> -> memref<100x128xf32, #tpu.memory_space<hbm>>
    %dma_start3A_99 = arith.constant 0 : i32
    %dma_start3A_100 = tpu.memref_slice %arg9[%add3A_90, %dma_start3A_99] : memref<51200x128xf32, #tpu.memory_space<hbm>> -> memref<100x128xf32, #tpu.memory_space<hbm>>
    tpu.enqueue_dma source(%arg15 : memref<100x128xf32, #tpu.memory_space<vmem>>) target(%dma_start3A_100 : memref<100x128xf32, #tpu.memory_space<hbm>>) target_semaphore(%arg22 : memref<!tpu.dma_semaphore, #tpu.memory_space<semaphore_mem>>)
    %dma_start3A_101 = arith.constant 0 : i32
    %dma_start3A_102 = tpu.memref_slice %arg10[%add3A_92, %dma_start3A_101] : memref<51200x128xf32, #tpu.memory_space<hbm>> -> memref<100x128xf32, #tpu.memory_space<hbm>>
    %dma_start3A_103 = arith.constant 0 : i32
    %dma_start3A_104 = tpu.memref_slice %arg10[%add3A_92, %dma_start3A_103] : memref<51200x128xf32, #tpu.memory_space<hbm>> -> memref<100x128xf32, #tpu.memory_space<hbm>>
    tpu.enqueue_dma source(%arg16 : memref<100x128xf32, #tpu.memory_space<vmem>>) target(%dma_start3A_104 : memref<100x128xf32, #tpu.memory_space<hbm>>) target_semaphore(%arg22 : memref<!tpu.dma_semaphore, #tpu.memory_space<semaphore_mem>>)
    %dma_wait3A_105 = arith.constant 15 : i32
    %dma_wait3A_106 = arith.constant 0 : i32
    %dma_wait3A_107 = tpu.memref_slice %arg11[%dma_wait3A_105, %dma_wait3A_106] : memref<16x100xi32, #tpu.memory_space<vmem>> -> memref<1x100xi32, #tpu.memory_space<vmem>>
    %dma_wait3A_108 = tpu.memref_squeeze %dma_wait3A_107 : memref<1x100xi32, #tpu.memory_space<vmem>> -> memref<100xi32, #tpu.memory_space<vmem>>
    %dma_wait3A_109 = arith.constant 0 : i32
    %dma_wait3A_110 = arith.constant 0 : i32
    %dma_wait3A_111 = tpu.memref_slice %arg5[%dma_wait3A_109, %dma_wait3A_110] : memref<100001x128xf32, #tpu.memory_space<hbm>> -> memref<100001x128xf32, #tpu.memory_space<hbm>>
    tpu.wait_indirect_dma semaphore(%arg21 : memref<!tpu.dma_semaphore, #tpu.memory_space<semaphore_mem>>) src(%dma_wait3A_111 : memref<100001x128xf32, #tpu.memory_space<hbm>>) dst(%arg17 : memref<100x128xf32, #tpu.memory_space<vmem>>)
    %dma_wait3A_112 = arith.constant 15 : i32
    %dma_wait3A_113 = arith.constant 0 : i32
    %dma_wait3A_114 = tpu.memref_slice %arg12[%dma_wait3A_112, %dma_wait3A_113] : memref<16x100xi32, #tpu.memory_space<vmem>> -> memref<1x100xi32, #tpu.memory_space<vmem>>
    %dma_wait3A_115 = tpu.memref_squeeze %dma_wait3A_114 : memref<1x100xi32, #tpu.memory_space<vmem>> -> memref<100xi32, #tpu.memory_space<vmem>>
    %dma_wait3A_116 = arith.constant 0 : i32
    %dma_wait3A_117 = arith.constant 0 : i32
    %dma_wait3A_118 = tpu.memref_slice %arg6[%dma_wait3A_116, %dma_wait3A_117] : memref<1001x128xf32, #tpu.memory_space<hbm>> -> memref<1001x128xf32, #tpu.memory_space<hbm>>
    tpu.wait_indirect_dma semaphore(%arg21 : memref<!tpu.dma_semaphore, #tpu.memory_space<semaphore_mem>>) src(%dma_wait3A_118 : memref<1001x128xf32, #tpu.memory_space<hbm>>) dst(%arg18 : memref<100x128xf32, #tpu.memory_space<vmem>>)
    %dma_wait3A_119 = arith.constant 15 : i32
    %dma_wait3A_120 = arith.constant 0 : i32
    %dma_wait3A_121 = tpu.memref_slice %arg13[%dma_wait3A_119, %dma_wait3A_120] : memref<16x100xi32, #tpu.memory_space<vmem>> -> memref<1x100xi32, #tpu.memory_space<vmem>>
    %dma_wait3A_122 = tpu.memref_squeeze %dma_wait3A_121 : memref<1x100xi32, #tpu.memory_space<vmem>> -> memref<100xi32, #tpu.memory_space<vmem>>
    %dma_wait3A_123 = arith.constant 0 : i32
    %dma_wait3A_124 = arith.constant 0 : i32
    %dma_wait3A_125 = tpu.memref_slice %arg7[%dma_wait3A_123, %dma_wait3A_124] : memref<1001x128xf32, #tpu.memory_space<hbm>> -> memref<1001x128xf32, #tpu.memory_space<hbm>>
    tpu.wait_indirect_dma semaphore(%arg21 : memref<!tpu.dma_semaphore, #tpu.memory_space<semaphore_mem>>) src(%dma_wait3A_125 : memref<1001x128xf32, #tpu.memory_space<hbm>>) dst(%arg19 : memref<100x128xf32, #tpu.memory_space<vmem>>)
    %add3A_126 = arith.constant 1500 : i32
    %add3A_127 = arith.addi %mul3A_2, %add3A_126 : i32
    %add3A_128 = arith.constant 1500 : i32
    %add3A_129 = arith.addi %mul3A_2, %add3A_128 : i32
    %add3A_130 = arith.constant 1500 : i32
    %add3A_131 = arith.addi %mul3A_2, %add3A_130 : i32
    %dma_wait3A_132 = arith.constant 0 : i32
    %dma_wait3A_133 = tpu.memref_slice %arg8[%add3A_127, %dma_wait3A_132] : memref<51200x128xf32, #tpu.memory_space<hbm>> -> memref<100x128xf32, #tpu.memory_space<hbm>>
    %dma_wait3A_134 = arith.constant 0 : i32
    %dma_wait3A_135 = tpu.memref_slice %arg8[%add3A_127, %dma_wait3A_134] : memref<51200x128xf32, #tpu.memory_space<hbm>> -> memref<100x128xf32, #tpu.memory_space<hbm>>
    tpu.wait_dma2 semaphore(%arg22 : memref<!tpu.dma_semaphore, #tpu.memory_space<semaphore_mem>>) src(%arg14 : memref<100x128xf32, #tpu.memory_space<vmem>>) dst(%dma_wait3A_135 : memref<100x128xf32, #tpu.memory_space<hbm>>)
    %dma_wait3A_136 = arith.constant 0 : i32
    %dma_wait3A_137 = tpu.memref_slice %arg9[%add3A_129, %dma_wait3A_136] : memref<51200x128xf32, #tpu.memory_space<hbm>> -> memref<100x128xf32, #tpu.memory_space<hbm>>
    %dma_wait3A_138 = arith.constant 0 : i32
    %dma_wait3A_139 = tpu.memref_slice %arg9[%add3A_129, %dma_wait3A_138] : memref<51200x128xf32, #tpu.memory_space<hbm>> -> memref<100x128xf32, #tpu.memory_space<hbm>>
    tpu.wait_dma2 semaphore(%arg22 : memref<!tpu.dma_semaphore, #tpu.memory_space<semaphore_mem>>) src(%arg15 : memref<100x128xf32, #tpu.memory_space<vmem>>) dst(%dma_wait3A_139 : memref<100x128xf32, #tpu.memory_space<hbm>>)
    %dma_wait3A_140 = arith.constant 0 : i32
    %dma_wait3A_141 = tpu.memref_slice %arg10[%add3A_131, %dma_wait3A_140] : memref<51200x128xf32, #tpu.memory_space<hbm>> -> memref<100x128xf32, #tpu.memory_space<hbm>>
    %dma_wait3A_142 = arith.constant 0 : i32
    %dma_wait3A_143 = tpu.memref_slice %arg10[%add3A_131, %dma_wait3A_142] : memref<51200x128xf32, #tpu.memory_space<hbm>> -> memref<100x128xf32, #tpu.memory_space<hbm>>
    tpu.wait_dma2 semaphore(%arg22 : memref<!tpu.dma_semaphore, #tpu.memory_space<semaphore_mem>>) src(%arg16 : memref<100x128xf32, #tpu.memory_space<vmem>>) dst(%dma_wait3A_143 : memref<100x128xf32, #tpu.memory_space<hbm>>)
    %add3A_144 = arith.constant 1500 : i32
    %add3A_145 = arith.addi %mul3A_2, %add3A_144 : i32
    %add3A_146 = arith.constant 1500 : i32
    %add3A_147 = arith.addi %mul3A_2, %add3A_146 : i32
    %add3A_148 = arith.constant 1500 : i32
    %add3A_149 = arith.addi %mul3A_2, %add3A_148 : i32
    %dma_start3A_150 = arith.constant 0 : i32
    %dma_start3A_151 = tpu.memref_slice %arg8[%add3A_145, %dma_start3A_150] : memref<51200x128xf32, #tpu.memory_space<hbm>> -> memref<100x128xf32, #tpu.memory_space<hbm>>
    %dma_start3A_152 = arith.constant 0 : i32
    %dma_start3A_153 = tpu.memref_slice %arg8[%add3A_145, %dma_start3A_152] : memref<51200x128xf32, #tpu.memory_space<hbm>> -> memref<100x128xf32, #tpu.memory_space<hbm>>
    tpu.enqueue_dma source(%arg17 : memref<100x128xf32, #tpu.memory_space<vmem>>) target(%dma_start3A_153 : memref<100x128xf32, #tpu.memory_space<hbm>>) target_semaphore(%arg23 : memref<!tpu.dma_semaphore, #tpu.memory_space<semaphore_mem>>)
    %dma_start3A_154 = arith.constant 0 : i32
    %dma_start3A_155 = tpu.memref_slice %arg9[%add3A_147, %dma_start3A_154] : memref<51200x128xf32, #tpu.memory_space<hbm>> -> memref<100x128xf32, #tpu.memory_space<hbm>>
    %dma_start3A_156 = arith.constant 0 : i32
    %dma_start3A_157 = tpu.memref_slice %arg9[%add3A_147, %dma_start3A_156] : memref<51200x128xf32, #tpu.memory_space<hbm>> -> memref<100x128xf32, #tpu.memory_space<hbm>>
    tpu.enqueue_dma source(%arg18 : memref<100x128xf32, #tpu.memory_space<vmem>>) target(%dma_start3A_157 : memref<100x128xf32, #tpu.memory_space<hbm>>) target_semaphore(%arg23 : memref<!tpu.dma_semaphore, #tpu.memory_space<semaphore_mem>>)
    %dma_start3A_158 = arith.constant 0 : i32
    %dma_start3A_159 = tpu.memref_slice %arg10[%add3A_149, %dma_start3A_158] : memref<51200x128xf32, #tpu.memory_space<hbm>> -> memref<100x128xf32, #tpu.memory_space<hbm>>
    %dma_start3A_160 = arith.constant 0 : i32
    %dma_start3A_161 = tpu.memref_slice %arg10[%add3A_149, %dma_start3A_160] : memref<51200x128xf32, #tpu.memory_space<hbm>> -> memref<100x128xf32, #tpu.memory_space<hbm>>
    tpu.enqueue_dma source(%arg19 : memref<100x128xf32, #tpu.memory_space<vmem>>) target(%dma_start3A_161 : memref<100x128xf32, #tpu.memory_space<hbm>>) target_semaphore(%arg23 : memref<!tpu.dma_semaphore, #tpu.memory_space<semaphore_mem>>)
    %add3A_162 = arith.constant 1500 : i32
    %add3A_163 = arith.addi %mul3A_2, %add3A_162 : i32
    %add3A_164 = arith.constant 1500 : i32
    %add3A_165 = arith.addi %mul3A_2, %add3A_164 : i32
    %add3A_166 = arith.constant 1500 : i32
    %add3A_167 = arith.addi %mul3A_2, %add3A_166 : i32
    %dma_wait3A_168 = arith.constant 0 : i32
    %dma_wait3A_169 = tpu.memref_slice %arg8[%add3A_163, %dma_wait3A_168] : memref<51200x128xf32, #tpu.memory_space<hbm>> -> memref<100x128xf32, #tpu.memory_space<hbm>>
    %dma_wait3A_170 = arith.constant 0 : i32
    %dma_wait3A_171 = tpu.memref_slice %arg8[%add3A_163, %dma_wait3A_170] : memref<51200x128xf32, #tpu.memory_space<hbm>> -> memref<100x128xf32, #tpu.memory_space<hbm>>
    tpu.wait_dma2 semaphore(%arg23 : memref<!tpu.dma_semaphore, #tpu.memory_space<semaphore_mem>>) src(%arg17 : memref<100x128xf32, #tpu.memory_space<vmem>>) dst(%dma_wait3A_171 : memref<100x128xf32, #tpu.memory_space<hbm>>)
    %dma_wait3A_172 = arith.constant 0 : i32
    %dma_wait3A_173 = tpu.memref_slice %arg9[%add3A_165, %dma_wait3A_172] : memref<51200x128xf32, #tpu.memory_space<hbm>> -> memref<100x128xf32, #tpu.memory_space<hbm>>
    %dma_wait3A_174 = arith.constant 0 : i32
    %dma_wait3A_175 = tpu.memref_slice %arg9[%add3A_165, %dma_wait3A_174] : memref<51200x128xf32, #tpu.memory_space<hbm>> -> memref<100x128xf32, #tpu.memory_space<hbm>>
    tpu.wait_dma2 semaphore(%arg23 : memref<!tpu.dma_semaphore, #tpu.memory_space<semaphore_mem>>) src(%arg18 : memref<100x128xf32, #tpu.memory_space<vmem>>) dst(%dma_wait3A_175 : memref<100x128xf32, #tpu.memory_space<hbm>>)
    %dma_wait3A_176 = arith.constant 0 : i32
    %dma_wait3A_177 = tpu.memref_slice %arg10[%add3A_167, %dma_wait3A_176] : memref<51200x128xf32, #tpu.memory_space<hbm>> -> memref<100x128xf32, #tpu.memory_space<hbm>>
    %dma_wait3A_178 = arith.constant 0 : i32
    %dma_wait3A_179 = tpu.memref_slice %arg10[%add3A_167, %dma_wait3A_178] : memref<51200x128xf32, #tpu.memory_space<hbm>> -> memref<100x128xf32, #tpu.memory_space<hbm>>
    tpu.wait_dma2 semaphore(%arg23 : memref<!tpu.dma_semaphore, #tpu.memory_space<semaphore_mem>>) src(%arg19 : memref<100x128xf32, #tpu.memory_space<vmem>>) dst(%dma_wait3A_179 : memref<100x128xf32, #tpu.memory_space<hbm>>)
    return
  }
}

module attributes {stable_mosaic.version = 14 : i64} {
  func.func @body(%arg0: i32, %arg1: memref<2048x128xf32, #tpu.memory_space<vmem>>, %arg2: memref<2048x128xf32, #tpu.memory_space<vmem>>, %arg3: memref<2048x128xf32, #tpu.memory_space<vmem>>, %arg4: memref<16x128xi32, #tpu.memory_space<vmem>>, %arg5: memref<16x128xf32, #tpu.memory_space<vmem>>, %arg6: memref<3x64xf32, #tpu.memory_space<vmem>>, %arg7: memref<448x128xf32, #tpu.memory_space<vmem>>, %arg8: memref<1x128xf32, #tpu.memory_space<vmem>>, %arg9: memref<1x128xf32, #tpu.memory_space<vmem>>, %arg10: memref<1x128xf32, #tpu.memory_space<vmem>>, %arg11: memref<1x128xf32, #tpu.memory_space<vmem>>, %arg12: memref<1x128xf32, #tpu.memory_space<vmem>>, %arg13: memref<1x128xf32, #tpu.memory_space<vmem>>, %arg14: memref<1x128xf32, #tpu.memory_space<vmem>>, %arg15: memref<2048x256xf32, #tpu.memory_space<vmem>>) attributes {dimension_semantics = [#tpu.dimension_semantics<arbitrary>], iteration_bounds = array<i64: 25>, scalar_prefetch = 0 : i64, scratch_operands = 0 : i64, tpu.core_type = #tpu.core_type<tc>, window_params = [{transform_indices = @transform_0, window_bounds = array<i64: 2048, 128>}, {transform_indices = @transform_1, window_bounds = array<i64: 2048, 128>}, {transform_indices = @transform_2, window_bounds = array<i64: 2048, 128>}, {transform_indices = @transform_3, window_bounds = array<i64: 16, 128>}, {transform_indices = @transform_4, window_bounds = array<i64: 16, 128>}, {pipeline_mode = #tpu.pipeline_mode<synchronous>, transform_indices = @transform_5, window_bounds = array<i64: 3, 64>}, {pipeline_mode = #tpu.pipeline_mode<synchronous>, transform_indices = @transform_6, window_bounds = array<i64: 448, 128>}, {pipeline_mode = #tpu.pipeline_mode<synchronous>, transform_indices = @transform_7, window_bounds = array<i64: 1, 128>}, {pipeline_mode = #tpu.pipeline_mode<synchronous>, transform_indices = @transform_8, window_bounds = array<i64: 1, 128>}, {pipeline_mode = #tpu.pipeline_mode<synchronous>, transform_indices = @transform_9, window_bounds = array<i64: 1, 128>}, {pipeline_mode = #tpu.pipeline_mode<synchronous>, transform_indices = @transform_10, window_bounds = array<i64: 1, 128>}, {pipeline_mode = #tpu.pipeline_mode<synchronous>, transform_indices = @transform_11, window_bounds = array<i64: 1, 128>}, {pipeline_mode = #tpu.pipeline_mode<synchronous>, transform_indices = @transform_12, window_bounds = array<i64: 1, 128>}, {pipeline_mode = #tpu.pipeline_mode<synchronous>, transform_indices = @transform_13, window_bounds = array<i64: 1, 128>}, {transform_indices = @transform_14, window_bounds = array<i64: 2048, 256>}]} {
    %get3A = arith.constant 0 : index
    %get3A_0 = arith.constant 0 : index
    %get3A_1 = vector.load %arg1[%get3A, %get3A_0] : memref<2048x128xf32, #tpu.memory_space<vmem>>, vector<2048x128xf32>
    %get3A_2 = arith.constant 0 : index
    %get3A_3 = arith.constant 0 : index
    %get3A_4 = vector.load %arg7[%get3A_2, %get3A_3] : memref<448x128xf32, #tpu.memory_space<vmem>>, vector<128x128xf32>
    %dot_general3A = arith.constant dense<0.000000e+00> : vector<2048x128xf32>
    %dot_general3A_5 = tpu.matmul %get3A_1, %get3A_4, %dot_general3A {dimension_numbers = #tpu.dot_dimension_numbers<[1], [0], [0], [1], [0, 0, 1, 1], [], []>, transpose_lhs_hint = false} : vector<2048x128xf32>, vector<128x128xf32>, vector<2048x128xf32> -> vector<2048x128xf32>
    %get3A_6 = arith.constant 0 : index
    %get3A_7 = arith.constant 0 : index
    %get3A_8 = vector.load %arg2[%get3A_6, %get3A_7] : memref<2048x128xf32, #tpu.memory_space<vmem>>, vector<2048x128xf32>
    %get3A_9 = arith.constant 128 : index
    %get3A_10 = arith.constant 0 : index
    %get3A_11 = vector.load %arg7[%get3A_9, %get3A_10] : memref<448x128xf32, #tpu.memory_space<vmem>>, vector<128x128xf32>
    %dot_general3A_12 = arith.constant dense<0.000000e+00> : vector<2048x128xf32>
    %dot_general3A_13 = tpu.matmul %get3A_8, %get3A_11, %dot_general3A_12 {dimension_numbers = #tpu.dot_dimension_numbers<[1], [0], [0], [1], [0, 0, 1, 1], [], []>, transpose_lhs_hint = false} : vector<2048x128xf32>, vector<128x128xf32>, vector<2048x128xf32> -> vector<2048x128xf32>
    %add3A = arith.addf %dot_general3A_5, %dot_general3A_13 : vector<2048x128xf32>
    %get3A_14 = arith.constant 0 : index
    %get3A_15 = arith.constant 0 : index
    %get3A_16 = vector.load %arg3[%get3A_14, %get3A_15] : memref<2048x128xf32, #tpu.memory_space<vmem>>, vector<2048x128xf32>
    %get3A_17 = arith.constant 256 : index
    %get3A_18 = arith.constant 0 : index
    %get3A_19 = vector.load %arg7[%get3A_17, %get3A_18] : memref<448x128xf32, #tpu.memory_space<vmem>>, vector<128x128xf32>
    %dot_general3A_20 = arith.constant dense<0.000000e+00> : vector<2048x128xf32>
    %dot_general3A_21 = tpu.matmul %get3A_16, %get3A_19, %dot_general3A_20 {dimension_numbers = #tpu.dot_dimension_numbers<[1], [0], [0], [1], [0, 0, 1, 1], [], []>, transpose_lhs_hint = false} : vector<2048x128xf32>, vector<128x128xf32>, vector<2048x128xf32> -> vector<2048x128xf32>
    %add3A_22 = arith.addf %add3A, %dot_general3A_21 : vector<2048x128xf32>
    %get3A_23 = arith.constant 0 : index
    %get3A_24 = arith.constant 0 : index
    %get3A_25 = vector.load %arg6[%get3A_23, %get3A_24] : memref<3x64xf32, #tpu.memory_space<vmem>>, vector<3x64xf32>
    %get3A_26 = arith.constant 384 : index
    %get3A_27 = arith.constant 0 : index
    %get3A_28 = vector.load %arg7[%get3A_26, %get3A_27] : memref<448x128xf32, #tpu.memory_space<vmem>>, vector<64x128xf32>
    %dot_general3A_29 = arith.constant dense<0.000000e+00> : vector<3x128xf32>
    %dot_general3A_30 = tpu.matmul %get3A_25, %get3A_28, %dot_general3A_29 {dimension_numbers = #tpu.dot_dimension_numbers<[1], [0], [0], [1], [0, 0, 1, 1], [], []>, transpose_lhs_hint = false} : vector<3x64xf32>, vector<64x128xf32>, vector<3x128xf32> -> vector<3x128xf32>
    %get3A_31 = arith.constant 0 : index
    %get3A_32 = arith.constant 0 : index
    %get3A_33 = vector.load %arg4[%get3A_31, %get3A_32] : memref<16x128xi32, #tpu.memory_space<vmem>>, vector<16x128xi32>
    %convert_element_type3A = arith.sitofp %get3A_33 : vector<16x128xi32> to vector<16x128xf32>
    %iota3A = tpu.iota {dimensions = array<i32: 0>} : vector<2048x16xi32>
    %jit3A = arith.constant 128 : i32
    %div3A = vector.broadcast %jit3A : i32 to vector<2048x16xi32>
    %div3A_34 = arith.divsi %iota3A, %div3A : vector<2048x16xi32>
    %sign3A = arith.constant 0 : i32
    %sign3A_35 = vector.broadcast %sign3A : i32 to vector<2048x16xi32>
    %sign3A_36 = arith.cmpi sgt, %iota3A, %sign3A_35 : vector<2048x16xi32>
    %sign3A_37 = arith.extui %sign3A_36 : vector<2048x16xi1> to vector<2048x16xi32>
    %sign3A_38 = arith.constant 0 : i32
    %sign3A_39 = vector.broadcast %sign3A_38 : i32 to vector<2048x16xi32>
    %sign3A_40 = arith.cmpi slt, %iota3A, %sign3A_39 : vector<2048x16xi32>
    %sign3A_41 = arith.extui %sign3A_40 : vector<2048x16xi1> to vector<2048x16xi32>
    %sign3A_42 = arith.subi %sign3A_37, %sign3A_41 : vector<2048x16xi32>
    %sign3A_43 = arith.constant 0 : i32
    %sign3A_44 = arith.cmpi sgt, %jit3A, %sign3A_43 : i32
    %sign3A_45 = arith.extui %sign3A_44 : i1 to i32
    %sign3A_46 = arith.constant 0 : i32
    %sign3A_47 = arith.cmpi slt, %jit3A, %sign3A_46 : i32
    %sign3A_48 = arith.extui %sign3A_47 : i1 to i32
    %sign3A_49 = arith.subi %sign3A_45, %sign3A_48 : i32
    %ne3A = vector.broadcast %sign3A_49 : i32 to vector<2048x16xi32>
    %ne3A_50 = arith.cmpi ne, %sign3A_42, %ne3A : vector<2048x16xi32>
    %rem3A = vector.broadcast %jit3A : i32 to vector<2048x16xi32>
    %rem3A_51 = arith.remsi %iota3A, %rem3A : vector<2048x16xi32>
    %ne3A_52 = arith.constant 0 : i32
    %ne3A_53 = vector.broadcast %ne3A_52 : i32 to vector<2048x16xi32>
    %ne3A_54 = arith.cmpi ne, %rem3A_51, %ne3A_53 : vector<2048x16xi32>
    %and3A = arith.andi %ne3A_50, %ne3A_54 : vector<2048x16xi1>
    %sub3A = arith.constant 1 : i32
    %sub3A_55 = vector.broadcast %sub3A : i32 to vector<2048x16xi32>
    %sub3A_56 = arith.subi %div3A_34, %sub3A_55 : vector<2048x16xi32>
    %select_n3A = arith.select %and3A, %sub3A_56, %div3A_34 : vector<2048x16xi1>, vector<2048x16xi32>
    %iota3A_57 = tpu.iota {dimensions = array<i32: 1>} : vector<2048x16xi32>
    %eq3A = arith.cmpi eq, %select_n3A, %iota3A_57 : vector<2048x16xi32>
    %convert_element_type3A_58 = arith.extui %eq3A : vector<2048x16xi1> to vector<2048x16xi32>
    %convert_element_type3A_59 = arith.sitofp %convert_element_type3A_58 : vector<2048x16xi32> to vector<2048x16xf32>
    %dot_general3A_60 = arith.constant dense<0.000000e+00> : vector<2048x128xf32>
    %dot_general3A_61 = tpu.matmul %convert_element_type3A_59, %convert_element_type3A, %dot_general3A_60 {dimension_numbers = #tpu.dot_dimension_numbers<[1], [0], [0], [1], [0, 0, 1, 1], [], []>, transpose_lhs_hint = false} : vector<2048x16xf32>, vector<16x128xf32>, vector<2048x128xf32> -> vector<2048x128xf32>
    %iota3A_62 = tpu.iota {dimensions = array<i32: 0>} : vector<2048x128xi32>
    %jit3A_63 = arith.constant 128 : i32
    %eq3A_64 = arith.constant 0 : i32
    %eq3A_65 = arith.cmpi eq, %jit3A_63, %eq3A_64 : i32
    %jit3A_66 = arith.constant 1 : i32
    %select_n3A_67 = arith.select %eq3A_65, %jit3A_66, %jit3A_63 : i32
    %rem3A_68 = vector.broadcast %select_n3A_67 : i32 to vector<2048x128xi32>
    %rem3A_69 = arith.remsi %iota3A_62, %rem3A_68 : vector<2048x128xi32>
    %ne3A_70 = arith.constant 0 : i32
    %ne3A_71 = vector.broadcast %ne3A_70 : i32 to vector<2048x128xi32>
    %ne3A_72 = arith.cmpi ne, %rem3A_69, %ne3A_71 : vector<2048x128xi32>
    %lt3A = arith.constant 0 : i32
    %lt3A_73 = vector.broadcast %lt3A : i32 to vector<2048x128xi32>
    %lt3A_74 = arith.cmpi slt, %rem3A_69, %lt3A_73 : vector<2048x128xi32>
    %lt3A_75 = arith.constant 0 : i32
    %lt3A_76 = arith.cmpi slt, %select_n3A_67, %lt3A_75 : i32
    %ne3A_77 = vector.broadcast %lt3A_76 : i1 to vector<2048x128xi1>
    %ne3A_78 = vector.broadcast %ne3A_77 : vector<2048x128xi1> to vector<2048x128xi1>
    %ne3A_79 = arith.xori %lt3A_74, %ne3A_78 : vector<2048x128xi1>
    %and3A_80 = arith.andi %ne3A_79, %ne3A_72 : vector<2048x128xi1>
    %add3A_81 = vector.broadcast %select_n3A_67 : i32 to vector<2048x128xi32>
    %add3A_82 = arith.addi %rem3A_69, %add3A_81 : vector<2048x128xi32>
    %select_n3A_83 = arith.select %and3A_80, %add3A_82, %rem3A_69 : vector<2048x128xi1>, vector<2048x128xi32>
    %iota3A_84 = tpu.iota {dimensions = array<i32: 1>} : vector<2048x128xi32>
    %eq3A_85 = arith.cmpi eq, %select_n3A_83, %iota3A_84 : vector<2048x128xi32>
    %jit3A_86 = arith.constant 0.000000e+00 : f32
    %broadcast_in_dim3A = vector.broadcast %jit3A_86 : f32 to vector<2048x128xf32>
    %select_n3A_87 = arith.select %eq3A_85, %dot_general3A_61, %broadcast_in_dim3A : vector<2048x128xi1>, vector<2048x128xf32>
    %broadcast_in_dim3A_88 = arith.constant 1.000000e+00 : f32
    %broadcast_in_dim3A_89 = vector.broadcast %broadcast_in_dim3A_88 : f32 to vector<128x128xf32>
    %dot_general3A_90 = arith.constant dense<0.000000e+00> : vector<2048x128xf32>
    %dot_general3A_91 = tpu.matmul %select_n3A_87, %broadcast_in_dim3A_89, %dot_general3A_90 {dimension_numbers = #tpu.dot_dimension_numbers<[1], [0], [0], [1], [0, 0, 1, 1], [], []>, transpose_lhs_hint = false} : vector<2048x128xf32>, vector<128x128xf32>, vector<2048x128xf32> -> vector<2048x128xf32>
    %slice3A = vector.extract_strided_slice %dot_general3A_30 {offsets = [0, 0], sizes = [1, 128], strides = [1, 1]} : vector<3x128xf32> to vector<1x128xf32>
    %slice3A_92 = vector.extract_strided_slice %dot_general3A_30 {offsets = [1, 0], sizes = [1, 128], strides = [1, 1]} : vector<3x128xf32> to vector<1x128xf32>
    %slice3A_93 = vector.extract_strided_slice %dot_general3A_30 {offsets = [0, 0], sizes = [1, 128], strides = [1, 1]} : vector<3x128xf32> to vector<1x128xf32>
    %sub3A_94 = arith.subf %slice3A_92, %slice3A_93 : vector<1x128xf32>
    %slice3A_95 = vector.extract_strided_slice %dot_general3A_30 {offsets = [2, 0], sizes = [1, 128], strides = [1, 1]} : vector<3x128xf32> to vector<1x128xf32>
    %slice3A_96 = vector.extract_strided_slice %dot_general3A_30 {offsets = [1, 0], sizes = [1, 128], strides = [1, 1]} : vector<3x128xf32> to vector<1x128xf32>
    %mul3A = arith.constant 2.000000e+00 : f32
    %mul3A_97 = vector.broadcast %mul3A : f32 to vector<1x128xf32>
    %mul3A_98 = arith.mulf %mul3A_97, %slice3A_96 : vector<1x128xf32>
    %sub3A_99 = arith.subf %slice3A_95, %mul3A_98 : vector<1x128xf32>
    %slice3A_100 = vector.extract_strided_slice %dot_general3A_30 {offsets = [0, 0], sizes = [1, 128], strides = [1, 1]} : vector<3x128xf32> to vector<1x128xf32>
    %add3A_101 = arith.addf %sub3A_99, %slice3A_100 : vector<1x128xf32>
    %add3A_102 = vector.broadcast %slice3A : vector<1x128xf32> to vector<2048x128xf32>
    %add3A_103 = arith.addf %add3A_22, %add3A_102 : vector<2048x128xf32>
    %mul3A_104 = vector.broadcast %sub3A_94 : vector<1x128xf32> to vector<2048x128xf32>
    %mul3A_105 = arith.mulf %dot_general3A_91, %mul3A_104 : vector<2048x128xf32>
    %add3A_106 = arith.addf %add3A_103, %mul3A_105 : vector<2048x128xf32>
    %sub3A_107 = arith.constant 1.000000e+00 : f32
    %sub3A_108 = vector.broadcast %sub3A_107 : f32 to vector<2048x128xf32>
    %sub3A_109 = arith.subf %dot_general3A_91, %sub3A_108 : vector<2048x128xf32>
    %mul3A_110 = arith.mulf %dot_general3A_91, %sub3A_109 : vector<2048x128xf32>
    %mul3A_111 = arith.constant 5.000000e-01 : f32
    %mul3A_112 = vector.broadcast %mul3A_111 : f32 to vector<2048x128xf32>
    %mul3A_113 = arith.mulf %mul3A_110, %mul3A_112 : vector<2048x128xf32>
    %mul3A_114 = vector.broadcast %add3A_101 : vector<1x128xf32> to vector<2048x128xf32>
    %mul3A_115 = arith.mulf %mul3A_113, %mul3A_114 : vector<2048x128xf32>
    %add3A_116 = arith.addf %add3A_106, %mul3A_115 : vector<2048x128xf32>
    %get3A_117 = arith.constant 0 : index
    %get3A_118 = arith.constant 0 : index
    %get3A_119 = vector.load %arg8[%get3A_117, %get3A_118] : memref<1x128xf32, #tpu.memory_space<vmem>>, vector<1x128xf32>
    %add3A_120 = vector.broadcast %get3A_119 : vector<1x128xf32> to vector<2048x128xf32>
    %add3A_121 = arith.addf %add3A_116, %add3A_120 : vector<2048x128xf32>
    %reduce_sum3A = arith.constant dense<0.000000e+00> : vector<2048xf32>
    %reduce_sum3A_122 = vector.multi_reduction <add>, %add3A_121, %reduce_sum3A [1] : vector<2048x128xf32> to vector<2048xf32>
    %broadcast_in_dim3A_123 = vector.shape_cast %reduce_sum3A_122 : vector<2048xf32> to vector<2048x1xf32>
    %div3A_124 = arith.constant 1.280000e+02 : f32
    %div3A_125 = vector.broadcast %div3A_124 : f32 to vector<2048x1xf32>
    %div3A_126 = arith.divf %broadcast_in_dim3A_123, %div3A_125 : vector<2048x1xf32>
    %sub3A_127 = vector.broadcast %div3A_126 : vector<2048x1xf32> to vector<2048x128xf32>
    %sub3A_128 = arith.subf %add3A_121, %sub3A_127 : vector<2048x128xf32>
    %integer_pow3A = arith.mulf %sub3A_128, %sub3A_128 : vector<2048x128xf32>
    %reduce_sum3A_129 = arith.constant dense<0.000000e+00> : vector<2048xf32>
    %reduce_sum3A_130 = vector.multi_reduction <add>, %integer_pow3A, %reduce_sum3A_129 [1] : vector<2048x128xf32> to vector<2048xf32>
    %broadcast_in_dim3A_131 = vector.shape_cast %reduce_sum3A_130 : vector<2048xf32> to vector<2048x1xf32>
    %div3A_132 = arith.constant 1.280000e+02 : f32
    %div3A_133 = vector.broadcast %div3A_132 : f32 to vector<2048x1xf32>
    %div3A_134 = arith.divf %broadcast_in_dim3A_131, %div3A_133 : vector<2048x1xf32>
    %sub3A_135 = vector.broadcast %div3A_126 : vector<2048x1xf32> to vector<2048x128xf32>
    %sub3A_136 = arith.subf %add3A_121, %sub3A_135 : vector<2048x128xf32>
    %add3A_137 = arith.constant 9.99999974E-6 : f32
    %add3A_138 = vector.broadcast %add3A_137 : f32 to vector<2048x1xf32>
    %add3A_139 = arith.addf %div3A_134, %add3A_138 : vector<2048x1xf32>
    %rsqrt3A = math.rsqrt %add3A_139 : vector<2048x1xf32>
    %mul3A_140 = vector.broadcast %rsqrt3A : vector<2048x1xf32> to vector<2048x128xf32>
    %mul3A_141 = arith.mulf %sub3A_136, %mul3A_140 : vector<2048x128xf32>
    %get3A_142 = arith.constant 0 : index
    %get3A_143 = arith.constant 0 : index
    %get3A_144 = vector.load %arg11[%get3A_142, %get3A_143] : memref<1x128xf32, #tpu.memory_space<vmem>>, vector<1x128xf32>
    %mul3A_145 = vector.broadcast %get3A_144 : vector<1x128xf32> to vector<2048x128xf32>
    %mul3A_146 = arith.mulf %mul3A_141, %mul3A_145 : vector<2048x128xf32>
    %get3A_147 = arith.constant 0 : index
    %get3A_148 = arith.constant 0 : index
    %get3A_149 = vector.load %arg12[%get3A_147, %get3A_148] : memref<1x128xf32, #tpu.memory_space<vmem>>, vector<1x128xf32>
    %add3A_150 = vector.broadcast %get3A_149 : vector<1x128xf32> to vector<2048x128xf32>
    %add3A_151 = arith.addf %mul3A_146, %add3A_150 : vector<2048x128xf32>
    %get3A_152 = arith.constant 0 : index
    %get3A_153 = arith.constant 0 : index
    %get3A_154 = vector.load %arg5[%get3A_152, %get3A_153] : memref<16x128xf32, #tpu.memory_space<vmem>>, vector<16x128xf32>
    %iota3A_155 = tpu.iota {dimensions = array<i32: 0>} : vector<2048x16xi32>
    %jit3A_156 = arith.constant 128 : i32
    %div3A_157 = vector.broadcast %jit3A_156 : i32 to vector<2048x16xi32>
    %div3A_158 = arith.divsi %iota3A_155, %div3A_157 : vector<2048x16xi32>
    %sign3A_159 = arith.constant 0 : i32
    %sign3A_160 = vector.broadcast %sign3A_159 : i32 to vector<2048x16xi32>
    %sign3A_161 = arith.cmpi sgt, %iota3A_155, %sign3A_160 : vector<2048x16xi32>
    %sign3A_162 = arith.extui %sign3A_161 : vector<2048x16xi1> to vector<2048x16xi32>
    %sign3A_163 = arith.constant 0 : i32
    %sign3A_164 = vector.broadcast %sign3A_163 : i32 to vector<2048x16xi32>
    %sign3A_165 = arith.cmpi slt, %iota3A_155, %sign3A_164 : vector<2048x16xi32>
    %sign3A_166 = arith.extui %sign3A_165 : vector<2048x16xi1> to vector<2048x16xi32>
    %sign3A_167 = arith.subi %sign3A_162, %sign3A_166 : vector<2048x16xi32>
    %sign3A_168 = arith.constant 0 : i32
    %sign3A_169 = arith.cmpi sgt, %jit3A_156, %sign3A_168 : i32
    %sign3A_170 = arith.extui %sign3A_169 : i1 to i32
    %sign3A_171 = arith.constant 0 : i32
    %sign3A_172 = arith.cmpi slt, %jit3A_156, %sign3A_171 : i32
    %sign3A_173 = arith.extui %sign3A_172 : i1 to i32
    %sign3A_174 = arith.subi %sign3A_170, %sign3A_173 : i32
    %ne3A_175 = vector.broadcast %sign3A_174 : i32 to vector<2048x16xi32>
    %ne3A_176 = arith.cmpi ne, %sign3A_167, %ne3A_175 : vector<2048x16xi32>
    %rem3A_177 = vector.broadcast %jit3A_156 : i32 to vector<2048x16xi32>
    %rem3A_178 = arith.remsi %iota3A_155, %rem3A_177 : vector<2048x16xi32>
    %ne3A_179 = arith.constant 0 : i32
    %ne3A_180 = vector.broadcast %ne3A_179 : i32 to vector<2048x16xi32>
    %ne3A_181 = arith.cmpi ne, %rem3A_178, %ne3A_180 : vector<2048x16xi32>
    %and3A_182 = arith.andi %ne3A_176, %ne3A_181 : vector<2048x16xi1>
    %sub3A_183 = arith.constant 1 : i32
    %sub3A_184 = vector.broadcast %sub3A_183 : i32 to vector<2048x16xi32>
    %sub3A_185 = arith.subi %div3A_158, %sub3A_184 : vector<2048x16xi32>
    %select_n3A_186 = arith.select %and3A_182, %sub3A_185, %div3A_158 : vector<2048x16xi1>, vector<2048x16xi32>
    %iota3A_187 = tpu.iota {dimensions = array<i32: 1>} : vector<2048x16xi32>
    %eq3A_188 = arith.cmpi eq, %select_n3A_186, %iota3A_187 : vector<2048x16xi32>
    %convert_element_type3A_189 = arith.extui %eq3A_188 : vector<2048x16xi1> to vector<2048x16xi32>
    %convert_element_type3A_190 = arith.sitofp %convert_element_type3A_189 : vector<2048x16xi32> to vector<2048x16xf32>
    %dot_general3A_191 = arith.constant dense<0.000000e+00> : vector<2048x128xf32>
    %dot_general3A_192 = tpu.matmul %convert_element_type3A_190, %get3A_154, %dot_general3A_191 {dimension_numbers = #tpu.dot_dimension_numbers<[1], [0], [0], [1], [0, 0, 1, 1], [], []>, transpose_lhs_hint = false} : vector<2048x16xf32>, vector<16x128xf32>, vector<2048x128xf32> -> vector<2048x128xf32>
    %iota3A_193 = tpu.iota {dimensions = array<i32: 0>} : vector<2048x128xi32>
    %jit3A_194 = arith.constant 128 : i32
    %eq3A_195 = arith.constant 0 : i32
    %eq3A_196 = arith.cmpi eq, %jit3A_194, %eq3A_195 : i32
    %jit3A_197 = arith.constant 1 : i32
    %select_n3A_198 = arith.select %eq3A_196, %jit3A_197, %jit3A_194 : i32
    %rem3A_199 = vector.broadcast %select_n3A_198 : i32 to vector<2048x128xi32>
    %rem3A_200 = arith.remsi %iota3A_193, %rem3A_199 : vector<2048x128xi32>
    %ne3A_201 = arith.constant 0 : i32
    %ne3A_202 = vector.broadcast %ne3A_201 : i32 to vector<2048x128xi32>
    %ne3A_203 = arith.cmpi ne, %rem3A_200, %ne3A_202 : vector<2048x128xi32>
    %lt3A_204 = arith.constant 0 : i32
    %lt3A_205 = vector.broadcast %lt3A_204 : i32 to vector<2048x128xi32>
    %lt3A_206 = arith.cmpi slt, %rem3A_200, %lt3A_205 : vector<2048x128xi32>
    %lt3A_207 = arith.constant 0 : i32
    %lt3A_208 = arith.cmpi slt, %select_n3A_198, %lt3A_207 : i32
    %ne3A_209 = vector.broadcast %lt3A_208 : i1 to vector<2048x128xi1>
    %ne3A_210 = vector.broadcast %ne3A_209 : vector<2048x128xi1> to vector<2048x128xi1>
    %ne3A_211 = arith.xori %lt3A_206, %ne3A_210 : vector<2048x128xi1>
    %and3A_212 = arith.andi %ne3A_211, %ne3A_203 : vector<2048x128xi1>
    %add3A_213 = vector.broadcast %select_n3A_198 : i32 to vector<2048x128xi32>
    %add3A_214 = arith.addi %rem3A_200, %add3A_213 : vector<2048x128xi32>
    %select_n3A_215 = arith.select %and3A_212, %add3A_214, %rem3A_200 : vector<2048x128xi1>, vector<2048x128xi32>
    %iota3A_216 = tpu.iota {dimensions = array<i32: 1>} : vector<2048x128xi32>
    %eq3A_217 = arith.cmpi eq, %select_n3A_215, %iota3A_216 : vector<2048x128xi32>
    %jit3A_218 = arith.constant 0.000000e+00 : f32
    %broadcast_in_dim3A_219 = vector.broadcast %jit3A_218 : f32 to vector<2048x128xf32>
    %select_n3A_220 = arith.select %eq3A_217, %dot_general3A_192, %broadcast_in_dim3A_219 : vector<2048x128xi1>, vector<2048x128xf32>
    %broadcast_in_dim3A_221 = arith.constant 1.000000e+00 : f32
    %broadcast_in_dim3A_222 = vector.broadcast %broadcast_in_dim3A_221 : f32 to vector<128x128xf32>
    %dot_general3A_223 = arith.constant dense<0.000000e+00> : vector<2048x128xf32>
    %dot_general3A_224 = tpu.matmul %select_n3A_220, %broadcast_in_dim3A_222, %dot_general3A_223 {dimension_numbers = #tpu.dot_dimension_numbers<[1], [0], [0], [1], [0, 0, 1, 1], [], []>, transpose_lhs_hint = false} : vector<2048x128xf32>, vector<128x128xf32>, vector<2048x128xf32> -> vector<2048x128xf32>
    %get3A_225 = arith.constant 0 : index
    %get3A_226 = arith.constant 0 : index
    %get3A_227 = vector.load %arg9[%get3A_225, %get3A_226] : memref<1x128xf32, #tpu.memory_space<vmem>>, vector<1x128xf32>
    %mul3A_228 = vector.broadcast %get3A_227 : vector<1x128xf32> to vector<2048x128xf32>
    %mul3A_229 = arith.mulf %dot_general3A_224, %mul3A_228 : vector<2048x128xf32>
    %get3A_230 = arith.constant 0 : index
    %get3A_231 = arith.constant 0 : index
    %get3A_232 = vector.load %arg10[%get3A_230, %get3A_231] : memref<1x128xf32, #tpu.memory_space<vmem>>, vector<1x128xf32>
    %add3A_233 = vector.broadcast %get3A_232 : vector<1x128xf32> to vector<2048x128xf32>
    %add3A_234 = arith.addf %mul3A_229, %add3A_233 : vector<2048x128xf32>
    %reduce_sum3A_235 = arith.constant dense<0.000000e+00> : vector<2048xf32>
    %reduce_sum3A_236 = vector.multi_reduction <add>, %add3A_234, %reduce_sum3A_235 [1] : vector<2048x128xf32> to vector<2048xf32>
    %broadcast_in_dim3A_237 = vector.shape_cast %reduce_sum3A_236 : vector<2048xf32> to vector<2048x1xf32>
    %div3A_238 = arith.constant 1.280000e+02 : f32
    %div3A_239 = vector.broadcast %div3A_238 : f32 to vector<2048x1xf32>
    %div3A_240 = arith.divf %broadcast_in_dim3A_237, %div3A_239 : vector<2048x1xf32>
    %sub3A_241 = vector.broadcast %div3A_240 : vector<2048x1xf32> to vector<2048x128xf32>
    %sub3A_242 = arith.subf %add3A_234, %sub3A_241 : vector<2048x128xf32>
    %integer_pow3A_243 = arith.mulf %sub3A_242, %sub3A_242 : vector<2048x128xf32>
    %reduce_sum3A_244 = arith.constant dense<0.000000e+00> : vector<2048xf32>
    %reduce_sum3A_245 = vector.multi_reduction <add>, %integer_pow3A_243, %reduce_sum3A_244 [1] : vector<2048x128xf32> to vector<2048xf32>
    %broadcast_in_dim3A_246 = vector.shape_cast %reduce_sum3A_245 : vector<2048xf32> to vector<2048x1xf32>
    %div3A_247 = arith.constant 1.280000e+02 : f32
    %div3A_248 = vector.broadcast %div3A_247 : f32 to vector<2048x1xf32>
    %div3A_249 = arith.divf %broadcast_in_dim3A_246, %div3A_248 : vector<2048x1xf32>
    %sub3A_250 = vector.broadcast %div3A_240 : vector<2048x1xf32> to vector<2048x128xf32>
    %sub3A_251 = arith.subf %add3A_234, %sub3A_250 : vector<2048x128xf32>
    %add3A_252 = arith.constant 9.99999974E-6 : f32
    %add3A_253 = vector.broadcast %add3A_252 : f32 to vector<2048x1xf32>
    %add3A_254 = arith.addf %div3A_249, %add3A_253 : vector<2048x1xf32>
    %rsqrt3A_255 = math.rsqrt %add3A_254 : vector<2048x1xf32>
    %mul3A_256 = vector.broadcast %rsqrt3A_255 : vector<2048x1xf32> to vector<2048x128xf32>
    %mul3A_257 = arith.mulf %sub3A_251, %mul3A_256 : vector<2048x128xf32>
    %get3A_258 = arith.constant 0 : index
    %get3A_259 = arith.constant 0 : index
    %get3A_260 = vector.load %arg13[%get3A_258, %get3A_259] : memref<1x128xf32, #tpu.memory_space<vmem>>, vector<1x128xf32>
    %mul3A_261 = vector.broadcast %get3A_260 : vector<1x128xf32> to vector<2048x128xf32>
    %mul3A_262 = arith.mulf %mul3A_257, %mul3A_261 : vector<2048x128xf32>
    %get3A_263 = arith.constant 0 : index
    %get3A_264 = arith.constant 0 : index
    %get3A_265 = vector.load %arg14[%get3A_263, %get3A_264] : memref<1x128xf32, #tpu.memory_space<vmem>>, vector<1x128xf32>
    %add3A_266 = vector.broadcast %get3A_265 : vector<1x128xf32> to vector<2048x128xf32>
    %add3A_267 = arith.addf %mul3A_262, %add3A_266 : vector<2048x128xf32>
    %swap3A = arith.constant 0 : index
    %swap3A_268 = arith.constant 0 : index
    %swap3A_269 = vector.load %arg15[%swap3A, %swap3A_268] : memref<2048x256xf32, #tpu.memory_space<vmem>>, vector<2048x128xf32>
    tpu.vector_store %arg15[%swap3A, %swap3A_268], %add3A_151 {strides = array<i32>} : memref<2048x256xf32, #tpu.memory_space<vmem>>, vector<2048x128xf32>,
    %swap3A_270 = arith.constant 0 : index
    %swap3A_271 = arith.constant 128 : index
    %swap3A_272 = vector.load %arg15[%swap3A_270, %swap3A_271] : memref<2048x256xf32, #tpu.memory_space<vmem>>, vector<2048x128xf32>
    tpu.vector_store %arg15[%swap3A_270, %swap3A_271], %add3A_267 {strides = array<i32>} : memref<2048x256xf32, #tpu.memory_space<vmem>>, vector<2048x128xf32>,
    return
  }
  func.func @transform_0(%arg0: i32) -> (i32, i32) {
    %c0_i32 = arith.constant 0 : i32
    %c0_i32_0 = arith.constant 0 : i32
    return %arg0, %c0_i32 : i32, i32
  }
  func.func @transform_1(%arg0: i32) -> (i32, i32) {
    %c0_i32 = arith.constant 0 : i32
    %c0_i32_0 = arith.constant 0 : i32
    return %arg0, %c0_i32 : i32, i32
  }
  func.func @transform_2(%arg0: i32) -> (i32, i32) {
    %c0_i32 = arith.constant 0 : i32
    %c0_i32_0 = arith.constant 0 : i32
    return %arg0, %c0_i32 : i32, i32
  }
  func.func @transform_3(%arg0: i32) -> (i32, i32) {
    %add3A = arith.constant 0 : i32
    %add3A_0 = arith.addi %arg0, %add3A : i32
    %c0_i32 = arith.constant 0 : i32
    %c0_i32_1 = arith.constant 0 : i32
    return %add3A_0, %c0_i32 : i32, i32
  }
  func.func @transform_4(%arg0: i32) -> (i32, i32) {
    %add3A = arith.constant 0 : i32
    %add3A_0 = arith.addi %arg0, %add3A : i32
    %c0_i32 = arith.constant 0 : i32
    %c0_i32_1 = arith.constant 0 : i32
    return %add3A_0, %c0_i32 : i32, i32
  }
  func.func @transform_5(%arg0: i32) -> (i32, i32) {
    %c0_i32 = arith.constant 0 : i32
    %c0_i32_0 = arith.constant 0 : i32
    %c0_i32_1 = arith.constant 0 : i32
    return %c0_i32, %c0_i32_0 : i32, i32
  }
  func.func @transform_6(%arg0: i32) -> (i32, i32) {
    %c0_i32 = arith.constant 0 : i32
    %c0_i32_0 = arith.constant 0 : i32
    %c0_i32_1 = arith.constant 0 : i32
    return %c0_i32, %c0_i32_0 : i32, i32
  }
  func.func @transform_7(%arg0: i32) -> (i32, i32) {
    %c0_i32 = arith.constant 0 : i32
    %c0_i32_0 = arith.constant 0 : i32
    %c0_i32_1 = arith.constant 0 : i32
    return %c0_i32, %c0_i32_0 : i32, i32
  }
  func.func @transform_8(%arg0: i32) -> (i32, i32) {
    %c0_i32 = arith.constant 0 : i32
    %c0_i32_0 = arith.constant 0 : i32
    %c0_i32_1 = arith.constant 0 : i32
    return %c0_i32, %c0_i32_0 : i32, i32
  }
  func.func @transform_9(%arg0: i32) -> (i32, i32) {
    %c0_i32 = arith.constant 0 : i32
    %c0_i32_0 = arith.constant 0 : i32
    %c0_i32_1 = arith.constant 0 : i32
    return %c0_i32, %c0_i32_0 : i32, i32
  }
  func.func @transform_10(%arg0: i32) -> (i32, i32) {
    %c0_i32 = arith.constant 0 : i32
    %c0_i32_0 = arith.constant 0 : i32
    %c0_i32_1 = arith.constant 0 : i32
    return %c0_i32, %c0_i32_0 : i32, i32
  }
  func.func @transform_11(%arg0: i32) -> (i32, i32) {
    %c0_i32 = arith.constant 0 : i32
    %c0_i32_0 = arith.constant 0 : i32
    %c0_i32_1 = arith.constant 0 : i32
    return %c0_i32, %c0_i32_0 : i32, i32
  }
  func.func @transform_12(%arg0: i32) -> (i32, i32) {
    %c0_i32 = arith.constant 0 : i32
    %c0_i32_0 = arith.constant 0 : i32
    %c0_i32_1 = arith.constant 0 : i32
    return %c0_i32, %c0_i32_0 : i32, i32
  }
  func.func @transform_13(%arg0: i32) -> (i32, i32) {
    %c0_i32 = arith.constant 0 : i32
    %c0_i32_0 = arith.constant 0 : i32
    %c0_i32_1 = arith.constant 0 : i32
    return %c0_i32, %c0_i32_0 : i32, i32
  }
  func.func @transform_14(%arg0: i32) -> (i32, i32) {
    %add3A = arith.constant 0 : i32
    %add3A_0 = arith.addi %arg0, %add3A : i32
    %c0_i32 = arith.constant 0 : i32
    %c0_i32_1 = arith.constant 0 : i32
    return %add3A_0, %c0_i32 : i32, i32
  }
}

module attributes {stable_mosaic.version = 14 : i64} {
  func.func @body(%arg0: i32, %arg1: memref<2048x128xf32, #tpu.memory_space<vmem>>, %arg2: memref<2048x128xf32, #tpu.memory_space<vmem>>, %arg3: memref<2048x128xf32, #tpu.memory_space<vmem>>, %arg4: memref<16x128xi32, #tpu.memory_space<vmem>>, %arg5: memref<16x128xf32, #tpu.memory_space<vmem>>, %arg6: memref<3x64xf32, #tpu.memory_space<vmem>>, %arg7: memref<448x128xf32, #tpu.memory_space<vmem>>, %arg8: memref<1x128xf32, #tpu.memory_space<vmem>>, %arg9: memref<1x128xf32, #tpu.memory_space<vmem>>, %arg10: memref<1x128xf32, #tpu.memory_space<vmem>>, %arg11: memref<1x128xf32, #tpu.memory_space<vmem>>, %arg12: memref<1x128xf32, #tpu.memory_space<vmem>>, %arg13: memref<1x128xf32, #tpu.memory_space<vmem>>, %arg14: memref<1x128xf32, #tpu.memory_space<vmem>>, %arg15: memref<204800x256xf32, #tpu.memory_space<any>>, %arg16: memref<2048x256xf32, #tpu.memory_space<vmem>>) attributes {dimension_semantics = [#tpu.dimension_semantics<arbitrary>], iteration_bounds = array<i64: 25>, scalar_prefetch = 0 : i64, scratch_operands = 0 : i64, tpu.core_type = #tpu.core_type<tc>, window_params = [{transform_indices = @transform_0, window_bounds = array<i64: 2048, 128>}, {transform_indices = @transform_1, window_bounds = array<i64: 2048, 128>}, {transform_indices = @transform_2, window_bounds = array<i64: 2048, 128>}, {transform_indices = @transform_3, window_bounds = array<i64: 16, 128>}, {transform_indices = @transform_4, window_bounds = array<i64: 16, 128>}, {pipeline_mode = #tpu.pipeline_mode<synchronous>, transform_indices = @transform_5, window_bounds = array<i64: 3, 64>}, {pipeline_mode = #tpu.pipeline_mode<synchronous>, transform_indices = @transform_6, window_bounds = array<i64: 448, 128>}, {pipeline_mode = #tpu.pipeline_mode<synchronous>, transform_indices = @transform_7, window_bounds = array<i64: 1, 128>}, {pipeline_mode = #tpu.pipeline_mode<synchronous>, transform_indices = @transform_8, window_bounds = array<i64: 1, 128>}, {pipeline_mode = #tpu.pipeline_mode<synchronous>, transform_indices = @transform_9, window_bounds = array<i64: 1, 128>}, {pipeline_mode = #tpu.pipeline_mode<synchronous>, transform_indices = @transform_10, window_bounds = array<i64: 1, 128>}, {pipeline_mode = #tpu.pipeline_mode<synchronous>, transform_indices = @transform_11, window_bounds = array<i64: 1, 128>}, {pipeline_mode = #tpu.pipeline_mode<synchronous>, transform_indices = @transform_12, window_bounds = array<i64: 1, 128>}, {pipeline_mode = #tpu.pipeline_mode<synchronous>, transform_indices = @transform_13, window_bounds = array<i64: 1, 128>}, {}, {transform_indices = @transform_15, window_bounds = array<i64: 2048, 256>}]} {
    %get3A = arith.constant 0 : index
    %get3A_0 = arith.constant 0 : index
    %get3A_1 = vector.load %arg1[%get3A, %get3A_0] : memref<2048x128xf32, #tpu.memory_space<vmem>>, vector<2048x128xf32>
    %get3A_2 = arith.constant 0 : index
    %get3A_3 = arith.constant 0 : index
    %get3A_4 = vector.load %arg7[%get3A_2, %get3A_3] : memref<448x128xf32, #tpu.memory_space<vmem>>, vector<128x128xf32>
    %dot_general3A = arith.constant dense<0.000000e+00> : vector<2048x128xf32>
    %dot_general3A_5 = tpu.matmul %get3A_1, %get3A_4, %dot_general3A {dimension_numbers = #tpu.dot_dimension_numbers<[1], [0], [0], [1], [0, 0, 1, 1], [], []>, transpose_lhs_hint = false} : vector<2048x128xf32>, vector<128x128xf32>, vector<2048x128xf32> -> vector<2048x128xf32>
    %get3A_6 = arith.constant 0 : index
    %get3A_7 = arith.constant 0 : index
    %get3A_8 = vector.load %arg2[%get3A_6, %get3A_7] : memref<2048x128xf32, #tpu.memory_space<vmem>>, vector<2048x128xf32>
    %get3A_9 = arith.constant 128 : index
    %get3A_10 = arith.constant 0 : index
    %get3A_11 = vector.load %arg7[%get3A_9, %get3A_10] : memref<448x128xf32, #tpu.memory_space<vmem>>, vector<128x128xf32>
    %dot_general3A_12 = arith.constant dense<0.000000e+00> : vector<2048x128xf32>
    %dot_general3A_13 = tpu.matmul %get3A_8, %get3A_11, %dot_general3A_12 {dimension_numbers = #tpu.dot_dimension_numbers<[1], [0], [0], [1], [0, 0, 1, 1], [], []>, transpose_lhs_hint = false} : vector<2048x128xf32>, vector<128x128xf32>, vector<2048x128xf32> -> vector<2048x128xf32>
    %add3A = arith.addf %dot_general3A_5, %dot_general3A_13 : vector<2048x128xf32>
    %get3A_14 = arith.constant 0 : index
    %get3A_15 = arith.constant 0 : index
    %get3A_16 = vector.load %arg3[%get3A_14, %get3A_15] : memref<2048x128xf32, #tpu.memory_space<vmem>>, vector<2048x128xf32>
    %get3A_17 = arith.constant 256 : index
    %get3A_18 = arith.constant 0 : index
    %get3A_19 = vector.load %arg7[%get3A_17, %get3A_18] : memref<448x128xf32, #tpu.memory_space<vmem>>, vector<128x128xf32>
    %dot_general3A_20 = arith.constant dense<0.000000e+00> : vector<2048x128xf32>
    %dot_general3A_21 = tpu.matmul %get3A_16, %get3A_19, %dot_general3A_20 {dimension_numbers = #tpu.dot_dimension_numbers<[1], [0], [0], [1], [0, 0, 1, 1], [], []>, transpose_lhs_hint = false} : vector<2048x128xf32>, vector<128x128xf32>, vector<2048x128xf32> -> vector<2048x128xf32>
    %add3A_22 = arith.addf %add3A, %dot_general3A_21 : vector<2048x128xf32>
    %get3A_23 = arith.constant 0 : index
    %get3A_24 = arith.constant 0 : index
    %get3A_25 = vector.load %arg6[%get3A_23, %get3A_24] : memref<3x64xf32, #tpu.memory_space<vmem>>, vector<3x64xf32>
    %get3A_26 = arith.constant 384 : index
    %get3A_27 = arith.constant 0 : index
    %get3A_28 = vector.load %arg7[%get3A_26, %get3A_27] : memref<448x128xf32, #tpu.memory_space<vmem>>, vector<64x128xf32>
    %dot_general3A_29 = arith.constant dense<0.000000e+00> : vector<3x128xf32>
    %dot_general3A_30 = tpu.matmul %get3A_25, %get3A_28, %dot_general3A_29 {dimension_numbers = #tpu.dot_dimension_numbers<[1], [0], [0], [1], [0, 0, 1, 1], [], []>, transpose_lhs_hint = false} : vector<3x64xf32>, vector<64x128xf32>, vector<3x128xf32> -> vector<3x128xf32>
    %get3A_31 = arith.constant 0 : index
    %get3A_32 = arith.constant 0 : index
    %get3A_33 = vector.load %arg4[%get3A_31, %get3A_32] : memref<16x128xi32, #tpu.memory_space<vmem>>, vector<16x128xi32>
    %convert_element_type3A = arith.sitofp %get3A_33 : vector<16x128xi32> to vector<16x128xf32>
    %iota3A = tpu.iota {dimensions = array<i32: 0>} : vector<2048x16xi32>
    %jit3A = arith.constant 128 : i32
    %div3A = vector.broadcast %jit3A : i32 to vector<2048x16xi32>
    %div3A_34 = arith.divsi %iota3A, %div3A : vector<2048x16xi32>
    %sign3A = arith.constant 0 : i32
    %sign3A_35 = vector.broadcast %sign3A : i32 to vector<2048x16xi32>
    %sign3A_36 = arith.cmpi sgt, %iota3A, %sign3A_35 : vector<2048x16xi32>
    %sign3A_37 = arith.extui %sign3A_36 : vector<2048x16xi1> to vector<2048x16xi32>
    %sign3A_38 = arith.constant 0 : i32
    %sign3A_39 = vector.broadcast %sign3A_38 : i32 to vector<2048x16xi32>
    %sign3A_40 = arith.cmpi slt, %iota3A, %sign3A_39 : vector<2048x16xi32>
    %sign3A_41 = arith.extui %sign3A_40 : vector<2048x16xi1> to vector<2048x16xi32>
    %sign3A_42 = arith.subi %sign3A_37, %sign3A_41 : vector<2048x16xi32>
    %sign3A_43 = arith.constant 0 : i32
    %sign3A_44 = arith.cmpi sgt, %jit3A, %sign3A_43 : i32
    %sign3A_45 = arith.extui %sign3A_44 : i1 to i32
    %sign3A_46 = arith.constant 0 : i32
    %sign3A_47 = arith.cmpi slt, %jit3A, %sign3A_46 : i32
    %sign3A_48 = arith.extui %sign3A_47 : i1 to i32
    %sign3A_49 = arith.subi %sign3A_45, %sign3A_48 : i32
    %ne3A = vector.broadcast %sign3A_49 : i32 to vector<2048x16xi32>
    %ne3A_50 = arith.cmpi ne, %sign3A_42, %ne3A : vector<2048x16xi32>
    %rem3A = vector.broadcast %jit3A : i32 to vector<2048x16xi32>
    %rem3A_51 = arith.remsi %iota3A, %rem3A : vector<2048x16xi32>
    %ne3A_52 = arith.constant 0 : i32
    %ne3A_53 = vector.broadcast %ne3A_52 : i32 to vector<2048x16xi32>
    %ne3A_54 = arith.cmpi ne, %rem3A_51, %ne3A_53 : vector<2048x16xi32>
    %and3A = arith.andi %ne3A_50, %ne3A_54 : vector<2048x16xi1>
    %sub3A = arith.constant 1 : i32
    %sub3A_55 = vector.broadcast %sub3A : i32 to vector<2048x16xi32>
    %sub3A_56 = arith.subi %div3A_34, %sub3A_55 : vector<2048x16xi32>
    %select_n3A = arith.select %and3A, %sub3A_56, %div3A_34 : vector<2048x16xi1>, vector<2048x16xi32>
    %iota3A_57 = tpu.iota {dimensions = array<i32: 1>} : vector<2048x16xi32>
    %eq3A = arith.cmpi eq, %select_n3A, %iota3A_57 : vector<2048x16xi32>
    %convert_element_type3A_58 = arith.extui %eq3A : vector<2048x16xi1> to vector<2048x16xi32>
    %convert_element_type3A_59 = arith.sitofp %convert_element_type3A_58 : vector<2048x16xi32> to vector<2048x16xf32>
    %dot_general3A_60 = arith.constant dense<0.000000e+00> : vector<2048x128xf32>
    %dot_general3A_61 = tpu.matmul %convert_element_type3A_59, %convert_element_type3A, %dot_general3A_60 {dimension_numbers = #tpu.dot_dimension_numbers<[1], [0], [0], [1], [0, 0, 1, 1], [], []>, transpose_lhs_hint = false} : vector<2048x16xf32>, vector<16x128xf32>, vector<2048x128xf32> -> vector<2048x128xf32>
    %iota3A_62 = tpu.iota {dimensions = array<i32: 0>} : vector<2048x128xi32>
    %jit3A_63 = arith.constant 128 : i32
    %eq3A_64 = arith.constant 0 : i32
    %eq3A_65 = arith.cmpi eq, %jit3A_63, %eq3A_64 : i32
    %jit3A_66 = arith.constant 1 : i32
    %select_n3A_67 = arith.select %eq3A_65, %jit3A_66, %jit3A_63 : i32
    %rem3A_68 = vector.broadcast %select_n3A_67 : i32 to vector<2048x128xi32>
    %rem3A_69 = arith.remsi %iota3A_62, %rem3A_68 : vector<2048x128xi32>
    %ne3A_70 = arith.constant 0 : i32
    %ne3A_71 = vector.broadcast %ne3A_70 : i32 to vector<2048x128xi32>
    %ne3A_72 = arith.cmpi ne, %rem3A_69, %ne3A_71 : vector<2048x128xi32>
    %lt3A = arith.constant 0 : i32
    %lt3A_73 = vector.broadcast %lt3A : i32 to vector<2048x128xi32>
    %lt3A_74 = arith.cmpi slt, %rem3A_69, %lt3A_73 : vector<2048x128xi32>
    %lt3A_75 = arith.constant 0 : i32
    %lt3A_76 = arith.cmpi slt, %select_n3A_67, %lt3A_75 : i32
    %ne3A_77 = vector.broadcast %lt3A_76 : i1 to vector<2048x128xi1>
    %ne3A_78 = vector.broadcast %ne3A_77 : vector<2048x128xi1> to vector<2048x128xi1>
    %ne3A_79 = arith.xori %lt3A_74, %ne3A_78 : vector<2048x128xi1>
    %and3A_80 = arith.andi %ne3A_79, %ne3A_72 : vector<2048x128xi1>
    %add3A_81 = vector.broadcast %select_n3A_67 : i32 to vector<2048x128xi32>
    %add3A_82 = arith.addi %rem3A_69, %add3A_81 : vector<2048x128xi32>
    %select_n3A_83 = arith.select %and3A_80, %add3A_82, %rem3A_69 : vector<2048x128xi1>, vector<2048x128xi32>
    %iota3A_84 = tpu.iota {dimensions = array<i32: 1>} : vector<2048x128xi32>
    %eq3A_85 = arith.cmpi eq, %select_n3A_83, %iota3A_84 : vector<2048x128xi32>
    %jit3A_86 = arith.constant 0.000000e+00 : f32
    %broadcast_in_dim3A = vector.broadcast %jit3A_86 : f32 to vector<2048x128xf32>
    %select_n3A_87 = arith.select %eq3A_85, %dot_general3A_61, %broadcast_in_dim3A : vector<2048x128xi1>, vector<2048x128xf32>
    %broadcast_in_dim3A_88 = arith.constant 1.000000e+00 : f32
    %broadcast_in_dim3A_89 = vector.broadcast %broadcast_in_dim3A_88 : f32 to vector<128x128xf32>
    %dot_general3A_90 = arith.constant dense<0.000000e+00> : vector<2048x128xf32>
    %dot_general3A_91 = tpu.matmul %select_n3A_87, %broadcast_in_dim3A_89, %dot_general3A_90 {dimension_numbers = #tpu.dot_dimension_numbers<[1], [0], [0], [1], [0, 0, 1, 1], [], []>, transpose_lhs_hint = false} : vector<2048x128xf32>, vector<128x128xf32>, vector<2048x128xf32> -> vector<2048x128xf32>
    %slice3A = vector.extract_strided_slice %dot_general3A_30 {offsets = [0, 0], sizes = [1, 128], strides = [1, 1]} : vector<3x128xf32> to vector<1x128xf32>
    %slice3A_92 = vector.extract_strided_slice %dot_general3A_30 {offsets = [1, 0], sizes = [1, 128], strides = [1, 1]} : vector<3x128xf32> to vector<1x128xf32>
    %slice3A_93 = vector.extract_strided_slice %dot_general3A_30 {offsets = [0, 0], sizes = [1, 128], strides = [1, 1]} : vector<3x128xf32> to vector<1x128xf32>
    %sub3A_94 = arith.subf %slice3A_92, %slice3A_93 : vector<1x128xf32>
    %slice3A_95 = vector.extract_strided_slice %dot_general3A_30 {offsets = [2, 0], sizes = [1, 128], strides = [1, 1]} : vector<3x128xf32> to vector<1x128xf32>
    %slice3A_96 = vector.extract_strided_slice %dot_general3A_30 {offsets = [1, 0], sizes = [1, 128], strides = [1, 1]} : vector<3x128xf32> to vector<1x128xf32>
    %mul3A = arith.constant 2.000000e+00 : f32
    %mul3A_97 = vector.broadcast %mul3A : f32 to vector<1x128xf32>
    %mul3A_98 = arith.mulf %mul3A_97, %slice3A_96 : vector<1x128xf32>
    %sub3A_99 = arith.subf %slice3A_95, %mul3A_98 : vector<1x128xf32>
    %slice3A_100 = vector.extract_strided_slice %dot_general3A_30 {offsets = [0, 0], sizes = [1, 128], strides = [1, 1]} : vector<3x128xf32> to vector<1x128xf32>
    %add3A_101 = arith.addf %sub3A_99, %slice3A_100 : vector<1x128xf32>
    %add3A_102 = vector.broadcast %slice3A : vector<1x128xf32> to vector<2048x128xf32>
    %add3A_103 = arith.addf %add3A_22, %add3A_102 : vector<2048x128xf32>
    %mul3A_104 = vector.broadcast %sub3A_94 : vector<1x128xf32> to vector<2048x128xf32>
    %mul3A_105 = arith.mulf %dot_general3A_91, %mul3A_104 : vector<2048x128xf32>
    %add3A_106 = arith.addf %add3A_103, %mul3A_105 : vector<2048x128xf32>
    %sub3A_107 = arith.constant 1.000000e+00 : f32
    %sub3A_108 = vector.broadcast %sub3A_107 : f32 to vector<2048x128xf32>
    %sub3A_109 = arith.subf %dot_general3A_91, %sub3A_108 : vector<2048x128xf32>
    %mul3A_110 = arith.mulf %dot_general3A_91, %sub3A_109 : vector<2048x128xf32>
    %mul3A_111 = arith.constant 5.000000e-01 : f32
    %mul3A_112 = vector.broadcast %mul3A_111 : f32 to vector<2048x128xf32>
    %mul3A_113 = arith.mulf %mul3A_110, %mul3A_112 : vector<2048x128xf32>
    %mul3A_114 = vector.broadcast %add3A_101 : vector<1x128xf32> to vector<2048x128xf32>
    %mul3A_115 = arith.mulf %mul3A_113, %mul3A_114 : vector<2048x128xf32>
    %add3A_116 = arith.addf %add3A_106, %mul3A_115 : vector<2048x128xf32>
    %get3A_117 = arith.constant 0 : index
    %get3A_118 = arith.constant 0 : index
    %get3A_119 = vector.load %arg8[%get3A_117, %get3A_118] : memref<1x128xf32, #tpu.memory_space<vmem>>, vector<1x128xf32>
    %add3A_120 = vector.broadcast %get3A_119 : vector<1x128xf32> to vector<2048x128xf32>
    %add3A_121 = arith.addf %add3A_116, %add3A_120 : vector<2048x128xf32>
    %reduce_sum3A = arith.constant dense<0.000000e+00> : vector<2048xf32>
    %reduce_sum3A_122 = vector.multi_reduction <add>, %add3A_121, %reduce_sum3A [1] : vector<2048x128xf32> to vector<2048xf32>
    %broadcast_in_dim3A_123 = vector.shape_cast %reduce_sum3A_122 : vector<2048xf32> to vector<2048x1xf32>
    %div3A_124 = arith.constant 1.280000e+02 : f32
    %div3A_125 = vector.broadcast %div3A_124 : f32 to vector<2048x1xf32>
    %div3A_126 = arith.divf %broadcast_in_dim3A_123, %div3A_125 : vector<2048x1xf32>
    %sub3A_127 = vector.broadcast %div3A_126 : vector<2048x1xf32> to vector<2048x128xf32>
    %sub3A_128 = arith.subf %add3A_121, %sub3A_127 : vector<2048x128xf32>
    %integer_pow3A = arith.mulf %sub3A_128, %sub3A_128 : vector<2048x128xf32>
    %reduce_sum3A_129 = arith.constant dense<0.000000e+00> : vector<2048xf32>
    %reduce_sum3A_130 = vector.multi_reduction <add>, %integer_pow3A, %reduce_sum3A_129 [1] : vector<2048x128xf32> to vector<2048xf32>
    %broadcast_in_dim3A_131 = vector.shape_cast %reduce_sum3A_130 : vector<2048xf32> to vector<2048x1xf32>
    %div3A_132 = arith.constant 1.280000e+02 : f32
    %div3A_133 = vector.broadcast %div3A_132 : f32 to vector<2048x1xf32>
    %div3A_134 = arith.divf %broadcast_in_dim3A_131, %div3A_133 : vector<2048x1xf32>
    %sub3A_135 = vector.broadcast %div3A_126 : vector<2048x1xf32> to vector<2048x128xf32>
    %sub3A_136 = arith.subf %add3A_121, %sub3A_135 : vector<2048x128xf32>
    %add3A_137 = arith.constant 9.99999974E-6 : f32
    %add3A_138 = vector.broadcast %add3A_137 : f32 to vector<2048x1xf32>
    %add3A_139 = arith.addf %div3A_134, %add3A_138 : vector<2048x1xf32>
    %rsqrt3A = math.rsqrt %add3A_139 : vector<2048x1xf32>
    %mul3A_140 = vector.broadcast %rsqrt3A : vector<2048x1xf32> to vector<2048x128xf32>
    %mul3A_141 = arith.mulf %sub3A_136, %mul3A_140 : vector<2048x128xf32>
    %get3A_142 = arith.constant 0 : index
    %get3A_143 = arith.constant 0 : index
    %get3A_144 = vector.load %arg11[%get3A_142, %get3A_143] : memref<1x128xf32, #tpu.memory_space<vmem>>, vector<1x128xf32>
    %mul3A_145 = vector.broadcast %get3A_144 : vector<1x128xf32> to vector<2048x128xf32>
    %mul3A_146 = arith.mulf %mul3A_141, %mul3A_145 : vector<2048x128xf32>
    %get3A_147 = arith.constant 0 : index
    %get3A_148 = arith.constant 0 : index
    %get3A_149 = vector.load %arg12[%get3A_147, %get3A_148] : memref<1x128xf32, #tpu.memory_space<vmem>>, vector<1x128xf32>
    %add3A_150 = vector.broadcast %get3A_149 : vector<1x128xf32> to vector<2048x128xf32>
    %add3A_151 = arith.addf %mul3A_146, %add3A_150 : vector<2048x128xf32>
    %get3A_152 = arith.constant 0 : index
    %get3A_153 = arith.constant 0 : index
    %get3A_154 = vector.load %arg5[%get3A_152, %get3A_153] : memref<16x128xf32, #tpu.memory_space<vmem>>, vector<16x128xf32>
    %iota3A_155 = tpu.iota {dimensions = array<i32: 0>} : vector<2048x16xi32>
    %jit3A_156 = arith.constant 128 : i32
    %div3A_157 = vector.broadcast %jit3A_156 : i32 to vector<2048x16xi32>
    %div3A_158 = arith.divsi %iota3A_155, %div3A_157 : vector<2048x16xi32>
    %sign3A_159 = arith.constant 0 : i32
    %sign3A_160 = vector.broadcast %sign3A_159 : i32 to vector<2048x16xi32>
    %sign3A_161 = arith.cmpi sgt, %iota3A_155, %sign3A_160 : vector<2048x16xi32>
    %sign3A_162 = arith.extui %sign3A_161 : vector<2048x16xi1> to vector<2048x16xi32>
    %sign3A_163 = arith.constant 0 : i32
    %sign3A_164 = vector.broadcast %sign3A_163 : i32 to vector<2048x16xi32>
    %sign3A_165 = arith.cmpi slt, %iota3A_155, %sign3A_164 : vector<2048x16xi32>
    %sign3A_166 = arith.extui %sign3A_165 : vector<2048x16xi1> to vector<2048x16xi32>
    %sign3A_167 = arith.subi %sign3A_162, %sign3A_166 : vector<2048x16xi32>
    %sign3A_168 = arith.constant 0 : i32
    %sign3A_169 = arith.cmpi sgt, %jit3A_156, %sign3A_168 : i32
    %sign3A_170 = arith.extui %sign3A_169 : i1 to i32
    %sign3A_171 = arith.constant 0 : i32
    %sign3A_172 = arith.cmpi slt, %jit3A_156, %sign3A_171 : i32
    %sign3A_173 = arith.extui %sign3A_172 : i1 to i32
    %sign3A_174 = arith.subi %sign3A_170, %sign3A_173 : i32
    %ne3A_175 = vector.broadcast %sign3A_174 : i32 to vector<2048x16xi32>
    %ne3A_176 = arith.cmpi ne, %sign3A_167, %ne3A_175 : vector<2048x16xi32>
    %rem3A_177 = vector.broadcast %jit3A_156 : i32 to vector<2048x16xi32>
    %rem3A_178 = arith.remsi %iota3A_155, %rem3A_177 : vector<2048x16xi32>
    %ne3A_179 = arith.constant 0 : i32
    %ne3A_180 = vector.broadcast %ne3A_179 : i32 to vector<2048x16xi32>
    %ne3A_181 = arith.cmpi ne, %rem3A_178, %ne3A_180 : vector<2048x16xi32>
    %and3A_182 = arith.andi %ne3A_176, %ne3A_181 : vector<2048x16xi1>
    %sub3A_183 = arith.constant 1 : i32
    %sub3A_184 = vector.broadcast %sub3A_183 : i32 to vector<2048x16xi32>
    %sub3A_185 = arith.subi %div3A_158, %sub3A_184 : vector<2048x16xi32>
    %select_n3A_186 = arith.select %and3A_182, %sub3A_185, %div3A_158 : vector<2048x16xi1>, vector<2048x16xi32>
    %iota3A_187 = tpu.iota {dimensions = array<i32: 1>} : vector<2048x16xi32>
    %eq3A_188 = arith.cmpi eq, %select_n3A_186, %iota3A_187 : vector<2048x16xi32>
    %convert_element_type3A_189 = arith.extui %eq3A_188 : vector<2048x16xi1> to vector<2048x16xi32>
    %convert_element_type3A_190 = arith.sitofp %convert_element_type3A_189 : vector<2048x16xi32> to vector<2048x16xf32>
    %dot_general3A_191 = arith.constant dense<0.000000e+00> : vector<2048x128xf32>
    %dot_general3A_192 = tpu.matmul %convert_element_type3A_190, %get3A_154, %dot_general3A_191 {dimension_numbers = #tpu.dot_dimension_numbers<[1], [0], [0], [1], [0, 0, 1, 1], [], []>, transpose_lhs_hint = false} : vector<2048x16xf32>, vector<16x128xf32>, vector<2048x128xf32> -> vector<2048x128xf32>
    %iota3A_193 = tpu.iota {dimensions = array<i32: 0>} : vector<2048x128xi32>
    %jit3A_194 = arith.constant 128 : i32
    %eq3A_195 = arith.constant 0 : i32
    %eq3A_196 = arith.cmpi eq, %jit3A_194, %eq3A_195 : i32
    %jit3A_197 = arith.constant 1 : i32
    %select_n3A_198 = arith.select %eq3A_196, %jit3A_197, %jit3A_194 : i32
    %rem3A_199 = vector.broadcast %select_n3A_198 : i32 to vector<2048x128xi32>
    %rem3A_200 = arith.remsi %iota3A_193, %rem3A_199 : vector<2048x128xi32>
    %ne3A_201 = arith.constant 0 : i32
    %ne3A_202 = vector.broadcast %ne3A_201 : i32 to vector<2048x128xi32>
    %ne3A_203 = arith.cmpi ne, %rem3A_200, %ne3A_202 : vector<2048x128xi32>
    %lt3A_204 = arith.constant 0 : i32
    %lt3A_205 = vector.broadcast %lt3A_204 : i32 to vector<2048x128xi32>
    %lt3A_206 = arith.cmpi slt, %rem3A_200, %lt3A_205 : vector<2048x128xi32>
    %lt3A_207 = arith.constant 0 : i32
    %lt3A_208 = arith.cmpi slt, %select_n3A_198, %lt3A_207 : i32
    %ne3A_209 = vector.broadcast %lt3A_208 : i1 to vector<2048x128xi1>
    %ne3A_210 = vector.broadcast %ne3A_209 : vector<2048x128xi1> to vector<2048x128xi1>
    %ne3A_211 = arith.xori %lt3A_206, %ne3A_210 : vector<2048x128xi1>
    %and3A_212 = arith.andi %ne3A_211, %ne3A_203 : vector<2048x128xi1>
    %add3A_213 = vector.broadcast %select_n3A_198 : i32 to vector<2048x128xi32>
    %add3A_214 = arith.addi %rem3A_200, %add3A_213 : vector<2048x128xi32>
    %select_n3A_215 = arith.select %and3A_212, %add3A_214, %rem3A_200 : vector<2048x128xi1>, vector<2048x128xi32>
    %iota3A_216 = tpu.iota {dimensions = array<i32: 1>} : vector<2048x128xi32>
    %eq3A_217 = arith.cmpi eq, %select_n3A_215, %iota3A_216 : vector<2048x128xi32>
    %jit3A_218 = arith.constant 0.000000e+00 : f32
    %broadcast_in_dim3A_219 = vector.broadcast %jit3A_218 : f32 to vector<2048x128xf32>
    %select_n3A_220 = arith.select %eq3A_217, %dot_general3A_192, %broadcast_in_dim3A_219 : vector<2048x128xi1>, vector<2048x128xf32>
    %broadcast_in_dim3A_221 = arith.constant 1.000000e+00 : f32
    %broadcast_in_dim3A_222 = vector.broadcast %broadcast_in_dim3A_221 : f32 to vector<128x128xf32>
    %dot_general3A_223 = arith.constant dense<0.000000e+00> : vector<2048x128xf32>
    %dot_general3A_224 = tpu.matmul %select_n3A_220, %broadcast_in_dim3A_222, %dot_general3A_223 {dimension_numbers = #tpu.dot_dimension_numbers<[1], [0], [0], [1], [0, 0, 1, 1], [], []>, transpose_lhs_hint = false} : vector<2048x128xf32>, vector<128x128xf32>, vector<2048x128xf32> -> vector<2048x128xf32>
    %get3A_225 = arith.constant 0 : index
    %get3A_226 = arith.constant 0 : index
    %get3A_227 = vector.load %arg9[%get3A_225, %get3A_226] : memref<1x128xf32, #tpu.memory_space<vmem>>, vector<1x128xf32>
    %mul3A_228 = vector.broadcast %get3A_227 : vector<1x128xf32> to vector<2048x128xf32>
    %mul3A_229 = arith.mulf %dot_general3A_224, %mul3A_228 : vector<2048x128xf32>
    %get3A_230 = arith.constant 0 : index
    %get3A_231 = arith.constant 0 : index
    %get3A_232 = vector.load %arg10[%get3A_230, %get3A_231] : memref<1x128xf32, #tpu.memory_space<vmem>>, vector<1x128xf32>
    %add3A_233 = vector.broadcast %get3A_232 : vector<1x128xf32> to vector<2048x128xf32>
    %add3A_234 = arith.addf %mul3A_229, %add3A_233 : vector<2048x128xf32>
    %reduce_sum3A_235 = arith.constant dense<0.000000e+00> : vector<2048xf32>
    %reduce_sum3A_236 = vector.multi_reduction <add>, %add3A_234, %reduce_sum3A_235 [1] : vector<2048x128xf32> to vector<2048xf32>
    %broadcast_in_dim3A_237 = vector.shape_cast %reduce_sum3A_236 : vector<2048xf32> to vector<2048x1xf32>
    %div3A_238 = arith.constant 1.280000e+02 : f32
    %div3A_239 = vector.broadcast %div3A_238 : f32 to vector<2048x1xf32>
    %div3A_240 = arith.divf %broadcast_in_dim3A_237, %div3A_239 : vector<2048x1xf32>
    %sub3A_241 = vector.broadcast %div3A_240 : vector<2048x1xf32> to vector<2048x128xf32>
    %sub3A_242 = arith.subf %add3A_234, %sub3A_241 : vector<2048x128xf32>
    %integer_pow3A_243 = arith.mulf %sub3A_242, %sub3A_242 : vector<2048x128xf32>
    %reduce_sum3A_244 = arith.constant dense<0.000000e+00> : vector<2048xf32>
    %reduce_sum3A_245 = vector.multi_reduction <add>, %integer_pow3A_243, %reduce_sum3A_244 [1] : vector<2048x128xf32> to vector<2048xf32>
    %broadcast_in_dim3A_246 = vector.shape_cast %reduce_sum3A_245 : vector<2048xf32> to vector<2048x1xf32>
    %div3A_247 = arith.constant 1.280000e+02 : f32
    %div3A_248 = vector.broadcast %div3A_247 : f32 to vector<2048x1xf32>
    %div3A_249 = arith.divf %broadcast_in_dim3A_246, %div3A_248 : vector<2048x1xf32>
    %sub3A_250 = vector.broadcast %div3A_240 : vector<2048x1xf32> to vector<2048x128xf32>
    %sub3A_251 = arith.subf %add3A_234, %sub3A_250 : vector<2048x128xf32>
    %add3A_252 = arith.constant 9.99999974E-6 : f32
    %add3A_253 = vector.broadcast %add3A_252 : f32 to vector<2048x1xf32>
    %add3A_254 = arith.addf %div3A_249, %add3A_253 : vector<2048x1xf32>
    %rsqrt3A_255 = math.rsqrt %add3A_254 : vector<2048x1xf32>
    %mul3A_256 = vector.broadcast %rsqrt3A_255 : vector<2048x1xf32> to vector<2048x128xf32>
    %mul3A_257 = arith.mulf %sub3A_251, %mul3A_256 : vector<2048x128xf32>
    %get3A_258 = arith.constant 0 : index
    %get3A_259 = arith.constant 0 : index
    %get3A_260 = vector.load %arg13[%get3A_258, %get3A_259] : memref<1x128xf32, #tpu.memory_space<vmem>>, vector<1x128xf32>
    %mul3A_261 = vector.broadcast %get3A_260 : vector<1x128xf32> to vector<2048x128xf32>
    %mul3A_262 = arith.mulf %mul3A_257, %mul3A_261 : vector<2048x128xf32>
    %get3A_263 = arith.constant 0 : index
    %get3A_264 = arith.constant 0 : index
    %get3A_265 = vector.load %arg14[%get3A_263, %get3A_264] : memref<1x128xf32, #tpu.memory_space<vmem>>, vector<1x128xf32>
    %add3A_266 = vector.broadcast %get3A_265 : vector<1x128xf32> to vector<2048x128xf32>
    %add3A_267 = arith.addf %mul3A_262, %add3A_266 : vector<2048x128xf32>
    %swap3A = arith.constant 0 : index
    %swap3A_268 = arith.constant 0 : index
    %swap3A_269 = vector.load %arg16[%swap3A, %swap3A_268] : memref<2048x256xf32, #tpu.memory_space<vmem>>, vector<2048x128xf32>
    tpu.vector_store %arg16[%swap3A, %swap3A_268], %add3A_151 {strides = array<i32>} : memref<2048x256xf32, #tpu.memory_space<vmem>>, vector<2048x128xf32>,
    %swap3A_270 = arith.constant 0 : index
    %swap3A_271 = arith.constant 128 : index
    %swap3A_272 = vector.load %arg16[%swap3A_270, %swap3A_271] : memref<2048x256xf32, #tpu.memory_space<vmem>>, vector<2048x128xf32>
    tpu.vector_store %arg16[%swap3A_270, %swap3A_271], %add3A_267 {strides = array<i32>} : memref<2048x256xf32, #tpu.memory_space<vmem>>, vector<2048x128xf32>,
    return
  }
  func.func @transform_0(%arg0: i32) -> (i32, i32) {
    %c0_i32 = arith.constant 0 : i32
    %c0_i32_0 = arith.constant 0 : i32
    return %arg0, %c0_i32 : i32, i32
  }
  func.func @transform_1(%arg0: i32) -> (i32, i32) {
    %c0_i32 = arith.constant 0 : i32
    %c0_i32_0 = arith.constant 0 : i32
    return %arg0, %c0_i32 : i32, i32
  }
  func.func @transform_2(%arg0: i32) -> (i32, i32) {
    %c0_i32 = arith.constant 0 : i32
    %c0_i32_0 = arith.constant 0 : i32
    return %arg0, %c0_i32 : i32, i32
  }
  func.func @transform_3(%arg0: i32) -> (i32, i32) {
    %add3A = arith.constant 25 : i32
    %add3A_0 = arith.addi %arg0, %add3A : i32
    %c0_i32 = arith.constant 0 : i32
    %c0_i32_1 = arith.constant 0 : i32
    return %add3A_0, %c0_i32 : i32, i32
  }
  func.func @transform_4(%arg0: i32) -> (i32, i32) {
    %add3A = arith.constant 25 : i32
    %add3A_0 = arith.addi %arg0, %add3A : i32
    %c0_i32 = arith.constant 0 : i32
    %c0_i32_1 = arith.constant 0 : i32
    return %add3A_0, %c0_i32 : i32, i32
  }
  func.func @transform_5(%arg0: i32) -> (i32, i32) {
    %c0_i32 = arith.constant 0 : i32
    %c0_i32_0 = arith.constant 0 : i32
    %c0_i32_1 = arith.constant 0 : i32
    return %c0_i32, %c0_i32_0 : i32, i32
  }
  func.func @transform_6(%arg0: i32) -> (i32, i32) {
    %c0_i32 = arith.constant 0 : i32
    %c0_i32_0 = arith.constant 0 : i32
    %c0_i32_1 = arith.constant 0 : i32
    return %c0_i32, %c0_i32_0 : i32, i32
  }
  func.func @transform_7(%arg0: i32) -> (i32, i32) {
    %c0_i32 = arith.constant 0 : i32
    %c0_i32_0 = arith.constant 0 : i32
    %c0_i32_1 = arith.constant 0 : i32
    return %c0_i32, %c0_i32_0 : i32, i32
  }
  func.func @transform_8(%arg0: i32) -> (i32, i32) {
    %c0_i32 = arith.constant 0 : i32
    %c0_i32_0 = arith.constant 0 : i32
    %c0_i32_1 = arith.constant 0 : i32
    return %c0_i32, %c0_i32_0 : i32, i32
  }
  func.func @transform_9(%arg0: i32) -> (i32, i32) {
    %c0_i32 = arith.constant 0 : i32
    %c0_i32_0 = arith.constant 0 : i32
    %c0_i32_1 = arith.constant 0 : i32
    return %c0_i32, %c0_i32_0 : i32, i32
  }
  func.func @transform_10(%arg0: i32) -> (i32, i32) {
    %c0_i32 = arith.constant 0 : i32
    %c0_i32_0 = arith.constant 0 : i32
    %c0_i32_1 = arith.constant 0 : i32
    return %c0_i32, %c0_i32_0 : i32, i32
  }
  func.func @transform_11(%arg0: i32) -> (i32, i32) {
    %c0_i32 = arith.constant 0 : i32
    %c0_i32_0 = arith.constant 0 : i32
    %c0_i32_1 = arith.constant 0 : i32
    return %c0_i32, %c0_i32_0 : i32, i32
  }
  func.func @transform_12(%arg0: i32) -> (i32, i32) {
    %c0_i32 = arith.constant 0 : i32
    %c0_i32_0 = arith.constant 0 : i32
    %c0_i32_1 = arith.constant 0 : i32
    return %c0_i32, %c0_i32_0 : i32, i32
  }
  func.func @transform_13(%arg0: i32) -> (i32, i32) {
    %c0_i32 = arith.constant 0 : i32
    %c0_i32_0 = arith.constant 0 : i32
    %c0_i32_1 = arith.constant 0 : i32
    return %c0_i32, %c0_i32_0 : i32, i32
  }
  func.func @transform_15(%arg0: i32) -> (i32, i32) {
    %add3A = arith.constant 25 : i32
    %add3A_0 = arith.addi %arg0, %add3A : i32
    %c0_i32 = arith.constant 0 : i32
    %c0_i32_1 = arith.constant 0 : i32
    return %add3A_0, %c0_i32 : i32, i32
  }
}

module attributes {stable_mosaic.version = 14 : i64} {
  func.func @body(%arg0: i32, %arg1: memref<2048x128xf32, #tpu.memory_space<vmem>>, %arg2: memref<2048x128xf32, #tpu.memory_space<vmem>>, %arg3: memref<2048x128xf32, #tpu.memory_space<vmem>>, %arg4: memref<16x128xi32, #tpu.memory_space<vmem>>, %arg5: memref<16x128xf32, #tpu.memory_space<vmem>>, %arg6: memref<3x64xf32, #tpu.memory_space<vmem>>, %arg7: memref<448x128xf32, #tpu.memory_space<vmem>>, %arg8: memref<1x128xf32, #tpu.memory_space<vmem>>, %arg9: memref<1x128xf32, #tpu.memory_space<vmem>>, %arg10: memref<1x128xf32, #tpu.memory_space<vmem>>, %arg11: memref<1x128xf32, #tpu.memory_space<vmem>>, %arg12: memref<1x128xf32, #tpu.memory_space<vmem>>, %arg13: memref<1x128xf32, #tpu.memory_space<vmem>>, %arg14: memref<1x128xf32, #tpu.memory_space<vmem>>, %arg15: memref<204800x256xf32, #tpu.memory_space<any>>, %arg16: memref<2048x256xf32, #tpu.memory_space<vmem>>) attributes {dimension_semantics = [#tpu.dimension_semantics<arbitrary>], iteration_bounds = array<i64: 25>, scalar_prefetch = 0 : i64, scratch_operands = 0 : i64, tpu.core_type = #tpu.core_type<tc>, window_params = [{transform_indices = @transform_0, window_bounds = array<i64: 2048, 128>}, {transform_indices = @transform_1, window_bounds = array<i64: 2048, 128>}, {transform_indices = @transform_2, window_bounds = array<i64: 2048, 128>}, {transform_indices = @transform_3, window_bounds = array<i64: 16, 128>}, {transform_indices = @transform_4, window_bounds = array<i64: 16, 128>}, {pipeline_mode = #tpu.pipeline_mode<synchronous>, transform_indices = @transform_5, window_bounds = array<i64: 3, 64>}, {pipeline_mode = #tpu.pipeline_mode<synchronous>, transform_indices = @transform_6, window_bounds = array<i64: 448, 128>}, {pipeline_mode = #tpu.pipeline_mode<synchronous>, transform_indices = @transform_7, window_bounds = array<i64: 1, 128>}, {pipeline_mode = #tpu.pipeline_mode<synchronous>, transform_indices = @transform_8, window_bounds = array<i64: 1, 128>}, {pipeline_mode = #tpu.pipeline_mode<synchronous>, transform_indices = @transform_9, window_bounds = array<i64: 1, 128>}, {pipeline_mode = #tpu.pipeline_mode<synchronous>, transform_indices = @transform_10, window_bounds = array<i64: 1, 128>}, {pipeline_mode = #tpu.pipeline_mode<synchronous>, transform_indices = @transform_11, window_bounds = array<i64: 1, 128>}, {pipeline_mode = #tpu.pipeline_mode<synchronous>, transform_indices = @transform_12, window_bounds = array<i64: 1, 128>}, {pipeline_mode = #tpu.pipeline_mode<synchronous>, transform_indices = @transform_13, window_bounds = array<i64: 1, 128>}, {}, {transform_indices = @transform_15, window_bounds = array<i64: 2048, 256>}]} {
    %get3A = arith.constant 0 : index
    %get3A_0 = arith.constant 0 : index
    %get3A_1 = vector.load %arg1[%get3A, %get3A_0] : memref<2048x128xf32, #tpu.memory_space<vmem>>, vector<2048x128xf32>
    %get3A_2 = arith.constant 0 : index
    %get3A_3 = arith.constant 0 : index
    %get3A_4 = vector.load %arg7[%get3A_2, %get3A_3] : memref<448x128xf32, #tpu.memory_space<vmem>>, vector<128x128xf32>
    %dot_general3A = arith.constant dense<0.000000e+00> : vector<2048x128xf32>
    %dot_general3A_5 = tpu.matmul %get3A_1, %get3A_4, %dot_general3A {dimension_numbers = #tpu.dot_dimension_numbers<[1], [0], [0], [1], [0, 0, 1, 1], [], []>, transpose_lhs_hint = false} : vector<2048x128xf32>, vector<128x128xf32>, vector<2048x128xf32> -> vector<2048x128xf32>
    %get3A_6 = arith.constant 0 : index
    %get3A_7 = arith.constant 0 : index
    %get3A_8 = vector.load %arg2[%get3A_6, %get3A_7] : memref<2048x128xf32, #tpu.memory_space<vmem>>, vector<2048x128xf32>
    %get3A_9 = arith.constant 128 : index
    %get3A_10 = arith.constant 0 : index
    %get3A_11 = vector.load %arg7[%get3A_9, %get3A_10] : memref<448x128xf32, #tpu.memory_space<vmem>>, vector<128x128xf32>
    %dot_general3A_12 = arith.constant dense<0.000000e+00> : vector<2048x128xf32>
    %dot_general3A_13 = tpu.matmul %get3A_8, %get3A_11, %dot_general3A_12 {dimension_numbers = #tpu.dot_dimension_numbers<[1], [0], [0], [1], [0, 0, 1, 1], [], []>, transpose_lhs_hint = false} : vector<2048x128xf32>, vector<128x128xf32>, vector<2048x128xf32> -> vector<2048x128xf32>
    %add3A = arith.addf %dot_general3A_5, %dot_general3A_13 : vector<2048x128xf32>
    %get3A_14 = arith.constant 0 : index
    %get3A_15 = arith.constant 0 : index
    %get3A_16 = vector.load %arg3[%get3A_14, %get3A_15] : memref<2048x128xf32, #tpu.memory_space<vmem>>, vector<2048x128xf32>
    %get3A_17 = arith.constant 256 : index
    %get3A_18 = arith.constant 0 : index
    %get3A_19 = vector.load %arg7[%get3A_17, %get3A_18] : memref<448x128xf32, #tpu.memory_space<vmem>>, vector<128x128xf32>
    %dot_general3A_20 = arith.constant dense<0.000000e+00> : vector<2048x128xf32>
    %dot_general3A_21 = tpu.matmul %get3A_16, %get3A_19, %dot_general3A_20 {dimension_numbers = #tpu.dot_dimension_numbers<[1], [0], [0], [1], [0, 0, 1, 1], [], []>, transpose_lhs_hint = false} : vector<2048x128xf32>, vector<128x128xf32>, vector<2048x128xf32> -> vector<2048x128xf32>
    %add3A_22 = arith.addf %add3A, %dot_general3A_21 : vector<2048x128xf32>
    %get3A_23 = arith.constant 0 : index
    %get3A_24 = arith.constant 0 : index
    %get3A_25 = vector.load %arg6[%get3A_23, %get3A_24] : memref<3x64xf32, #tpu.memory_space<vmem>>, vector<3x64xf32>
    %get3A_26 = arith.constant 384 : index
    %get3A_27 = arith.constant 0 : index
    %get3A_28 = vector.load %arg7[%get3A_26, %get3A_27] : memref<448x128xf32, #tpu.memory_space<vmem>>, vector<64x128xf32>
    %dot_general3A_29 = arith.constant dense<0.000000e+00> : vector<3x128xf32>
    %dot_general3A_30 = tpu.matmul %get3A_25, %get3A_28, %dot_general3A_29 {dimension_numbers = #tpu.dot_dimension_numbers<[1], [0], [0], [1], [0, 0, 1, 1], [], []>, transpose_lhs_hint = false} : vector<3x64xf32>, vector<64x128xf32>, vector<3x128xf32> -> vector<3x128xf32>
    %get3A_31 = arith.constant 0 : index
    %get3A_32 = arith.constant 0 : index
    %get3A_33 = vector.load %arg4[%get3A_31, %get3A_32] : memref<16x128xi32, #tpu.memory_space<vmem>>, vector<16x128xi32>
    %convert_element_type3A = arith.sitofp %get3A_33 : vector<16x128xi32> to vector<16x128xf32>
    %iota3A = tpu.iota {dimensions = array<i32: 0>} : vector<2048x16xi32>
    %jit3A = arith.constant 128 : i32
    %div3A = vector.broadcast %jit3A : i32 to vector<2048x16xi32>
    %div3A_34 = arith.divsi %iota3A, %div3A : vector<2048x16xi32>
    %sign3A = arith.constant 0 : i32
    %sign3A_35 = vector.broadcast %sign3A : i32 to vector<2048x16xi32>
    %sign3A_36 = arith.cmpi sgt, %iota3A, %sign3A_35 : vector<2048x16xi32>
    %sign3A_37 = arith.extui %sign3A_36 : vector<2048x16xi1> to vector<2048x16xi32>
    %sign3A_38 = arith.constant 0 : i32
    %sign3A_39 = vector.broadcast %sign3A_38 : i32 to vector<2048x16xi32>
    %sign3A_40 = arith.cmpi slt, %iota3A, %sign3A_39 : vector<2048x16xi32>
    %sign3A_41 = arith.extui %sign3A_40 : vector<2048x16xi1> to vector<2048x16xi32>
    %sign3A_42 = arith.subi %sign3A_37, %sign3A_41 : vector<2048x16xi32>
    %sign3A_43 = arith.constant 0 : i32
    %sign3A_44 = arith.cmpi sgt, %jit3A, %sign3A_43 : i32
    %sign3A_45 = arith.extui %sign3A_44 : i1 to i32
    %sign3A_46 = arith.constant 0 : i32
    %sign3A_47 = arith.cmpi slt, %jit3A, %sign3A_46 : i32
    %sign3A_48 = arith.extui %sign3A_47 : i1 to i32
    %sign3A_49 = arith.subi %sign3A_45, %sign3A_48 : i32
    %ne3A = vector.broadcast %sign3A_49 : i32 to vector<2048x16xi32>
    %ne3A_50 = arith.cmpi ne, %sign3A_42, %ne3A : vector<2048x16xi32>
    %rem3A = vector.broadcast %jit3A : i32 to vector<2048x16xi32>
    %rem3A_51 = arith.remsi %iota3A, %rem3A : vector<2048x16xi32>
    %ne3A_52 = arith.constant 0 : i32
    %ne3A_53 = vector.broadcast %ne3A_52 : i32 to vector<2048x16xi32>
    %ne3A_54 = arith.cmpi ne, %rem3A_51, %ne3A_53 : vector<2048x16xi32>
    %and3A = arith.andi %ne3A_50, %ne3A_54 : vector<2048x16xi1>
    %sub3A = arith.constant 1 : i32
    %sub3A_55 = vector.broadcast %sub3A : i32 to vector<2048x16xi32>
    %sub3A_56 = arith.subi %div3A_34, %sub3A_55 : vector<2048x16xi32>
    %select_n3A = arith.select %and3A, %sub3A_56, %div3A_34 : vector<2048x16xi1>, vector<2048x16xi32>
    %iota3A_57 = tpu.iota {dimensions = array<i32: 1>} : vector<2048x16xi32>
    %eq3A = arith.cmpi eq, %select_n3A, %iota3A_57 : vector<2048x16xi32>
    %convert_element_type3A_58 = arith.extui %eq3A : vector<2048x16xi1> to vector<2048x16xi32>
    %convert_element_type3A_59 = arith.sitofp %convert_element_type3A_58 : vector<2048x16xi32> to vector<2048x16xf32>
    %dot_general3A_60 = arith.constant dense<0.000000e+00> : vector<2048x128xf32>
    %dot_general3A_61 = tpu.matmul %convert_element_type3A_59, %convert_element_type3A, %dot_general3A_60 {dimension_numbers = #tpu.dot_dimension_numbers<[1], [0], [0], [1], [0, 0, 1, 1], [], []>, transpose_lhs_hint = false} : vector<2048x16xf32>, vector<16x128xf32>, vector<2048x128xf32> -> vector<2048x128xf32>
    %iota3A_62 = tpu.iota {dimensions = array<i32: 0>} : vector<2048x128xi32>
    %jit3A_63 = arith.constant 128 : i32
    %eq3A_64 = arith.constant 0 : i32
    %eq3A_65 = arith.cmpi eq, %jit3A_63, %eq3A_64 : i32
    %jit3A_66 = arith.constant 1 : i32
    %select_n3A_67 = arith.select %eq3A_65, %jit3A_66, %jit3A_63 : i32
    %rem3A_68 = vector.broadcast %select_n3A_67 : i32 to vector<2048x128xi32>
    %rem3A_69 = arith.remsi %iota3A_62, %rem3A_68 : vector<2048x128xi32>
    %ne3A_70 = arith.constant 0 : i32
    %ne3A_71 = vector.broadcast %ne3A_70 : i32 to vector<2048x128xi32>
    %ne3A_72 = arith.cmpi ne, %rem3A_69, %ne3A_71 : vector<2048x128xi32>
    %lt3A = arith.constant 0 : i32
    %lt3A_73 = vector.broadcast %lt3A : i32 to vector<2048x128xi32>
    %lt3A_74 = arith.cmpi slt, %rem3A_69, %lt3A_73 : vector<2048x128xi32>
    %lt3A_75 = arith.constant 0 : i32
    %lt3A_76 = arith.cmpi slt, %select_n3A_67, %lt3A_75 : i32
    %ne3A_77 = vector.broadcast %lt3A_76 : i1 to vector<2048x128xi1>
    %ne3A_78 = vector.broadcast %ne3A_77 : vector<2048x128xi1> to vector<2048x128xi1>
    %ne3A_79 = arith.xori %lt3A_74, %ne3A_78 : vector<2048x128xi1>
    %and3A_80 = arith.andi %ne3A_79, %ne3A_72 : vector<2048x128xi1>
    %add3A_81 = vector.broadcast %select_n3A_67 : i32 to vector<2048x128xi32>
    %add3A_82 = arith.addi %rem3A_69, %add3A_81 : vector<2048x128xi32>
    %select_n3A_83 = arith.select %and3A_80, %add3A_82, %rem3A_69 : vector<2048x128xi1>, vector<2048x128xi32>
    %iota3A_84 = tpu.iota {dimensions = array<i32: 1>} : vector<2048x128xi32>
    %eq3A_85 = arith.cmpi eq, %select_n3A_83, %iota3A_84 : vector<2048x128xi32>
    %jit3A_86 = arith.constant 0.000000e+00 : f32
    %broadcast_in_dim3A = vector.broadcast %jit3A_86 : f32 to vector<2048x128xf32>
    %select_n3A_87 = arith.select %eq3A_85, %dot_general3A_61, %broadcast_in_dim3A : vector<2048x128xi1>, vector<2048x128xf32>
    %broadcast_in_dim3A_88 = arith.constant 1.000000e+00 : f32
    %broadcast_in_dim3A_89 = vector.broadcast %broadcast_in_dim3A_88 : f32 to vector<128x128xf32>
    %dot_general3A_90 = arith.constant dense<0.000000e+00> : vector<2048x128xf32>
    %dot_general3A_91 = tpu.matmul %select_n3A_87, %broadcast_in_dim3A_89, %dot_general3A_90 {dimension_numbers = #tpu.dot_dimension_numbers<[1], [0], [0], [1], [0, 0, 1, 1], [], []>, transpose_lhs_hint = false} : vector<2048x128xf32>, vector<128x128xf32>, vector<2048x128xf32> -> vector<2048x128xf32>
    %slice3A = vector.extract_strided_slice %dot_general3A_30 {offsets = [0, 0], sizes = [1, 128], strides = [1, 1]} : vector<3x128xf32> to vector<1x128xf32>
    %slice3A_92 = vector.extract_strided_slice %dot_general3A_30 {offsets = [1, 0], sizes = [1, 128], strides = [1, 1]} : vector<3x128xf32> to vector<1x128xf32>
    %slice3A_93 = vector.extract_strided_slice %dot_general3A_30 {offsets = [0, 0], sizes = [1, 128], strides = [1, 1]} : vector<3x128xf32> to vector<1x128xf32>
    %sub3A_94 = arith.subf %slice3A_92, %slice3A_93 : vector<1x128xf32>
    %slice3A_95 = vector.extract_strided_slice %dot_general3A_30 {offsets = [2, 0], sizes = [1, 128], strides = [1, 1]} : vector<3x128xf32> to vector<1x128xf32>
    %slice3A_96 = vector.extract_strided_slice %dot_general3A_30 {offsets = [1, 0], sizes = [1, 128], strides = [1, 1]} : vector<3x128xf32> to vector<1x128xf32>
    %mul3A = arith.constant 2.000000e+00 : f32
    %mul3A_97 = vector.broadcast %mul3A : f32 to vector<1x128xf32>
    %mul3A_98 = arith.mulf %mul3A_97, %slice3A_96 : vector<1x128xf32>
    %sub3A_99 = arith.subf %slice3A_95, %mul3A_98 : vector<1x128xf32>
    %slice3A_100 = vector.extract_strided_slice %dot_general3A_30 {offsets = [0, 0], sizes = [1, 128], strides = [1, 1]} : vector<3x128xf32> to vector<1x128xf32>
    %add3A_101 = arith.addf %sub3A_99, %slice3A_100 : vector<1x128xf32>
    %add3A_102 = vector.broadcast %slice3A : vector<1x128xf32> to vector<2048x128xf32>
    %add3A_103 = arith.addf %add3A_22, %add3A_102 : vector<2048x128xf32>
    %mul3A_104 = vector.broadcast %sub3A_94 : vector<1x128xf32> to vector<2048x128xf32>
    %mul3A_105 = arith.mulf %dot_general3A_91, %mul3A_104 : vector<2048x128xf32>
    %add3A_106 = arith.addf %add3A_103, %mul3A_105 : vector<2048x128xf32>
    %sub3A_107 = arith.constant 1.000000e+00 : f32
    %sub3A_108 = vector.broadcast %sub3A_107 : f32 to vector<2048x128xf32>
    %sub3A_109 = arith.subf %dot_general3A_91, %sub3A_108 : vector<2048x128xf32>
    %mul3A_110 = arith.mulf %dot_general3A_91, %sub3A_109 : vector<2048x128xf32>
    %mul3A_111 = arith.constant 5.000000e-01 : f32
    %mul3A_112 = vector.broadcast %mul3A_111 : f32 to vector<2048x128xf32>
    %mul3A_113 = arith.mulf %mul3A_110, %mul3A_112 : vector<2048x128xf32>
    %mul3A_114 = vector.broadcast %add3A_101 : vector<1x128xf32> to vector<2048x128xf32>
    %mul3A_115 = arith.mulf %mul3A_113, %mul3A_114 : vector<2048x128xf32>
    %add3A_116 = arith.addf %add3A_106, %mul3A_115 : vector<2048x128xf32>
    %get3A_117 = arith.constant 0 : index
    %get3A_118 = arith.constant 0 : index
    %get3A_119 = vector.load %arg8[%get3A_117, %get3A_118] : memref<1x128xf32, #tpu.memory_space<vmem>>, vector<1x128xf32>
    %add3A_120 = vector.broadcast %get3A_119 : vector<1x128xf32> to vector<2048x128xf32>
    %add3A_121 = arith.addf %add3A_116, %add3A_120 : vector<2048x128xf32>
    %reduce_sum3A = arith.constant dense<0.000000e+00> : vector<2048xf32>
    %reduce_sum3A_122 = vector.multi_reduction <add>, %add3A_121, %reduce_sum3A [1] : vector<2048x128xf32> to vector<2048xf32>
    %broadcast_in_dim3A_123 = vector.shape_cast %reduce_sum3A_122 : vector<2048xf32> to vector<2048x1xf32>
    %div3A_124 = arith.constant 1.280000e+02 : f32
    %div3A_125 = vector.broadcast %div3A_124 : f32 to vector<2048x1xf32>
    %div3A_126 = arith.divf %broadcast_in_dim3A_123, %div3A_125 : vector<2048x1xf32>
    %sub3A_127 = vector.broadcast %div3A_126 : vector<2048x1xf32> to vector<2048x128xf32>
    %sub3A_128 = arith.subf %add3A_121, %sub3A_127 : vector<2048x128xf32>
    %integer_pow3A = arith.mulf %sub3A_128, %sub3A_128 : vector<2048x128xf32>
    %reduce_sum3A_129 = arith.constant dense<0.000000e+00> : vector<2048xf32>
    %reduce_sum3A_130 = vector.multi_reduction <add>, %integer_pow3A, %reduce_sum3A_129 [1] : vector<2048x128xf32> to vector<2048xf32>
    %broadcast_in_dim3A_131 = vector.shape_cast %reduce_sum3A_130 : vector<2048xf32> to vector<2048x1xf32>
    %div3A_132 = arith.constant 1.280000e+02 : f32
    %div3A_133 = vector.broadcast %div3A_132 : f32 to vector<2048x1xf32>
    %div3A_134 = arith.divf %broadcast_in_dim3A_131, %div3A_133 : vector<2048x1xf32>
    %sub3A_135 = vector.broadcast %div3A_126 : vector<2048x1xf32> to vector<2048x128xf32>
    %sub3A_136 = arith.subf %add3A_121, %sub3A_135 : vector<2048x128xf32>
    %add3A_137 = arith.constant 9.99999974E-6 : f32
    %add3A_138 = vector.broadcast %add3A_137 : f32 to vector<2048x1xf32>
    %add3A_139 = arith.addf %div3A_134, %add3A_138 : vector<2048x1xf32>
    %rsqrt3A = math.rsqrt %add3A_139 : vector<2048x1xf32>
    %mul3A_140 = vector.broadcast %rsqrt3A : vector<2048x1xf32> to vector<2048x128xf32>
    %mul3A_141 = arith.mulf %sub3A_136, %mul3A_140 : vector<2048x128xf32>
    %get3A_142 = arith.constant 0 : index
    %get3A_143 = arith.constant 0 : index
    %get3A_144 = vector.load %arg11[%get3A_142, %get3A_143] : memref<1x128xf32, #tpu.memory_space<vmem>>, vector<1x128xf32>
    %mul3A_145 = vector.broadcast %get3A_144 : vector<1x128xf32> to vector<2048x128xf32>
    %mul3A_146 = arith.mulf %mul3A_141, %mul3A_145 : vector<2048x128xf32>
    %get3A_147 = arith.constant 0 : index
    %get3A_148 = arith.constant 0 : index
    %get3A_149 = vector.load %arg12[%get3A_147, %get3A_148] : memref<1x128xf32, #tpu.memory_space<vmem>>, vector<1x128xf32>
    %add3A_150 = vector.broadcast %get3A_149 : vector<1x128xf32> to vector<2048x128xf32>
    %add3A_151 = arith.addf %mul3A_146, %add3A_150 : vector<2048x128xf32>
    %get3A_152 = arith.constant 0 : index
    %get3A_153 = arith.constant 0 : index
    %get3A_154 = vector.load %arg5[%get3A_152, %get3A_153] : memref<16x128xf32, #tpu.memory_space<vmem>>, vector<16x128xf32>
    %iota3A_155 = tpu.iota {dimensions = array<i32: 0>} : vector<2048x16xi32>
    %jit3A_156 = arith.constant 128 : i32
    %div3A_157 = vector.broadcast %jit3A_156 : i32 to vector<2048x16xi32>
    %div3A_158 = arith.divsi %iota3A_155, %div3A_157 : vector<2048x16xi32>
    %sign3A_159 = arith.constant 0 : i32
    %sign3A_160 = vector.broadcast %sign3A_159 : i32 to vector<2048x16xi32>
    %sign3A_161 = arith.cmpi sgt, %iota3A_155, %sign3A_160 : vector<2048x16xi32>
    %sign3A_162 = arith.extui %sign3A_161 : vector<2048x16xi1> to vector<2048x16xi32>
    %sign3A_163 = arith.constant 0 : i32
    %sign3A_164 = vector.broadcast %sign3A_163 : i32 to vector<2048x16xi32>
    %sign3A_165 = arith.cmpi slt, %iota3A_155, %sign3A_164 : vector<2048x16xi32>
    %sign3A_166 = arith.extui %sign3A_165 : vector<2048x16xi1> to vector<2048x16xi32>
    %sign3A_167 = arith.subi %sign3A_162, %sign3A_166 : vector<2048x16xi32>
    %sign3A_168 = arith.constant 0 : i32
    %sign3A_169 = arith.cmpi sgt, %jit3A_156, %sign3A_168 : i32
    %sign3A_170 = arith.extui %sign3A_169 : i1 to i32
    %sign3A_171 = arith.constant 0 : i32
    %sign3A_172 = arith.cmpi slt, %jit3A_156, %sign3A_171 : i32
    %sign3A_173 = arith.extui %sign3A_172 : i1 to i32
    %sign3A_174 = arith.subi %sign3A_170, %sign3A_173 : i32
    %ne3A_175 = vector.broadcast %sign3A_174 : i32 to vector<2048x16xi32>
    %ne3A_176 = arith.cmpi ne, %sign3A_167, %ne3A_175 : vector<2048x16xi32>
    %rem3A_177 = vector.broadcast %jit3A_156 : i32 to vector<2048x16xi32>
    %rem3A_178 = arith.remsi %iota3A_155, %rem3A_177 : vector<2048x16xi32>
    %ne3A_179 = arith.constant 0 : i32
    %ne3A_180 = vector.broadcast %ne3A_179 : i32 to vector<2048x16xi32>
    %ne3A_181 = arith.cmpi ne, %rem3A_178, %ne3A_180 : vector<2048x16xi32>
    %and3A_182 = arith.andi %ne3A_176, %ne3A_181 : vector<2048x16xi1>
    %sub3A_183 = arith.constant 1 : i32
    %sub3A_184 = vector.broadcast %sub3A_183 : i32 to vector<2048x16xi32>
    %sub3A_185 = arith.subi %div3A_158, %sub3A_184 : vector<2048x16xi32>
    %select_n3A_186 = arith.select %and3A_182, %sub3A_185, %div3A_158 : vector<2048x16xi1>, vector<2048x16xi32>
    %iota3A_187 = tpu.iota {dimensions = array<i32: 1>} : vector<2048x16xi32>
    %eq3A_188 = arith.cmpi eq, %select_n3A_186, %iota3A_187 : vector<2048x16xi32>
    %convert_element_type3A_189 = arith.extui %eq3A_188 : vector<2048x16xi1> to vector<2048x16xi32>
    %convert_element_type3A_190 = arith.sitofp %convert_element_type3A_189 : vector<2048x16xi32> to vector<2048x16xf32>
    %dot_general3A_191 = arith.constant dense<0.000000e+00> : vector<2048x128xf32>
    %dot_general3A_192 = tpu.matmul %convert_element_type3A_190, %get3A_154, %dot_general3A_191 {dimension_numbers = #tpu.dot_dimension_numbers<[1], [0], [0], [1], [0, 0, 1, 1], [], []>, transpose_lhs_hint = false} : vector<2048x16xf32>, vector<16x128xf32>, vector<2048x128xf32> -> vector<2048x128xf32>
    %iota3A_193 = tpu.iota {dimensions = array<i32: 0>} : vector<2048x128xi32>
    %jit3A_194 = arith.constant 128 : i32
    %eq3A_195 = arith.constant 0 : i32
    %eq3A_196 = arith.cmpi eq, %jit3A_194, %eq3A_195 : i32
    %jit3A_197 = arith.constant 1 : i32
    %select_n3A_198 = arith.select %eq3A_196, %jit3A_197, %jit3A_194 : i32
    %rem3A_199 = vector.broadcast %select_n3A_198 : i32 to vector<2048x128xi32>
    %rem3A_200 = arith.remsi %iota3A_193, %rem3A_199 : vector<2048x128xi32>
    %ne3A_201 = arith.constant 0 : i32
    %ne3A_202 = vector.broadcast %ne3A_201 : i32 to vector<2048x128xi32>
    %ne3A_203 = arith.cmpi ne, %rem3A_200, %ne3A_202 : vector<2048x128xi32>
    %lt3A_204 = arith.constant 0 : i32
    %lt3A_205 = vector.broadcast %lt3A_204 : i32 to vector<2048x128xi32>
    %lt3A_206 = arith.cmpi slt, %rem3A_200, %lt3A_205 : vector<2048x128xi32>
    %lt3A_207 = arith.constant 0 : i32
    %lt3A_208 = arith.cmpi slt, %select_n3A_198, %lt3A_207 : i32
    %ne3A_209 = vector.broadcast %lt3A_208 : i1 to vector<2048x128xi1>
    %ne3A_210 = vector.broadcast %ne3A_209 : vector<2048x128xi1> to vector<2048x128xi1>
    %ne3A_211 = arith.xori %lt3A_206, %ne3A_210 : vector<2048x128xi1>
    %and3A_212 = arith.andi %ne3A_211, %ne3A_203 : vector<2048x128xi1>
    %add3A_213 = vector.broadcast %select_n3A_198 : i32 to vector<2048x128xi32>
    %add3A_214 = arith.addi %rem3A_200, %add3A_213 : vector<2048x128xi32>
    %select_n3A_215 = arith.select %and3A_212, %add3A_214, %rem3A_200 : vector<2048x128xi1>, vector<2048x128xi32>
    %iota3A_216 = tpu.iota {dimensions = array<i32: 1>} : vector<2048x128xi32>
    %eq3A_217 = arith.cmpi eq, %select_n3A_215, %iota3A_216 : vector<2048x128xi32>
    %jit3A_218 = arith.constant 0.000000e+00 : f32
    %broadcast_in_dim3A_219 = vector.broadcast %jit3A_218 : f32 to vector<2048x128xf32>
    %select_n3A_220 = arith.select %eq3A_217, %dot_general3A_192, %broadcast_in_dim3A_219 : vector<2048x128xi1>, vector<2048x128xf32>
    %broadcast_in_dim3A_221 = arith.constant 1.000000e+00 : f32
    %broadcast_in_dim3A_222 = vector.broadcast %broadcast_in_dim3A_221 : f32 to vector<128x128xf32>
    %dot_general3A_223 = arith.constant dense<0.000000e+00> : vector<2048x128xf32>
    %dot_general3A_224 = tpu.matmul %select_n3A_220, %broadcast_in_dim3A_222, %dot_general3A_223 {dimension_numbers = #tpu.dot_dimension_numbers<[1], [0], [0], [1], [0, 0, 1, 1], [], []>, transpose_lhs_hint = false} : vector<2048x128xf32>, vector<128x128xf32>, vector<2048x128xf32> -> vector<2048x128xf32>
    %get3A_225 = arith.constant 0 : index
    %get3A_226 = arith.constant 0 : index
    %get3A_227 = vector.load %arg9[%get3A_225, %get3A_226] : memref<1x128xf32, #tpu.memory_space<vmem>>, vector<1x128xf32>
    %mul3A_228 = vector.broadcast %get3A_227 : vector<1x128xf32> to vector<2048x128xf32>
    %mul3A_229 = arith.mulf %dot_general3A_224, %mul3A_228 : vector<2048x128xf32>
    %get3A_230 = arith.constant 0 : index
    %get3A_231 = arith.constant 0 : index
    %get3A_232 = vector.load %arg10[%get3A_230, %get3A_231] : memref<1x128xf32, #tpu.memory_space<vmem>>, vector<1x128xf32>
    %add3A_233 = vector.broadcast %get3A_232 : vector<1x128xf32> to vector<2048x128xf32>
    %add3A_234 = arith.addf %mul3A_229, %add3A_233 : vector<2048x128xf32>
    %reduce_sum3A_235 = arith.constant dense<0.000000e+00> : vector<2048xf32>
    %reduce_sum3A_236 = vector.multi_reduction <add>, %add3A_234, %reduce_sum3A_235 [1] : vector<2048x128xf32> to vector<2048xf32>
    %broadcast_in_dim3A_237 = vector.shape_cast %reduce_sum3A_236 : vector<2048xf32> to vector<2048x1xf32>
    %div3A_238 = arith.constant 1.280000e+02 : f32
    %div3A_239 = vector.broadcast %div3A_238 : f32 to vector<2048x1xf32>
    %div3A_240 = arith.divf %broadcast_in_dim3A_237, %div3A_239 : vector<2048x1xf32>
    %sub3A_241 = vector.broadcast %div3A_240 : vector<2048x1xf32> to vector<2048x128xf32>
    %sub3A_242 = arith.subf %add3A_234, %sub3A_241 : vector<2048x128xf32>
    %integer_pow3A_243 = arith.mulf %sub3A_242, %sub3A_242 : vector<2048x128xf32>
    %reduce_sum3A_244 = arith.constant dense<0.000000e+00> : vector<2048xf32>
    %reduce_sum3A_245 = vector.multi_reduction <add>, %integer_pow3A_243, %reduce_sum3A_244 [1] : vector<2048x128xf32> to vector<2048xf32>
    %broadcast_in_dim3A_246 = vector.shape_cast %reduce_sum3A_245 : vector<2048xf32> to vector<2048x1xf32>
    %div3A_247 = arith.constant 1.280000e+02 : f32
    %div3A_248 = vector.broadcast %div3A_247 : f32 to vector<2048x1xf32>
    %div3A_249 = arith.divf %broadcast_in_dim3A_246, %div3A_248 : vector<2048x1xf32>
    %sub3A_250 = vector.broadcast %div3A_240 : vector<2048x1xf32> to vector<2048x128xf32>
    %sub3A_251 = arith.subf %add3A_234, %sub3A_250 : vector<2048x128xf32>
    %add3A_252 = arith.constant 9.99999974E-6 : f32
    %add3A_253 = vector.broadcast %add3A_252 : f32 to vector<2048x1xf32>
    %add3A_254 = arith.addf %div3A_249, %add3A_253 : vector<2048x1xf32>
    %rsqrt3A_255 = math.rsqrt %add3A_254 : vector<2048x1xf32>
    %mul3A_256 = vector.broadcast %rsqrt3A_255 : vector<2048x1xf32> to vector<2048x128xf32>
    %mul3A_257 = arith.mulf %sub3A_251, %mul3A_256 : vector<2048x128xf32>
    %get3A_258 = arith.constant 0 : index
    %get3A_259 = arith.constant 0 : index
    %get3A_260 = vector.load %arg13[%get3A_258, %get3A_259] : memref<1x128xf32, #tpu.memory_space<vmem>>, vector<1x128xf32>
    %mul3A_261 = vector.broadcast %get3A_260 : vector<1x128xf32> to vector<2048x128xf32>
    %mul3A_262 = arith.mulf %mul3A_257, %mul3A_261 : vector<2048x128xf32>
    %get3A_263 = arith.constant 0 : index
    %get3A_264 = arith.constant 0 : index
    %get3A_265 = vector.load %arg14[%get3A_263, %get3A_264] : memref<1x128xf32, #tpu.memory_space<vmem>>, vector<1x128xf32>
    %add3A_266 = vector.broadcast %get3A_265 : vector<1x128xf32> to vector<2048x128xf32>
    %add3A_267 = arith.addf %mul3A_262, %add3A_266 : vector<2048x128xf32>
    %swap3A = arith.constant 0 : index
    %swap3A_268 = arith.constant 0 : index
    %swap3A_269 = vector.load %arg16[%swap3A, %swap3A_268] : memref<2048x256xf32, #tpu.memory_space<vmem>>, vector<2048x128xf32>
    tpu.vector_store %arg16[%swap3A, %swap3A_268], %add3A_151 {strides = array<i32>} : memref<2048x256xf32, #tpu.memory_space<vmem>>, vector<2048x128xf32>,
    %swap3A_270 = arith.constant 0 : index
    %swap3A_271 = arith.constant 128 : index
    %swap3A_272 = vector.load %arg16[%swap3A_270, %swap3A_271] : memref<2048x256xf32, #tpu.memory_space<vmem>>, vector<2048x128xf32>
    tpu.vector_store %arg16[%swap3A_270, %swap3A_271], %add3A_267 {strides = array<i32>} : memref<2048x256xf32, #tpu.memory_space<vmem>>, vector<2048x128xf32>,
    return
  }
  func.func @transform_0(%arg0: i32) -> (i32, i32) {
    %c0_i32 = arith.constant 0 : i32
    %c0_i32_0 = arith.constant 0 : i32
    return %arg0, %c0_i32 : i32, i32
  }
  func.func @transform_1(%arg0: i32) -> (i32, i32) {
    %c0_i32 = arith.constant 0 : i32
    %c0_i32_0 = arith.constant 0 : i32
    return %arg0, %c0_i32 : i32, i32
  }
  func.func @transform_2(%arg0: i32) -> (i32, i32) {
    %c0_i32 = arith.constant 0 : i32
    %c0_i32_0 = arith.constant 0 : i32
    return %arg0, %c0_i32 : i32, i32
  }
  func.func @transform_3(%arg0: i32) -> (i32, i32) {
    %add3A = arith.constant 50 : i32
    %add3A_0 = arith.addi %arg0, %add3A : i32
    %c0_i32 = arith.constant 0 : i32
    %c0_i32_1 = arith.constant 0 : i32
    return %add3A_0, %c0_i32 : i32, i32
  }
  func.func @transform_4(%arg0: i32) -> (i32, i32) {
    %add3A = arith.constant 50 : i32
    %add3A_0 = arith.addi %arg0, %add3A : i32
    %c0_i32 = arith.constant 0 : i32
    %c0_i32_1 = arith.constant 0 : i32
    return %add3A_0, %c0_i32 : i32, i32
  }
  func.func @transform_5(%arg0: i32) -> (i32, i32) {
    %c0_i32 = arith.constant 0 : i32
    %c0_i32_0 = arith.constant 0 : i32
    %c0_i32_1 = arith.constant 0 : i32
    return %c0_i32, %c0_i32_0 : i32, i32
  }
  func.func @transform_6(%arg0: i32) -> (i32, i32) {
    %c0_i32 = arith.constant 0 : i32
    %c0_i32_0 = arith.constant 0 : i32
    %c0_i32_1 = arith.constant 0 : i32
    return %c0_i32, %c0_i32_0 : i32, i32
  }
  func.func @transform_7(%arg0: i32) -> (i32, i32) {
    %c0_i32 = arith.constant 0 : i32
    %c0_i32_0 = arith.constant 0 : i32
    %c0_i32_1 = arith.constant 0 : i32
    return %c0_i32, %c0_i32_0 : i32, i32
  }
  func.func @transform_8(%arg0: i32) -> (i32, i32) {
    %c0_i32 = arith.constant 0 : i32
    %c0_i32_0 = arith.constant 0 : i32
    %c0_i32_1 = arith.constant 0 : i32
    return %c0_i32, %c0_i32_0 : i32, i32
  }
  func.func @transform_9(%arg0: i32) -> (i32, i32) {
    %c0_i32 = arith.constant 0 : i32
    %c0_i32_0 = arith.constant 0 : i32
    %c0_i32_1 = arith.constant 0 : i32
    return %c0_i32, %c0_i32_0 : i32, i32
  }
  func.func @transform_10(%arg0: i32) -> (i32, i32) {
    %c0_i32 = arith.constant 0 : i32
    %c0_i32_0 = arith.constant 0 : i32
    %c0_i32_1 = arith.constant 0 : i32
    return %c0_i32, %c0_i32_0 : i32, i32
  }
  func.func @transform_11(%arg0: i32) -> (i32, i32) {
    %c0_i32 = arith.constant 0 : i32
    %c0_i32_0 = arith.constant 0 : i32
    %c0_i32_1 = arith.constant 0 : i32
    return %c0_i32, %c0_i32_0 : i32, i32
  }
  func.func @transform_12(%arg0: i32) -> (i32, i32) {
    %c0_i32 = arith.constant 0 : i32
    %c0_i32_0 = arith.constant 0 : i32
    %c0_i32_1 = arith.constant 0 : i32
    return %c0_i32, %c0_i32_0 : i32, i32
  }
  func.func @transform_13(%arg0: i32) -> (i32, i32) {
    %c0_i32 = arith.constant 0 : i32
    %c0_i32_0 = arith.constant 0 : i32
    %c0_i32_1 = arith.constant 0 : i32
    return %c0_i32, %c0_i32_0 : i32, i32
  }
  func.func @transform_15(%arg0: i32) -> (i32, i32) {
    %add3A = arith.constant 50 : i32
    %add3A_0 = arith.addi %arg0, %add3A : i32
    %c0_i32 = arith.constant 0 : i32
    %c0_i32_1 = arith.constant 0 : i32
    return %add3A_0, %c0_i32 : i32, i32
  }
}

module attributes {stable_mosaic.version = 14 : i64} {
  func.func @body(%arg0: i32, %arg1: memref<2048x128xf32, #tpu.memory_space<vmem>>, %arg2: memref<2048x128xf32, #tpu.memory_space<vmem>>, %arg3: memref<2048x128xf32, #tpu.memory_space<vmem>>, %arg4: memref<16x128xi32, #tpu.memory_space<vmem>>, %arg5: memref<16x128xf32, #tpu.memory_space<vmem>>, %arg6: memref<3x64xf32, #tpu.memory_space<vmem>>, %arg7: memref<448x128xf32, #tpu.memory_space<vmem>>, %arg8: memref<1x128xf32, #tpu.memory_space<vmem>>, %arg9: memref<1x128xf32, #tpu.memory_space<vmem>>, %arg10: memref<1x128xf32, #tpu.memory_space<vmem>>, %arg11: memref<1x128xf32, #tpu.memory_space<vmem>>, %arg12: memref<1x128xf32, #tpu.memory_space<vmem>>, %arg13: memref<1x128xf32, #tpu.memory_space<vmem>>, %arg14: memref<1x128xf32, #tpu.memory_space<vmem>>, %arg15: memref<204800x256xf32, #tpu.memory_space<any>>, %arg16: memref<2048x256xf32, #tpu.memory_space<vmem>>) attributes {dimension_semantics = [#tpu.dimension_semantics<arbitrary>], iteration_bounds = array<i64: 25>, scalar_prefetch = 0 : i64, scratch_operands = 0 : i64, tpu.core_type = #tpu.core_type<tc>, window_params = [{transform_indices = @transform_0, window_bounds = array<i64: 2048, 128>}, {transform_indices = @transform_1, window_bounds = array<i64: 2048, 128>}, {transform_indices = @transform_2, window_bounds = array<i64: 2048, 128>}, {transform_indices = @transform_3, window_bounds = array<i64: 16, 128>}, {transform_indices = @transform_4, window_bounds = array<i64: 16, 128>}, {pipeline_mode = #tpu.pipeline_mode<synchronous>, transform_indices = @transform_5, window_bounds = array<i64: 3, 64>}, {pipeline_mode = #tpu.pipeline_mode<synchronous>, transform_indices = @transform_6, window_bounds = array<i64: 448, 128>}, {pipeline_mode = #tpu.pipeline_mode<synchronous>, transform_indices = @transform_7, window_bounds = array<i64: 1, 128>}, {pipeline_mode = #tpu.pipeline_mode<synchronous>, transform_indices = @transform_8, window_bounds = array<i64: 1, 128>}, {pipeline_mode = #tpu.pipeline_mode<synchronous>, transform_indices = @transform_9, window_bounds = array<i64: 1, 128>}, {pipeline_mode = #tpu.pipeline_mode<synchronous>, transform_indices = @transform_10, window_bounds = array<i64: 1, 128>}, {pipeline_mode = #tpu.pipeline_mode<synchronous>, transform_indices = @transform_11, window_bounds = array<i64: 1, 128>}, {pipeline_mode = #tpu.pipeline_mode<synchronous>, transform_indices = @transform_12, window_bounds = array<i64: 1, 128>}, {pipeline_mode = #tpu.pipeline_mode<synchronous>, transform_indices = @transform_13, window_bounds = array<i64: 1, 128>}, {}, {transform_indices = @transform_15, window_bounds = array<i64: 2048, 256>}]} {
    %get3A = arith.constant 0 : index
    %get3A_0 = arith.constant 0 : index
    %get3A_1 = vector.load %arg1[%get3A, %get3A_0] : memref<2048x128xf32, #tpu.memory_space<vmem>>, vector<2048x128xf32>
    %get3A_2 = arith.constant 0 : index
    %get3A_3 = arith.constant 0 : index
    %get3A_4 = vector.load %arg7[%get3A_2, %get3A_3] : memref<448x128xf32, #tpu.memory_space<vmem>>, vector<128x128xf32>
    %dot_general3A = arith.constant dense<0.000000e+00> : vector<2048x128xf32>
    %dot_general3A_5 = tpu.matmul %get3A_1, %get3A_4, %dot_general3A {dimension_numbers = #tpu.dot_dimension_numbers<[1], [0], [0], [1], [0, 0, 1, 1], [], []>, transpose_lhs_hint = false} : vector<2048x128xf32>, vector<128x128xf32>, vector<2048x128xf32> -> vector<2048x128xf32>
    %get3A_6 = arith.constant 0 : index
    %get3A_7 = arith.constant 0 : index
    %get3A_8 = vector.load %arg2[%get3A_6, %get3A_7] : memref<2048x128xf32, #tpu.memory_space<vmem>>, vector<2048x128xf32>
    %get3A_9 = arith.constant 128 : index
    %get3A_10 = arith.constant 0 : index
    %get3A_11 = vector.load %arg7[%get3A_9, %get3A_10] : memref<448x128xf32, #tpu.memory_space<vmem>>, vector<128x128xf32>
    %dot_general3A_12 = arith.constant dense<0.000000e+00> : vector<2048x128xf32>
    %dot_general3A_13 = tpu.matmul %get3A_8, %get3A_11, %dot_general3A_12 {dimension_numbers = #tpu.dot_dimension_numbers<[1], [0], [0], [1], [0, 0, 1, 1], [], []>, transpose_lhs_hint = false} : vector<2048x128xf32>, vector<128x128xf32>, vector<2048x128xf32> -> vector<2048x128xf32>
    %add3A = arith.addf %dot_general3A_5, %dot_general3A_13 : vector<2048x128xf32>
    %get3A_14 = arith.constant 0 : index
    %get3A_15 = arith.constant 0 : index
    %get3A_16 = vector.load %arg3[%get3A_14, %get3A_15] : memref<2048x128xf32, #tpu.memory_space<vmem>>, vector<2048x128xf32>
    %get3A_17 = arith.constant 256 : index
    %get3A_18 = arith.constant 0 : index
    %get3A_19 = vector.load %arg7[%get3A_17, %get3A_18] : memref<448x128xf32, #tpu.memory_space<vmem>>, vector<128x128xf32>
    %dot_general3A_20 = arith.constant dense<0.000000e+00> : vector<2048x128xf32>
    %dot_general3A_21 = tpu.matmul %get3A_16, %get3A_19, %dot_general3A_20 {dimension_numbers = #tpu.dot_dimension_numbers<[1], [0], [0], [1], [0, 0, 1, 1], [], []>, transpose_lhs_hint = false} : vector<2048x128xf32>, vector<128x128xf32>, vector<2048x128xf32> -> vector<2048x128xf32>
    %add3A_22 = arith.addf %add3A, %dot_general3A_21 : vector<2048x128xf32>
    %get3A_23 = arith.constant 0 : index
    %get3A_24 = arith.constant 0 : index
    %get3A_25 = vector.load %arg6[%get3A_23, %get3A_24] : memref<3x64xf32, #tpu.memory_space<vmem>>, vector<3x64xf32>
    %get3A_26 = arith.constant 384 : index
    %get3A_27 = arith.constant 0 : index
    %get3A_28 = vector.load %arg7[%get3A_26, %get3A_27] : memref<448x128xf32, #tpu.memory_space<vmem>>, vector<64x128xf32>
    %dot_general3A_29 = arith.constant dense<0.000000e+00> : vector<3x128xf32>
    %dot_general3A_30 = tpu.matmul %get3A_25, %get3A_28, %dot_general3A_29 {dimension_numbers = #tpu.dot_dimension_numbers<[1], [0], [0], [1], [0, 0, 1, 1], [], []>, transpose_lhs_hint = false} : vector<3x64xf32>, vector<64x128xf32>, vector<3x128xf32> -> vector<3x128xf32>
    %get3A_31 = arith.constant 0 : index
    %get3A_32 = arith.constant 0 : index
    %get3A_33 = vector.load %arg4[%get3A_31, %get3A_32] : memref<16x128xi32, #tpu.memory_space<vmem>>, vector<16x128xi32>
    %convert_element_type3A = arith.sitofp %get3A_33 : vector<16x128xi32> to vector<16x128xf32>
    %iota3A = tpu.iota {dimensions = array<i32: 0>} : vector<2048x16xi32>
    %jit3A = arith.constant 128 : i32
    %div3A = vector.broadcast %jit3A : i32 to vector<2048x16xi32>
    %div3A_34 = arith.divsi %iota3A, %div3A : vector<2048x16xi32>
    %sign3A = arith.constant 0 : i32
    %sign3A_35 = vector.broadcast %sign3A : i32 to vector<2048x16xi32>
    %sign3A_36 = arith.cmpi sgt, %iota3A, %sign3A_35 : vector<2048x16xi32>
    %sign3A_37 = arith.extui %sign3A_36 : vector<2048x16xi1> to vector<2048x16xi32>
    %sign3A_38 = arith.constant 0 : i32
    %sign3A_39 = vector.broadcast %sign3A_38 : i32 to vector<2048x16xi32>
    %sign3A_40 = arith.cmpi slt, %iota3A, %sign3A_39 : vector<2048x16xi32>
    %sign3A_41 = arith.extui %sign3A_40 : vector<2048x16xi1> to vector<2048x16xi32>
    %sign3A_42 = arith.subi %sign3A_37, %sign3A_41 : vector<2048x16xi32>
    %sign3A_43 = arith.constant 0 : i32
    %sign3A_44 = arith.cmpi sgt, %jit3A, %sign3A_43 : i32
    %sign3A_45 = arith.extui %sign3A_44 : i1 to i32
    %sign3A_46 = arith.constant 0 : i32
    %sign3A_47 = arith.cmpi slt, %jit3A, %sign3A_46 : i32
    %sign3A_48 = arith.extui %sign3A_47 : i1 to i32
    %sign3A_49 = arith.subi %sign3A_45, %sign3A_48 : i32
    %ne3A = vector.broadcast %sign3A_49 : i32 to vector<2048x16xi32>
    %ne3A_50 = arith.cmpi ne, %sign3A_42, %ne3A : vector<2048x16xi32>
    %rem3A = vector.broadcast %jit3A : i32 to vector<2048x16xi32>
    %rem3A_51 = arith.remsi %iota3A, %rem3A : vector<2048x16xi32>
    %ne3A_52 = arith.constant 0 : i32
    %ne3A_53 = vector.broadcast %ne3A_52 : i32 to vector<2048x16xi32>
    %ne3A_54 = arith.cmpi ne, %rem3A_51, %ne3A_53 : vector<2048x16xi32>
    %and3A = arith.andi %ne3A_50, %ne3A_54 : vector<2048x16xi1>
    %sub3A = arith.constant 1 : i32
    %sub3A_55 = vector.broadcast %sub3A : i32 to vector<2048x16xi32>
    %sub3A_56 = arith.subi %div3A_34, %sub3A_55 : vector<2048x16xi32>
    %select_n3A = arith.select %and3A, %sub3A_56, %div3A_34 : vector<2048x16xi1>, vector<2048x16xi32>
    %iota3A_57 = tpu.iota {dimensions = array<i32: 1>} : vector<2048x16xi32>
    %eq3A = arith.cmpi eq, %select_n3A, %iota3A_57 : vector<2048x16xi32>
    %convert_element_type3A_58 = arith.extui %eq3A : vector<2048x16xi1> to vector<2048x16xi32>
    %convert_element_type3A_59 = arith.sitofp %convert_element_type3A_58 : vector<2048x16xi32> to vector<2048x16xf32>
    %dot_general3A_60 = arith.constant dense<0.000000e+00> : vector<2048x128xf32>
    %dot_general3A_61 = tpu.matmul %convert_element_type3A_59, %convert_element_type3A, %dot_general3A_60 {dimension_numbers = #tpu.dot_dimension_numbers<[1], [0], [0], [1], [0, 0, 1, 1], [], []>, transpose_lhs_hint = false} : vector<2048x16xf32>, vector<16x128xf32>, vector<2048x128xf32> -> vector<2048x128xf32>
    %iota3A_62 = tpu.iota {dimensions = array<i32: 0>} : vector<2048x128xi32>
    %jit3A_63 = arith.constant 128 : i32
    %eq3A_64 = arith.constant 0 : i32
    %eq3A_65 = arith.cmpi eq, %jit3A_63, %eq3A_64 : i32
    %jit3A_66 = arith.constant 1 : i32
    %select_n3A_67 = arith.select %eq3A_65, %jit3A_66, %jit3A_63 : i32
    %rem3A_68 = vector.broadcast %select_n3A_67 : i32 to vector<2048x128xi32>
    %rem3A_69 = arith.remsi %iota3A_62, %rem3A_68 : vector<2048x128xi32>
    %ne3A_70 = arith.constant 0 : i32
    %ne3A_71 = vector.broadcast %ne3A_70 : i32 to vector<2048x128xi32>
    %ne3A_72 = arith.cmpi ne, %rem3A_69, %ne3A_71 : vector<2048x128xi32>
    %lt3A = arith.constant 0 : i32
    %lt3A_73 = vector.broadcast %lt3A : i32 to vector<2048x128xi32>
    %lt3A_74 = arith.cmpi slt, %rem3A_69, %lt3A_73 : vector<2048x128xi32>
    %lt3A_75 = arith.constant 0 : i32
    %lt3A_76 = arith.cmpi slt, %select_n3A_67, %lt3A_75 : i32
    %ne3A_77 = vector.broadcast %lt3A_76 : i1 to vector<2048x128xi1>
    %ne3A_78 = vector.broadcast %ne3A_77 : vector<2048x128xi1> to vector<2048x128xi1>
    %ne3A_79 = arith.xori %lt3A_74, %ne3A_78 : vector<2048x128xi1>
    %and3A_80 = arith.andi %ne3A_79, %ne3A_72 : vector<2048x128xi1>
    %add3A_81 = vector.broadcast %select_n3A_67 : i32 to vector<2048x128xi32>
    %add3A_82 = arith.addi %rem3A_69, %add3A_81 : vector<2048x128xi32>
    %select_n3A_83 = arith.select %and3A_80, %add3A_82, %rem3A_69 : vector<2048x128xi1>, vector<2048x128xi32>
    %iota3A_84 = tpu.iota {dimensions = array<i32: 1>} : vector<2048x128xi32>
    %eq3A_85 = arith.cmpi eq, %select_n3A_83, %iota3A_84 : vector<2048x128xi32>
    %jit3A_86 = arith.constant 0.000000e+00 : f32
    %broadcast_in_dim3A = vector.broadcast %jit3A_86 : f32 to vector<2048x128xf32>
    %select_n3A_87 = arith.select %eq3A_85, %dot_general3A_61, %broadcast_in_dim3A : vector<2048x128xi1>, vector<2048x128xf32>
    %broadcast_in_dim3A_88 = arith.constant 1.000000e+00 : f32
    %broadcast_in_dim3A_89 = vector.broadcast %broadcast_in_dim3A_88 : f32 to vector<128x128xf32>
    %dot_general3A_90 = arith.constant dense<0.000000e+00> : vector<2048x128xf32>
    %dot_general3A_91 = tpu.matmul %select_n3A_87, %broadcast_in_dim3A_89, %dot_general3A_90 {dimension_numbers = #tpu.dot_dimension_numbers<[1], [0], [0], [1], [0, 0, 1, 1], [], []>, transpose_lhs_hint = false} : vector<2048x128xf32>, vector<128x128xf32>, vector<2048x128xf32> -> vector<2048x128xf32>
    %slice3A = vector.extract_strided_slice %dot_general3A_30 {offsets = [0, 0], sizes = [1, 128], strides = [1, 1]} : vector<3x128xf32> to vector<1x128xf32>
    %slice3A_92 = vector.extract_strided_slice %dot_general3A_30 {offsets = [1, 0], sizes = [1, 128], strides = [1, 1]} : vector<3x128xf32> to vector<1x128xf32>
    %slice3A_93 = vector.extract_strided_slice %dot_general3A_30 {offsets = [0, 0], sizes = [1, 128], strides = [1, 1]} : vector<3x128xf32> to vector<1x128xf32>
    %sub3A_94 = arith.subf %slice3A_92, %slice3A_93 : vector<1x128xf32>
    %slice3A_95 = vector.extract_strided_slice %dot_general3A_30 {offsets = [2, 0], sizes = [1, 128], strides = [1, 1]} : vector<3x128xf32> to vector<1x128xf32>
    %slice3A_96 = vector.extract_strided_slice %dot_general3A_30 {offsets = [1, 0], sizes = [1, 128], strides = [1, 1]} : vector<3x128xf32> to vector<1x128xf32>
    %mul3A = arith.constant 2.000000e+00 : f32
    %mul3A_97 = vector.broadcast %mul3A : f32 to vector<1x128xf32>
    %mul3A_98 = arith.mulf %mul3A_97, %slice3A_96 : vector<1x128xf32>
    %sub3A_99 = arith.subf %slice3A_95, %mul3A_98 : vector<1x128xf32>
    %slice3A_100 = vector.extract_strided_slice %dot_general3A_30 {offsets = [0, 0], sizes = [1, 128], strides = [1, 1]} : vector<3x128xf32> to vector<1x128xf32>
    %add3A_101 = arith.addf %sub3A_99, %slice3A_100 : vector<1x128xf32>
    %add3A_102 = vector.broadcast %slice3A : vector<1x128xf32> to vector<2048x128xf32>
    %add3A_103 = arith.addf %add3A_22, %add3A_102 : vector<2048x128xf32>
    %mul3A_104 = vector.broadcast %sub3A_94 : vector<1x128xf32> to vector<2048x128xf32>
    %mul3A_105 = arith.mulf %dot_general3A_91, %mul3A_104 : vector<2048x128xf32>
    %add3A_106 = arith.addf %add3A_103, %mul3A_105 : vector<2048x128xf32>
    %sub3A_107 = arith.constant 1.000000e+00 : f32
    %sub3A_108 = vector.broadcast %sub3A_107 : f32 to vector<2048x128xf32>
    %sub3A_109 = arith.subf %dot_general3A_91, %sub3A_108 : vector<2048x128xf32>
    %mul3A_110 = arith.mulf %dot_general3A_91, %sub3A_109 : vector<2048x128xf32>
    %mul3A_111 = arith.constant 5.000000e-01 : f32
    %mul3A_112 = vector.broadcast %mul3A_111 : f32 to vector<2048x128xf32>
    %mul3A_113 = arith.mulf %mul3A_110, %mul3A_112 : vector<2048x128xf32>
    %mul3A_114 = vector.broadcast %add3A_101 : vector<1x128xf32> to vector<2048x128xf32>
    %mul3A_115 = arith.mulf %mul3A_113, %mul3A_114 : vector<2048x128xf32>
    %add3A_116 = arith.addf %add3A_106, %mul3A_115 : vector<2048x128xf32>
    %get3A_117 = arith.constant 0 : index
    %get3A_118 = arith.constant 0 : index
    %get3A_119 = vector.load %arg8[%get3A_117, %get3A_118] : memref<1x128xf32, #tpu.memory_space<vmem>>, vector<1x128xf32>
    %add3A_120 = vector.broadcast %get3A_119 : vector<1x128xf32> to vector<2048x128xf32>
    %add3A_121 = arith.addf %add3A_116, %add3A_120 : vector<2048x128xf32>
    %reduce_sum3A = arith.constant dense<0.000000e+00> : vector<2048xf32>
    %reduce_sum3A_122 = vector.multi_reduction <add>, %add3A_121, %reduce_sum3A [1] : vector<2048x128xf32> to vector<2048xf32>
    %broadcast_in_dim3A_123 = vector.shape_cast %reduce_sum3A_122 : vector<2048xf32> to vector<2048x1xf32>
    %div3A_124 = arith.constant 1.280000e+02 : f32
    %div3A_125 = vector.broadcast %div3A_124 : f32 to vector<2048x1xf32>
    %div3A_126 = arith.divf %broadcast_in_dim3A_123, %div3A_125 : vector<2048x1xf32>
    %sub3A_127 = vector.broadcast %div3A_126 : vector<2048x1xf32> to vector<2048x128xf32>
    %sub3A_128 = arith.subf %add3A_121, %sub3A_127 : vector<2048x128xf32>
    %integer_pow3A = arith.mulf %sub3A_128, %sub3A_128 : vector<2048x128xf32>
    %reduce_sum3A_129 = arith.constant dense<0.000000e+00> : vector<2048xf32>
    %reduce_sum3A_130 = vector.multi_reduction <add>, %integer_pow3A, %reduce_sum3A_129 [1] : vector<2048x128xf32> to vector<2048xf32>
    %broadcast_in_dim3A_131 = vector.shape_cast %reduce_sum3A_130 : vector<2048xf32> to vector<2048x1xf32>
    %div3A_132 = arith.constant 1.280000e+02 : f32
    %div3A_133 = vector.broadcast %div3A_132 : f32 to vector<2048x1xf32>
    %div3A_134 = arith.divf %broadcast_in_dim3A_131, %div3A_133 : vector<2048x1xf32>
    %sub3A_135 = vector.broadcast %div3A_126 : vector<2048x1xf32> to vector<2048x128xf32>
    %sub3A_136 = arith.subf %add3A_121, %sub3A_135 : vector<2048x128xf32>
    %add3A_137 = arith.constant 9.99999974E-6 : f32
    %add3A_138 = vector.broadcast %add3A_137 : f32 to vector<2048x1xf32>
    %add3A_139 = arith.addf %div3A_134, %add3A_138 : vector<2048x1xf32>
    %rsqrt3A = math.rsqrt %add3A_139 : vector<2048x1xf32>
    %mul3A_140 = vector.broadcast %rsqrt3A : vector<2048x1xf32> to vector<2048x128xf32>
    %mul3A_141 = arith.mulf %sub3A_136, %mul3A_140 : vector<2048x128xf32>
    %get3A_142 = arith.constant 0 : index
    %get3A_143 = arith.constant 0 : index
    %get3A_144 = vector.load %arg11[%get3A_142, %get3A_143] : memref<1x128xf32, #tpu.memory_space<vmem>>, vector<1x128xf32>
    %mul3A_145 = vector.broadcast %get3A_144 : vector<1x128xf32> to vector<2048x128xf32>
    %mul3A_146 = arith.mulf %mul3A_141, %mul3A_145 : vector<2048x128xf32>
    %get3A_147 = arith.constant 0 : index
    %get3A_148 = arith.constant 0 : index
    %get3A_149 = vector.load %arg12[%get3A_147, %get3A_148] : memref<1x128xf32, #tpu.memory_space<vmem>>, vector<1x128xf32>
    %add3A_150 = vector.broadcast %get3A_149 : vector<1x128xf32> to vector<2048x128xf32>
    %add3A_151 = arith.addf %mul3A_146, %add3A_150 : vector<2048x128xf32>
    %get3A_152 = arith.constant 0 : index
    %get3A_153 = arith.constant 0 : index
    %get3A_154 = vector.load %arg5[%get3A_152, %get3A_153] : memref<16x128xf32, #tpu.memory_space<vmem>>, vector<16x128xf32>
    %iota3A_155 = tpu.iota {dimensions = array<i32: 0>} : vector<2048x16xi32>
    %jit3A_156 = arith.constant 128 : i32
    %div3A_157 = vector.broadcast %jit3A_156 : i32 to vector<2048x16xi32>
    %div3A_158 = arith.divsi %iota3A_155, %div3A_157 : vector<2048x16xi32>
    %sign3A_159 = arith.constant 0 : i32
    %sign3A_160 = vector.broadcast %sign3A_159 : i32 to vector<2048x16xi32>
    %sign3A_161 = arith.cmpi sgt, %iota3A_155, %sign3A_160 : vector<2048x16xi32>
    %sign3A_162 = arith.extui %sign3A_161 : vector<2048x16xi1> to vector<2048x16xi32>
    %sign3A_163 = arith.constant 0 : i32
    %sign3A_164 = vector.broadcast %sign3A_163 : i32 to vector<2048x16xi32>
    %sign3A_165 = arith.cmpi slt, %iota3A_155, %sign3A_164 : vector<2048x16xi32>
    %sign3A_166 = arith.extui %sign3A_165 : vector<2048x16xi1> to vector<2048x16xi32>
    %sign3A_167 = arith.subi %sign3A_162, %sign3A_166 : vector<2048x16xi32>
    %sign3A_168 = arith.constant 0 : i32
    %sign3A_169 = arith.cmpi sgt, %jit3A_156, %sign3A_168 : i32
    %sign3A_170 = arith.extui %sign3A_169 : i1 to i32
    %sign3A_171 = arith.constant 0 : i32
    %sign3A_172 = arith.cmpi slt, %jit3A_156, %sign3A_171 : i32
    %sign3A_173 = arith.extui %sign3A_172 : i1 to i32
    %sign3A_174 = arith.subi %sign3A_170, %sign3A_173 : i32
    %ne3A_175 = vector.broadcast %sign3A_174 : i32 to vector<2048x16xi32>
    %ne3A_176 = arith.cmpi ne, %sign3A_167, %ne3A_175 : vector<2048x16xi32>
    %rem3A_177 = vector.broadcast %jit3A_156 : i32 to vector<2048x16xi32>
    %rem3A_178 = arith.remsi %iota3A_155, %rem3A_177 : vector<2048x16xi32>
    %ne3A_179 = arith.constant 0 : i32
    %ne3A_180 = vector.broadcast %ne3A_179 : i32 to vector<2048x16xi32>
    %ne3A_181 = arith.cmpi ne, %rem3A_178, %ne3A_180 : vector<2048x16xi32>
    %and3A_182 = arith.andi %ne3A_176, %ne3A_181 : vector<2048x16xi1>
    %sub3A_183 = arith.constant 1 : i32
    %sub3A_184 = vector.broadcast %sub3A_183 : i32 to vector<2048x16xi32>
    %sub3A_185 = arith.subi %div3A_158, %sub3A_184 : vector<2048x16xi32>
    %select_n3A_186 = arith.select %and3A_182, %sub3A_185, %div3A_158 : vector<2048x16xi1>, vector<2048x16xi32>
    %iota3A_187 = tpu.iota {dimensions = array<i32: 1>} : vector<2048x16xi32>
    %eq3A_188 = arith.cmpi eq, %select_n3A_186, %iota3A_187 : vector<2048x16xi32>
    %convert_element_type3A_189 = arith.extui %eq3A_188 : vector<2048x16xi1> to vector<2048x16xi32>
    %convert_element_type3A_190 = arith.sitofp %convert_element_type3A_189 : vector<2048x16xi32> to vector<2048x16xf32>
    %dot_general3A_191 = arith.constant dense<0.000000e+00> : vector<2048x128xf32>
    %dot_general3A_192 = tpu.matmul %convert_element_type3A_190, %get3A_154, %dot_general3A_191 {dimension_numbers = #tpu.dot_dimension_numbers<[1], [0], [0], [1], [0, 0, 1, 1], [], []>, transpose_lhs_hint = false} : vector<2048x16xf32>, vector<16x128xf32>, vector<2048x128xf32> -> vector<2048x128xf32>
    %iota3A_193 = tpu.iota {dimensions = array<i32: 0>} : vector<2048x128xi32>
    %jit3A_194 = arith.constant 128 : i32
    %eq3A_195 = arith.constant 0 : i32
    %eq3A_196 = arith.cmpi eq, %jit3A_194, %eq3A_195 : i32
    %jit3A_197 = arith.constant 1 : i32
    %select_n3A_198 = arith.select %eq3A_196, %jit3A_197, %jit3A_194 : i32
    %rem3A_199 = vector.broadcast %select_n3A_198 : i32 to vector<2048x128xi32>
    %rem3A_200 = arith.remsi %iota3A_193, %rem3A_199 : vector<2048x128xi32>
    %ne3A_201 = arith.constant 0 : i32
    %ne3A_202 = vector.broadcast %ne3A_201 : i32 to vector<2048x128xi32>
    %ne3A_203 = arith.cmpi ne, %rem3A_200, %ne3A_202 : vector<2048x128xi32>
    %lt3A_204 = arith.constant 0 : i32
    %lt3A_205 = vector.broadcast %lt3A_204 : i32 to vector<2048x128xi32>
    %lt3A_206 = arith.cmpi slt, %rem3A_200, %lt3A_205 : vector<2048x128xi32>
    %lt3A_207 = arith.constant 0 : i32
    %lt3A_208 = arith.cmpi slt, %select_n3A_198, %lt3A_207 : i32
    %ne3A_209 = vector.broadcast %lt3A_208 : i1 to vector<2048x128xi1>
    %ne3A_210 = vector.broadcast %ne3A_209 : vector<2048x128xi1> to vector<2048x128xi1>
    %ne3A_211 = arith.xori %lt3A_206, %ne3A_210 : vector<2048x128xi1>
    %and3A_212 = arith.andi %ne3A_211, %ne3A_203 : vector<2048x128xi1>
    %add3A_213 = vector.broadcast %select_n3A_198 : i32 to vector<2048x128xi32>
    %add3A_214 = arith.addi %rem3A_200, %add3A_213 : vector<2048x128xi32>
    %select_n3A_215 = arith.select %and3A_212, %add3A_214, %rem3A_200 : vector<2048x128xi1>, vector<2048x128xi32>
    %iota3A_216 = tpu.iota {dimensions = array<i32: 1>} : vector<2048x128xi32>
    %eq3A_217 = arith.cmpi eq, %select_n3A_215, %iota3A_216 : vector<2048x128xi32>
    %jit3A_218 = arith.constant 0.000000e+00 : f32
    %broadcast_in_dim3A_219 = vector.broadcast %jit3A_218 : f32 to vector<2048x128xf32>
    %select_n3A_220 = arith.select %eq3A_217, %dot_general3A_192, %broadcast_in_dim3A_219 : vector<2048x128xi1>, vector<2048x128xf32>
    %broadcast_in_dim3A_221 = arith.constant 1.000000e+00 : f32
    %broadcast_in_dim3A_222 = vector.broadcast %broadcast_in_dim3A_221 : f32 to vector<128x128xf32>
    %dot_general3A_223 = arith.constant dense<0.000000e+00> : vector<2048x128xf32>
    %dot_general3A_224 = tpu.matmul %select_n3A_220, %broadcast_in_dim3A_222, %dot_general3A_223 {dimension_numbers = #tpu.dot_dimension_numbers<[1], [0], [0], [1], [0, 0, 1, 1], [], []>, transpose_lhs_hint = false} : vector<2048x128xf32>, vector<128x128xf32>, vector<2048x128xf32> -> vector<2048x128xf32>
    %get3A_225 = arith.constant 0 : index
    %get3A_226 = arith.constant 0 : index
    %get3A_227 = vector.load %arg9[%get3A_225, %get3A_226] : memref<1x128xf32, #tpu.memory_space<vmem>>, vector<1x128xf32>
    %mul3A_228 = vector.broadcast %get3A_227 : vector<1x128xf32> to vector<2048x128xf32>
    %mul3A_229 = arith.mulf %dot_general3A_224, %mul3A_228 : vector<2048x128xf32>
    %get3A_230 = arith.constant 0 : index
    %get3A_231 = arith.constant 0 : index
    %get3A_232 = vector.load %arg10[%get3A_230, %get3A_231] : memref<1x128xf32, #tpu.memory_space<vmem>>, vector<1x128xf32>
    %add3A_233 = vector.broadcast %get3A_232 : vector<1x128xf32> to vector<2048x128xf32>
    %add3A_234 = arith.addf %mul3A_229, %add3A_233 : vector<2048x128xf32>
    %reduce_sum3A_235 = arith.constant dense<0.000000e+00> : vector<2048xf32>
    %reduce_sum3A_236 = vector.multi_reduction <add>, %add3A_234, %reduce_sum3A_235 [1] : vector<2048x128xf32> to vector<2048xf32>
    %broadcast_in_dim3A_237 = vector.shape_cast %reduce_sum3A_236 : vector<2048xf32> to vector<2048x1xf32>
    %div3A_238 = arith.constant 1.280000e+02 : f32
    %div3A_239 = vector.broadcast %div3A_238 : f32 to vector<2048x1xf32>
    %div3A_240 = arith.divf %broadcast_in_dim3A_237, %div3A_239 : vector<2048x1xf32>
    %sub3A_241 = vector.broadcast %div3A_240 : vector<2048x1xf32> to vector<2048x128xf32>
    %sub3A_242 = arith.subf %add3A_234, %sub3A_241 : vector<2048x128xf32>
    %integer_pow3A_243 = arith.mulf %sub3A_242, %sub3A_242 : vector<2048x128xf32>
    %reduce_sum3A_244 = arith.constant dense<0.000000e+00> : vector<2048xf32>
    %reduce_sum3A_245 = vector.multi_reduction <add>, %integer_pow3A_243, %reduce_sum3A_244 [1] : vector<2048x128xf32> to vector<2048xf32>
    %broadcast_in_dim3A_246 = vector.shape_cast %reduce_sum3A_245 : vector<2048xf32> to vector<2048x1xf32>
    %div3A_247 = arith.constant 1.280000e+02 : f32
    %div3A_248 = vector.broadcast %div3A_247 : f32 to vector<2048x1xf32>
    %div3A_249 = arith.divf %broadcast_in_dim3A_246, %div3A_248 : vector<2048x1xf32>
    %sub3A_250 = vector.broadcast %div3A_240 : vector<2048x1xf32> to vector<2048x128xf32>
    %sub3A_251 = arith.subf %add3A_234, %sub3A_250 : vector<2048x128xf32>
    %add3A_252 = arith.constant 9.99999974E-6 : f32
    %add3A_253 = vector.broadcast %add3A_252 : f32 to vector<2048x1xf32>
    %add3A_254 = arith.addf %div3A_249, %add3A_253 : vector<2048x1xf32>
    %rsqrt3A_255 = math.rsqrt %add3A_254 : vector<2048x1xf32>
    %mul3A_256 = vector.broadcast %rsqrt3A_255 : vector<2048x1xf32> to vector<2048x128xf32>
    %mul3A_257 = arith.mulf %sub3A_251, %mul3A_256 : vector<2048x128xf32>
    %get3A_258 = arith.constant 0 : index
    %get3A_259 = arith.constant 0 : index
    %get3A_260 = vector.load %arg13[%get3A_258, %get3A_259] : memref<1x128xf32, #tpu.memory_space<vmem>>, vector<1x128xf32>
    %mul3A_261 = vector.broadcast %get3A_260 : vector<1x128xf32> to vector<2048x128xf32>
    %mul3A_262 = arith.mulf %mul3A_257, %mul3A_261 : vector<2048x128xf32>
    %get3A_263 = arith.constant 0 : index
    %get3A_264 = arith.constant 0 : index
    %get3A_265 = vector.load %arg14[%get3A_263, %get3A_264] : memref<1x128xf32, #tpu.memory_space<vmem>>, vector<1x128xf32>
    %add3A_266 = vector.broadcast %get3A_265 : vector<1x128xf32> to vector<2048x128xf32>
    %add3A_267 = arith.addf %mul3A_262, %add3A_266 : vector<2048x128xf32>
    %swap3A = arith.constant 0 : index
    %swap3A_268 = arith.constant 0 : index
    %swap3A_269 = vector.load %arg16[%swap3A, %swap3A_268] : memref<2048x256xf32, #tpu.memory_space<vmem>>, vector<2048x128xf32>
    tpu.vector_store %arg16[%swap3A, %swap3A_268], %add3A_151 {strides = array<i32>} : memref<2048x256xf32, #tpu.memory_space<vmem>>, vector<2048x128xf32>,
    %swap3A_270 = arith.constant 0 : index
    %swap3A_271 = arith.constant 128 : index
    %swap3A_272 = vector.load %arg16[%swap3A_270, %swap3A_271] : memref<2048x256xf32, #tpu.memory_space<vmem>>, vector<2048x128xf32>
    tpu.vector_store %arg16[%swap3A_270, %swap3A_271], %add3A_267 {strides = array<i32>} : memref<2048x256xf32, #tpu.memory_space<vmem>>, vector<2048x128xf32>,
    return
  }
  func.func @transform_0(%arg0: i32) -> (i32, i32) {
    %c0_i32 = arith.constant 0 : i32
    %c0_i32_0 = arith.constant 0 : i32
    return %arg0, %c0_i32 : i32, i32
  }
  func.func @transform_1(%arg0: i32) -> (i32, i32) {
    %c0_i32 = arith.constant 0 : i32
    %c0_i32_0 = arith.constant 0 : i32
    return %arg0, %c0_i32 : i32, i32
  }
  func.func @transform_2(%arg0: i32) -> (i32, i32) {
    %c0_i32 = arith.constant 0 : i32
    %c0_i32_0 = arith.constant 0 : i32
    return %arg0, %c0_i32 : i32, i32
  }
  func.func @transform_3(%arg0: i32) -> (i32, i32) {
    %add3A = arith.constant 75 : i32
    %add3A_0 = arith.addi %arg0, %add3A : i32
    %c0_i32 = arith.constant 0 : i32
    %c0_i32_1 = arith.constant 0 : i32
    return %add3A_0, %c0_i32 : i32, i32
  }
  func.func @transform_4(%arg0: i32) -> (i32, i32) {
    %add3A = arith.constant 75 : i32
    %add3A_0 = arith.addi %arg0, %add3A : i32
    %c0_i32 = arith.constant 0 : i32
    %c0_i32_1 = arith.constant 0 : i32
    return %add3A_0, %c0_i32 : i32, i32
  }
  func.func @transform_5(%arg0: i32) -> (i32, i32) {
    %c0_i32 = arith.constant 0 : i32
    %c0_i32_0 = arith.constant 0 : i32
    %c0_i32_1 = arith.constant 0 : i32
    return %c0_i32, %c0_i32_0 : i32, i32
  }
  func.func @transform_6(%arg0: i32) -> (i32, i32) {
    %c0_i32 = arith.constant 0 : i32
    %c0_i32_0 = arith.constant 0 : i32
    %c0_i32_1 = arith.constant 0 : i32
    return %c0_i32, %c0_i32_0 : i32, i32
  }
  func.func @transform_7(%arg0: i32) -> (i32, i32) {
    %c0_i32 = arith.constant 0 : i32
    %c0_i32_0 = arith.constant 0 : i32
    %c0_i32_1 = arith.constant 0 : i32
    return %c0_i32, %c0_i32_0 : i32, i32
  }
  func.func @transform_8(%arg0: i32) -> (i32, i32) {
    %c0_i32 = arith.constant 0 : i32
    %c0_i32_0 = arith.constant 0 : i32
    %c0_i32_1 = arith.constant 0 : i32
    return %c0_i32, %c0_i32_0 : i32, i32
  }
  func.func @transform_9(%arg0: i32) -> (i32, i32) {
    %c0_i32 = arith.constant 0 : i32
    %c0_i32_0 = arith.constant 0 : i32
    %c0_i32_1 = arith.constant 0 : i32
    return %c0_i32, %c0_i32_0 : i32, i32
  }
  func.func @transform_10(%arg0: i32) -> (i32, i32) {
    %c0_i32 = arith.constant 0 : i32
    %c0_i32_0 = arith.constant 0 : i32
    %c0_i32_1 = arith.constant 0 : i32
    return %c0_i32, %c0_i32_0 : i32, i32
  }
  func.func @transform_11(%arg0: i32) -> (i32, i32) {
    %c0_i32 = arith.constant 0 : i32
    %c0_i32_0 = arith.constant 0 : i32
    %c0_i32_1 = arith.constant 0 : i32
    return %c0_i32, %c0_i32_0 : i32, i32
  }
  func.func @transform_12(%arg0: i32) -> (i32, i32) {
    %c0_i32 = arith.constant 0 : i32
    %c0_i32_0 = arith.constant 0 : i32
    %c0_i32_1 = arith.constant 0 : i32
    return %c0_i32, %c0_i32_0 : i32, i32
  }
  func.func @transform_13(%arg0: i32) -> (i32, i32) {
    %c0_i32 = arith.constant 0 : i32
    %c0_i32_0 = arith.constant 0 : i32
    %c0_i32_1 = arith.constant 0 : i32
    return %c0_i32, %c0_i32_0 : i32, i32
  }
  func.func @transform_15(%arg0: i32) -> (i32, i32) {
    %add3A = arith.constant 75 : i32
    %add3A_0 = arith.addi %arg0, %add3A : i32
    %c0_i32 = arith.constant 0 : i32
    %c0_i32_1 = arith.constant 0 : i32
    return %add3A_0, %c0_i32 : i32, i32
  }
}

</mosaic_0001>

<sc_bundles>
// kernel: kernel.10.cloned.1.call-start
scs
__scs_entry_jumppad:
0x0: {  	(pc) =	sbr.rel $0x88, $3  }
0x1: {  	(tag) =	ssettag $0x0;
	lr =	simm.s32 $0x1  }
0x2: {  	[smem:$0x3F90] =	sst lr;
	_ =	strace $0xD0000000  }
0x3: {  	_ = 	snop  }
0x4: {  	_ = 	snop  }
0x5: {  	_ = 	snop  }
0x6: {  	_ = 	snop  }
0x7: {  	_ = 	snop  }
__scs_overlays_trampoline_lowered:
0x8: {  	[smem:$0x3F9F] =	sst s0  }
0x9: {  	[smem:$0x3FA0] =	sst s1  }
0xa: {  	[smem:$0x3FA1] =	sst s2  }
0xb: {  	[smem:$0x3FA2] =	sst s3  }
0xc: {  	[smem:$0x3FA3] =	sst s4  }
0xd: {  	[smem:$0x3FA4] =	sst s5  }
0xe: {  	[smem:$0x3FA5] =	sst s6  }
0xf: {  	[smem:$0x3FA6] =	sst s7  }
0x10: {  	[smem:$0x3FA7] =	sst s8  }
0x11: {  	[smem:$0x3FA8] =	sst s9;
	s0 =	simm.s32 @!p0 $0x0  }
0x12: {  	s1 =	sld [smem:$0x3F8E];
	s0 =	simm.s32 @p0 $0x1  }
0x13: {  	[smem:$0x3FA9] =	sst s0;
	s0 =	simm.s32 @!p1 $0x0  }
0x14: {  	s2 =	sld [smem:$0x3F8D];
	s0 =	simm.s32 @p1 $0x1  }
0x15: {  	[smem:$0x3FAA] =	sst s0;
	s0 =	simm.s32 @!p2 $0x0  }
0x16: {  	s3 =	sld [smem:$0x3FDB];
	s0 =	simm.s32 @p2 $0x1  }
0x17: {  	s4 =	simm.s32 $0x1BF5;
	[smem:$0x3FAC] =	sst s0  }
0x18: {  	s0 =	sld [smem:$0x3F8F];
	_ =	swait.ge [sflag:s4], $0x0  }
0x19: {  	s7 =	sld [smem:$0x3F90]  }
0x1a: {  	s8 =	sadd.s32 $0xFFFFE003, lr  }
0x1b: {  	s9 =	sadd.s32 $0xFFFFFEF7, lr;
	s5 =	simm.s32 $0xFFFFFFFF;
	p2 =	slt.u32 s8, $0xFFFFF086  }
0x1c: {  	p1 =	slt.u32 s9, $0xF7A;
	s5 =	simm.s32 @!p2 $0x0  }
0x1d: {  	s5 =	simm.s32 @p1 $0x1;
	p0 =	seq.s32 s7, s2  }
0x1e: {  	s7 =	smul.u32 @!p0 $0xF7A, s2;
	p2 =	seq.s32 @!p0 s5, $0x0  }
0x1f: {  	s9 =	smul.u32 $0xF7A, s1;
	s8 =	simm.s32 @!p0 $0x1BF5;
	p2 =	por !p2, p0  }
0x20: {  	[sflag:s8] =	ssyncset.s32 @!p0 $0xFFFFF086;
	s6 =	sadd.s32 @!p0 s3, s7;
	s7 =	simm.s32 @!p0 $0x108  }
0x21: {  	s3 =	sadd.s32 s3, s9;
	s6 =	sadd.s32 @!p0 $0x88, s6;
	s7 =	simm.s32 @p2 $0x1082  }
0x22: {  	[simem:s7], [sflag:s8] =	dma.local @!p0 [hbm:s6], $0xF7A  }
0x23: {  	s9 =	sor.u32 $0xD0000000, s2;
	s6 =	simm.s32 $0x108;
	_ =	swait.ge @!p0 [sflag:s8], $0x0  }
0x24: {  	s3 =	sadd.s32 $0x88, s3;
	s6 =	simm.s32 @!p1 $0x1082;
	[sflag:s4] =	ssyncset.s32 $0xFFFFF086  }
0x25: {  	[simem:s6], [sflag:s4] =	dma.local [hbm:s3], $0xF7A  }
0x26: {  	[smem:$0x3F90] =	sst s1;
	(tag) =	ssettag s2;
	_ =	strace s9  }
0x27: {  	s1 =	sld [smem:$0x3FA0]  }
0x28: {  	s2 =	sld [smem:$0x3FA1]  }
0x29: {  	s4 =	sld [smem:$0x3FA3]  }
0x2a: {  	p0 =	seq.s32 s5, $0x0;
	s5 =	sld [smem:$0x3FA4]  }
0x2b: {  	s6 =	sld [smem:$0x3FA5]  }
0x2c: {  	s7 =	sld [smem:$0x3FA6]  }
0x2d: {  	s3 =	simm.s32 $0x108;
	s8 =	sld [smem:$0x3FA7]  }
0x2e: {  	s3 =	simm.s32 @!p0 $0x1082;
	s9 =	sld [smem:$0x3FA8]  }
0x2f: {  	lr =	sadd.s32 s0, s3;
	s0 =	sld [smem:$0x3F9F]  }
0x30: {  	s3 =	sld [smem:$0x3FA2]  }
0x31: {  	[smem:$0x3FAB] =	sst s10  }
0x32: {  	s10 =	sld [smem:$0x3FA9];
	_ =	sdelay $0x3  }
0x33: {  	p0 =	seq.s32 s10, $0x1;
	s10 =	sld [smem:$0x3FAB];
	_ =	sdelay $0x3  }
0x34: {  	[smem:$0x3FAB] =	sst s10  }
0x35: {  	s10 =	sld [smem:$0x3FAA];
	_ =	sdelay $0x3  }
0x36: {  	p1 =	seq.s32 s10, $0x1;
	s10 =	sld [smem:$0x3FAB];
	_ =	sdelay $0x3  }
0x37: {  	[smem:$0x3FAB] =	sst s10  }
0x38: {  	s10 =	sld [smem:$0x3FAC]  }
0x39: {  	_ = 	snop;
	(pc) =	sbr.ind lr, $3  }
0x3a: {  	_ = 	snop  }
0x3b: {  	_ = 	snop  }
0x3c: {  	p2 =	seq.s32 s10, $0x1;
	s10 =	sld [smem:$0x3FAB]  }
0x3d: {  	_ =	shalt  }
0x3e: {  	_ =	shalt  }
0x3f: {  	_ =	shalt  }
0x40: {  	_ =	shalt  }
0x41: {  	_ =	shalt  }
0x42: {  	_ =	shalt  }
0x43: {  	_ =	shalt  }
0x44: {  	_ =	shalt  }
0x45: {  	_ =	shalt  }
0x46: {  	_ =	shalt  }
0x47: {  	_ =	shalt  }
0x48: {  	_ =	shalt  }
0x49: {  	_ =	shalt  }
0x4a: {  	_ =	shalt  }
0x4b: {  	_ =	shalt  }
0x4c: {  	_ =	shalt  }
0x4d: {  	_ =	shalt  }
0x4e: {  	_ =	shalt  }
0x4f: {  	_ =	shalt  }
0x50: {  	_ =	shalt  }
0x51: {  	_ =	shalt  }
0x52: {  	_ =	shalt  }
0x53: {  	_ =	shalt  }
0x54: {  	_ =	shalt  }
0x55: {  	_ =	shalt  }
0x56: {  	_ =	shalt  }
0x57: {  	_ =	shalt  }
0x58: {  	_ =	shalt  }
0x59: {  	_ =	shalt  }
0x5a: {  	_ =	shalt  }
0x5b: {  	_ =	shalt  }
0x5c: {  	_ =	shalt  }
0x5d: {  	_ =	shalt  }
0x5e: {  	_ =	shalt  }
0x5f: {  	_ =	shalt  }
0x60: {  	_ =	shalt  }
0x61: {  	_ =	shalt  }
0x62: {  	_ =	shalt  }
0x63: {  	_ =	shalt  }
0x64: {  	_ =	shalt  }
0x65: {  	_ =	shalt  }
0x66: {  	_ =	shalt  }
0x67: {  	_ =	shalt  }
0x68: {  	_ =	shalt  }
0x69: {  	_ =	shalt  }
0x6a: {  	_ =	shalt  }
0x6b: {  	_ =	shalt  }
0x6c: {  	_ =	shalt  }
0x6d: {  	_ =	shalt  }
0x6e: {  	_ =	shalt  }
0x6f: {  	_ =	shalt  }
0x70: {  	_ =	shalt  }
0x71: {  	_ =	shalt  }
0x72: {  	_ =	shalt  }
0x73: {  	_ =	shalt  }
0x74: {  	_ =	shalt  }
0x75: {  	_ =	shalt  }
0x76: {  	_ =	shalt  }
0x77: {  	_ =	shalt  }
0x78: {  	_ =	shalt  }
0x79: {  	_ =	shalt  }
0x7a: {  	_ =	shalt  }
0x7b: {  	_ =	shalt  }
0x7c: {  	_ =	shalt  }
0x7d: {  	_ =	shalt  }
0x7e: {  	_ =	shalt  }
0x7f: {  	_ =	shalt  }
0x80: {  	_ =	shalt  }
0x81: {  	_ =	shalt  }
0x82: {  	_ =	shalt  }
0x83: {  	_ =	shalt  }
0x84: {  	_ =	shalt  }
0x85: {  	_ =	shalt  }
0x86: {  	_ =	shalt  }
0x87: {  	_ =	shalt  }
.Lfunc_end0:
.L_simem_size_0:
called_computation_lowered:
.L_overlay_start_0:
0x88: {  	s2 =	sld [smem:$0x3FD9]  }
0x89: {  	s3 =	sld [smem:$0x3FFE];
	_ =	sdelay $0x1  }
0x8a: {  	s1 =	srdreg.scid  }
0x8b: {  	s0 =	sand.u32 $0x1, s1  }
0x8c: {  	s14 =	sshll.u32 s0, $0xA;
	s2 =	sadd.s32 s3, s2  }
0x8d: {  	s2 =	sadd.s32 s2, s14  }
0x8e: {  	[smem:$0x3FB7] =	sst s2  }
0x8f: {  	_ = 	snop  }
0x90: {  	s2 =	sld [smem:$0x3FD0];
	_ =	sdelay $0x2  }
0x91: {  	s15 =	simm.s32 $0xD;
	s4 =	simm.s32 $0x10  }
0x92: {  	[smem:s4], [sflag:s15] =	dma.local [hbm:s2], $0x1  }
0x93: {  	_ =	swait.eq [sflag:s15], $0x1  }
0x94: {  	[sflag:s15] =	ssyncset.done $0x0  }
0x95: {  	[sflag:s15] =	ssyncadd.s32 $0xFFFFFFFF  }
0x96: {  	s16 =	sld [smem:$0x10];
	(tm) =	ssettm $0x1  }
0x97: {  	s17 =	sld [smem:$0x3FFB];
	_ =	sdelay $0x3  }
0x98: {  	_ =	strace s17  }
0x99: {  	s3 =	sld [smem:$0x3FFC];
	_ =	sdelay $0x3  }
0x9a: {  	_ =	strace s3  }
0x9b: {  	s3 =	sld [smem:$0x3FFD];
	_ =	sdelay $0x3  }
0x9c: {  	_ =	strace s3  }
0x9d: {  	_ =	strace $0x8FFFFFFF  }
0x9e: {  	s18 =	sld [smem:$0x3FDB];
	_ =	sdelay $0x1  }
0x9f: {  	s19 =	simm.s32 $_scs_section_size  }
0xa0: {  	s5 =	simm.s32 $_size__tile_overlayer_lowered;
	s6 =	simm.s32 $_tile_overlayer_lowered  }
0xa1: {  	s22 =	simm.s32 $0x1BFF;
	s21 =	sshll.u32 s6, $0x1;
	s3 =	sadd.s32 s19, s18  }
0xa2: {  	s7 =	simm.s32 $0x0;
	s20 =	sshll.u32 s5, $0x1;
	s5 =	sadd.s32 s21, s3  }
0xa3: {  	[timem:s7], [sflag:s22] =	dma.local [hbm:s5], s20  }
0xa4: {  	_ =	swait.ge [sflag:s22], s20  }
0xa5: {  	s4 =	ssub.s32 $0x0, s20;
	[sflag:s22] =	ssyncset.done $0x0  }
0xa6: {  	[sflag:s22] =	ssyncadd.s32 s4;
	_ =	sdelay $0x1  }
0xa7: {  	s23 =	simm.s32 $0x1B8B  }
0xa8: {  	_ =	swait.ge [sflag:s23], $0x1  }
0xa9: {  	[sflag:s23] =	ssyncset.done $0x0  }
0xaa: {  	s25 =	simm.s32 $0x1B8E;
	s24 =	sld [smem:$0x3FFE];
	[sflag:s23] =	ssyncadd.s32 $0xFFFFFFFF  }
0xab: {  	s26 =	simm.s32 $execute0_lowered;
	[smem:$0x3FD2] =	sst s25  }
0xac: {  	s5 =	sshll.u32 s26, $0x1;
	_ =	strace $0x80000046;
	[dreg:$0x1] =	wrdreg $0xFFFFFFFF  }
0xad: {  	s28 =	simm.s32 $_size_execute0_lowered;
	s3 =	sadd.s32 s3, s5;
	[dreg:$0x0] =	wrdreg $0x0  }
0xae: {  	s5 =	sshll.u32 s28, $0x1;
	[dreg:$0x2] =	wrdreg s3  }
0xaf: {  	[dreg:$0x3] =	wrdreg s5  }
0xb0: {  	[dreg:$0x4] =	wrdreg $0xC0  }
0xb1: {  	_ =	task [dreg:s7], $0x5FFFF  }
0xb2: {  	[dreg:$0x1] =	wrdreg $0xFFFFFFFF  }
0xb3: {  	[dreg:$0x0] =	wrdreg $0x60  }
0xb4: {  	[dreg:$0x2] =	wrdreg s16  }
0xb5: {  	[dreg:$0x3] =	wrdreg s24  }
0xb6: {  	[dreg:$0x4] =	wrdreg $0x9  }
0xb7: {  	_ =	task.clear_ibuf [dreg:s7], $0x5FFFF;
	_ =	strace $0x90000046  }
0xb8: {  	s29 =	simm.s32 $0x9;
	_ =	strace $0x80000048  }
0xb9: {  	_ =	swait.ge [sflag:s29], $0x1  }
0xba: {  	[sflag:s29] =	ssyncadd.s32 $0xFFFFFFFF  }
0xbb: {  	_ =	strace $0x90000048  }
0xbc: {  	_ =	sfence  }
0xbd: {  	s30 =	sld [smem:$0x0];
	_ =	sdelay $0x2  }
0xbe: {  	s31 =	sshll.u32 s1, $0xD;
	s1 =	sshrl.u32 s1, $0x2  }
0xbf: {  	s3 =	sand.u32 $0x4000, s31;
	s1 =	sadd.s32 s1, s30  }
0xc0: {  	s0 =	sor.u32 s3, s0;
	s1 =	sshll.u32 s1, $0x11  }
0xc1: {  	s0 =	sor.u32 s1, s0  }
0xc2: {  	s0 =	sadd.s32 $0x8F2B, s0  }
0xc3: {  	[sflag:s0] =	ssyncadd.remote.s32 $0x1  }
0xc4: {  	_ =	sfence.sel $0xFFFF  }
0xc5: {  	[dreg:$0x0] =	wrdreg $0xFFFFFFFF;
	(pc) =	sbr.abs _section_cstart, $3  }
0xc6: {  	[dreg:$0x1] =	wrdreg $0xFFFFFFFF  }
0xc7: {  	_ =	task.clear_ibuf [dreg:s7], $0x2FFFF;
	_ =	strace $0x9FFFFFFF  }
0xc8: {  	(tm) =	ssettm $0x7FFFFFFF  }
0xc9: {  	_ =	shalt  }
tec
execute0_lowered:
.L_overlay_start_1:
0x0: {  	(tag) =	ssettag $0x1  }
0x1: {  	s0 =	srdreg.scid;
	s1 =	rddreg [dreg:$0x0]  }
0x2: {  	s12 =	stileid.u32;
	s6 =	rddreg [dreg:$0x1]  }
0x3: {  	s28 =	simm.s32 $0xDB80;
	s29 =	simm.s32 $0x10D80;
	s30 =	simm.s32 $0x2  }
0x4: {  	s31 =	simm.s32 $0x3;
	s0 =	sand.u32 $0x1, s0;
	s4 =	sadd.s32 $0x18FE00, s6  }
0x5: {  	s2 =	sshll.u32 s12, $0x1;
	s5 =	sadd.s32 $0x18BE00, s6;
	s21 =	smul.u32 $0xC80, s12  }
0x6: {  	s3 =	sadd.s32 $0x5200, s6;
	s16 =	sadd.s32 $0x197200, s6;
	s18 =	smul.u32 $0x6400, s0  }
0x7: {  	s7 =	sor.u32 s0, s2;
	s10 =	ssub.s32 $0x2, s0;
	s0 =	smul.u32 $0x640, s0  }
0x8: {  	s17 =	sadd.s32 $0x25F200, s6;
	s2 =	simm.s32 $0x0;
	s8 =	smul.u32 $0xD0, s7  }
0x9: {  	[smem:$0x7FF] =	sst s2;
	s11 =	sshrl.u32 s10, $0x1;
	s7 =	smul.u32 $0x32000, s7  }
0xa: {  	_ =	strace $0x80000047;
	s15 =	ssub.s32 s10, s11;
	s11 =	smul.u32 $0xC800, s12  }
0xb: {  	s0 =	sadd.s32 s0, s21;
	s21 =	simm.s32 $0x64;
	s9 =	sadd.s32 s8, s6  }
0xc: {  	s6 =	sadd.s32 $0x327200, s6;
	s1 =	sadd.s32 s1, s8;
	s8 =	sshrl.u32 s7, $0x3  }
0xd: {  	s0 =	sshll.u32 s0, $0x4;
	s15 =	smax.u32 s15, $0x1;
	s26 =	sadd.s32 $0x195800, s9  }
0xe: {  	[dreg:$0x7] =	wrdreg s1;
	s9 =	sadd.s32 $0x193E00, s9;
	s10 =	sadd.s32 $0x5780, s8  }
0xf: {  	s1 =	sadd.s32 $0x5DC0, s8;
	s23 =	sadd.s32 s11, s17;
	[dreg:$0x8] =	wrdreg s26  }
0x10: {  	s24 =	sadd.s32 s11, s16;
	s0 =	sadd.s32 $0x640, s0;
	[dreg:$0x9] =	wrdreg s9  }
0x11: {  	s19 =	sadd.s32 s16, s10;
	s20 =	sadd.s32 s17, s10;
	s7 =	sadd.s32 s6, s10  }
0x12: {  	s12 =	sadd.s32 s16, s1;
	s13 =	sadd.s32 s17, s1;
	[dreg:$0xa] =	wrdreg s19  }
0x13: {  	s14 =	sadd.s32 s6, s1;
	s1 =	sadd.s32 s18, s23;
	[dreg:$0xb] =	wrdreg s20  }
0x14: {  	s25 =	sadd.s32 s18, s24;
	s26 =	sadd.s32 s0, s16;
	[dreg:$0xc] =	wrdreg s7  }
0x15: {  	s16 =	sadd.s32 s0, s17;
	s17 =	sadd.s32 s0, s6;
	[dreg:$0x4] =	wrdreg s1  }
0x16: {  	s23 =	simm.s32 $0x4580;
	s24 =	simm.s32 $0x7780;
	[dreg:$0x5] =	wrdreg s25  }
0x17: {  	s0 =	simm.s32 $0x0;
	s19 =	sadd.s32 s11, s6;
	[dreg:$0x6] =	wrdreg s26  }
0x18: {  	s20 =	simm.s32 $0xD00;
	s25 =	simm.s32 $0x1;
	s26 =	simm.s32 $0xA980  }
0x19: {  	s1 =	simm.s32 $0x4;
	s22 =	sadd.s32 s18, s19;
	s18 =	simm.s32 $0x5  }
0x1a: {  	s19 =	simm.s32 $0x680;
	[dreg:$0x3] =	wrdreg s22;
	s22 =	simm.s32 $0x1380  }
.LBB2_1:
0x1b: {  	s6 =	rddreg [dreg:$0x7]  }
0x1c: {  	[tilespmem:s2], [sflag:$0x5] =	stream.linear.gather [hbm4b:s6+s2], $0x680, $0x38;
	[tilespmem:$0x13F80] =	vst v63  }
0x1d: {  	_ =	swait.ge [sflag:s18], $0x680  }
0x1e: {  	[sflag:s18] =	ssyncset.done $0x0  }
0x1f: {  	s10 =	rddreg [dreg:$0x8];
	[sflag:s18] =	ssyncadd.s32 $0xFFFFF980  }
0x20: {  	[tilespmem:s19], [sflag:$0x5] =	stream.linear.gather [hbm4b:s10+s2], $0x680, $0x38;
	[tilespmem:$0x13F80] =	vst v63  }
0x21: {  	_ =	swait.ge [sflag:s18], $0x680  }
0x22: {  	[sflag:s18] =	ssyncset.done $0x0  }
0x23: {  	s11 =	rddreg [dreg:$0x9];
	[sflag:s18] =	ssyncadd.s32 $0xFFFFF980  }
0x24: {  	[tilespmem:s20], [sflag:$0x5] =	stream.linear.gather [hbm4b:s11+s2], $0x680, $0x38;
	[tilespmem:$0x13F80] =	vst v63  }
0x25: {  	_ =	swait.ge [sflag:s18], $0x680  }
0x26: {  	[sflag:s18] =	ssyncset.done $0x0  }
0x27: {  	[sflag:s18] =	ssyncadd.s32 $0xFFFFF980  }
0x28: {  	[tilespmem:s22], [sflag:$0x1] =	stream.indirect.gather [hbm4b:s3+s21], $0x80, s2, s21, $0xb8;
	[tilespmem:$0x13F80] =	vst v63  }
0x29: {  	_ = 	snop  }
0x2a: {  	[tilespmem:s23], [sflag:$0x1] =	stream.indirect.gather [hbm4b:s4+s21], $0x80, s19, s21, $0xb8;
	[tilespmem:$0x13F80] =	vst v63  }
0x2b: {  	_ = 	snop  }
0x2c: {  	[tilespmem:s24], [sflag:$0x1] =	stream.indirect.gather [hbm4b:s5+s21], $0x80, s20, s21, $0xb8;
	[tilespmem:$0x13F80] =	vst v63  }
0x2d: {  	_ =	swait.ge [sflag:s25], $0x3200  }
0x2e: {  	[sflag:s25] =	ssyncset.done $0x0  }
0x2f: {  	[sflag:s25] =	ssyncadd.s32 $0xFFFFCE00  }
0x30: {  	_ =	swait.ge [sflag:s25], $0x3200  }
0x31: {  	[sflag:s25] =	ssyncset.done $0x0  }
0x32: {  	[sflag:s25] =	ssyncadd.s32 $0xFFFFCE00  }
0x33: {  	_ =	swait.ge [sflag:s25], $0x3200  }
0x34: {  	p0 =	por $0x1, $0x1;
	[sflag:s25] =	ssyncset.done $0x0  }
0x35: {  	s6 =	simm.s32 @!p0 $0x4;
	[sflag:s25] =	ssyncadd.s32 $0xFFFFCE00  }
0x36: {  	_ =	swait.ge @!p0 [sflag:s6], $0x3200  }
0x37: {  	[sflag:s6] =	ssyncset.done @!p0 $0x0  }
0x38: {  	[sflag:s6] =	ssyncadd.s32 @!p0 $0xFFFFCE00  }
0x39: {  	_ =	swait.ge @!p0 [sflag:s6], $0x3200  }
0x3a: {  	[sflag:s6] =	ssyncset.done @!p0 $0x0  }
0x3b: {  	[sflag:s6] =	ssyncadd.s32 @!p0 $0xFFFFCE00  }
0x3c: {  	_ =	swait.ge @!p0 [sflag:s6], $0x3200  }
0x3d: {  	[sflag:s6] =	ssyncset.done @!p0 $0x0  }
0x3e: {  	s7 =	simm.s32 $0x68;
	[sflag:s6] =	ssyncadd.s32 @!p0 $0xFFFFCE00  }
0x3f: {  	[tilespmem:s26], [sflag:$0x2] =	stream.indirect.gather [hbm4b:s3+s21], $0x80, s7, s21, $0xb8;
	[tilespmem:$0x13F80] =	vst v63  }
0x40: {  	s8 =	simm.s32 $0x6E8  }
0x41: {  	[tilespmem:s28], [sflag:$0x2] =	stream.indirect.gather [hbm4b:s4+s21], $0x80, s8, s21, $0xb8;
	[tilespmem:$0x13F80] =	vst v63  }
0x42: {  	s9 =	simm.s32 $0xD68;
	s7 =	rddreg [dreg:$0x5]  }
0x43: {  	[tilespmem:s29], [sflag:$0x2] =	stream.indirect.gather [hbm4b:s5+s21], $0x80, s9, s21, $0xb8;
	[tilespmem:$0x13F80] =	vst v63  }
0x44: {  	s10 =	sadd.s32 $0x0, s7;
	s8 =	rddreg [dreg:$0x4]  }
0x45: {  	[hbm4b:s10+s2] =	stream.linear.scatter [tilespmem:s22], [sflag:$0x3], $0x3200, $0x38;
	[tilespmem:$0x13F80] =	vst v63  }
0x46: {  	s11 =	rddreg [dreg:$0x3];
	s9 =	sadd.s32 $0x0, s8  }
0x47: {  	[hbm4b:s9+s2] =	stream.linear.scatter [tilespmem:s23], [sflag:$0x3], $0x3200, $0x38;
	[tilespmem:$0x13F80] =	vst v63  }
0x48: {  	s10 =	sadd.s32 $0x0, s11  }
0x49: {  	[hbm4b:s10+s2] =	stream.linear.scatter [tilespmem:s24], [sflag:$0x3], $0x3200, $0x38;
	[tilespmem:$0x13F80] =	vst v63  }
0x4a: {  	_ =	swait.ge [sflag:s30], $0x3200  }
0x4b: {  	[sflag:s30] =	ssyncset.done $0x0  }
0x4c: {  	[sflag:s30] =	ssyncadd.s32 $0xFFFFCE00  }
0x4d: {  	_ =	swait.ge [sflag:s30], $0x3200  }
0x4e: {  	[sflag:s30] =	ssyncset.done $0x0  }
0x4f: {  	[sflag:s30] =	ssyncadd.s32 $0xFFFFCE00  }
0x50: {  	_ =	swait.ge [sflag:s30], $0x3200  }
0x51: {  	[sflag:s30] =	ssyncset.done $0x0  }
0x52: {  	[sflag:s30] =	ssyncadd.s32 $0xFFFFCE00  }
0x53: {  	s11 =	rddreg [dreg:$0x6];
	_ =	swait.ge [sflag:s31], $0x3200  }
0x54: {  	[sflag:s31] =	ssyncset.done $0x0  }
0x55: {  	[sflag:s31] =	ssyncadd.s32 $0xFFFFCE00  }
0x56: {  	_ =	swait.ge [sflag:s31], $0x3200  }
0x57: {  	[sflag:s31] =	ssyncset.done $0x0  }
0x58: {  	[sflag:s31] =	ssyncadd.s32 $0xFFFFCE00  }
0x59: {  	_ =	swait.ge [sflag:s31], $0x3200  }
0x5a: {  	[sflag:s31] =	ssyncset.done $0x0  }
0x5b: {  	s8 =	simm.s32 $0xD0;
	[sflag:s31] =	ssyncadd.s32 $0xFFFFCE00  }
0x5c: {  	[tilespmem:s22], [sflag:$0x1] =	stream.indirect.gather [hbm4b:s3+s21], $0x80, s8, s21, $0xb8;
	[tilespmem:$0x13F80] =	vst v63  }
0x5d: {  	s9 =	simm.s32 $0x750  }
0x5e: {  	[tilespmem:s23], [sflag:$0x1] =	stream.indirect.gather [hbm4b:s4+s21], $0x80, s9, s21, $0xb8;
	[tilespmem:$0x13F80] =	vst v63  }
0x5f: {  	s10 =	simm.s32 $0xDD0  }
0x60: {  	[tilespmem:s24], [sflag:$0x1] =	stream.indirect.gather [hbm4b:s5+s21], $0x80, s10, s21, $0xb8;
	[tilespmem:$0x13F80] =	vst v63  }
0x61: {  	s7 =	simm.s32 $0xC80;
	s6 =	sadd.s32 $0x0, s11  }
0x62: {  	[hbm4b:s6+s2] =	stream.linear.scatter [tilespmem:s26], [sflag:$0x4], $0x3200, $0x38;
	[tilespmem:$0x13F80] =	vst v63  }
0x63: {  	s11 =	sadd.s32 $0x0, s16;
	s8 =	sadd.s32 $0x0, s17;
	s6 =	simm.s32 $0x340  }
0x64: {  	[hbm4b:s11+s2] =	stream.linear.scatter [tilespmem:s28], [sflag:$0x4], $0x3200, $0x38;
	[tilespmem:$0x13F80] =	vst v63  }
.LBB2_2:
0x65: {  	[hbm4b:s8+s2] =	stream.linear.scatter [tilespmem:s29], [sflag:$0x4], $0x3200, $0x38;
	[tilespmem:$0x13F80] =	vst v63  }
0x66: {  	_ =	swait.ge [sflag:s25], $0x3200  }
0x67: {  	[sflag:s25] =	ssyncset.done $0x0  }
0x68: {  	[sflag:s25] =	ssyncadd.s32 $0xFFFFCE00  }
0x69: {  	_ =	swait.ge [sflag:s25], $0x3200  }
0x6a: {  	[sflag:s25] =	ssyncset.done $0x0  }
0x6b: {  	[sflag:s25] =	ssyncadd.s32 $0xFFFFCE00  }
0x6c: {  	s11 =	smov.u32 s6;
	_ =	swait.ge [sflag:s25], $0x3200  }
0x6d: {  	p1 =	seq.s32 s11, $0x0;
	[sflag:s25] =	ssyncset.done $0x0  }
0x6e: {  	s9 =	simm.s32 @!p1 $0x4;
	[sflag:s25] =	ssyncadd.s32 $0xFFFFCE00  }
0x6f: {  	_ =	swait.ge @!p1 [sflag:s9], $0x3200  }
0x70: {  	[sflag:s9] =	ssyncset.done @!p1 $0x0  }
0x71: {  	[sflag:s9] =	ssyncadd.s32 @!p1 $0xFFFFCE00  }
0x72: {  	_ =	swait.ge @!p1 [sflag:s9], $0x3200  }
0x73: {  	[sflag:s9] =	ssyncset.done @!p1 $0x0  }
0x74: {  	[sflag:s9] =	ssyncadd.s32 @!p1 $0xFFFFCE00  }
0x75: {  	_ =	swait.ge @!p1 [sflag:s9], $0x3200  }
0x76: {  	s8 =	sshra.s32 s11, $0x2;
	[sflag:s9] =	ssyncset.done @!p1 $0x0  }
0x77: {  	s10 =	sadd.s32 $0x68, s8;
	[sflag:s9] =	ssyncadd.s32 @!p1 $0xFFFFCE00  }
0x78: {  	[tilespmem:s26], [sflag:$0x2] =	stream.indirect.gather [hbm4b:s3+s21], $0x80, s10, s21, $0xb8;
	[tilespmem:$0x13F80] =	vst v63  }
0x79: {  	s11 =	sadd.s32 $0x6E8, s8  }
0x7a: {  	[tilespmem:s28], [sflag:$0x2] =	stream.indirect.gather [hbm4b:s4+s21], $0x80, s11, s21, $0xb8;
	[tilespmem:$0x13F80] =	vst v63  }
0x7b: {  	s9 =	sadd.s32 $0xD68, s8;
	s10 =	rddreg [dreg:$0x5]  }
0x7c: {  	[tilespmem:s29], [sflag:$0x2] =	stream.indirect.gather [hbm4b:s5+s21], $0x80, s9, s21, $0xb8;
	[tilespmem:$0x13F80] =	vst v63  }
0x7d: {  	s11 =	rddreg [dreg:$0x4];
	s9 =	sadd.s32 s7, s10  }
0x7e: {  	[hbm4b:s9+s2] =	stream.linear.scatter [tilespmem:s22], [sflag:$0x3], $0x3200, $0x38;
	[tilespmem:$0x13F80] =	vst v63  }
0x7f: {  	s11 =	sadd.s32 s7, s11;
	s10 =	rddreg [dreg:$0x3]  }
0x80: {  	[hbm4b:s11+s2] =	stream.linear.scatter [tilespmem:s23], [sflag:$0x3], $0x3200, $0x38;
	[tilespmem:$0x13F80] =	vst v63  }
0x81: {  	s10 =	sadd.s32 s7, s10  }
0x82: {  	[hbm4b:s10+s2] =	stream.linear.scatter [tilespmem:s24], [sflag:$0x3], $0x3200, $0x38;
	[tilespmem:$0x13F80] =	vst v63  }
0x83: {  	_ =	swait.ge [sflag:s30], $0x3200  }
0x84: {  	[sflag:s30] =	ssyncset.done $0x0  }
0x85: {  	[sflag:s30] =	ssyncadd.s32 $0xFFFFCE00  }
0x86: {  	_ =	swait.ge [sflag:s30], $0x3200  }
0x87: {  	[sflag:s30] =	ssyncset.done $0x0  }
0x88: {  	[sflag:s30] =	ssyncadd.s32 $0xFFFFCE00  }
0x89: {  	_ =	swait.ge [sflag:s30], $0x3200  }
0x8a: {  	[sflag:s30] =	ssyncset.done $0x0  }
0x8b: {  	[sflag:s30] =	ssyncadd.s32 $0xFFFFCE00  }
0x8c: {  	s9 =	rddreg [dreg:$0x6];
	_ =	swait.ge [sflag:s31], $0x3200  }
0x8d: {  	[sflag:s31] =	ssyncset.done $0x0  }
0x8e: {  	[sflag:s31] =	ssyncadd.s32 $0xFFFFCE00  }
0x8f: {  	_ =	swait.ge [sflag:s31], $0x3200  }
0x90: {  	[sflag:s31] =	ssyncset.done $0x0  }
0x91: {  	[sflag:s31] =	ssyncadd.s32 $0xFFFFCE00  }
0x92: {  	_ =	swait.ge [sflag:s31], $0x3200  }
0x93: {  	[sflag:s31] =	ssyncset.done $0x0  }
0x94: {  	s11 =	sadd.s32 $0xD0, s8;
	[sflag:s31] =	ssyncadd.s32 $0xFFFFCE00  }
0x95: {  	[tilespmem:s22], [sflag:$0x1] =	stream.indirect.gather [hbm4b:s3+s21], $0x80, s11, s21, $0xb8;
	[tilespmem:$0x13F80] =	vst v63  }
0x96: {  	s6 =	sadd.s32 $0x340, s6;
	s11 =	sadd.s32 $0x750, s8  }
0x97: {  	[tilespmem:s23], [sflag:$0x1] =	stream.indirect.gather [hbm4b:s4+s21], $0x80, s11, s21, $0xb8;
	[tilespmem:$0x13F80] =	vst v63  }
0x98: {  	p0 =	sne.s32 s6, $0x16C0;
	s8 =	sadd.s32 $0xDD0, s8  }
0x99: {  	[tilespmem:s24], [sflag:$0x1] =	stream.indirect.gather [hbm4b:s5+s21], $0x80, s8, s21, $0xb8;
	[tilespmem:$0x13F80] =	vst v63  }
.Ltmp0:
0x9a: {  	_ = 	snop;
	(pc) =	sbr.rel @p0 .LBB2_2-.Ltmp0, $4  }
0x9b: {  	s10 =	sadd.s32 s7, s9  }
0x9c: {  	[hbm4b:s10+s2] =	stream.linear.scatter [tilespmem:s26], [sflag:$0x4], $0x3200, $0x38;
	[tilespmem:$0x13F80] =	vst v63  }
0x9d: {  	s11 =	sadd.s32 s7, s16;
	s8 =	sadd.s32 s7, s17;
	s7 =	sadd.s32 $0xC80, s7  }
0x9e: {  	[hbm4b:s11+s2] =	stream.linear.scatter [tilespmem:s28], [sflag:$0x4], $0x3200, $0x38;
	[tilespmem:$0x13F80] =	vst v63  }
0x9f: {  	[hbm4b:s8+s2] =	stream.linear.scatter [tilespmem:s29], [sflag:$0x4], $0x3200, $0x38;
	[tilespmem:$0x13F80] =	vst v63  }
0xa0: {  	_ =	swait.ge [sflag:s25], $0x3200  }
0xa1: {  	[sflag:s25] =	ssyncset.done $0x0  }
0xa2: {  	[sflag:s25] =	ssyncadd.s32 $0xFFFFCE00  }
0xa3: {  	_ =	swait.ge [sflag:s25], $0x3200  }
0xa4: {  	[sflag:s25] =	ssyncset.done $0x0  }
0xa5: {  	[sflag:s25] =	ssyncadd.s32 $0xFFFFCE00  }
0xa6: {  	_ =	swait.ge [sflag:s25], $0x3200  }
0xa7: {  	[sflag:s25] =	ssyncset.done $0x0  }
0xa8: {  	[sflag:s25] =	ssyncadd.s32 $0xFFFFCE00  }
0xa9: {  	_ =	swait.ge [sflag:s1], $0x3200  }
0xaa: {  	[sflag:s1] =	ssyncset.done $0x0  }
0xab: {  	[sflag:s1] =	ssyncadd.s32 $0xFFFFCE00  }
0xac: {  	_ =	swait.ge [sflag:s1], $0x3200  }
0xad: {  	[sflag:s1] =	ssyncset.done $0x0  }
0xae: {  	[sflag:s1] =	ssyncadd.s32 $0xFFFFCE00  }
0xaf: {  	_ =	swait.ge [sflag:s1], $0x3200  }
0xb0: {  	[sflag:s1] =	ssyncset.done $0x0  }
0xb1: {  	s6 =	simm.s32 $0x618;
	[sflag:s1] =	ssyncadd.s32 $0xFFFFCE00  }
0xb2: {  	[tilespmem:s26], [sflag:$0x2] =	stream.indirect.gather [hbm4b:s3+s21], $0x80, s6, s21, $0xb8;
	[tilespmem:$0x13F80] =	vst v63  }
0xb3: {  	s7 =	simm.s32 $0xC98  }
0xb4: {  	[tilespmem:s28], [sflag:$0x2] =	stream.indirect.gather [hbm4b:s4+s21], $0x80, s7, s21, $0xb8;
	[tilespmem:$0x13F80] =	vst v63  }
0xb5: {  	s8 =	simm.s32 $0x1318  }
0xb6: {  	[tilespmem:s29], [sflag:$0x2] =	stream.indirect.gather [hbm4b:s5+s21], $0x80, s8, s21, $0xb8;
	[tilespmem:$0x13F80] =	vst v63  }
0xb7: {  	s9 =	rddreg [dreg:$0xa]  }
0xb8: {  	[hbm4b:s9+s2] =	stream.linear.scatter [tilespmem:s22], [sflag:$0x3], $0x3200, $0x38;
	[tilespmem:$0x13F80] =	vst v63  }
0xb9: {  	s10 =	rddreg [dreg:$0xb]  }
0xba: {  	[hbm4b:s10+s2] =	stream.linear.scatter [tilespmem:s23], [sflag:$0x3], $0x3200, $0x38;
	[tilespmem:$0x13F80] =	vst v63  }
0xbb: {  	s11 =	rddreg [dreg:$0xc]  }
0xbc: {  	[hbm4b:s11+s2] =	stream.linear.scatter [tilespmem:s24], [sflag:$0x3], $0x3200, $0x38;
	[tilespmem:$0x13F80] =	vst v63  }
0xbd: {  	_ =	swait.ge [sflag:s30], $0x3200  }
0xbe: {  	[sflag:s30] =	ssyncset.done $0x0  }
0xbf: {  	[sflag:s30] =	ssyncadd.s32 $0xFFFFCE00  }
0xc0: {  	_ =	swait.ge [sflag:s30], $0x3200  }
0xc1: {  	[sflag:s30] =	ssyncset.done $0x0  }
0xc2: {  	[sflag:s30] =	ssyncadd.s32 $0xFFFFCE00  }
0xc3: {  	_ =	swait.ge [sflag:s30], $0x3200  }
0xc4: {  	[sflag:s30] =	ssyncset.done $0x0  }
0xc5: {  	[sflag:s30] =	ssyncadd.s32 $0xFFFFCE00  }
0xc6: {  	_ =	swait.ge [sflag:s31], $0x3200  }
0xc7: {  	[sflag:s31] =	ssyncset.done $0x0  }
0xc8: {  	[sflag:s31] =	ssyncadd.s32 $0xFFFFCE00  }
0xc9: {  	_ =	swait.ge [sflag:s31], $0x3200  }
0xca: {  	[sflag:s31] =	ssyncset.done $0x0  }
0xcb: {  	[sflag:s31] =	ssyncadd.s32 $0xFFFFCE00  }
0xcc: {  	_ =	swait.ge [sflag:s31], $0x3200  }
0xcd: {  	[sflag:s31] =	ssyncset.done $0x0  }
0xce: {  	[sflag:s31] =	ssyncadd.s32 $0xFFFFCE00  }
0xcf: {  	[hbm4b:s12+s2] =	stream.linear.scatter [tilespmem:s26], [sflag:$0x4], $0x3200, $0x38;
	[tilespmem:$0x13F80] =	vst v63  }
0xd0: {  	_ = 	snop  }
0xd1: {  	[hbm4b:s13+s2] =	stream.linear.scatter [tilespmem:s28], [sflag:$0x4], $0x3200, $0x38;
	[tilespmem:$0x13F80] =	vst v63  }
0xd2: {  	_ = 	snop  }
0xd3: {  	[hbm4b:s14+s2] =	stream.linear.scatter [tilespmem:s29], [sflag:$0x4], $0x3200, $0x38;
	[tilespmem:$0x13F80] =	vst v63  }
0xd4: {  	_ =	swait.ge [sflag:s1], $0x3200  }
0xd5: {  	[sflag:s1] =	ssyncset.done $0x0  }
0xd6: {  	s0 =	sadd.s32 $0x1, s0;
	[sflag:s1] =	ssyncadd.s32 $0xFFFFCE00  }
0xd7: {  	p0 =	sne.s32 s0, s15;
	_ =	swait.ge [sflag:s1], $0x3200  }
.Ltmp1:
0xd8: {  	[sflag:s1] =	ssyncset.done $0x0;
	(pc) =	sbr.rel @p0 .LBB2_1-.Ltmp1, $4  }
0xd9: {  	[sflag:s1] =	ssyncadd.s32 $0xFFFFCE00  }
0xda: {  	_ =	swait.ge [sflag:s1], $0x3200  }
0xdb: {  	[sflag:s1] =	ssyncset.done $0x0  }
0xdc: {  	[sflag:s1] =	ssyncadd.s32 $0xFFFFCE00  }
0xdd: {  	_ =	sfence.sel $0x180000  }
0xde: {  	[bflag:$0x0] =	sbarrier.arrive $0xFFFF  }
0xdf: {  	_ =	strace $0x90000047  }
0xe0: {  	s0 =	stileid.u32;
	[bflag:$0x2] =	sbarrier.arrive $0xFFFF  }
0xe1: {  	p0 =	sne.s32 s0, $0x0;
	s0 =	rddreg [dreg:$0x2]  }
0xe2: {  	s0 =	sadd.s32 @!p0 $0x100000, s0  }
0xe3: {  	[sflag:s0] =	ssyncadd.tile.s32 @!p0 $0x1;
	_ =	shalt  }
.Lfunc_end2:
_tile_overlayer_lowered:
.L_overlay_start_2:
0xe4: {  	(tag) =	ssettag $0x2  }
0xe5: {  	s0 =	rddreg [dreg:$0x0];
	s2 =	stileid.u32  }
0xe6: {  	s1 =	rddreg [dreg:$0x1];
	p0 =	sne.s32 s2, $0x0  }
0xe7: {  	s3 =	rddreg [dreg:$0x2];
	[bflag:$0x3] =	sbarrier.arrive $0xFFFF;
	s2 =	simm.s32 @!p0 $0x1C05  }
0xe8: {  	[timem:s3], [sflag:s2] =	dma.local @!p0 [hbm:s0], s1  }
0xe9: {  	s0 =	simm.s32 @!p0 $0x5  }
0xea: {  	_ =	swait.ge @!p0 [sflag:s0], s1  }
0xeb: {  	s1 =	ssub.s32 @!p0 $0x0, s1;
	[sflag:s0] =	ssyncset.done @!p0 $0x0  }
0xec: {  	[sflag:s0] =	ssyncadd.s32 @!p0 s1  }
0xed: {  	[bflag:$0x3] =	sbarrier.arrive $0xFFFF  }
0xee: {  	_ =	shalt  }

// kernel: kernel.13.cloned.1.call-start
scs
__scs_entry_jumppad:
0x0: {  	(pc) =	sbr.rel $0x88, $3  }
0x1: {  	(tag) =	ssettag $0x0;
	lr =	simm.s32 $0x1  }
0x2: {  	[smem:$0x3F90] =	sst lr;
	_ =	strace $0xD0000000  }
0x3: {  	_ = 	snop  }
0x4: {  	_ = 	snop  }
0x5: {  	_ = 	snop  }
0x6: {  	_ = 	snop  }
0x7: {  	_ = 	snop  }
__scs_overlays_trampoline_lowered:
0x8: {  	[smem:$0x3F9F] =	sst s0  }
0x9: {  	[smem:$0x3FA0] =	sst s1  }
0xa: {  	[smem:$0x3FA1] =	sst s2  }
0xb: {  	[smem:$0x3FA2] =	sst s3  }
0xc: {  	[smem:$0x3FA3] =	sst s4  }
0xd: {  	[smem:$0x3FA4] =	sst s5  }
0xe: {  	[smem:$0x3FA5] =	sst s6  }
0xf: {  	[smem:$0x3FA6] =	sst s7  }
0x10: {  	[smem:$0x3FA7] =	sst s8  }
0x11: {  	[smem:$0x3FA8] =	sst s9;
	s0 =	simm.s32 @!p0 $0x0  }
0x12: {  	s1 =	sld [smem:$0x3F8E];
	s0 =	simm.s32 @p0 $0x1  }
0x13: {  	[smem:$0x3FA9] =	sst s0;
	s0 =	simm.s32 @!p1 $0x0  }
0x14: {  	s2 =	sld [smem:$0x3F8D];
	s0 =	simm.s32 @p1 $0x1  }
0x15: {  	[smem:$0x3FAA] =	sst s0;
	s0 =	simm.s32 @!p2 $0x0  }
0x16: {  	s3 =	sld [smem:$0x3FDB];
	s0 =	simm.s32 @p2 $0x1  }
0x17: {  	s4 =	simm.s32 $0x1BF5;
	[smem:$0x3FAC] =	sst s0  }
0x18: {  	s0 =	sld [smem:$0x3F8F];
	_ =	swait.ge [sflag:s4], $0x0  }
0x19: {  	s7 =	sld [smem:$0x3F90]  }
0x1a: {  	s8 =	sadd.s32 $0xFFFFE003, lr  }
0x1b: {  	s9 =	sadd.s32 $0xFFFFFEF7, lr;
	s5 =	simm.s32 $0xFFFFFFFF;
	p2 =	slt.u32 s8, $0xFFFFF086  }
0x1c: {  	p1 =	slt.u32 s9, $0xF7A;
	s5 =	simm.s32 @!p2 $0x0  }
0x1d: {  	s5 =	simm.s32 @p1 $0x1;
	p0 =	seq.s32 s7, s2  }
0x1e: {  	s7 =	smul.u32 @!p0 $0xF7A, s2;
	p2 =	seq.s32 @!p0 s5, $0x0  }
0x1f: {  	s9 =	smul.u32 $0xF7A, s1;
	s8 =	simm.s32 @!p0 $0x1BF5;
	p2 =	por !p2, p0  }
0x20: {  	[sflag:s8] =	ssyncset.s32 @!p0 $0xFFFFF086;
	s6 =	sadd.s32 @!p0 s3, s7;
	s7 =	simm.s32 @!p0 $0x108  }
0x21: {  	s3 =	sadd.s32 s3, s9;
	s6 =	sadd.s32 @!p0 $0x88, s6;
	s7 =	simm.s32 @p2 $0x1082  }
0x22: {  	[simem:s7], [sflag:s8] =	dma.local @!p0 [hbm:s6], $0xF7A  }
0x23: {  	s9 =	sor.u32 $0xD0000000, s2;
	s6 =	simm.s32 $0x108;
	_ =	swait.ge @!p0 [sflag:s8], $0x0  }
0x24: {  	s3 =	sadd.s32 $0x88, s3;
	s6 =	simm.s32 @!p1 $0x1082;
	[sflag:s4] =	ssyncset.s32 $0xFFFFF086  }
0x25: {  	[simem:s6], [sflag:s4] =	dma.local [hbm:s3], $0xF7A  }
0x26: {  	[smem:$0x3F90] =	sst s1;
	(tag) =	ssettag s2;
	_ =	strace s9  }
0x27: {  	s1 =	sld [smem:$0x3FA0]  }
0x28: {  	s2 =	sld [smem:$0x3FA1]  }
0x29: {  	s4 =	sld [smem:$0x3FA3]  }
0x2a: {  	p0 =	seq.s32 s5, $0x0;
	s5 =	sld [smem:$0x3FA4]  }
0x2b: {  	s6 =	sld [smem:$0x3FA5]  }
0x2c: {  	s7 =	sld [smem:$0x3FA6]  }
0x2d: {  	s3 =	simm.s32 $0x108;
	s8 =	sld [smem:$0x3FA7]  }
0x2e: {  	s3 =	simm.s32 @!p0 $0x1082;
	s9 =	sld [smem:$0x3FA8]  }
0x2f: {  	lr =	sadd.s32 s0, s3;
	s0 =	sld [smem:$0x3F9F]  }
0x30: {  	s3 =	sld [smem:$0x3FA2]  }
0x31: {  	[smem:$0x3FAB] =	sst s10  }
0x32: {  	s10 =	sld [smem:$0x3FA9];
	_ =	sdelay $0x3  }
0x33: {  	p0 =	seq.s32 s10, $0x1;
	s10 =	sld [smem:$0x3FAB];
	_ =	sdelay $0x3  }
0x34: {  	[smem:$0x3FAB] =	sst s10  }
0x35: {  	s10 =	sld [smem:$0x3FAA];
	_ =	sdelay $0x3  }
0x36: {  	p1 =	seq.s32 s10, $0x1;
	s10 =	sld [smem:$0x3FAB];
	_ =	sdelay $0x3  }
0x37: {  	[smem:$0x3FAB] =	sst s10  }
0x38: {  	s10 =	sld [smem:$0x3FAC]  }
0x39: {  	_ = 	snop;
	(pc) =	sbr.ind lr, $3  }
0x3a: {  	_ = 	snop  }
0x3b: {  	_ = 	snop  }
0x3c: {  	p2 =	seq.s32 s10, $0x1;
	s10 =	sld [smem:$0x3FAB]  }
0x3d: {  	_ =	shalt  }
0x3e: {  	_ =	shalt  }
0x3f: {  	_ =	shalt  }
0x40: {  	_ =	shalt  }
0x41: {  	_ =	shalt  }
0x42: {  	_ =	shalt  }
0x43: {  	_ =	shalt  }
0x44: {  	_ =	shalt  }
0x45: {  	_ =	shalt  }
0x46: {  	_ =	shalt  }
0x47: {  	_ =	shalt  }
0x48: {  	_ =	shalt  }
0x49: {  	_ =	shalt  }
0x4a: {  	_ =	shalt  }
0x4b: {  	_ =	shalt  }
0x4c: {  	_ =	shalt  }
0x4d: {  	_ =	shalt  }
0x4e: {  	_ =	shalt  }
0x4f: {  	_ =	shalt  }
0x50: {  	_ =	shalt  }
0x51: {  	_ =	shalt  }
0x52: {  	_ =	shalt  }
0x53: {  	_ =	shalt  }
0x54: {  	_ =	shalt  }
0x55: {  	_ =	shalt  }
0x56: {  	_ =	shalt  }
0x57: {  	_ =	shalt  }
0x58: {  	_ =	shalt  }
0x59: {  	_ =	shalt  }
0x5a: {  	_ =	shalt  }
0x5b: {  	_ =	shalt  }
0x5c: {  	_ =	shalt  }
0x5d: {  	_ =	shalt  }
0x5e: {  	_ =	shalt  }
0x5f: {  	_ =	shalt  }
0x60: {  	_ =	shalt  }
0x61: {  	_ =	shalt  }
0x62: {  	_ =	shalt  }
0x63: {  	_ =	shalt  }
0x64: {  	_ =	shalt  }
0x65: {  	_ =	shalt  }
0x66: {  	_ =	shalt  }
0x67: {  	_ =	shalt  }
0x68: {  	_ =	shalt  }
0x69: {  	_ =	shalt  }
0x6a: {  	_ =	shalt  }
0x6b: {  	_ =	shalt  }
0x6c: {  	_ =	shalt  }
0x6d: {  	_ =	shalt  }
0x6e: {  	_ =	shalt  }
0x6f: {  	_ =	shalt  }
0x70: {  	_ =	shalt  }
0x71: {  	_ =	shalt  }
0x72: {  	_ =	shalt  }
0x73: {  	_ =	shalt  }
0x74: {  	_ =	shalt  }
0x75: {  	_ =	shalt  }
0x76: {  	_ =	shalt  }
0x77: {  	_ =	shalt  }
0x78: {  	_ =	shalt  }
0x79: {  	_ =	shalt  }
0x7a: {  	_ =	shalt  }
0x7b: {  	_ =	shalt  }
0x7c: {  	_ =	shalt  }
0x7d: {  	_ =	shalt  }
0x7e: {  	_ =	shalt  }
0x7f: {  	_ =	shalt  }
0x80: {  	_ =	shalt  }
0x81: {  	_ =	shalt  }
0x82: {  	_ =	shalt  }
0x83: {  	_ =	shalt  }
0x84: {  	_ =	shalt  }
0x85: {  	_ =	shalt  }
0x86: {  	_ =	shalt  }
0x87: {  	_ =	shalt  }
.Lfunc_end0:
.L_simem_size_0:
called_computation.1_lowered:
.L_overlay_start_0:
0x88: {  	s2 =	sld [smem:$0x3FD9]  }
0x89: {  	s3 =	sld [smem:$0x3FFE];
	_ =	sdelay $0x1  }
0x8a: {  	s1 =	srdreg.scid  }
0x8b: {  	s0 =	sand.u32 $0x1, s1  }
0x8c: {  	s17 =	sshll.u32 s0, $0xA;
	s2 =	sadd.s32 s3, s2  }
0x8d: {  	s2 =	sadd.s32 s2, s17  }
0x8e: {  	[smem:$0x3FB7] =	sst s2  }
0x8f: {  	_ = 	snop  }
0x90: {  	(tm) =	ssettm $0x1  }
0x91: {  	s18 =	sld [smem:$0x3FFB];
	_ =	sdelay $0x3  }
0x92: {  	_ =	strace s18  }
0x93: {  	s2 =	sld [smem:$0x3FFC];
	_ =	sdelay $0x3  }
0x94: {  	_ =	strace s2  }
0x95: {  	s2 =	sld [smem:$0x3FFD];
	_ =	sdelay $0x3  }
0x96: {  	_ =	strace s2  }
0x97: {  	_ =	strace $0x8FFFFFFF  }
0x98: {  	s19 =	sld [smem:$0x3FDB];
	_ =	sdelay $0x1  }
0x99: {  	s20 =	simm.s32 $_scs_section_size  }
0x9a: {  	s4 =	simm.s32 $_size__tile_overlayer_lowered;
	s5 =	simm.s32 $_tile_overlayer_lowered  }
0x9b: {  	s6 =	simm.s32 $0x1BFF;
	s21 =	sshll.u32 s5, $0x1;
	s3 =	sadd.s32 s20, s19  }
0x9c: {  	s22 =	simm.s32 $0x0;
	s4 =	sshll.u32 s4, $0x1;
	s5 =	sadd.s32 s21, s3  }
0x9d: {  	[timem:s22], [sflag:s6] =	dma.local [hbm:s5], s4  }
0x9e: {  	_ =	swait.ge [sflag:s6], s4  }
0x9f: {  	s4 =	ssub.s32 $0x0, s4;
	[sflag:s6] =	ssyncset.done $0x0  }
0xa0: {  	[sflag:s6] =	ssyncadd.s32 s4;
	_ =	sdelay $0x1  }
0xa1: {  	s23 =	simm.s32 $0x1B8B  }
0xa2: {  	_ =	swait.ge [sflag:s23], $0x1  }
0xa3: {  	[sflag:s23] =	ssyncset.done $0x0  }
0xa4: {  	[sflag:s23] =	ssyncadd.s32 $0xFFFFFFFF  }
0xa5: {  	s4 =	sld [smem:$0x0]  }
0xa6: {  	s5 =	sand.u32 $0xFFFFFFFE, s1  }
0xa7: {  	p0 =	sne.s32 s1, s5  }
0xa8: {  	s5 =	sshll.u32 @p0 s5, $0xE  }
0xa9: {  	s5 =	sadd.s32 @p0 $0x11B8D, s5;
	s6 =	sshll.u32 @p0 s4, $0x11  }
0xaa: {  	s5 =	sor.u32 @p0 s6, s5  }
0xab: {  	[sflag:s5] =	ssyncadd.remote.s32 @p0 $0x1;
	_ =	sdelay $0x1  }
0xac: {  	s5 =	simm.s32 @p0 $0x1B8D  }
0xad: {  	_ =	swait.eq @p0 [sflag:s5], $0x1  }
0xae: {  	[sflag:s5] =	ssyncadd.s32 @p0 $0xFFFFFFFF  }
0xaf: {  	s6 =	sshll.u32 @!p0 s1, $0xE  }
0xb0: {  	s6 =	sor.u32 @!p0 $0x4000, s6;
	s5 =	simm.s32 @!p0 $0x1B8D  }
0xb1: {  	s4 =	sshll.u32 @!p0 s4, $0x11;
	s6 =	sadd.s32 @!p0 $0x11B8D, s6;
	_ =	swait.eq @!p0 [sflag:s5], $0x1  }
0xb2: {  	s4 =	sor.u32 @!p0 s4, s6;
	[sflag:s5] =	ssyncadd.s32 @!p0 $0xFFFFFFFF  }
0xb3: {  	s25 =	simm.s32 $0x1B8E;
	s24 =	sld [smem:$0x3FFE];
	[sflag:s4] =	ssyncadd.remote.s32 @!p0 $0x1  }
0xb4: {  	s26 =	simm.s32 $execute0_lowered;
	[smem:$0x3FD2] =	sst s25  }
0xb5: {  	s5 =	sshll.u32 s26, $0x1;
	_ =	strace $0x80000049;
	[dreg:$0x1] =	wrdreg $0xFFFFFFFF  }
0xb6: {  	s28 =	simm.s32 $_size_execute0_lowered;
	s3 =	sadd.s32 s3, s5;
	[dreg:$0x0] =	wrdreg $0x0  }
0xb7: {  	s5 =	sshll.u32 s28, $0x1;
	[dreg:$0x2] =	wrdreg s3  }
0xb8: {  	[dreg:$0x3] =	wrdreg s5  }
0xb9: {  	[dreg:$0x4] =	wrdreg $0xC0  }
0xba: {  	_ =	task [dreg:s22], $0x5FFFF  }
0xbb: {  	[dreg:$0x1] =	wrdreg $0xFFFFFFFF  }
0xbc: {  	[dreg:$0x0] =	wrdreg $0x60  }
0xbd: {  	[dreg:$0x2] =	wrdreg s24  }
0xbe: {  	[dreg:$0x3] =	wrdreg $0xA  }
0xbf: {  	_ =	task.clear_ibuf [dreg:s22], $0x4FFFF;
	_ =	strace $0x90000049  }
0xc0: {  	s29 =	simm.s32 $0xA;
	_ =	strace $0x8000004B  }
0xc1: {  	_ =	swait.ge [sflag:s29], $0x1  }
0xc2: {  	[sflag:s29] =	ssyncadd.s32 $0xFFFFFFFF  }
0xc3: {  	_ =	strace $0x9000004B  }
0xc4: {  	_ =	sfence  }
0xc5: {  	s30 =	sld [smem:$0x0];
	_ =	sdelay $0x2  }
0xc6: {  	s31 =	sshll.u32 s1, $0xD;
	s1 =	sshrl.u32 s1, $0x2  }
0xc7: {  	s4 =	sand.u32 $0x4000, s31;
	s1 =	sadd.s32 s1, s30  }
0xc8: {  	s0 =	sor.u32 s4, s0;
	s1 =	sshll.u32 s1, $0x11  }
0xc9: {  	s0 =	sor.u32 s1, s0  }
0xca: {  	s0 =	sadd.s32 $0x8F2B, s0  }
0xcb: {  	[sflag:s0] =	ssyncadd.remote.s32 $0x1  }
0xcc: {  	_ =	sfence.sel $0xFFFF  }
0xcd: {  	[dreg:$0x0] =	wrdreg $0xFFFFFFFF;
	(pc) =	sbr.abs _section_cstart, $3  }
0xce: {  	[dreg:$0x1] =	wrdreg $0xFFFFFFFF  }
0xcf: {  	_ =	task.clear_ibuf [dreg:s22], $0x2FFFF;
	_ =	strace $0x9FFFFFFF  }
0xd0: {  	(tm) =	ssettm $0x7FFFFFFF  }
0xd1: {  	_ =	shalt  }
tec
execute0_lowered:
.L_overlay_start_1:
0x0: {  	(tag) =	ssettag $0x1  }
0x1: {  	s0 =	srdreg.scid  }
0x2: {  	s10 =	stileid.u32;
	s6 =	rddreg [dreg:$0x0]  }
0x3: {  	s2 =	simm.s32 $0x0;
	s28 =	simm.s32 $0xDB80;
	s29 =	simm.s32 $0x10D80  }
0x4: {  	s30 =	simm.s32 $0x2;
	s31 =	simm.s32 $0x3;
	s0 =	sand.u32 $0x1, s0  }
0x5: {  	s1 =	sshll.u32 s10, $0x1;
	s4 =	sadd.s32 $0x18FE00, s6;
	s15 =	smul.u32 $0xC800, s10  }
0x6: {  	[smem:$0x7FF] =	sst s2;
	s5 =	sadd.s32 $0x18BE00, s6;
	s21 =	smul.u32 $0xC80, s10  }
0x7: {  	s16 =	sadd.s32 $0x3F4000, s6;
	s17 =	sadd.s32 $0x4BC000, s6;
	s18 =	smul.u32 $0x6400, s0  }
0x8: {  	s1 =	sor.u32 s0, s1;
	s8 =	ssub.s32 $0x2, s0;
	s0 =	smul.u32 $0x640, s0  }
0x9: {  	_ =	strace $0x8000004A;
	s3 =	smul.u32 $0xD0, s1;
	s9 =	sshrl.u32 s8, $0x1  }
0xa: {  	s1 =	smul.u32 $0x32000, s1;
	s23 =	sadd.s32 s15, s17;
	s24 =	sadd.s32 s15, s16  }
0xb: {  	s8 =	ssub.s32 s8, s9;
	s0 =	sadd.s32 s0, s21;
	s25 =	sadd.s32 s18, s24  }
0xc: {  	s21 =	simm.s32 $0x64;
	s24 =	simm.s32 $0x7780;
	s7 =	sadd.s32 s3, s6  }
0xd: {  	s3 =	sadd.s32 $0x5200, s6;
	s6 =	sadd.s32 $0x584000, s6;
	s1 =	sshrl.u32 s1, $0x3  }
0xe: {  	s0 =	sshll.u32 s0, $0x4;
	[dreg:$0x4] =	wrdreg s25;
	s12 =	sadd.s32 $0x3F2600, s7  }
0xf: {  	s25 =	simm.s32 $0x1;
	s13 =	sadd.s32 $0x3F0C00, s7;
	[dreg:$0x6] =	wrdreg s12  }
0x10: {  	s7 =	sadd.s32 $0x3EF200, s7;
	s14 =	sadd.s32 $0x5780, s1;
	[dreg:$0x7] =	wrdreg s13  }
0x11: {  	s1 =	sadd.s32 $0x5DC0, s1;
	s0 =	sadd.s32 $0x640, s0;
	[dreg:$0x8] =	wrdreg s7  }
0x12: {  	s19 =	sadd.s32 s16, s14;
	s20 =	sadd.s32 s17, s14;
	s7 =	sadd.s32 s6, s14  }
0x13: {  	s12 =	sadd.s32 s16, s1;
	s13 =	sadd.s32 s17, s1;
	s14 =	sadd.s32 s6, s1  }
0x14: {  	s1 =	sadd.s32 s18, s23;
	s26 =	sadd.s32 s0, s16;
	[dreg:$0x9] =	wrdreg s19  }
0x15: {  	s16 =	sadd.s32 s0, s17;
	s17 =	sadd.s32 s0, s6;
	[dreg:$0xa] =	wrdreg s20  }
0x16: {  	s23 =	simm.s32 $0x4580;
	s0 =	simm.s32 $0x0;
	[dreg:$0xb] =	wrdreg s7  }
0x17: {  	s19 =	sadd.s32 s15, s6;
	[dreg:$0x3] =	wrdreg s1;
	s15 =	smax.u32 s8, $0x1  }
0x18: {  	[dreg:$0x5] =	wrdreg s26;
	s20 =	simm.s32 $0xD00;
	s26 =	simm.s32 $0xA980  }
0x19: {  	s1 =	simm.s32 $0x4;
	s22 =	sadd.s32 s18, s19;
	s18 =	simm.s32 $0x5  }
0x1a: {  	s19 =	simm.s32 $0x680;
	[dreg:$0x2] =	wrdreg s22;
	s22 =	simm.s32 $0x1380  }
.LBB2_1:
0x1b: {  	s6 =	rddreg [dreg:$0x6]  }
0x1c: {  	[tilespmem:s2], [sflag:$0x5] =	stream.linear.gather [hbm4b:s6+s2], $0x680, $0x38;
	[tilespmem:$0x13F80] =	vst v63  }
0x1d: {  	_ =	swait.ge [sflag:s18], $0x680  }
0x1e: {  	[sflag:s18] =	ssyncset.done $0x0  }
0x1f: {  	s10 =	rddreg [dreg:$0x7];
	[sflag:s18] =	ssyncadd.s32 $0xFFFFF980  }
0x20: {  	[tilespmem:s19], [sflag:$0x5] =	stream.linear.gather [hbm4b:s10+s2], $0x680, $0x38;
	[tilespmem:$0x13F80] =	vst v63  }
0x21: {  	_ =	swait.ge [sflag:s18], $0x680  }
0x22: {  	[sflag:s18] =	ssyncset.done $0x0  }
0x23: {  	s11 =	rddreg [dreg:$0x8];
	[sflag:s18] =	ssyncadd.s32 $0xFFFFF980  }
0x24: {  	[tilespmem:s20], [sflag:$0x5] =	stream.linear.gather [hbm4b:s11+s2], $0x680, $0x38;
	[tilespmem:$0x13F80] =	vst v63  }
0x25: {  	_ =	swait.ge [sflag:s18], $0x680  }
0x26: {  	[sflag:s18] =	ssyncset.done $0x0  }
0x27: {  	[sflag:s18] =	ssyncadd.s32 $0xFFFFF980  }
0x28: {  	[tilespmem:s22], [sflag:$0x1] =	stream.indirect.gather [hbm4b:s3+s21], $0x80, s2, s21, $0xb8;
	[tilespmem:$0x13F80] =	vst v63  }
0x29: {  	_ = 	snop  }
0x2a: {  	[tilespmem:s23], [sflag:$0x1] =	stream.indirect.gather [hbm4b:s4+s21], $0x80, s19, s21, $0xb8;
	[tilespmem:$0x13F80] =	vst v63  }
0x2b: {  	_ = 	snop  }
0x2c: {  	[tilespmem:s24], [sflag:$0x1] =	stream.indirect.gather [hbm4b:s5+s21], $0x80, s20, s21, $0xb8;
	[tilespmem:$0x13F80] =	vst v63  }
0x2d: {  	_ =	swait.ge [sflag:s25], $0x3200  }
0x2e: {  	[sflag:s25] =	ssyncset.done $0x0  }
0x2f: {  	[sflag:s25] =	ssyncadd.s32 $0xFFFFCE00  }
0x30: {  	_ =	swait.ge [sflag:s25], $0x3200  }
0x31: {  	[sflag:s25] =	ssyncset.done $0x0  }
0x32: {  	[sflag:s25] =	ssyncadd.s32 $0xFFFFCE00  }
0x33: {  	_ =	swait.ge [sflag:s25], $0x3200  }
0x34: {  	p0 =	por $0x1, $0x1;
	[sflag:s25] =	ssyncset.done $0x0  }
0x35: {  	s6 =	simm.s32 @!p0 $0x4;
	[sflag:s25] =	ssyncadd.s32 $0xFFFFCE00  }
0x36: {  	_ =	swait.ge @!p0 [sflag:s6], $0x3200  }
0x37: {  	[sflag:s6] =	ssyncset.done @!p0 $0x0  }
0x38: {  	[sflag:s6] =	ssyncadd.s32 @!p0 $0xFFFFCE00  }
0x39: {  	_ =	swait.ge @!p0 [sflag:s6], $0x3200  }
0x3a: {  	[sflag:s6] =	ssyncset.done @!p0 $0x0  }
0x3b: {  	[sflag:s6] =	ssyncadd.s32 @!p0 $0xFFFFCE00  }
0x3c: {  	_ =	swait.ge @!p0 [sflag:s6], $0x3200  }
0x3d: {  	[sflag:s6] =	ssyncset.done @!p0 $0x0  }
0x3e: {  	s7 =	simm.s32 $0x68;
	[sflag:s6] =	ssyncadd.s32 @!p0 $0xFFFFCE00  }
0x3f: {  	[tilespmem:s26], [sflag:$0x2] =	stream.indirect.gather [hbm4b:s3+s21], $0x80, s7, s21, $0xb8;
	[tilespmem:$0x13F80] =	vst v63  }
0x40: {  	s8 =	simm.s32 $0x6E8  }
0x41: {  	[tilespmem:s28], [sflag:$0x2] =	stream.indirect.gather [hbm4b:s4+s21], $0x80, s8, s21, $0xb8;
	[tilespmem:$0x13F80] =	vst v63  }
0x42: {  	s9 =	simm.s32 $0xD68;
	s7 =	rddreg [dreg:$0x4]  }
0x43: {  	[tilespmem:s29], [sflag:$0x2] =	stream.indirect.gather [hbm4b:s5+s21], $0x80, s9, s21, $0xb8;
	[tilespmem:$0x13F80] =	vst v63  }
0x44: {  	s10 =	sadd.s32 $0x0, s7;
	s8 =	rddreg [dreg:$0x3]  }
0x45: {  	[hbm4b:s10+s2] =	stream.linear.scatter [tilespmem:s22], [sflag:$0x3], $0x3200, $0x38;
	[tilespmem:$0x13F80] =	vst v63  }
0x46: {  	s11 =	rddreg [dreg:$0x2];
	s9 =	sadd.s32 $0x0, s8  }
0x47: {  	[hbm4b:s9+s2] =	stream.linear.scatter [tilespmem:s23], [sflag:$0x3], $0x3200, $0x38;
	[tilespmem:$0x13F80] =	vst v63  }
0x48: {  	s10 =	sadd.s32 $0x0, s11  }
0x49: {  	[hbm4b:s10+s2] =	stream.linear.scatter [tilespmem:s24], [sflag:$0x3], $0x3200, $0x38;
	[tilespmem:$0x13F80] =	vst v63  }
0x4a: {  	_ =	swait.ge [sflag:s30], $0x3200  }
0x4b: {  	[sflag:s30] =	ssyncset.done $0x0  }
0x4c: {  	[sflag:s30] =	ssyncadd.s32 $0xFFFFCE00  }
0x4d: {  	_ =	swait.ge [sflag:s30], $0x3200  }
0x4e: {  	[sflag:s30] =	ssyncset.done $0x0  }
0x4f: {  	[sflag:s30] =	ssyncadd.s32 $0xFFFFCE00  }
0x50: {  	_ =	swait.ge [sflag:s30], $0x3200  }
0x51: {  	[sflag:s30] =	ssyncset.done $0x0  }
0x52: {  	[sflag:s30] =	ssyncadd.s32 $0xFFFFCE00  }
0x53: {  	s11 =	rddreg [dreg:$0x5];
	_ =	swait.ge [sflag:s31], $0x3200  }
0x54: {  	[sflag:s31] =	ssyncset.done $0x0  }
0x55: {  	[sflag:s31] =	ssyncadd.s32 $0xFFFFCE00  }
0x56: {  	_ =	swait.ge [sflag:s31], $0x3200  }
0x57: {  	[sflag:s31] =	ssyncset.done $0x0  }
0x58: {  	[sflag:s31] =	ssyncadd.s32 $0xFFFFCE00  }
0x59: {  	_ =	swait.ge [sflag:s31], $0x3200  }
0x5a: {  	[sflag:s31] =	ssyncset.done $0x0  }
0x5b: {  	s8 =	simm.s32 $0xD0;
	[sflag:s31] =	ssyncadd.s32 $0xFFFFCE00  }
0x5c: {  	[tilespmem:s22], [sflag:$0x1] =	stream.indirect.gather [hbm4b:s3+s21], $0x80, s8, s21, $0xb8;
	[tilespmem:$0x13F80] =	vst v63  }
0x5d: {  	s9 =	simm.s32 $0x750  }
0x5e: {  	[tilespmem:s23], [sflag:$0x1] =	stream.indirect.gather [hbm4b:s4+s21], $0x80, s9, s21, $0xb8;
	[tilespmem:$0x13F80] =	vst v63  }
0x5f: {  	s10 =	simm.s32 $0xDD0  }
0x60: {  	[tilespmem:s24], [sflag:$0x1] =	stream.indirect.gather [hbm4b:s5+s21], $0x80, s10, s21, $0xb8;
	[tilespmem:$0x13F80] =	vst v63  }
0x61: {  	s7 =	simm.s32 $0xC80;
	s6 =	sadd.s32 $0x0, s11  }
0x62: {  	[hbm4b:s6+s2] =	stream.linear.scatter [tilespmem:s26], [sflag:$0x4], $0x3200, $0x38;
	[tilespmem:$0x13F80] =	vst v63  }
0x63: {  	s11 =	sadd.s32 $0x0, s16;
	s8 =	sadd.s32 $0x0, s17;
	s6 =	simm.s32 $0x340  }
0x64: {  	[hbm4b:s11+s2] =	stream.linear.scatter [tilespmem:s28], [sflag:$0x4], $0x3200, $0x38;
	[tilespmem:$0x13F80] =	vst v63  }
.LBB2_2:
0x65: {  	[hbm4b:s8+s2] =	stream.linear.scatter [tilespmem:s29], [sflag:$0x4], $0x3200, $0x38;
	[tilespmem:$0x13F80] =	vst v63  }
0x66: {  	_ =	swait.ge [sflag:s25], $0x3200  }
0x67: {  	[sflag:s25] =	ssyncset.done $0x0  }
0x68: {  	[sflag:s25] =	ssyncadd.s32 $0xFFFFCE00  }
0x69: {  	_ =	swait.ge [sflag:s25], $0x3200  }
0x6a: {  	[sflag:s25] =	ssyncset.done $0x0  }
0x6b: {  	[sflag:s25] =	ssyncadd.s32 $0xFFFFCE00  }
0x6c: {  	s11 =	smov.u32 s6;
	_ =	swait.ge [sflag:s25], $0x3200  }
0x6d: {  	p1 =	seq.s32 s11, $0x0;
	[sflag:s25] =	ssyncset.done $0x0  }
0x6e: {  	s9 =	simm.s32 @!p1 $0x4;
	[sflag:s25] =	ssyncadd.s32 $0xFFFFCE00  }
0x6f: {  	_ =	swait.ge @!p1 [sflag:s9], $0x3200  }
0x70: {  	[sflag:s9] =	ssyncset.done @!p1 $0x0  }
0x71: {  	[sflag:s9] =	ssyncadd.s32 @!p1 $0xFFFFCE00  }
0x72: {  	_ =	swait.ge @!p1 [sflag:s9], $0x3200  }
0x73: {  	[sflag:s9] =	ssyncset.done @!p1 $0x0  }
0x74: {  	[sflag:s9] =	ssyncadd.s32 @!p1 $0xFFFFCE00  }
0x75: {  	_ =	swait.ge @!p1 [sflag:s9], $0x3200  }
0x76: {  	s8 =	sshra.s32 s11, $0x2;
	[sflag:s9] =	ssyncset.done @!p1 $0x0  }
0x77: {  	s10 =	sadd.s32 $0x68, s8;
	[sflag:s9] =	ssyncadd.s32 @!p1 $0xFFFFCE00  }
0x78: {  	[tilespmem:s26], [sflag:$0x2] =	stream.indirect.gather [hbm4b:s3+s21], $0x80, s10, s21, $0xb8;
	[tilespmem:$0x13F80] =	vst v63  }
0x79: {  	s11 =	sadd.s32 $0x6E8, s8  }
0x7a: {  	[tilespmem:s28], [sflag:$0x2] =	stream.indirect.gather [hbm4b:s4+s21], $0x80, s11, s21, $0xb8;
	[tilespmem:$0x13F80] =	vst v63  }
0x7b: {  	s9 =	sadd.s32 $0xD68, s8;
	s10 =	rddreg [dreg:$0x4]  }
0x7c: {  	[tilespmem:s29], [sflag:$0x2] =	stream.indirect.gather [hbm4b:s5+s21], $0x80, s9, s21, $0xb8;
	[tilespmem:$0x13F80] =	vst v63  }
0x7d: {  	s11 =	rddreg [dreg:$0x3];
	s9 =	sadd.s32 s7, s10  }
0x7e: {  	[hbm4b:s9+s2] =	stream.linear.scatter [tilespmem:s22], [sflag:$0x3], $0x3200, $0x38;
	[tilespmem:$0x13F80] =	vst v63  }
0x7f: {  	s11 =	sadd.s32 s7, s11;
	s10 =	rddreg [dreg:$0x2]  }
0x80: {  	[hbm4b:s11+s2] =	stream.linear.scatter [tilespmem:s23], [sflag:$0x3], $0x3200, $0x38;
	[tilespmem:$0x13F80] =	vst v63  }
0x81: {  	s10 =	sadd.s32 s7, s10  }
0x82: {  	[hbm4b:s10+s2] =	stream.linear.scatter [tilespmem:s24], [sflag:$0x3], $0x3200, $0x38;
	[tilespmem:$0x13F80] =	vst v63  }
0x83: {  	_ =	swait.ge [sflag:s30], $0x3200  }
0x84: {  	[sflag:s30] =	ssyncset.done $0x0  }
0x85: {  	[sflag:s30] =	ssyncadd.s32 $0xFFFFCE00  }
0x86: {  	_ =	swait.ge [sflag:s30], $0x3200  }
0x87: {  	[sflag:s30] =	ssyncset.done $0x0  }
0x88: {  	[sflag:s30] =	ssyncadd.s32 $0xFFFFCE00  }
0x89: {  	_ =	swait.ge [sflag:s30], $0x3200  }
0x8a: {  	[sflag:s30] =	ssyncset.done $0x0  }
0x8b: {  	[sflag:s30] =	ssyncadd.s32 $0xFFFFCE00  }
0x8c: {  	s9 =	rddreg [dreg:$0x5];
	_ =	swait.ge [sflag:s31], $0x3200  }
0x8d: {  	[sflag:s31] =	ssyncset.done $0x0  }
0x8e: {  	[sflag:s31] =	ssyncadd.s32 $0xFFFFCE00  }
0x8f: {  	_ =	swait.ge [sflag:s31], $0x3200  }
0x90: {  	[sflag:s31] =	ssyncset.done $0x0  }
0x91: {  	[sflag:s31] =	ssyncadd.s32 $0xFFFFCE00  }
0x92: {  	_ =	swait.ge [sflag:s31], $0x3200  }
0x93: {  	[sflag:s31] =	ssyncset.done $0x0  }
0x94: {  	s11 =	sadd.s32 $0xD0, s8;
	[sflag:s31] =	ssyncadd.s32 $0xFFFFCE00  }
0x95: {  	[tilespmem:s22], [sflag:$0x1] =	stream.indirect.gather [hbm4b:s3+s21], $0x80, s11, s21, $0xb8;
	[tilespmem:$0x13F80] =	vst v63  }
0x96: {  	s6 =	sadd.s32 $0x340, s6;
	s11 =	sadd.s32 $0x750, s8  }
0x97: {  	[tilespmem:s23], [sflag:$0x1] =	stream.indirect.gather [hbm4b:s4+s21], $0x80, s11, s21, $0xb8;
	[tilespmem:$0x13F80] =	vst v63  }
0x98: {  	p0 =	sne.s32 s6, $0x16C0;
	s8 =	sadd.s32 $0xDD0, s8  }
0x99: {  	[tilespmem:s24], [sflag:$0x1] =	stream.indirect.gather [hbm4b:s5+s21], $0x80, s8, s21, $0xb8;
	[tilespmem:$0x13F80] =	vst v63  }
.Ltmp0:
0x9a: {  	_ = 	snop;
	(pc) =	sbr.rel @p0 .LBB2_2-.Ltmp0, $4  }
0x9b: {  	s10 =	sadd.s32 s7, s9  }
0x9c: {  	[hbm4b:s10+s2] =	stream.linear.scatter [tilespmem:s26], [sflag:$0x4], $0x3200, $0x38;
	[tilespmem:$0x13F80] =	vst v63  }
0x9d: {  	s11 =	sadd.s32 s7, s16;
	s8 =	sadd.s32 s7, s17;
	s7 =	sadd.s32 $0xC80, s7  }
0x9e: {  	[hbm4b:s11+s2] =	stream.linear.scatter [tilespmem:s28], [sflag:$0x4], $0x3200, $0x38;
	[tilespmem:$0x13F80] =	vst v63  }
0x9f: {  	[hbm4b:s8+s2] =	stream.linear.scatter [tilespmem:s29], [sflag:$0x4], $0x3200, $0x38;
	[tilespmem:$0x13F80] =	vst v63  }
0xa0: {  	_ =	swait.ge [sflag:s25], $0x3200  }
0xa1: {  	[sflag:s25] =	ssyncset.done $0x0  }
0xa2: {  	[sflag:s25] =	ssyncadd.s32 $0xFFFFCE00  }
0xa3: {  	_ =	swait.ge [sflag:s25], $0x3200  }
0xa4: {  	[sflag:s25] =	ssyncset.done $0x0  }
0xa5: {  	[sflag:s25] =	ssyncadd.s32 $0xFFFFCE00  }
0xa6: {  	_ =	swait.ge [sflag:s25], $0x3200  }
0xa7: {  	[sflag:s25] =	ssyncset.done $0x0  }
0xa8: {  	[sflag:s25] =	ssyncadd.s32 $0xFFFFCE00  }
0xa9: {  	_ =	swait.ge [sflag:s1], $0x3200  }
0xaa: {  	[sflag:s1] =	ssyncset.done $0x0  }
0xab: {  	[sflag:s1] =	ssyncadd.s32 $0xFFFFCE00  }
0xac: {  	_ =	swait.ge [sflag:s1], $0x3200  }
0xad: {  	[sflag:s1] =	ssyncset.done $0x0  }
0xae: {  	[sflag:s1] =	ssyncadd.s32 $0xFFFFCE00  }
0xaf: {  	_ =	swait.ge [sflag:s1], $0x3200  }
0xb0: {  	[sflag:s1] =	ssyncset.done $0x0  }
0xb1: {  	s6 =	simm.s32 $0x618;
	[sflag:s1] =	ssyncadd.s32 $0xFFFFCE00  }
0xb2: {  	[tilespmem:s26], [sflag:$0x2] =	stream.indirect.gather [hbm4b:s3+s21], $0x80, s6, s21, $0xb8;
	[tilespmem:$0x13F80] =	vst v63  }
0xb3: {  	s7 =	simm.s32 $0xC98  }
0xb4: {  	[tilespmem:s28], [sflag:$0x2] =	stream.indirect.gather [hbm4b:s4+s21], $0x80, s7, s21, $0xb8;
	[tilespmem:$0x13F80] =	vst v63  }
0xb5: {  	s8 =	simm.s32 $0x1318  }
0xb6: {  	[tilespmem:s29], [sflag:$0x2] =	stream.indirect.gather [hbm4b:s5+s21], $0x80, s8, s21, $0xb8;
	[tilespmem:$0x13F80] =	vst v63  }
0xb7: {  	s9 =	rddreg [dreg:$0x9]  }
0xb8: {  	[hbm4b:s9+s2] =	stream.linear.scatter [tilespmem:s22], [sflag:$0x3], $0x3200, $0x38;
	[tilespmem:$0x13F80] =	vst v63  }
0xb9: {  	s10 =	rddreg [dreg:$0xa]  }
0xba: {  	[hbm4b:s10+s2] =	stream.linear.scatter [tilespmem:s23], [sflag:$0x3], $0x3200, $0x38;
	[tilespmem:$0x13F80] =	vst v63  }
0xbb: {  	s11 =	rddreg [dreg:$0xb]  }
0xbc: {  	[hbm4b:s11+s2] =	stream.linear.scatter [tilespmem:s24], [sflag:$0x3], $0x3200, $0x38;
	[tilespmem:$0x13F80] =	vst v63  }
0xbd: {  	_ =	swait.ge [sflag:s30], $0x3200  }
0xbe: {  	[sflag:s30] =	ssyncset.done $0x0  }
0xbf: {  	[sflag:s30] =	ssyncadd.s32 $0xFFFFCE00  }
0xc0: {  	_ =	swait.ge [sflag:s30], $0x3200  }
0xc1: {  	[sflag:s30] =	ssyncset.done $0x0  }
0xc2: {  	[sflag:s30] =	ssyncadd.s32 $0xFFFFCE00  }
0xc3: {  	_ =	swait.ge [sflag:s30], $0x3200  }
0xc4: {  	[sflag:s30] =	ssyncset.done $0x0  }
0xc5: {  	[sflag:s30] =	ssyncadd.s32 $0xFFFFCE00  }
0xc6: {  	_ =	swait.ge [sflag:s31], $0x3200  }
0xc7: {  	[sflag:s31] =	ssyncset.done $0x0  }
0xc8: {  	[sflag:s31] =	ssyncadd.s32 $0xFFFFCE00  }
0xc9: {  	_ =	swait.ge [sflag:s31], $0x3200  }
0xca: {  	[sflag:s31] =	ssyncset.done $0x0  }
0xcb: {  	[sflag:s31] =	ssyncadd.s32 $0xFFFFCE00  }
0xcc: {  	_ =	swait.ge [sflag:s31], $0x3200  }
0xcd: {  	[sflag:s31] =	ssyncset.done $0x0  }
0xce: {  	[sflag:s31] =	ssyncadd.s32 $0xFFFFCE00  }
0xcf: {  	[hbm4b:s12+s2] =	stream.linear.scatter [tilespmem:s26], [sflag:$0x4], $0x3200, $0x38;
	[tilespmem:$0x13F80] =	vst v63  }
0xd0: {  	_ = 	snop  }
0xd1: {  	[hbm4b:s13+s2] =	stream.linear.scatter [tilespmem:s28], [sflag:$0x4], $0x3200, $0x38;
	[tilespmem:$0x13F80] =	vst v63  }
0xd2: {  	_ = 	snop  }
0xd3: {  	[hbm4b:s14+s2] =	stream.linear.scatter [tilespmem:s29], [sflag:$0x4], $0x3200, $0x38;
	[tilespmem:$0x13F80] =	vst v63  }
0xd4: {  	_ =	swait.ge [sflag:s1], $0x3200  }
0xd5: {  	[sflag:s1] =	ssyncset.done $0x0  }
0xd6: {  	s0 =	sadd.s32 $0x1, s0;
	[sflag:s1] =	ssyncadd.s32 $0xFFFFCE00  }
0xd7: {  	p0 =	sne.s32 s0, s15;
	_ =	swait.ge [sflag:s1], $0x3200  }
.Ltmp1:
0xd8: {  	[sflag:s1] =	ssyncset.done $0x0;
	(pc) =	sbr.rel @p0 .LBB2_1-.Ltmp1, $4  }
0xd9: {  	[sflag:s1] =	ssyncadd.s32 $0xFFFFCE00  }
0xda: {  	_ =	swait.ge [sflag:s1], $0x3200  }
0xdb: {  	[sflag:s1] =	ssyncset.done $0x0  }
0xdc: {  	[sflag:s1] =	ssyncadd.s32 $0xFFFFCE00  }
0xdd: {  	_ =	sfence.sel $0x180000  }
0xde: {  	[bflag:$0x0] =	sbarrier.arrive $0xFFFF  }
0xdf: {  	_ =	strace $0x9000004A  }
0xe0: {  	s0 =	stileid.u32;
	[bflag:$0x2] =	sbarrier.arrive $0xFFFF  }
0xe1: {  	p0 =	sne.s32 s0, $0x0;
	s0 =	rddreg [dreg:$0x1]  }
0xe2: {  	s0 =	sadd.s32 @!p0 $0x100000, s0  }
0xe3: {  	[sflag:s0] =	ssyncadd.tile.s32 @!p0 $0x1;
	_ =	shalt  }
.Lfunc_end2:
_tile_overlayer_lowered:
.L_overlay_start_2:
0xe4: {  	(tag) =	ssettag $0x2  }
0xe5: {  	s0 =	rddreg [dreg:$0x0];
	s2 =	stileid.u32  }
0xe6: {  	s1 =	rddreg [dreg:$0x1];
	p0 =	sne.s32 s2, $0x0  }
0xe7: {  	s3 =	rddreg [dreg:$0x2];
	[bflag:$0x3] =	sbarrier.arrive $0xFFFF;
	s2 =	simm.s32 @!p0 $0x1C05  }
0xe8: {  	[timem:s3], [sflag:s2] =	dma.local @!p0 [hbm:s0], s1  }
0xe9: {  	s0 =	simm.s32 @!p0 $0x5  }
0xea: {  	_ =	swait.ge @!p0 [sflag:s0], s1  }
0xeb: {  	s1 =	ssub.s32 @!p0 $0x0, s1;
	[sflag:s0] =	ssyncset.done @!p0 $0x0  }
0xec: {  	[sflag:s0] =	ssyncadd.s32 @!p0 s1  }
0xed: {  	[bflag:$0x3] =	sbarrier.arrive $0xFFFF  }
0xee: {  	_ =	shalt  }

// kernel: kernel.16.cloned.1.call-start
scs
__scs_entry_jumppad:
0x0: {  	(pc) =	sbr.rel $0x88, $3  }
0x1: {  	(tag) =	ssettag $0x0;
	lr =	simm.s32 $0x1  }
0x2: {  	[smem:$0x3F90] =	sst lr;
	_ =	strace $0xD0000000  }
0x3: {  	_ = 	snop  }
0x4: {  	_ = 	snop  }
0x5: {  	_ = 	snop  }
0x6: {  	_ = 	snop  }
0x7: {  	_ = 	snop  }
__scs_overlays_trampoline_lowered:
0x8: {  	[smem:$0x3F9F] =	sst s0  }
0x9: {  	[smem:$0x3FA0] =	sst s1  }
0xa: {  	[smem:$0x3FA1] =	sst s2  }
0xb: {  	[smem:$0x3FA2] =	sst s3  }
0xc: {  	[smem:$0x3FA3] =	sst s4  }
0xd: {  	[smem:$0x3FA4] =	sst s5  }
0xe: {  	[smem:$0x3FA5] =	sst s6  }
0xf: {  	[smem:$0x3FA6] =	sst s7  }
0x10: {  	[smem:$0x3FA7] =	sst s8  }
0x11: {  	[smem:$0x3FA8] =	sst s9;
	s0 =	simm.s32 @!p0 $0x0  }
0x12: {  	s1 =	sld [smem:$0x3F8E];
	s0 =	simm.s32 @p0 $0x1  }
0x13: {  	[smem:$0x3FA9] =	sst s0;
	s0 =	simm.s32 @!p1 $0x0  }
0x14: {  	s2 =	sld [smem:$0x3F8D];
	s0 =	simm.s32 @p1 $0x1  }
0x15: {  	[smem:$0x3FAA] =	sst s0;
	s0 =	simm.s32 @!p2 $0x0  }
0x16: {  	s3 =	sld [smem:$0x3FDB];
	s0 =	simm.s32 @p2 $0x1  }
0x17: {  	s4 =	simm.s32 $0x1BF5;
	[smem:$0x3FAC] =	sst s0  }
0x18: {  	s0 =	sld [smem:$0x3F8F];
	_ =	swait.ge [sflag:s4], $0x0  }
0x19: {  	s7 =	sld [smem:$0x3F90]  }
0x1a: {  	s8 =	sadd.s32 $0xFFFFE003, lr  }
0x1b: {  	s9 =	sadd.s32 $0xFFFFFEF7, lr;
	s5 =	simm.s32 $0xFFFFFFFF;
	p2 =	slt.u32 s8, $0xFFFFF086  }
0x1c: {  	p1 =	slt.u32 s9, $0xF7A;
	s5 =	simm.s32 @!p2 $0x0  }
0x1d: {  	s5 =	simm.s32 @p1 $0x1;
	p0 =	seq.s32 s7, s2  }
0x1e: {  	s7 =	smul.u32 @!p0 $0xF7A, s2;
	p2 =	seq.s32 @!p0 s5, $0x0  }
0x1f: {  	s9 =	smul.u32 $0xF7A, s1;
	s8 =	simm.s32 @!p0 $0x1BF5;
	p2 =	por !p2, p0  }
0x20: {  	[sflag:s8] =	ssyncset.s32 @!p0 $0xFFFFF086;
	s6 =	sadd.s32 @!p0 s3, s7;
	s7 =	simm.s32 @!p0 $0x108  }
0x21: {  	s3 =	sadd.s32 s3, s9;
	s6 =	sadd.s32 @!p0 $0x88, s6;
	s7 =	simm.s32 @p2 $0x1082  }
0x22: {  	[simem:s7], [sflag:s8] =	dma.local @!p0 [hbm:s6], $0xF7A  }
0x23: {  	s9 =	sor.u32 $0xD0000000, s2;
	s6 =	simm.s32 $0x108;
	_ =	swait.ge @!p0 [sflag:s8], $0x0  }
0x24: {  	s3 =	sadd.s32 $0x88, s3;
	s6 =	simm.s32 @!p1 $0x1082;
	[sflag:s4] =	ssyncset.s32 $0xFFFFF086  }
0x25: {  	[simem:s6], [sflag:s4] =	dma.local [hbm:s3], $0xF7A  }
0x26: {  	[smem:$0x3F90] =	sst s1;
	(tag) =	ssettag s2;
	_ =	strace s9  }
0x27: {  	s1 =	sld [smem:$0x3FA0]  }
0x28: {  	s2 =	sld [smem:$0x3FA1]  }
0x29: {  	s4 =	sld [smem:$0x3FA3]  }
0x2a: {  	p0 =	seq.s32 s5, $0x0;
	s5 =	sld [smem:$0x3FA4]  }
0x2b: {  	s6 =	sld [smem:$0x3FA5]  }
0x2c: {  	s7 =	sld [smem:$0x3FA6]  }
0x2d: {  	s3 =	simm.s32 $0x108;
	s8 =	sld [smem:$0x3FA7]  }
0x2e: {  	s3 =	simm.s32 @!p0 $0x1082;
	s9 =	sld [smem:$0x3FA8]  }
0x2f: {  	lr =	sadd.s32 s0, s3;
	s0 =	sld [smem:$0x3F9F]  }
0x30: {  	s3 =	sld [smem:$0x3FA2]  }
0x31: {  	[smem:$0x3FAB] =	sst s10  }
0x32: {  	s10 =	sld [smem:$0x3FA9];
	_ =	sdelay $0x3  }
0x33: {  	p0 =	seq.s32 s10, $0x1;
	s10 =	sld [smem:$0x3FAB];
	_ =	sdelay $0x3  }
0x34: {  	[smem:$0x3FAB] =	sst s10  }
0x35: {  	s10 =	sld [smem:$0x3FAA];
	_ =	sdelay $0x3  }
0x36: {  	p1 =	seq.s32 s10, $0x1;
	s10 =	sld [smem:$0x3FAB];
	_ =	sdelay $0x3  }
0x37: {  	[smem:$0x3FAB] =	sst s10  }
0x38: {  	s10 =	sld [smem:$0x3FAC]  }
0x39: {  	_ = 	snop;
	(pc) =	sbr.ind lr, $3  }
0x3a: {  	_ = 	snop  }
0x3b: {  	_ = 	snop  }
0x3c: {  	p2 =	seq.s32 s10, $0x1;
	s10 =	sld [smem:$0x3FAB]  }
0x3d: {  	_ =	shalt  }
0x3e: {  	_ =	shalt  }
0x3f: {  	_ =	shalt  }
0x40: {  	_ =	shalt  }
0x41: {  	_ =	shalt  }
0x42: {  	_ =	shalt  }
0x43: {  	_ =	shalt  }
0x44: {  	_ =	shalt  }
0x45: {  	_ =	shalt  }
0x46: {  	_ =	shalt  }
0x47: {  	_ =	shalt  }
0x48: {  	_ =	shalt  }
0x49: {  	_ =	shalt  }
0x4a: {  	_ =	shalt  }
0x4b: {  	_ =	shalt  }
0x4c: {  	_ =	shalt  }
0x4d: {  	_ =	shalt  }
0x4e: {  	_ =	shalt  }
0x4f: {  	_ =	shalt  }
0x50: {  	_ =	shalt  }
0x51: {  	_ =	shalt  }
0x52: {  	_ =	shalt  }
0x53: {  	_ =	shalt  }
0x54: {  	_ =	shalt  }
0x55: {  	_ =	shalt  }
0x56: {  	_ =	shalt  }
0x57: {  	_ =	shalt  }
0x58: {  	_ =	shalt  }
0x59: {  	_ =	shalt  }
0x5a: {  	_ =	shalt  }
0x5b: {  	_ =	shalt  }
0x5c: {  	_ =	shalt  }
0x5d: {  	_ =	shalt  }
0x5e: {  	_ =	shalt  }
0x5f: {  	_ =	shalt  }
0x60: {  	_ =	shalt  }
0x61: {  	_ =	shalt  }
0x62: {  	_ =	shalt  }
0x63: {  	_ =	shalt  }
0x64: {  	_ =	shalt  }
0x65: {  	_ =	shalt  }
0x66: {  	_ =	shalt  }
0x67: {  	_ =	shalt  }
0x68: {  	_ =	shalt  }
0x69: {  	_ =	shalt  }
0x6a: {  	_ =	shalt  }
0x6b: {  	_ =	shalt  }
0x6c: {  	_ =	shalt  }
0x6d: {  	_ =	shalt  }
0x6e: {  	_ =	shalt  }
0x6f: {  	_ =	shalt  }
0x70: {  	_ =	shalt  }
0x71: {  	_ =	shalt  }
0x72: {  	_ =	shalt  }
0x73: {  	_ =	shalt  }
0x74: {  	_ =	shalt  }
0x75: {  	_ =	shalt  }
0x76: {  	_ =	shalt  }
0x77: {  	_ =	shalt  }
0x78: {  	_ =	shalt  }
0x79: {  	_ =	shalt  }
0x7a: {  	_ =	shalt  }
0x7b: {  	_ =	shalt  }
0x7c: {  	_ =	shalt  }
0x7d: {  	_ =	shalt  }
0x7e: {  	_ =	shalt  }
0x7f: {  	_ =	shalt  }
0x80: {  	_ =	shalt  }
0x81: {  	_ =	shalt  }
0x82: {  	_ =	shalt  }
0x83: {  	_ =	shalt  }
0x84: {  	_ =	shalt  }
0x85: {  	_ =	shalt  }
0x86: {  	_ =	shalt  }
0x87: {  	_ =	shalt  }
.Lfunc_end0:
.L_simem_size_0:
called_computation.2_lowered:
.L_overlay_start_0:
0x88: {  	s2 =	sld [smem:$0x3FD9]  }
0x89: {  	s3 =	sld [smem:$0x3FFE];
	_ =	sdelay $0x1  }
0x8a: {  	s1 =	srdreg.scid  }
0x8b: {  	s0 =	sand.u32 $0x1, s1  }
0x8c: {  	s17 =	sshll.u32 s0, $0xA;
	s2 =	sadd.s32 s3, s2  }
0x8d: {  	s2 =	sadd.s32 s2, s17  }
0x8e: {  	[smem:$0x3FB7] =	sst s2  }
0x8f: {  	_ = 	snop  }
0x90: {  	(tm) =	ssettm $0x1  }
0x91: {  	s18 =	sld [smem:$0x3FFB];
	_ =	sdelay $0x3  }
0x92: {  	_ =	strace s18  }
0x93: {  	s2 =	sld [smem:$0x3FFC];
	_ =	sdelay $0x3  }
0x94: {  	_ =	strace s2  }
0x95: {  	s2 =	sld [smem:$0x3FFD];
	_ =	sdelay $0x3  }
0x96: {  	_ =	strace s2  }
0x97: {  	_ =	strace $0x8FFFFFFF  }
0x98: {  	s19 =	sld [smem:$0x3FDB];
	_ =	sdelay $0x1  }
0x99: {  	s20 =	simm.s32 $_scs_section_size  }
0x9a: {  	s4 =	simm.s32 $_size__tile_overlayer_lowered;
	s5 =	simm.s32 $_tile_overlayer_lowered  }
0x9b: {  	s6 =	simm.s32 $0x1BFF;
	s21 =	sshll.u32 s5, $0x1;
	s3 =	sadd.s32 s20, s19  }
0x9c: {  	s22 =	simm.s32 $0x0;
	s4 =	sshll.u32 s4, $0x1;
	s5 =	sadd.s32 s21, s3  }
0x9d: {  	[timem:s22], [sflag:s6] =	dma.local [hbm:s5], s4  }
0x9e: {  	_ =	swait.ge [sflag:s6], s4  }
0x9f: {  	s4 =	ssub.s32 $0x0, s4;
	[sflag:s6] =	ssyncset.done $0x0  }
0xa0: {  	[sflag:s6] =	ssyncadd.s32 s4;
	_ =	sdelay $0x1  }
0xa1: {  	s23 =	simm.s32 $0x1B8B  }
0xa2: {  	_ =	swait.ge [sflag:s23], $0x1  }
0xa3: {  	[sflag:s23] =	ssyncset.done $0x0  }
0xa4: {  	[sflag:s23] =	ssyncadd.s32 $0xFFFFFFFF  }
0xa5: {  	s4 =	sld [smem:$0x0]  }
0xa6: {  	s5 =	sand.u32 $0xFFFFFFFE, s1  }
0xa7: {  	p0 =	sne.s32 s1, s5  }
0xa8: {  	s5 =	sshll.u32 @p0 s5, $0xE  }
0xa9: {  	s5 =	sadd.s32 @p0 $0x11B8D, s5;
	s6 =	sshll.u32 @p0 s4, $0x11  }
0xaa: {  	s5 =	sor.u32 @p0 s6, s5  }
0xab: {  	[sflag:s5] =	ssyncadd.remote.s32 @p0 $0x1;
	_ =	sdelay $0x1  }
0xac: {  	s5 =	simm.s32 @p0 $0x1B8D  }
0xad: {  	_ =	swait.eq @p0 [sflag:s5], $0x1  }
0xae: {  	[sflag:s5] =	ssyncadd.s32 @p0 $0xFFFFFFFF  }
0xaf: {  	s6 =	sshll.u32 @!p0 s1, $0xE  }
0xb0: {  	s6 =	sor.u32 @!p0 $0x4000, s6;
	s5 =	simm.s32 @!p0 $0x1B8D  }
0xb1: {  	s4 =	sshll.u32 @!p0 s4, $0x11;
	s6 =	sadd.s32 @!p0 $0x11B8D, s6;
	_ =	swait.eq @!p0 [sflag:s5], $0x1  }
0xb2: {  	s4 =	sor.u32 @!p0 s4, s6;
	[sflag:s5] =	ssyncadd.s32 @!p0 $0xFFFFFFFF  }
0xb3: {  	s25 =	simm.s32 $0x1B8E;
	s24 =	sld [smem:$0x3FFE];
	[sflag:s4] =	ssyncadd.remote.s32 @!p0 $0x1  }
0xb4: {  	s26 =	simm.s32 $execute0_lowered;
	[smem:$0x3FD2] =	sst s25  }
0xb5: {  	s5 =	sshll.u32 s26, $0x1;
	_ =	strace $0x8000004C;
	[dreg:$0x1] =	wrdreg $0xFFFFFFFF  }
0xb6: {  	s28 =	simm.s32 $_size_execute0_lowered;
	s3 =	sadd.s32 s3, s5;
	[dreg:$0x0] =	wrdreg $0x0  }
0xb7: {  	s5 =	sshll.u32 s28, $0x1;
	[dreg:$0x2] =	wrdreg s3  }
0xb8: {  	[dreg:$0x3] =	wrdreg s5  }
0xb9: {  	[dreg:$0x4] =	wrdreg $0xC0  }
0xba: {  	_ =	task [dreg:s22], $0x5FFFF  }
0xbb: {  	[dreg:$0x1] =	wrdreg $0xFFFFFFFF  }
0xbc: {  	[dreg:$0x0] =	wrdreg $0x60  }
0xbd: {  	[dreg:$0x2] =	wrdreg s24  }
0xbe: {  	[dreg:$0x3] =	wrdreg $0xB  }
0xbf: {  	_ =	task.clear_ibuf [dreg:s22], $0x4FFFF;
	_ =	strace $0x9000004C  }
0xc0: {  	s29 =	simm.s32 $0xB;
	_ =	strace $0x8000004E  }
0xc1: {  	_ =	swait.ge [sflag:s29], $0x1  }
0xc2: {  	[sflag:s29] =	ssyncadd.s32 $0xFFFFFFFF  }
0xc3: {  	_ =	strace $0x9000004E  }
0xc4: {  	_ =	sfence  }
0xc5: {  	s30 =	sld [smem:$0x0];
	_ =	sdelay $0x2  }
0xc6: {  	s31 =	sshll.u32 s1, $0xD;
	s1 =	sshrl.u32 s1, $0x2  }
0xc7: {  	s4 =	sand.u32 $0x4000, s31;
	s1 =	sadd.s32 s1, s30  }
0xc8: {  	s0 =	sor.u32 s4, s0;
	s1 =	sshll.u32 s1, $0x11  }
0xc9: {  	s0 =	sor.u32 s1, s0  }
0xca: {  	s0 =	sadd.s32 $0x8F2B, s0  }
0xcb: {  	[sflag:s0] =	ssyncadd.remote.s32 $0x1  }
0xcc: {  	_ =	sfence.sel $0xFFFF  }
0xcd: {  	[dreg:$0x0] =	wrdreg $0xFFFFFFFF;
	(pc) =	sbr.abs _section_cstart, $3  }
0xce: {  	[dreg:$0x1] =	wrdreg $0xFFFFFFFF  }
0xcf: {  	_ =	task.clear_ibuf [dreg:s22], $0x2FFFF;
	_ =	strace $0x9FFFFFFF  }
0xd0: {  	(tm) =	ssettm $0x7FFFFFFF  }
0xd1: {  	_ =	shalt  }
tec
execute0_lowered:
.L_overlay_start_1:
0x0: {  	(tag) =	ssettag $0x1  }
0x1: {  	s0 =	srdreg.scid  }
0x2: {  	s10 =	stileid.u32;
	s6 =	rddreg [dreg:$0x0]  }
0x3: {  	s2 =	simm.s32 $0x0;
	s28 =	simm.s32 $0xDB80;
	s29 =	simm.s32 $0x10D80  }
0x4: {  	s30 =	simm.s32 $0x2;
	s31 =	simm.s32 $0x3;
	s4 =	sadd.s32 $0x18FE00, s6  }
0x5: {  	s0 =	sand.u32 $0x1, s0;
	s5 =	sadd.s32 $0x18BE00, s6;
	s15 =	smul.u32 $0xC800, s10  }
0x6: {  	s1 =	sshll.u32 s10, $0x1;
	s16 =	sadd.s32 $0x650E00, s6;
	s21 =	smul.u32 $0xC80, s10  }
0x7: {  	[smem:$0x7FF] =	sst s2;
	s17 =	sadd.s32 $0x718E00, s6;
	s18 =	smul.u32 $0x6400, s0  }
0x8: {  	s1 =	sor.u32 s0, s1;
	s8 =	ssub.s32 $0x2, s0;
	s0 =	smul.u32 $0x640, s0  }
0x9: {  	_ =	strace $0x8000004D;
	s3 =	smul.u32 $0xD0, s1;
	s9 =	sshrl.u32 s8, $0x1  }
0xa: {  	s1 =	smul.u32 $0x32000, s1;
	s23 =	sadd.s32 s15, s17;
	s24 =	sadd.s32 s15, s16  }
0xb: {  	s8 =	ssub.s32 s8, s9;
	s0 =	sadd.s32 s0, s21;
	s25 =	sadd.s32 s18, s24  }
0xc: {  	s21 =	simm.s32 $0x64;
	s24 =	simm.s32 $0x7780;
	s7 =	sadd.s32 s3, s6  }
0xd: {  	s3 =	sadd.s32 $0x5200, s6;
	s6 =	sadd.s32 $0x7E0E00, s6;
	s1 =	sshrl.u32 s1, $0x3  }
0xe: {  	s0 =	sshll.u32 s0, $0x4;
	[dreg:$0x4] =	wrdreg s25;
	s12 =	sadd.s32 $0x64F400, s7  }
0xf: {  	s25 =	simm.s32 $0x1;
	s13 =	sadd.s32 $0x64DA00, s7;
	[dreg:$0x6] =	wrdreg s12  }
0x10: {  	s7 =	sadd.s32 $0x64C000, s7;
	s14 =	sadd.s32 $0x5780, s1;
	[dreg:$0x7] =	wrdreg s13  }
0x11: {  	s1 =	sadd.s32 $0x5DC0, s1;
	s0 =	sadd.s32 $0x640, s0;
	[dreg:$0x8] =	wrdreg s7  }
0x12: {  	s19 =	sadd.s32 s16, s14;
	s20 =	sadd.s32 s17, s14;
	s7 =	sadd.s32 s6, s14  }
0x13: {  	s12 =	sadd.s32 s16, s1;
	s13 =	sadd.s32 s17, s1;
	s14 =	sadd.s32 s6, s1  }
0x14: {  	s1 =	sadd.s32 s18, s23;
	s26 =	sadd.s32 s0, s16;
	[dreg:$0x9] =	wrdreg s19  }
0x15: {  	s16 =	sadd.s32 s0, s17;
	s17 =	sadd.s32 s0, s6;
	[dreg:$0xa] =	wrdreg s20  }
0x16: {  	s23 =	simm.s32 $0x4580;
	s0 =	simm.s32 $0x0;
	[dreg:$0xb] =	wrdreg s7  }
0x17: {  	s19 =	sadd.s32 s15, s6;
	[dreg:$0x3] =	wrdreg s1;
	s15 =	smax.u32 s8, $0x1  }
0x18: {  	[dreg:$0x5] =	wrdreg s26;
	s20 =	simm.s32 $0xD00;
	s26 =	simm.s32 $0xA980  }
0x19: {  	s1 =	simm.s32 $0x4;
	s22 =	sadd.s32 s18, s19;
	s18 =	simm.s32 $0x5  }
0x1a: {  	s19 =	simm.s32 $0x680;
	[dreg:$0x2] =	wrdreg s22;
	s22 =	simm.s32 $0x1380  }
.LBB2_1:
0x1b: {  	s6 =	rddreg [dreg:$0x6]  }
0x1c: {  	[tilespmem:s2], [sflag:$0x5] =	stream.linear.gather [hbm4b:s6+s2], $0x680, $0x38;
	[tilespmem:$0x13F80] =	vst v63  }
0x1d: {  	_ =	swait.ge [sflag:s18], $0x680  }
0x1e: {  	[sflag:s18] =	ssyncset.done $0x0  }
0x1f: {  	s10 =	rddreg [dreg:$0x7];
	[sflag:s18] =	ssyncadd.s32 $0xFFFFF980  }
0x20: {  	[tilespmem:s19], [sflag:$0x5] =	stream.linear.gather [hbm4b:s10+s2], $0x680, $0x38;
	[tilespmem:$0x13F80] =	vst v63  }
0x21: {  	_ =	swait.ge [sflag:s18], $0x680  }
0x22: {  	[sflag:s18] =	ssyncset.done $0x0  }
0x23: {  	s11 =	rddreg [dreg:$0x8];
	[sflag:s18] =	ssyncadd.s32 $0xFFFFF980  }
0x24: {  	[tilespmem:s20], [sflag:$0x5] =	stream.linear.gather [hbm4b:s11+s2], $0x680, $0x38;
	[tilespmem:$0x13F80] =	vst v63  }
0x25: {  	_ =	swait.ge [sflag:s18], $0x680  }
0x26: {  	[sflag:s18] =	ssyncset.done $0x0  }
0x27: {  	[sflag:s18] =	ssyncadd.s32 $0xFFFFF980  }
0x28: {  	[tilespmem:s22], [sflag:$0x1] =	stream.indirect.gather [hbm4b:s3+s21], $0x80, s2, s21, $0xb8;
	[tilespmem:$0x13F80] =	vst v63  }
0x29: {  	_ = 	snop  }
0x2a: {  	[tilespmem:s23], [sflag:$0x1] =	stream.indirect.gather [hbm4b:s4+s21], $0x80, s19, s21, $0xb8;
	[tilespmem:$0x13F80] =	vst v63  }
0x2b: {  	_ = 	snop  }
0x2c: {  	[tilespmem:s24], [sflag:$0x1] =	stream.indirect.gather [hbm4b:s5+s21], $0x80, s20, s21, $0xb8;
	[tilespmem:$0x13F80] =	vst v63  }
0x2d: {  	_ =	swait.ge [sflag:s25], $0x3200  }
0x2e: {  	[sflag:s25] =	ssyncset.done $0x0  }
0x2f: {  	[sflag:s25] =	ssyncadd.s32 $0xFFFFCE00  }
0x30: {  	_ =	swait.ge [sflag:s25], $0x3200  }
0x31: {  	[sflag:s25] =	ssyncset.done $0x0  }
0x32: {  	[sflag:s25] =	ssyncadd.s32 $0xFFFFCE00  }
0x33: {  	_ =	swait.ge [sflag:s25], $0x3200  }
0x34: {  	p0 =	por $0x1, $0x1;
	[sflag:s25] =	ssyncset.done $0x0  }
0x35: {  	s6 =	simm.s32 @!p0 $0x4;
	[sflag:s25] =	ssyncadd.s32 $0xFFFFCE00  }
0x36: {  	_ =	swait.ge @!p0 [sflag:s6], $0x3200  }
0x37: {  	[sflag:s6] =	ssyncset.done @!p0 $0x0  }
0x38: {  	[sflag:s6] =	ssyncadd.s32 @!p0 $0xFFFFCE00  }
0x39: {  	_ =	swait.ge @!p0 [sflag:s6], $0x3200  }
0x3a: {  	[sflag:s6] =	ssyncset.done @!p0 $0x0  }
0x3b: {  	[sflag:s6] =	ssyncadd.s32 @!p0 $0xFFFFCE00  }
0x3c: {  	_ =	swait.ge @!p0 [sflag:s6], $0x3200  }
0x3d: {  	[sflag:s6] =	ssyncset.done @!p0 $0x0  }
0x3e: {  	s7 =	simm.s32 $0x68;
	[sflag:s6] =	ssyncadd.s32 @!p0 $0xFFFFCE00  }
0x3f: {  	[tilespmem:s26], [sflag:$0x2] =	stream.indirect.gather [hbm4b:s3+s21], $0x80, s7, s21, $0xb8;
	[tilespmem:$0x13F80] =	vst v63  }
0x40: {  	s8 =	simm.s32 $0x6E8  }
0x41: {  	[tilespmem:s28], [sflag:$0x2] =	stream.indirect.gather [hbm4b:s4+s21], $0x80, s8, s21, $0xb8;
	[tilespmem:$0x13F80] =	vst v63  }
0x42: {  	s9 =	simm.s32 $0xD68;
	s7 =	rddreg [dreg:$0x4]  }
0x43: {  	[tilespmem:s29], [sflag:$0x2] =	stream.indirect.gather [hbm4b:s5+s21], $0x80, s9, s21, $0xb8;
	[tilespmem:$0x13F80] =	vst v63  }
0x44: {  	s10 =	sadd.s32 $0x0, s7;
	s8 =	rddreg [dreg:$0x3]  }
0x45: {  	[hbm4b:s10+s2] =	stream.linear.scatter [tilespmem:s22], [sflag:$0x3], $0x3200, $0x38;
	[tilespmem:$0x13F80] =	vst v63  }
0x46: {  	s11 =	rddreg [dreg:$0x2];
	s9 =	sadd.s32 $0x0, s8  }
0x47: {  	[hbm4b:s9+s2] =	stream.linear.scatter [tilespmem:s23], [sflag:$0x3], $0x3200, $0x38;
	[tilespmem:$0x13F80] =	vst v63  }
0x48: {  	s10 =	sadd.s32 $0x0, s11  }
0x49: {  	[hbm4b:s10+s2] =	stream.linear.scatter [tilespmem:s24], [sflag:$0x3], $0x3200, $0x38;
	[tilespmem:$0x13F80] =	vst v63  }
0x4a: {  	_ =	swait.ge [sflag:s30], $0x3200  }
0x4b: {  	[sflag:s30] =	ssyncset.done $0x0  }
0x4c: {  	[sflag:s30] =	ssyncadd.s32 $0xFFFFCE00  }
0x4d: {  	_ =	swait.ge [sflag:s30], $0x3200  }
0x4e: {  	[sflag:s30] =	ssyncset.done $0x0  }
0x4f: {  	[sflag:s30] =	ssyncadd.s32 $0xFFFFCE00  }
0x50: {  	_ =	swait.ge [sflag:s30], $0x3200  }
0x51: {  	[sflag:s30] =	ssyncset.done $0x0  }
0x52: {  	[sflag:s30] =	ssyncadd.s32 $0xFFFFCE00  }
0x53: {  	s11 =	rddreg [dreg:$0x5];
	_ =	swait.ge [sflag:s31], $0x3200  }
0x54: {  	[sflag:s31] =	ssyncset.done $0x0  }
0x55: {  	[sflag:s31] =	ssyncadd.s32 $0xFFFFCE00  }
0x56: {  	_ =	swait.ge [sflag:s31], $0x3200  }
0x57: {  	[sflag:s31] =	ssyncset.done $0x0  }
0x58: {  	[sflag:s31] =	ssyncadd.s32 $0xFFFFCE00  }
0x59: {  	_ =	swait.ge [sflag:s31], $0x3200  }
0x5a: {  	[sflag:s31] =	ssyncset.done $0x0  }
0x5b: {  	s8 =	simm.s32 $0xD0;
	[sflag:s31] =	ssyncadd.s32 $0xFFFFCE00  }
0x5c: {  	[tilespmem:s22], [sflag:$0x1] =	stream.indirect.gather [hbm4b:s3+s21], $0x80, s8, s21, $0xb8;
	[tilespmem:$0x13F80] =	vst v63  }
0x5d: {  	s9 =	simm.s32 $0x750  }
0x5e: {  	[tilespmem:s23], [sflag:$0x1] =	stream.indirect.gather [hbm4b:s4+s21], $0x80, s9, s21, $0xb8;
	[tilespmem:$0x13F80] =	vst v63  }
0x5f: {  	s10 =	simm.s32 $0xDD0  }
0x60: {  	[tilespmem:s24], [sflag:$0x1] =	stream.indirect.gather [hbm4b:s5+s21], $0x80, s10, s21, $0xb8;
	[tilespmem:$0x13F80] =	vst v63  }
0x61: {  	s7 =	simm.s32 $0xC80;
	s6 =	sadd.s32 $0x0, s11  }
0x62: {  	[hbm4b:s6+s2] =	stream.linear.scatter [tilespmem:s26], [sflag:$0x4], $0x3200, $0x38;
	[tilespmem:$0x13F80] =	vst v63  }
0x63: {  	s11 =	sadd.s32 $0x0, s16;
	s8 =	sadd.s32 $0x0, s17;
	s6 =	simm.s32 $0x340  }
0x64: {  	[hbm4b:s11+s2] =	stream.linear.scatter [tilespmem:s28], [sflag:$0x4], $0x3200, $0x38;
	[tilespmem:$0x13F80] =	vst v63  }
.LBB2_2:
0x65: {  	[hbm4b:s8+s2] =	stream.linear.scatter [tilespmem:s29], [sflag:$0x4], $0x3200, $0x38;
	[tilespmem:$0x13F80] =	vst v63  }
0x66: {  	_ =	swait.ge [sflag:s25], $0x3200  }
0x67: {  	[sflag:s25] =	ssyncset.done $0x0  }
0x68: {  	[sflag:s25] =	ssyncadd.s32 $0xFFFFCE00  }
0x69: {  	_ =	swait.ge [sflag:s25], $0x3200  }
0x6a: {  	[sflag:s25] =	ssyncset.done $0x0  }
0x6b: {  	[sflag:s25] =	ssyncadd.s32 $0xFFFFCE00  }
0x6c: {  	s11 =	smov.u32 s6;
	_ =	swait.ge [sflag:s25], $0x3200  }
0x6d: {  	p1 =	seq.s32 s11, $0x0;
	[sflag:s25] =	ssyncset.done $0x0  }
0x6e: {  	s9 =	simm.s32 @!p1 $0x4;
	[sflag:s25] =	ssyncadd.s32 $0xFFFFCE00  }
0x6f: {  	_ =	swait.ge @!p1 [sflag:s9], $0x3200  }
0x70: {  	[sflag:s9] =	ssyncset.done @!p1 $0x0  }
0x71: {  	[sflag:s9] =	ssyncadd.s32 @!p1 $0xFFFFCE00  }
0x72: {  	_ =	swait.ge @!p1 [sflag:s9], $0x3200  }
0x73: {  	[sflag:s9] =	ssyncset.done @!p1 $0x0  }
0x74: {  	[sflag:s9] =	ssyncadd.s32 @!p1 $0xFFFFCE00  }
0x75: {  	_ =	swait.ge @!p1 [sflag:s9], $0x3200  }
0x76: {  	s8 =	sshra.s32 s11, $0x2;
	[sflag:s9] =	ssyncset.done @!p1 $0x0  }
0x77: {  	s10 =	sadd.s32 $0x68, s8;
	[sflag:s9] =	ssyncadd.s32 @!p1 $0xFFFFCE00  }
0x78: {  	[tilespmem:s26], [sflag:$0x2] =	stream.indirect.gather [hbm4b:s3+s21], $0x80, s10, s21, $0xb8;
	[tilespmem:$0x13F80] =	vst v63  }
0x79: {  	s11 =	sadd.s32 $0x6E8, s8  }
0x7a: {  	[tilespmem:s28], [sflag:$0x2] =	stream.indirect.gather [hbm4b:s4+s21], $0x80, s11, s21, $0xb8;
	[tilespmem:$0x13F80] =	vst v63  }
0x7b: {  	s9 =	sadd.s32 $0xD68, s8;
	s10 =	rddreg [dreg:$0x4]  }
0x7c: {  	[tilespmem:s29], [sflag:$0x2] =	stream.indirect.gather [hbm4b:s5+s21], $0x80, s9, s21, $0xb8;
	[tilespmem:$0x13F80] =	vst v63  }
0x7d: {  	s11 =	rddreg [dreg:$0x3];
	s9 =	sadd.s32 s7, s10  }
0x7e: {  	[hbm4b:s9+s2] =	stream.linear.scatter [tilespmem:s22], [sflag:$0x3], $0x3200, $0x38;
	[tilespmem:$0x13F80] =	vst v63  }
0x7f: {  	s11 =	sadd.s32 s7, s11;
	s10 =	rddreg [dreg:$0x2]  }
0x80: {  	[hbm4b:s11+s2] =	stream.linear.scatter [tilespmem:s23], [sflag:$0x3], $0x3200, $0x38;
	[tilespmem:$0x13F80] =	vst v63  }
0x81: {  	s10 =	sadd.s32 s7, s10  }
0x82: {  	[hbm4b:s10+s2] =	stream.linear.scatter [tilespmem:s24], [sflag:$0x3], $0x3200, $0x38;
	[tilespmem:$0x13F80] =	vst v63  }
0x83: {  	_ =	swait.ge [sflag:s30], $0x3200  }
0x84: {  	[sflag:s30] =	ssyncset.done $0x0  }
0x85: {  	[sflag:s30] =	ssyncadd.s32 $0xFFFFCE00  }
0x86: {  	_ =	swait.ge [sflag:s30], $0x3200  }
0x87: {  	[sflag:s30] =	ssyncset.done $0x0  }
0x88: {  	[sflag:s30] =	ssyncadd.s32 $0xFFFFCE00  }
0x89: {  	_ =	swait.ge [sflag:s30], $0x3200  }
0x8a: {  	[sflag:s30] =	ssyncset.done $0x0  }
0x8b: {  	[sflag:s30] =	ssyncadd.s32 $0xFFFFCE00  }
0x8c: {  	s9 =	rddreg [dreg:$0x5];
	_ =	swait.ge [sflag:s31], $0x3200  }
0x8d: {  	[sflag:s31] =	ssyncset.done $0x0  }
0x8e: {  	[sflag:s31] =	ssyncadd.s32 $0xFFFFCE00  }
0x8f: {  	_ =	swait.ge [sflag:s31], $0x3200  }
0x90: {  	[sflag:s31] =	ssyncset.done $0x0  }
0x91: {  	[sflag:s31] =	ssyncadd.s32 $0xFFFFCE00  }
0x92: {  	_ =	swait.ge [sflag:s31], $0x3200  }
0x93: {  	[sflag:s31] =	ssyncset.done $0x0  }
0x94: {  	s11 =	sadd.s32 $0xD0, s8;
	[sflag:s31] =	ssyncadd.s32 $0xFFFFCE00  }
0x95: {  	[tilespmem:s22], [sflag:$0x1] =	stream.indirect.gather [hbm4b:s3+s21], $0x80, s11, s21, $0xb8;
	[tilespmem:$0x13F80] =	vst v63  }
0x96: {  	s6 =	sadd.s32 $0x340, s6;
	s11 =	sadd.s32 $0x750, s8  }
0x97: {  	[tilespmem:s23], [sflag:$0x1] =	stream.indirect.gather [hbm4b:s4+s21], $0x80, s11, s21, $0xb8;
	[tilespmem:$0x13F80] =	vst v63  }
0x98: {  	p0 =	sne.s32 s6, $0x16C0;
	s8 =	sadd.s32 $0xDD0, s8  }
0x99: {  	[tilespmem:s24], [sflag:$0x1] =	stream.indirect.gather [hbm4b:s5+s21], $0x80, s8, s21, $0xb8;
	[tilespmem:$0x13F80] =	vst v63  }
.Ltmp0:
0x9a: {  	_ = 	snop;
	(pc) =	sbr.rel @p0 .LBB2_2-.Ltmp0, $4  }
0x9b: {  	s10 =	sadd.s32 s7, s9  }
0x9c: {  	[hbm4b:s10+s2] =	stream.linear.scatter [tilespmem:s26], [sflag:$0x4], $0x3200, $0x38;
	[tilespmem:$0x13F80] =	vst v63  }
0x9d: {  	s11 =	sadd.s32 s7, s16;
	s8 =	sadd.s32 s7, s17;
	s7 =	sadd.s32 $0xC80, s7  }
0x9e: {  	[hbm4b:s11+s2] =	stream.linear.scatter [tilespmem:s28], [sflag:$0x4], $0x3200, $0x38;
	[tilespmem:$0x13F80] =	vst v63  }
0x9f: {  	[hbm4b:s8+s2] =	stream.linear.scatter [tilespmem:s29], [sflag:$0x4], $0x3200, $0x38;
	[tilespmem:$0x13F80] =	vst v63  }
0xa0: {  	_ =	swait.ge [sflag:s25], $0x3200  }
0xa1: {  	[sflag:s25] =	ssyncset.done $0x0  }
0xa2: {  	[sflag:s25] =	ssyncadd.s32 $0xFFFFCE00  }
0xa3: {  	_ =	swait.ge [sflag:s25], $0x3200  }
0xa4: {  	[sflag:s25] =	ssyncset.done $0x0  }
0xa5: {  	[sflag:s25] =	ssyncadd.s32 $0xFFFFCE00  }
0xa6: {  	_ =	swait.ge [sflag:s25], $0x3200  }
0xa7: {  	[sflag:s25] =	ssyncset.done $0x0  }
0xa8: {  	[sflag:s25] =	ssyncadd.s32 $0xFFFFCE00  }
0xa9: {  	_ =	swait.ge [sflag:s1], $0x3200  }
0xaa: {  	[sflag:s1] =	ssyncset.done $0x0  }
0xab: {  	[sflag:s1] =	ssyncadd.s32 $0xFFFFCE00  }
0xac: {  	_ =	swait.ge [sflag:s1], $0x3200  }
0xad: {  	[sflag:s1] =	ssyncset.done $0x0  }
0xae: {  	[sflag:s1] =	ssyncadd.s32 $0xFFFFCE00  }
0xaf: {  	_ =	swait.ge [sflag:s1], $0x3200  }
0xb0: {  	[sflag:s1] =	ssyncset.done $0x0  }
0xb1: {  	s6 =	simm.s32 $0x618;
	[sflag:s1] =	ssyncadd.s32 $0xFFFFCE00  }
0xb2: {  	[tilespmem:s26], [sflag:$0x2] =	stream.indirect.gather [hbm4b:s3+s21], $0x80, s6, s21, $0xb8;
	[tilespmem:$0x13F80] =	vst v63  }
0xb3: {  	s7 =	simm.s32 $0xC98  }
0xb4: {  	[tilespmem:s28], [sflag:$0x2] =	stream.indirect.gather [hbm4b:s4+s21], $0x80, s7, s21, $0xb8;
	[tilespmem:$0x13F80] =	vst v63  }
0xb5: {  	s8 =	simm.s32 $0x1318  }
0xb6: {  	[tilespmem:s29], [sflag:$0x2] =	stream.indirect.gather [hbm4b:s5+s21], $0x80, s8, s21, $0xb8;
	[tilespmem:$0x13F80] =	vst v63  }
0xb7: {  	s9 =	rddreg [dreg:$0x9]  }
0xb8: {  	[hbm4b:s9+s2] =	stream.linear.scatter [tilespmem:s22], [sflag:$0x3], $0x3200, $0x38;
	[tilespmem:$0x13F80] =	vst v63  }
0xb9: {  	s10 =	rddreg [dreg:$0xa]  }
0xba: {  	[hbm4b:s10+s2] =	stream.linear.scatter [tilespmem:s23], [sflag:$0x3], $0x3200, $0x38;
	[tilespmem:$0x13F80] =	vst v63  }
0xbb: {  	s11 =	rddreg [dreg:$0xb]  }
0xbc: {  	[hbm4b:s11+s2] =	stream.linear.scatter [tilespmem:s24], [sflag:$0x3], $0x3200, $0x38;
	[tilespmem:$0x13F80] =	vst v63  }
0xbd: {  	_ =	swait.ge [sflag:s30], $0x3200  }
0xbe: {  	[sflag:s30] =	ssyncset.done $0x0  }
0xbf: {  	[sflag:s30] =	ssyncadd.s32 $0xFFFFCE00  }
0xc0: {  	_ =	swait.ge [sflag:s30], $0x3200  }
0xc1: {  	[sflag:s30] =	ssyncset.done $0x0  }
0xc2: {  	[sflag:s30] =	ssyncadd.s32 $0xFFFFCE00  }
0xc3: {  	_ =	swait.ge [sflag:s30], $0x3200  }
0xc4: {  	[sflag:s30] =	ssyncset.done $0x0  }
0xc5: {  	[sflag:s30] =	ssyncadd.s32 $0xFFFFCE00  }
0xc6: {  	_ =	swait.ge [sflag:s31], $0x3200  }
0xc7: {  	[sflag:s31] =	ssyncset.done $0x0  }
0xc8: {  	[sflag:s31] =	ssyncadd.s32 $0xFFFFCE00  }
0xc9: {  	_ =	swait.ge [sflag:s31], $0x3200  }
0xca: {  	[sflag:s31] =	ssyncset.done $0x0  }
0xcb: {  	[sflag:s31] =	ssyncadd.s32 $0xFFFFCE00  }
0xcc: {  	_ =	swait.ge [sflag:s31], $0x3200  }
0xcd: {  	[sflag:s31] =	ssyncset.done $0x0  }
0xce: {  	[sflag:s31] =	ssyncadd.s32 $0xFFFFCE00  }
0xcf: {  	[hbm4b:s12+s2] =	stream.linear.scatter [tilespmem:s26], [sflag:$0x4], $0x3200, $0x38;
	[tilespmem:$0x13F80] =	vst v63  }
0xd0: {  	_ = 	snop  }
0xd1: {  	[hbm4b:s13+s2] =	stream.linear.scatter [tilespmem:s28], [sflag:$0x4], $0x3200, $0x38;
	[tilespmem:$0x13F80] =	vst v63  }
0xd2: {  	_ = 	snop  }
0xd3: {  	[hbm4b:s14+s2] =	stream.linear.scatter [tilespmem:s29], [sflag:$0x4], $0x3200, $0x38;
	[tilespmem:$0x13F80] =	vst v63  }
0xd4: {  	_ =	swait.ge [sflag:s1], $0x3200  }
0xd5: {  	[sflag:s1] =	ssyncset.done $0x0  }
0xd6: {  	s0 =	sadd.s32 $0x1, s0;
	[sflag:s1] =	ssyncadd.s32 $0xFFFFCE00  }
0xd7: {  	p0 =	sne.s32 s0, s15;
	_ =	swait.ge [sflag:s1], $0x3200  }
.Ltmp1:
0xd8: {  	[sflag:s1] =	ssyncset.done $0x0;
	(pc) =	sbr.rel @p0 .LBB2_1-.Ltmp1, $4  }
0xd9: {  	[sflag:s1] =	ssyncadd.s32 $0xFFFFCE00  }
0xda: {  	_ =	swait.ge [sflag:s1], $0x3200  }
0xdb: {  	[sflag:s1] =	ssyncset.done $0x0  }
0xdc: {  	[sflag:s1] =	ssyncadd.s32 $0xFFFFCE00  }
0xdd: {  	_ =	sfence.sel $0x180000  }
0xde: {  	[bflag:$0x0] =	sbarrier.arrive $0xFFFF  }
0xdf: {  	_ =	strace $0x9000004D  }
0xe0: {  	s0 =	stileid.u32;
	[bflag:$0x2] =	sbarrier.arrive $0xFFFF  }
0xe1: {  	p0 =	sne.s32 s0, $0x0;
	s0 =	rddreg [dreg:$0x1]  }
0xe2: {  	s0 =	sadd.s32 @!p0 $0x100000, s0  }
0xe3: {  	[sflag:s0] =	ssyncadd.tile.s32 @!p0 $0x1;
	_ =	shalt  }
.Lfunc_end2:
_tile_overlayer_lowered:
.L_overlay_start_2:
0xe4: {  	(tag) =	ssettag $0x2  }
0xe5: {  	s0 =	rddreg [dreg:$0x0];
	s2 =	stileid.u32  }
0xe6: {  	s1 =	rddreg [dreg:$0x1];
	p0 =	sne.s32 s2, $0x0  }
0xe7: {  	s3 =	rddreg [dreg:$0x2];
	[bflag:$0x3] =	sbarrier.arrive $0xFFFF;
	s2 =	simm.s32 @!p0 $0x1C05  }
0xe8: {  	[timem:s3], [sflag:s2] =	dma.local @!p0 [hbm:s0], s1  }
0xe9: {  	s0 =	simm.s32 @!p0 $0x5  }
0xea: {  	_ =	swait.ge @!p0 [sflag:s0], s1  }
0xeb: {  	s1 =	ssub.s32 @!p0 $0x0, s1;
	[sflag:s0] =	ssyncset.done @!p0 $0x0  }
0xec: {  	[sflag:s0] =	ssyncadd.s32 @!p0 s1  }
0xed: {  	[bflag:$0x3] =	sbarrier.arrive $0xFFFF  }
0xee: {  	_ =	shalt  }

// kernel: kernel.19.cloned.1.call-start
scs
__scs_entry_jumppad:
0x0: {  	(pc) =	sbr.rel $0x88, $3  }
0x1: {  	(tag) =	ssettag $0x0;
	lr =	simm.s32 $0x1  }
0x2: {  	[smem:$0x3F90] =	sst lr;
	_ =	strace $0xD0000000  }
0x3: {  	_ = 	snop  }
0x4: {  	_ = 	snop  }
0x5: {  	_ = 	snop  }
0x6: {  	_ = 	snop  }
0x7: {  	_ = 	snop  }
__scs_overlays_trampoline_lowered:
0x8: {  	[smem:$0x3F9F] =	sst s0  }
0x9: {  	[smem:$0x3FA0] =	sst s1  }
0xa: {  	[smem:$0x3FA1] =	sst s2  }
0xb: {  	[smem:$0x3FA2] =	sst s3  }
0xc: {  	[smem:$0x3FA3] =	sst s4  }
0xd: {  	[smem:$0x3FA4] =	sst s5  }
0xe: {  	[smem:$0x3FA5] =	sst s6  }
0xf: {  	[smem:$0x3FA6] =	sst s7  }
0x10: {  	[smem:$0x3FA7] =	sst s8  }
0x11: {  	[smem:$0x3FA8] =	sst s9;
	s0 =	simm.s32 @!p0 $0x0  }
0x12: {  	s1 =	sld [smem:$0x3F8E];
	s0 =	simm.s32 @p0 $0x1  }
0x13: {  	[smem:$0x3FA9] =	sst s0;
	s0 =	simm.s32 @!p1 $0x0  }
0x14: {  	s2 =	sld [smem:$0x3F8D];
	s0 =	simm.s32 @p1 $0x1  }
0x15: {  	[smem:$0x3FAA] =	sst s0;
	s0 =	simm.s32 @!p2 $0x0  }
0x16: {  	s3 =	sld [smem:$0x3FDB];
	s0 =	simm.s32 @p2 $0x1  }
0x17: {  	s4 =	simm.s32 $0x1BF5;
	[smem:$0x3FAC] =	sst s0  }
0x18: {  	s0 =	sld [smem:$0x3F8F];
	_ =	swait.ge [sflag:s4], $0x0  }
0x19: {  	s7 =	sld [smem:$0x3F90]  }
0x1a: {  	s8 =	sadd.s32 $0xFFFFE003, lr  }
0x1b: {  	s9 =	sadd.s32 $0xFFFFFEF7, lr;
	s5 =	simm.s32 $0xFFFFFFFF;
	p2 =	slt.u32 s8, $0xFFFFF086  }
0x1c: {  	p1 =	slt.u32 s9, $0xF7A;
	s5 =	simm.s32 @!p2 $0x0  }
0x1d: {  	s5 =	simm.s32 @p1 $0x1;
	p0 =	seq.s32 s7, s2  }
0x1e: {  	s7 =	smul.u32 @!p0 $0xF7A, s2;
	p2 =	seq.s32 @!p0 s5, $0x0  }
0x1f: {  	s9 =	smul.u32 $0xF7A, s1;
	s8 =	simm.s32 @!p0 $0x1BF5;
	p2 =	por !p2, p0  }
0x20: {  	[sflag:s8] =	ssyncset.s32 @!p0 $0xFFFFF086;
	s6 =	sadd.s32 @!p0 s3, s7;
	s7 =	simm.s32 @!p0 $0x108  }
0x21: {  	s3 =	sadd.s32 s3, s9;
	s6 =	sadd.s32 @!p0 $0x88, s6;
	s7 =	simm.s32 @p2 $0x1082  }
0x22: {  	[simem:s7], [sflag:s8] =	dma.local @!p0 [hbm:s6], $0xF7A  }
0x23: {  	s9 =	sor.u32 $0xD0000000, s2;
	s6 =	simm.s32 $0x108;
	_ =	swait.ge @!p0 [sflag:s8], $0x0  }
0x24: {  	s3 =	sadd.s32 $0x88, s3;
	s6 =	simm.s32 @!p1 $0x1082;
	[sflag:s4] =	ssyncset.s32 $0xFFFFF086  }
0x25: {  	[simem:s6], [sflag:s4] =	dma.local [hbm:s3], $0xF7A  }
0x26: {  	[smem:$0x3F90] =	sst s1;
	(tag) =	ssettag s2;
	_ =	strace s9  }
0x27: {  	s1 =	sld [smem:$0x3FA0]  }
0x28: {  	s2 =	sld [smem:$0x3FA1]  }
0x29: {  	s4 =	sld [smem:$0x3FA3]  }
0x2a: {  	p0 =	seq.s32 s5, $0x0;
	s5 =	sld [smem:$0x3FA4]  }
0x2b: {  	s6 =	sld [smem:$0x3FA5]  }
0x2c: {  	s7 =	sld [smem:$0x3FA6]  }
0x2d: {  	s3 =	simm.s32 $0x108;
	s8 =	sld [smem:$0x3FA7]  }
0x2e: {  	s3 =	simm.s32 @!p0 $0x1082;
	s9 =	sld [smem:$0x3FA8]  }
0x2f: {  	lr =	sadd.s32 s0, s3;
	s0 =	sld [smem:$0x3F9F]  }
0x30: {  	s3 =	sld [smem:$0x3FA2]  }
0x31: {  	[smem:$0x3FAB] =	sst s10  }
0x32: {  	s10 =	sld [smem:$0x3FA9];
	_ =	sdelay $0x3  }
0x33: {  	p0 =	seq.s32 s10, $0x1;
	s10 =	sld [smem:$0x3FAB];
	_ =	sdelay $0x3  }
0x34: {  	[smem:$0x3FAB] =	sst s10  }
0x35: {  	s10 =	sld [smem:$0x3FAA];
	_ =	sdelay $0x3  }
0x36: {  	p1 =	seq.s32 s10, $0x1;
	s10 =	sld [smem:$0x3FAB];
	_ =	sdelay $0x3  }
0x37: {  	[smem:$0x3FAB] =	sst s10  }
0x38: {  	s10 =	sld [smem:$0x3FAC]  }
0x39: {  	_ = 	snop;
	(pc) =	sbr.ind lr, $3  }
0x3a: {  	_ = 	snop  }
0x3b: {  	_ = 	snop  }
0x3c: {  	p2 =	seq.s32 s10, $0x1;
	s10 =	sld [smem:$0x3FAB]  }
0x3d: {  	_ =	shalt  }
0x3e: {  	_ =	shalt  }
0x3f: {  	_ =	shalt  }
0x40: {  	_ =	shalt  }
0x41: {  	_ =	shalt  }
0x42: {  	_ =	shalt  }
0x43: {  	_ =	shalt  }
0x44: {  	_ =	shalt  }
0x45: {  	_ =	shalt  }
0x46: {  	_ =	shalt  }
0x47: {  	_ =	shalt  }
0x48: {  	_ =	shalt  }
0x49: {  	_ =	shalt  }
0x4a: {  	_ =	shalt  }
0x4b: {  	_ =	shalt  }
0x4c: {  	_ =	shalt  }
0x4d: {  	_ =	shalt  }
0x4e: {  	_ =	shalt  }
0x4f: {  	_ =	shalt  }
0x50: {  	_ =	shalt  }
0x51: {  	_ =	shalt  }
0x52: {  	_ =	shalt  }
0x53: {  	_ =	shalt  }
0x54: {  	_ =	shalt  }
0x55: {  	_ =	shalt  }
0x56: {  	_ =	shalt  }
0x57: {  	_ =	shalt  }
0x58: {  	_ =	shalt  }
0x59: {  	_ =	shalt  }
0x5a: {  	_ =	shalt  }
0x5b: {  	_ =	shalt  }
0x5c: {  	_ =	shalt  }
0x5d: {  	_ =	shalt  }
0x5e: {  	_ =	shalt  }
0x5f: {  	_ =	shalt  }
0x60: {  	_ =	shalt  }
0x61: {  	_ =	shalt  }
0x62: {  	_ =	shalt  }
0x63: {  	_ =	shalt  }
0x64: {  	_ =	shalt  }
0x65: {  	_ =	shalt  }
0x66: {  	_ =	shalt  }
0x67: {  	_ =	shalt  }
0x68: {  	_ =	shalt  }
0x69: {  	_ =	shalt  }
0x6a: {  	_ =	shalt  }
0x6b: {  	_ =	shalt  }
0x6c: {  	_ =	shalt  }
0x6d: {  	_ =	shalt  }
0x6e: {  	_ =	shalt  }
0x6f: {  	_ =	shalt  }
0x70: {  	_ =	shalt  }
0x71: {  	_ =	shalt  }
0x72: {  	_ =	shalt  }
0x73: {  	_ =	shalt  }
0x74: {  	_ =	shalt  }
0x75: {  	_ =	shalt  }
0x76: {  	_ =	shalt  }
0x77: {  	_ =	shalt  }
0x78: {  	_ =	shalt  }
0x79: {  	_ =	shalt  }
0x7a: {  	_ =	shalt  }
0x7b: {  	_ =	shalt  }
0x7c: {  	_ =	shalt  }
0x7d: {  	_ =	shalt  }
0x7e: {  	_ =	shalt  }
0x7f: {  	_ =	shalt  }
0x80: {  	_ =	shalt  }
0x81: {  	_ =	shalt  }
0x82: {  	_ =	shalt  }
0x83: {  	_ =	shalt  }
0x84: {  	_ =	shalt  }
0x85: {  	_ =	shalt  }
0x86: {  	_ =	shalt  }
0x87: {  	_ =	shalt  }
.Lfunc_end0:
.L_simem_size_0:
called_computation.3_lowered:
.L_overlay_start_0:
0x88: {  	s2 =	sld [smem:$0x3FD9]  }
0x89: {  	s3 =	sld [smem:$0x3FFE];
	_ =	sdelay $0x1  }
0x8a: {  	s1 =	srdreg.scid  }
0x8b: {  	s0 =	sand.u32 $0x1, s1  }
0x8c: {  	s17 =	sshll.u32 s0, $0xA;
	s2 =	sadd.s32 s3, s2  }
0x8d: {  	s2 =	sadd.s32 s2, s17  }
0x8e: {  	[smem:$0x3FB7] =	sst s2  }
0x8f: {  	_ = 	snop  }
0x90: {  	(tm) =	ssettm $0x1  }
0x91: {  	s18 =	sld [smem:$0x3FFB];
	_ =	sdelay $0x3  }
0x92: {  	_ =	strace s18  }
0x93: {  	s2 =	sld [smem:$0x3FFC];
	_ =	sdelay $0x3  }
0x94: {  	_ =	strace s2  }
0x95: {  	s2 =	sld [smem:$0x3FFD];
	_ =	sdelay $0x3  }
0x96: {  	_ =	strace s2  }
0x97: {  	_ =	strace $0x8FFFFFFF  }
0x98: {  	s19 =	sld [smem:$0x3FDB];
	_ =	sdelay $0x1  }
0x99: {  	s20 =	simm.s32 $_scs_section_size  }
0x9a: {  	s4 =	simm.s32 $_size__tile_overlayer_lowered;
	s5 =	simm.s32 $_tile_overlayer_lowered  }
0x9b: {  	s6 =	simm.s32 $0x1BFF;
	s21 =	sshll.u32 s5, $0x1;
	s3 =	sadd.s32 s20, s19  }
0x9c: {  	s22 =	simm.s32 $0x0;
	s4 =	sshll.u32 s4, $0x1;
	s5 =	sadd.s32 s21, s3  }
0x9d: {  	[timem:s22], [sflag:s6] =	dma.local [hbm:s5], s4  }
0x9e: {  	_ =	swait.ge [sflag:s6], s4  }
0x9f: {  	s4 =	ssub.s32 $0x0, s4;
	[sflag:s6] =	ssyncset.done $0x0  }
0xa0: {  	[sflag:s6] =	ssyncadd.s32 s4;
	_ =	sdelay $0x1  }
0xa1: {  	s23 =	simm.s32 $0x1B8B  }
0xa2: {  	_ =	swait.ge [sflag:s23], $0x1  }
0xa3: {  	[sflag:s23] =	ssyncset.done $0x0  }
0xa4: {  	[sflag:s23] =	ssyncadd.s32 $0xFFFFFFFF  }
0xa5: {  	s4 =	sld [smem:$0x0]  }
0xa6: {  	s5 =	sand.u32 $0xFFFFFFFE, s1  }
0xa7: {  	p0 =	sne.s32 s1, s5  }
0xa8: {  	s5 =	sshll.u32 @p0 s5, $0xE  }
0xa9: {  	s5 =	sadd.s32 @p0 $0x11B8D, s5;
	s6 =	sshll.u32 @p0 s4, $0x11  }
0xaa: {  	s5 =	sor.u32 @p0 s6, s5  }
0xab: {  	[sflag:s5] =	ssyncadd.remote.s32 @p0 $0x1;
	_ =	sdelay $0x1  }
0xac: {  	s5 =	simm.s32 @p0 $0x1B8D  }
0xad: {  	_ =	swait.eq @p0 [sflag:s5], $0x1  }
0xae: {  	[sflag:s5] =	ssyncadd.s32 @p0 $0xFFFFFFFF  }
0xaf: {  	s6 =	sshll.u32 @!p0 s1, $0xE  }
0xb0: {  	s6 =	sor.u32 @!p0 $0x4000, s6;
	s5 =	simm.s32 @!p0 $0x1B8D  }
0xb1: {  	s4 =	sshll.u32 @!p0 s4, $0x11;
	s6 =	sadd.s32 @!p0 $0x11B8D, s6;
	_ =	swait.eq @!p0 [sflag:s5], $0x1  }
0xb2: {  	s4 =	sor.u32 @!p0 s4, s6;
	[sflag:s5] =	ssyncadd.s32 @!p0 $0xFFFFFFFF  }
0xb3: {  	s25 =	simm.s32 $0x1B8E;
	s24 =	sld [smem:$0x3FFE];
	[sflag:s4] =	ssyncadd.remote.s32 @!p0 $0x1  }
0xb4: {  	s26 =	simm.s32 $execute0_lowered;
	[smem:$0x3FD2] =	sst s25  }
0xb5: {  	s5 =	sshll.u32 s26, $0x1;
	_ =	strace $0x8000004F;
	[dreg:$0x1] =	wrdreg $0xFFFFFFFF  }
0xb6: {  	s28 =	simm.s32 $_size_execute0_lowered;
	s3 =	sadd.s32 s3, s5;
	[dreg:$0x0] =	wrdreg $0x0  }
0xb7: {  	s5 =	sshll.u32 s28, $0x1;
	[dreg:$0x2] =	wrdreg s3  }
0xb8: {  	[dreg:$0x3] =	wrdreg s5  }
0xb9: {  	[dreg:$0x4] =	wrdreg $0xC0  }
0xba: {  	_ =	task [dreg:s22], $0x5FFFF  }
0xbb: {  	[dreg:$0x1] =	wrdreg $0xFFFFFFFF  }
0xbc: {  	[dreg:$0x0] =	wrdreg $0x60  }
0xbd: {  	[dreg:$0x2] =	wrdreg s24  }
0xbe: {  	[dreg:$0x3] =	wrdreg $0xC  }
0xbf: {  	_ =	task.clear_ibuf [dreg:s22], $0x4FFFF;
	_ =	strace $0x9000004F  }
0xc0: {  	s29 =	simm.s32 $0xC;
	_ =	strace $0x80000051  }
0xc1: {  	_ =	swait.ge [sflag:s29], $0x1  }
0xc2: {  	[sflag:s29] =	ssyncadd.s32 $0xFFFFFFFF  }
0xc3: {  	_ =	strace $0x90000051  }
0xc4: {  	_ =	sfence  }
0xc5: {  	s30 =	sld [smem:$0x0];
	_ =	sdelay $0x2  }
0xc6: {  	s31 =	sshll.u32 s1, $0xD;
	s1 =	sshrl.u32 s1, $0x2  }
0xc7: {  	s4 =	sand.u32 $0x4000, s31;
	s1 =	sadd.s32 s1, s30  }
0xc8: {  	s0 =	sor.u32 s4, s0;
	s1 =	sshll.u32 s1, $0x11  }
0xc9: {  	s0 =	sor.u32 s1, s0  }
0xca: {  	s0 =	sadd.s32 $0x8F2B, s0  }
0xcb: {  	[sflag:s0] =	ssyncadd.remote.s32 $0x1  }
0xcc: {  	_ =	sfence.sel $0xFFFF  }
0xcd: {  	[dreg:$0x0] =	wrdreg $0xFFFFFFFF;
	(pc) =	sbr.abs _section_cstart, $3  }
0xce: {  	[dreg:$0x1] =	wrdreg $0xFFFFFFFF  }
0xcf: {  	_ =	task.clear_ibuf [dreg:s22], $0x2FFFF;
	_ =	strace $0x9FFFFFFF  }
0xd0: {  	(tm) =	ssettm $0x7FFFFFFF  }
0xd1: {  	_ =	shalt  }
tec
execute0_lowered:
.L_overlay_start_1:
0x0: {  	(tag) =	ssettag $0x1  }
0x1: {  	s0 =	srdreg.scid  }
0x2: {  	s10 =	stileid.u32;
	s6 =	rddreg [dreg:$0x0]  }
0x3: {  	s2 =	simm.s32 $0x0;
	s28 =	simm.s32 $0xDB80;
	s29 =	simm.s32 $0x10D80  }
0x4: {  	s30 =	simm.s32 $0x2;
	s31 =	simm.s32 $0x3;
	s4 =	sadd.s32 $0x18FE00, s6  }
0x5: {  	s0 =	sand.u32 $0x1, s0;
	s5 =	sadd.s32 $0x18BE00, s6;
	s15 =	smul.u32 $0xC800, s10  }
0x6: {  	s1 =	sshll.u32 s10, $0x1;
	s16 =	sadd.s32 $0x8ADC00, s6;
	s21 =	smul.u32 $0xC80, s10  }
0x7: {  	[smem:$0x7FF] =	sst s2;
	s17 =	sadd.s32 $0x975C00, s6;
	s18 =	smul.u32 $0x6400, s0  }
0x8: {  	s1 =	sor.u32 s0, s1;
	s8 =	ssub.s32 $0x2, s0;
	s0 =	smul.u32 $0x640, s0  }
0x9: {  	_ =	strace $0x80000050;
	s3 =	smul.u32 $0xD0, s1;
	s9 =	sshrl.u32 s8, $0x1  }
0xa: {  	s1 =	smul.u32 $0x32000, s1;
	s23 =	sadd.s32 s15, s17;
	s24 =	sadd.s32 s15, s16  }
0xb: {  	s8 =	ssub.s32 s8, s9;
	s0 =	sadd.s32 s0, s21;
	s25 =	sadd.s32 s18, s24  }
0xc: {  	s21 =	simm.s32 $0x64;
	s24 =	simm.s32 $0x7780;
	s7 =	sadd.s32 s3, s6  }
0xd: {  	s3 =	sadd.s32 $0x5200, s6;
	s6 =	sadd.s32 $0xA3DC00, s6;
	s1 =	sshrl.u32 s1, $0x3  }
0xe: {  	s0 =	sshll.u32 s0, $0x4;
	[dreg:$0x4] =	wrdreg s25;
	s12 =	sadd.s32 $0x8AC200, s7  }
0xf: {  	s25 =	simm.s32 $0x1;
	s13 =	sadd.s32 $0x8AA800, s7;
	[dreg:$0x6] =	wrdreg s12  }
0x10: {  	s7 =	sadd.s32 $0x8A8E00, s7;
	s14 =	sadd.s32 $0x5780, s1;
	[dreg:$0x7] =	wrdreg s13  }
0x11: {  	s1 =	sadd.s32 $0x5DC0, s1;
	s0 =	sadd.s32 $0x640, s0;
	[dreg:$0x8] =	wrdreg s7  }
0x12: {  	s19 =	sadd.s32 s16, s14;
	s20 =	sadd.s32 s17, s14;
	s7 =	sadd.s32 s6, s14  }
0x13: {  	s12 =	sadd.s32 s16, s1;
	s13 =	sadd.s32 s17, s1;
	s14 =	sadd.s32 s6, s1  }
0x14: {  	s1 =	sadd.s32 s18, s23;
	s26 =	sadd.s32 s0, s16;
	[dreg:$0x9] =	wrdreg s19  }
0x15: {  	s16 =	sadd.s32 s0, s17;
	s17 =	sadd.s32 s0, s6;
	[dreg:$0xa] =	wrdreg s20  }
0x16: {  	s23 =	simm.s32 $0x4580;
	s0 =	simm.s32 $0x0;
	[dreg:$0xb] =	wrdreg s7  }
0x17: {  	s19 =	sadd.s32 s15, s6;
	[dreg:$0x3] =	wrdreg s1;
	s15 =	smax.u32 s8, $0x1  }
0x18: {  	[dreg:$0x5] =	wrdreg s26;
	s20 =	simm.s32 $0xD00;
	s26 =	simm.s32 $0xA980  }
0x19: {  	s1 =	simm.s32 $0x4;
	s22 =	sadd.s32 s18, s19;
	s18 =	simm.s32 $0x5  }
0x1a: {  	s19 =	simm.s32 $0x680;
	[dreg:$0x2] =	wrdreg s22;
	s22 =	simm.s32 $0x1380  }
.LBB2_1:
0x1b: {  	s6 =	rddreg [dreg:$0x6]  }
0x1c: {  	[tilespmem:s2], [sflag:$0x5] =	stream.linear.gather [hbm4b:s6+s2], $0x680, $0x38;
	[tilespmem:$0x13F80] =	vst v63  }
0x1d: {  	_ =	swait.ge [sflag:s18], $0x680  }
0x1e: {  	[sflag:s18] =	ssyncset.done $0x0  }
0x1f: {  	s10 =	rddreg [dreg:$0x7];
	[sflag:s18] =	ssyncadd.s32 $0xFFFFF980  }
0x20: {  	[tilespmem:s19], [sflag:$0x5] =	stream.linear.gather [hbm4b:s10+s2], $0x680, $0x38;
	[tilespmem:$0x13F80] =	vst v63  }
0x21: {  	_ =	swait.ge [sflag:s18], $0x680  }
0x22: {  	[sflag:s18] =	ssyncset.done $0x0  }
0x23: {  	s11 =	rddreg [dreg:$0x8];
	[sflag:s18] =	ssyncadd.s32 $0xFFFFF980  }
0x24: {  	[tilespmem:s20], [sflag:$0x5] =	stream.linear.gather [hbm4b:s11+s2], $0x680, $0x38;
	[tilespmem:$0x13F80] =	vst v63  }
0x25: {  	_ =	swait.ge [sflag:s18], $0x680  }
0x26: {  	[sflag:s18] =	ssyncset.done $0x0  }
0x27: {  	[sflag:s18] =	ssyncadd.s32 $0xFFFFF980  }
0x28: {  	[tilespmem:s22], [sflag:$0x1] =	stream.indirect.gather [hbm4b:s3+s21], $0x80, s2, s21, $0xb8;
	[tilespmem:$0x13F80] =	vst v63  }
0x29: {  	_ = 	snop  }
0x2a: {  	[tilespmem:s23], [sflag:$0x1] =	stream.indirect.gather [hbm4b:s4+s21], $0x80, s19, s21, $0xb8;
	[tilespmem:$0x13F80] =	vst v63  }
0x2b: {  	_ = 	snop  }
0x2c: {  	[tilespmem:s24], [sflag:$0x1] =	stream.indirect.gather [hbm4b:s5+s21], $0x80, s20, s21, $0xb8;
	[tilespmem:$0x13F80] =	vst v63  }
0x2d: {  	_ =	swait.ge [sflag:s25], $0x3200  }
0x2e: {  	[sflag:s25] =	ssyncset.done $0x0  }
0x2f: {  	[sflag:s25] =	ssyncadd.s32 $0xFFFFCE00  }
0x30: {  	_ =	swait.ge [sflag:s25], $0x3200  }
0x31: {  	[sflag:s25] =	ssyncset.done $0x0  }
0x32: {  	[sflag:s25] =	ssyncadd.s32 $0xFFFFCE00  }
0x33: {  	_ =	swait.ge [sflag:s25], $0x3200  }
0x34: {  	p0 =	por $0x1, $0x1;
	[sflag:s25] =	ssyncset.done $0x0  }
0x35: {  	s6 =	simm.s32 @!p0 $0x4;
	[sflag:s25] =	ssyncadd.s32 $0xFFFFCE00  }
0x36: {  	_ =	swait.ge @!p0 [sflag:s6], $0x3200  }
0x37: {  	[sflag:s6] =	ssyncset.done @!p0 $0x0  }
0x38: {  	[sflag:s6] =	ssyncadd.s32 @!p0 $0xFFFFCE00  }
0x39: {  	_ =	swait.ge @!p0 [sflag:s6], $0x3200  }
0x3a: {  	[sflag:s6] =	ssyncset.done @!p0 $0x0  }
0x3b: {  	[sflag:s6] =	ssyncadd.s32 @!p0 $0xFFFFCE00  }
0x3c: {  	_ =	swait.ge @!p0 [sflag:s6], $0x3200  }
0x3d: {  	[sflag:s6] =	ssyncset.done @!p0 $0x0  }
0x3e: {  	s7 =	simm.s32 $0x68;
	[sflag:s6] =	ssyncadd.s32 @!p0 $0xFFFFCE00  }
0x3f: {  	[tilespmem:s26], [sflag:$0x2] =	stream.indirect.gather [hbm4b:s3+s21], $0x80, s7, s21, $0xb8;
	[tilespmem:$0x13F80] =	vst v63  }
0x40: {  	s8 =	simm.s32 $0x6E8  }
0x41: {  	[tilespmem:s28], [sflag:$0x2] =	stream.indirect.gather [hbm4b:s4+s21], $0x80, s8, s21, $0xb8;
	[tilespmem:$0x13F80] =	vst v63  }
0x42: {  	s9 =	simm.s32 $0xD68;
	s7 =	rddreg [dreg:$0x4]  }
0x43: {  	[tilespmem:s29], [sflag:$0x2] =	stream.indirect.gather [hbm4b:s5+s21], $0x80, s9, s21, $0xb8;
	[tilespmem:$0x13F80] =	vst v63  }
0x44: {  	s10 =	sadd.s32 $0x0, s7;
	s8 =	rddreg [dreg:$0x3]  }
0x45: {  	[hbm4b:s10+s2] =	stream.linear.scatter [tilespmem:s22], [sflag:$0x3], $0x3200, $0x38;
	[tilespmem:$0x13F80] =	vst v63  }
0x46: {  	s11 =	rddreg [dreg:$0x2];
	s9 =	sadd.s32 $0x0, s8  }
0x47: {  	[hbm4b:s9+s2] =	stream.linear.scatter [tilespmem:s23], [sflag:$0x3], $0x3200, $0x38;
	[tilespmem:$0x13F80] =	vst v63  }
0x48: {  	s10 =	sadd.s32 $0x0, s11  }
0x49: {  	[hbm4b:s10+s2] =	stream.linear.scatter [tilespmem:s24], [sflag:$0x3], $0x3200, $0x38;
	[tilespmem:$0x13F80] =	vst v63  }
0x4a: {  	_ =	swait.ge [sflag:s30], $0x3200  }
0x4b: {  	[sflag:s30] =	ssyncset.done $0x0  }
0x4c: {  	[sflag:s30] =	ssyncadd.s32 $0xFFFFCE00  }
0x4d: {  	_ =	swait.ge [sflag:s30], $0x3200  }
0x4e: {  	[sflag:s30] =	ssyncset.done $0x0  }
0x4f: {  	[sflag:s30] =	ssyncadd.s32 $0xFFFFCE00  }
0x50: {  	_ =	swait.ge [sflag:s30], $0x3200  }
0x51: {  	[sflag:s30] =	ssyncset.done $0x0  }
0x52: {  	[sflag:s30] =	ssyncadd.s32 $0xFFFFCE00  }
0x53: {  	s11 =	rddreg [dreg:$0x5];
	_ =	swait.ge [sflag:s31], $0x3200  }
0x54: {  	[sflag:s31] =	ssyncset.done $0x0  }
0x55: {  	[sflag:s31] =	ssyncadd.s32 $0xFFFFCE00  }
0x56: {  	_ =	swait.ge [sflag:s31], $0x3200  }
0x57: {  	[sflag:s31] =	ssyncset.done $0x0  }
0x58: {  	[sflag:s31] =	ssyncadd.s32 $0xFFFFCE00  }
0x59: {  	_ =	swait.ge [sflag:s31], $0x3200  }
0x5a: {  	[sflag:s31] =	ssyncset.done $0x0  }
0x5b: {  	s8 =	simm.s32 $0xD0;
	[sflag:s31] =	ssyncadd.s32 $0xFFFFCE00  }
0x5c: {  	[tilespmem:s22], [sflag:$0x1] =	stream.indirect.gather [hbm4b:s3+s21], $0x80, s8, s21, $0xb8;
	[tilespmem:$0x13F80] =	vst v63  }
0x5d: {  	s9 =	simm.s32 $0x750  }
0x5e: {  	[tilespmem:s23], [sflag:$0x1] =	stream.indirect.gather [hbm4b:s4+s21], $0x80, s9, s21, $0xb8;
	[tilespmem:$0x13F80] =	vst v63  }
0x5f: {  	s10 =	simm.s32 $0xDD0  }
0x60: {  	[tilespmem:s24], [sflag:$0x1] =	stream.indirect.gather [hbm4b:s5+s21], $0x80, s10, s21, $0xb8;
	[tilespmem:$0x13F80] =	vst v63  }
0x61: {  	s7 =	simm.s32 $0xC80;
	s6 =	sadd.s32 $0x0, s11  }
0x62: {  	[hbm4b:s6+s2] =	stream.linear.scatter [tilespmem:s26], [sflag:$0x4], $0x3200, $0x38;
	[tilespmem:$0x13F80] =	vst v63  }
0x63: {  	s11 =	sadd.s32 $0x0, s16;
	s8 =	sadd.s32 $0x0, s17;
	s6 =	simm.s32 $0x340  }
0x64: {  	[hbm4b:s11+s2] =	stream.linear.scatter [tilespmem:s28], [sflag:$0x4], $0x3200, $0x38;
	[tilespmem:$0x13F80] =	vst v63  }
.LBB2_2:
0x65: {  	[hbm4b:s8+s2] =	stream.linear.scatter [tilespmem:s29], [sflag:$0x4], $0x3200, $0x38;
	[tilespmem:$0x13F80] =	vst v63  }
0x66: {  	_ =	swait.ge [sflag:s25], $0x3200  }
0x67: {  	[sflag:s25] =	ssyncset.done $0x0  }
0x68: {  	[sflag:s25] =	ssyncadd.s32 $0xFFFFCE00  }
0x69: {  	_ =	swait.ge [sflag:s25], $0x3200  }
0x6a: {  	[sflag:s25] =	ssyncset.done $0x0  }
0x6b: {  	[sflag:s25] =	ssyncadd.s32 $0xFFFFCE00  }
0x6c: {  	s11 =	smov.u32 s6;
	_ =	swait.ge [sflag:s25], $0x3200  }
0x6d: {  	p1 =	seq.s32 s11, $0x0;
	[sflag:s25] =	ssyncset.done $0x0  }
0x6e: {  	s9 =	simm.s32 @!p1 $0x4;
	[sflag:s25] =	ssyncadd.s32 $0xFFFFCE00  }
0x6f: {  	_ =	swait.ge @!p1 [sflag:s9], $0x3200  }
0x70: {  	[sflag:s9] =	ssyncset.done @!p1 $0x0  }
0x71: {  	[sflag:s9] =	ssyncadd.s32 @!p1 $0xFFFFCE00  }
0x72: {  	_ =	swait.ge @!p1 [sflag:s9], $0x3200  }
0x73: {  	[sflag:s9] =	ssyncset.done @!p1 $0x0  }
0x74: {  	[sflag:s9] =	ssyncadd.s32 @!p1 $0xFFFFCE00  }
0x75: {  	_ =	swait.ge @!p1 [sflag:s9], $0x3200  }
0x76: {  	s8 =	sshra.s32 s11, $0x2;
	[sflag:s9] =	ssyncset.done @!p1 $0x0  }
0x77: {  	s10 =	sadd.s32 $0x68, s8;
	[sflag:s9] =	ssyncadd.s32 @!p1 $0xFFFFCE00  }
0x78: {  	[tilespmem:s26], [sflag:$0x2] =	stream.indirect.gather [hbm4b:s3+s21], $0x80, s10, s21, $0xb8;
	[tilespmem:$0x13F80] =	vst v63  }
0x79: {  	s11 =	sadd.s32 $0x6E8, s8  }
0x7a: {  	[tilespmem:s28], [sflag:$0x2] =	stream.indirect.gather [hbm4b:s4+s21], $0x80, s11, s21, $0xb8;
	[tilespmem:$0x13F80] =	vst v63  }
0x7b: {  	s9 =	sadd.s32 $0xD68, s8;
	s10 =	rddreg [dreg:$0x4]  }
0x7c: {  	[tilespmem:s29], [sflag:$0x2] =	stream.indirect.gather [hbm4b:s5+s21], $0x80, s9, s21, $0xb8;
	[tilespmem:$0x13F80] =	vst v63  }
0x7d: {  	s11 =	rddreg [dreg:$0x3];
	s9 =	sadd.s32 s7, s10  }
0x7e: {  	[hbm4b:s9+s2] =	stream.linear.scatter [tilespmem:s22], [sflag:$0x3], $0x3200, $0x38;
	[tilespmem:$0x13F80] =	vst v63  }
0x7f: {  	s11 =	sadd.s32 s7, s11;
	s10 =	rddreg [dreg:$0x2]  }
0x80: {  	[hbm4b:s11+s2] =	stream.linear.scatter [tilespmem:s23], [sflag:$0x3], $0x3200, $0x38;
	[tilespmem:$0x13F80] =	vst v63  }
0x81: {  	s10 =	sadd.s32 s7, s10  }
0x82: {  	[hbm4b:s10+s2] =	stream.linear.scatter [tilespmem:s24], [sflag:$0x3], $0x3200, $0x38;
	[tilespmem:$0x13F80] =	vst v63  }
0x83: {  	_ =	swait.ge [sflag:s30], $0x3200  }
0x84: {  	[sflag:s30] =	ssyncset.done $0x0  }
0x85: {  	[sflag:s30] =	ssyncadd.s32 $0xFFFFCE00  }
0x86: {  	_ =	swait.ge [sflag:s30], $0x3200  }
0x87: {  	[sflag:s30] =	ssyncset.done $0x0  }
0x88: {  	[sflag:s30] =	ssyncadd.s32 $0xFFFFCE00  }
0x89: {  	_ =	swait.ge [sflag:s30], $0x3200  }
0x8a: {  	[sflag:s30] =	ssyncset.done $0x0  }
0x8b: {  	[sflag:s30] =	ssyncadd.s32 $0xFFFFCE00  }
0x8c: {  	s9 =	rddreg [dreg:$0x5];
	_ =	swait.ge [sflag:s31], $0x3200  }
0x8d: {  	[sflag:s31] =	ssyncset.done $0x0  }
0x8e: {  	[sflag:s31] =	ssyncadd.s32 $0xFFFFCE00  }
0x8f: {  	_ =	swait.ge [sflag:s31], $0x3200  }
0x90: {  	[sflag:s31] =	ssyncset.done $0x0  }
0x91: {  	[sflag:s31] =	ssyncadd.s32 $0xFFFFCE00  }
0x92: {  	_ =	swait.ge [sflag:s31], $0x3200  }
0x93: {  	[sflag:s31] =	ssyncset.done $0x0  }
0x94: {  	s11 =	sadd.s32 $0xD0, s8;
	[sflag:s31] =	ssyncadd.s32 $0xFFFFCE00  }
0x95: {  	[tilespmem:s22], [sflag:$0x1] =	stream.indirect.gather [hbm4b:s3+s21], $0x80, s11, s21, $0xb8;
	[tilespmem:$0x13F80] =	vst v63  }
0x96: {  	s6 =	sadd.s32 $0x340, s6;
	s11 =	sadd.s32 $0x750, s8  }
0x97: {  	[tilespmem:s23], [sflag:$0x1] =	stream.indirect.gather [hbm4b:s4+s21], $0x80, s11, s21, $0xb8;
	[tilespmem:$0x13F80] =	vst v63  }
0x98: {  	p0 =	sne.s32 s6, $0x16C0;
	s8 =	sadd.s32 $0xDD0, s8  }
0x99: {  	[tilespmem:s24], [sflag:$0x1] =	stream.indirect.gather [hbm4b:s5+s21], $0x80, s8, s21, $0xb8;
	[tilespmem:$0x13F80] =	vst v63  }
.Ltmp0:
0x9a: {  	_ = 	snop;
	(pc) =	sbr.rel @p0 .LBB2_2-.Ltmp0, $4  }
0x9b: {  	s10 =	sadd.s32 s7, s9  }
0x9c: {  	[hbm4b:s10+s2] =	stream.linear.scatter [tilespmem:s26], [sflag:$0x4], $0x3200, $0x38;
	[tilespmem:$0x13F80] =	vst v63  }
0x9d: {  	s11 =	sadd.s32 s7, s16;
	s8 =	sadd.s32 s7, s17;
	s7 =	sadd.s32 $0xC80, s7  }
0x9e: {  	[hbm4b:s11+s2] =	stream.linear.scatter [tilespmem:s28], [sflag:$0x4], $0x3200, $0x38;
	[tilespmem:$0x13F80] =	vst v63  }
0x9f: {  	[hbm4b:s8+s2] =	stream.linear.scatter [tilespmem:s29], [sflag:$0x4], $0x3200, $0x38;
	[tilespmem:$0x13F80] =	vst v63  }
0xa0: {  	_ =	swait.ge [sflag:s25], $0x3200  }
0xa1: {  	[sflag:s25] =	ssyncset.done $0x0  }
0xa2: {  	[sflag:s25] =	ssyncadd.s32 $0xFFFFCE00  }
0xa3: {  	_ =	swait.ge [sflag:s25], $0x3200  }
0xa4: {  	[sflag:s25] =	ssyncset.done $0x0  }
0xa5: {  	[sflag:s25] =	ssyncadd.s32 $0xFFFFCE00  }
0xa6: {  	_ =	swait.ge [sflag:s25], $0x3200  }
0xa7: {  	[sflag:s25] =	ssyncset.done $0x0  }
0xa8: {  	[sflag:s25] =	ssyncadd.s32 $0xFFFFCE00  }
0xa9: {  	_ =	swait.ge [sflag:s1], $0x3200  }
0xaa: {  	[sflag:s1] =	ssyncset.done $0x0  }
0xab: {  	[sflag:s1] =	ssyncadd.s32 $0xFFFFCE00  }
0xac: {  	_ =	swait.ge [sflag:s1], $0x3200  }
0xad: {  	[sflag:s1] =	ssyncset.done $0x0  }
0xae: {  	[sflag:s1] =	ssyncadd.s32 $0xFFFFCE00  }
0xaf: {  	_ =	swait.ge [sflag:s1], $0x3200  }
0xb0: {  	[sflag:s1] =	ssyncset.done $0x0  }
0xb1: {  	s6 =	simm.s32 $0x618;
	[sflag:s1] =	ssyncadd.s32 $0xFFFFCE00  }
0xb2: {  	[tilespmem:s26], [sflag:$0x2] =	stream.indirect.gather [hbm4b:s3+s21], $0x80, s6, s21, $0xb8;
	[tilespmem:$0x13F80] =	vst v63  }
0xb3: {  	s7 =	simm.s32 $0xC98  }
0xb4: {  	[tilespmem:s28], [sflag:$0x2] =	stream.indirect.gather [hbm4b:s4+s21], $0x80, s7, s21, $0xb8;
	[tilespmem:$0x13F80] =	vst v63  }
0xb5: {  	s8 =	simm.s32 $0x1318  }
0xb6: {  	[tilespmem:s29], [sflag:$0x2] =	stream.indirect.gather [hbm4b:s5+s21], $0x80, s8, s21, $0xb8;
	[tilespmem:$0x13F80] =	vst v63  }
0xb7: {  	s9 =	rddreg [dreg:$0x9]  }
0xb8: {  	[hbm4b:s9+s2] =	stream.linear.scatter [tilespmem:s22], [sflag:$0x3], $0x3200, $0x38;
	[tilespmem:$0x13F80] =	vst v63  }
0xb9: {  	s10 =	rddreg [dreg:$0xa]  }
0xba: {  	[hbm4b:s10+s2] =	stream.linear.scatter [tilespmem:s23], [sflag:$0x3], $0x3200, $0x38;
	[tilespmem:$0x13F80] =	vst v63  }
0xbb: {  	s11 =	rddreg [dreg:$0xb]  }
0xbc: {  	[hbm4b:s11+s2] =	stream.linear.scatter [tilespmem:s24], [sflag:$0x3], $0x3200, $0x38;
	[tilespmem:$0x13F80] =	vst v63  }
0xbd: {  	_ =	swait.ge [sflag:s30], $0x3200  }
0xbe: {  	[sflag:s30] =	ssyncset.done $0x0  }
0xbf: {  	[sflag:s30] =	ssyncadd.s32 $0xFFFFCE00  }
0xc0: {  	_ =	swait.ge [sflag:s30], $0x3200  }
0xc1: {  	[sflag:s30] =	ssyncset.done $0x0  }
0xc2: {  	[sflag:s30] =	ssyncadd.s32 $0xFFFFCE00  }
0xc3: {  	_ =	swait.ge [sflag:s30], $0x3200  }
0xc4: {  	[sflag:s30] =	ssyncset.done $0x0  }
0xc5: {  	[sflag:s30] =	ssyncadd.s32 $0xFFFFCE00  }
0xc6: {  	_ =	swait.ge [sflag:s31], $0x3200  }
0xc7: {  	[sflag:s31] =	ssyncset.done $0x0  }
0xc8: {  	[sflag:s31] =	ssyncadd.s32 $0xFFFFCE00  }
0xc9: {  	_ =	swait.ge [sflag:s31], $0x3200  }
0xca: {  	[sflag:s31] =	ssyncset.done $0x0  }
0xcb: {  	[sflag:s31] =	ssyncadd.s32 $0xFFFFCE00  }
0xcc: {  	_ =	swait.ge [sflag:s31], $0x3200  }
0xcd: {  	[sflag:s31] =	ssyncset.done $0x0  }
0xce: {  	[sflag:s31] =	ssyncadd.s32 $0xFFFFCE00  }
0xcf: {  	[hbm4b:s12+s2] =	stream.linear.scatter [tilespmem:s26], [sflag:$0x4], $0x3200, $0x38;
	[tilespmem:$0x13F80] =	vst v63  }
0xd0: {  	_ = 	snop  }
0xd1: {  	[hbm4b:s13+s2] =	stream.linear.scatter [tilespmem:s28], [sflag:$0x4], $0x3200, $0x38;
	[tilespmem:$0x13F80] =	vst v63  }
0xd2: {  	_ = 	snop  }
0xd3: {  	[hbm4b:s14+s2] =	stream.linear.scatter [tilespmem:s29], [sflag:$0x4], $0x3200, $0x38;
	[tilespmem:$0x13F80] =	vst v63  }
0xd4: {  	_ =	swait.ge [sflag:s1], $0x3200  }
0xd5: {  	[sflag:s1] =	ssyncset.done $0x0  }
0xd6: {  	s0 =	sadd.s32 $0x1, s0;
	[sflag:s1] =	ssyncadd.s32 $0xFFFFCE00  }
0xd7: {  	p0 =	sne.s32 s0, s15;
	_ =	swait.ge [sflag:s1], $0x3200  }
.Ltmp1:
0xd8: {  	[sflag:s1] =	ssyncset.done $0x0;
	(pc) =	sbr.rel @p0 .LBB2_1-.Ltmp1, $4  }
0xd9: {  	[sflag:s1] =	ssyncadd.s32 $0xFFFFCE00  }
0xda: {  	_ =	swait.ge [sflag:s1], $0x3200  }
0xdb: {  	[sflag:s1] =	ssyncset.done $0x0  }
0xdc: {  	[sflag:s1] =	ssyncadd.s32 $0xFFFFCE00  }
0xdd: {  	_ =	sfence.sel $0x180000  }
0xde: {  	[bflag:$0x0] =	sbarrier.arrive $0xFFFF  }
0xdf: {  	_ =	strace $0x90000050  }
0xe0: {  	s0 =	stileid.u32;
	[bflag:$0x2] =	sbarrier.arrive $0xFFFF  }
0xe1: {  	p0 =	sne.s32 s0, $0x0;
	s0 =	rddreg [dreg:$0x1]  }
0xe2: {  	s0 =	sadd.s32 @!p0 $0x100000, s0  }
0xe3: {  	[sflag:s0] =	ssyncadd.tile.s32 @!p0 $0x1;
	_ =	shalt  }
.Lfunc_end2:
_tile_overlayer_lowered:
.L_overlay_start_2:
0xe4: {  	(tag) =	ssettag $0x2  }
0xe5: {  	s0 =	rddreg [dreg:$0x0];
	s2 =	stileid.u32  }
0xe6: {  	s1 =	rddreg [dreg:$0x1];
	p0 =	sne.s32 s2, $0x0  }
0xe7: {  	s3 =	rddreg [dreg:$0x2];
	[bflag:$0x3] =	sbarrier.arrive $0xFFFF;
	s2 =	simm.s32 @!p0 $0x1C05  }
0xe8: {  	[timem:s3], [sflag:s2] =	dma.local @!p0 [hbm:s0], s1  }
0xe9: {  	s0 =	simm.s32 @!p0 $0x5  }
0xea: {  	_ =	swait.ge @!p0 [sflag:s0], s1  }
0xeb: {  	s1 =	ssub.s32 @!p0 $0x0, s1;
	[sflag:s0] =	ssyncset.done @!p0 $0x0  }
0xec: {  	[sflag:s0] =	ssyncadd.s32 @!p0 s1  }
0xed: {  	[bflag:$0x3] =	sbarrier.arrive $0xFFFF  }
0xee: {  	_ =	shalt  }

</sc_bundles>
